<compile_context>
chip_gen: v7x
topology: tpu7x:2x2x1
jax: 0.10.2.dev20260603
libtpu: 0.0.44.dev20260713+nightly
codegen_flags: <defaults>
</compile_context>

<pallas_src>
import functools

import jax
import jax.numpy as jnp
from jax import lax
from jax.experimental import pallas as pl
from jax.experimental.pallas import tpu as pltpu
from jax.experimental.pallas import tpu_sc as plsc

N_NODES = 10000
N_EDGES = 320000
D = 128
TW = 3 * D

NC = 2
NS = 16
NW = NC * NS
EPW = N_EDGES // NW
EB = 16
NB = EPW // EB
NG = EB // 16
RPT = N_NODES // NS
ZCH = 125

_f32 = jnp.float32



def _prep_body(x_ref, ws_ref, wd_ref, we_ref, wgr_ref, wgc_ref,
               bs_ref, bd_ref, be_ref, bg_ref,
               sr_ref, sc_ref):
    xb = x_ref[...]
    A = jnp.dot(xb, ws_ref[...], preferred_element_type=_f32) + bs_ref[...][None, :]
    Bm = jnp.dot(xb, wd_ref[...], preferred_element_type=_f32) + bd_ref[...][None, :]
    E1 = jnp.dot(xb, we_ref[0:128, :], preferred_element_type=_f32)
    E2 = jnp.dot(xb, we_ref[128:256, :], preferred_element_type=_f32) + be_ref[...][None, :]
    sr_ref[:, 0:128] = A
    sr_ref[:, 128:256] = E1
    sc_ref[:, 0:128] = Bm
    sc_ref[:, 128:256] = E2
    gr = jnp.dot(jnp.concatenate([A, E1], axis=1), wgr_ref[...],
                 preferred_element_type=_f32) + bg_ref[...][None, :]
    gc = jnp.dot(jnp.concatenate([Bm, E2], axis=1), wgc_ref[...],
                 preferred_element_type=_f32)
    n = gr.shape[0]
    lane = lax.broadcasted_iota(jnp.int32, (n, 16), 1)
    p16 = jnp.where(lane < 3, jnp.exp(gr), 0.0)
    q16 = jnp.where(lane < 3, jnp.exp(gc), 0.0)
    pad = jnp.zeros((n, D - 16), _f32)
    sr_ref[:, 256:384] = jnp.concatenate([p16, pad], axis=1)
    sc_ref[:, 256:384] = jnp.concatenate([q16, pad], axis=1)


def _prepare_tables(x, W_src, b_src, W_dst, b_dst, W_edge, b_edge, WgRp, WgCp, bgp):
    blk = 1000
    grid = (N_NODES // blk,)
    full = lambda shape: pl.BlockSpec(shape, lambda i: tuple(0 for _ in shape))
    return pl.pallas_call(
        _prep_body,
        grid=grid,
        in_specs=[
            pl.BlockSpec((blk, D), lambda i: (i, 0)),
            full((D, D)), full((D, D)), full((2 * D, D)),
            full((2 * D, 16)), full((2 * D, 16)),
            full((D,)), full((D,)), full((D,)), full((16,)),
        ],
        out_specs=[
            pl.BlockSpec((blk, TW), lambda i: (i, 0)),
            pl.BlockSpec((blk, TW), lambda i: (i, 0)),
        ],
        out_shape=[
            jax.ShapeDtypeStruct((N_NODES, TW), _f32),
            jax.ShapeDtypeStruct((N_NODES, TW), _f32),
        ],
    )(x, W_src, W_dst, W_edge, WgRp, WgCp, b_src, b_dst, b_edge, bgp)



_sc_mesh = plsc.VectorSubcoreMesh(core_axis_name="c", subcore_axis_name="s")


@functools.partial(
    pl.kernel,
    mesh=_sc_mesh,
    compiler_params=pltpu.CompilerParams(needs_layout_passes=False),
    out_type=jax.ShapeDtypeStruct((NC, NS, RPT // ZCH, ZCH, D), _f32),
    scratch_types=[
        pltpu.VMEM((EB,), jnp.int32),
        pltpu.VMEM((EB,), jnp.int32),
        pltpu.VMEM((EB, TW), _f32),
        pltpu.VMEM((EB, TW), _f32),
        pltpu.VMEM((EB, D), _f32),
        pltpu.VMEM((ZCH, D), _f32),
        pltpu.VMEM_SHARED((N_NODES, D), _f32),
        pltpu.SemaphoreType.DMA,
    ],
)
def _sc_edges(sr_hbm, sc_hbm, row_hbm, col_hbm, zero_hbm, out_hbm,
              rowb, colb, srb, scb, outb, bounce, acc, sem):
    cid = lax.axis_index("c")
    sid = lax.axis_index("s")
    wid = sid * NC + cid

    pltpu.sync_copy(zero_hbm, bounce)

    def _zero(r, carry):
        pltpu.sync_copy(bounce, acc.at[pl.ds(sid * RPT + r * ZCH, ZCH)])
        return carry
    lax.fori_loop(0, RPT // ZCH, _zero, 0)
    plsc.subcore_barrier()

    ebase = wid * EPW
    lane = lax.iota(jnp.int32, 16)
    zero16 = jnp.zeros((16,), jnp.int32)

    def _batch(bi, carry):
        base = ebase + bi * EB
        pltpu.sync_copy(row_hbm.at[pl.ds(base, EB)], rowb)
        pltpu.sync_copy(col_hbm.at[pl.ds(base, EB)], colb)
        c1 = pltpu.async_copy(sr_hbm.at[rowb], srb, sem)
        c2 = pltpu.async_copy(sc_hbm.at[colb], scb, sem)
        c1.wait()
        c2.wait()

        def _group(g, gcarry):
            ev = lane + g * 16
            p0 = plsc.load_gather(srb, [ev, zero16 + 256])
            p1 = plsc.load_gather(srb, [ev, zero16 + 257])
            p2 = plsc.load_gather(srb, [ev, zero16 + 258])
            q0 = plsc.load_gather(scb, [ev, zero16 + 256])
            q1 = plsc.load_gather(scb, [ev, zero16 + 257])
            q2 = plsc.load_gather(scb, [ev, zero16 + 258])
            u0 = p0 * q0
            u1 = p1 * q1
            u2 = p2 * q2
            inv = 1.0 / (u0 + u1 + u2)
            g0v = u0 * inv
            g1v = u1 * inv
            g2v = u2 * inv
            for e in range(16):
                eb = g * 16 + e
                g0 = g0v[e]
                g1 = g1v[e]
                g2 = g2v[e]
                for k in range(D // 16):
                    a = srb[eb, pl.ds(k * 16, 16)]
                    e1 = srb[eb, pl.ds(D + k * 16, 16)]
                    b = scb[eb, pl.ds(k * 16, 16)]
                    e2 = scb[eb, pl.ds(D + k * 16, 16)]
                    outb[eb, pl.ds(k * 16, 16)] = g0 * a + g1 * b + g2 * (e1 + e2)
            return gcarry
        lax.fori_loop(0, NG, _group, 0)

        pltpu.sync_copy(outb, acc.at[colb], add=True)
        return carry
    lax.fori_loop(0, NB, _batch, 0)

    plsc.subcore_barrier()

    def _wout(r, carry):
        off = sid * RPT + r * ZCH
        pltpu.sync_copy(acc.at[pl.ds(off, ZCH)], bounce)
        pltpu.sync_copy(bounce, out_hbm.at[cid, sid, r])
        return carry
    lax.fori_loop(0, RPT // ZCH, _wout, 0)



def _add_body(a_ref, b_ref, o_ref):
    o_ref[...] = a_ref[...] + b_ref[...]


def _combine_partials(p0, p1):
    blk = 1000
    return pl.pallas_call(
        _add_body,
        grid=(N_NODES // blk,),
        in_specs=[pl.BlockSpec((blk, D), lambda i: (i, 0)),
                  pl.BlockSpec((blk, D), lambda i: (i, 0))],
        out_specs=pl.BlockSpec((blk, D), lambda i: (i, 0)),
        out_shape=jax.ShapeDtypeStruct((N_NODES, D), _f32),
    )(p0, p1)



def kernel(x, edge_index, W_src, b_src, W_dst, b_dst, W_edge, b_edge, W_gate, b_gate):
    eidx = edge_index.astype(jnp.int32)
    WgR = jnp.concatenate([W_gate[0:128], W_gate[256:384]], axis=0)
    WgC = jnp.concatenate([W_gate[128:256], W_gate[256:384]], axis=0)
    WgRp = jnp.zeros((2 * D, 16), _f32).at[:, 0:3].set(WgR)
    WgCp = jnp.zeros((2 * D, 16), _f32).at[:, 0:3].set(WgC)
    bgp = jnp.zeros((16,), _f32).at[0:3].set(b_gate)

    sr, sc = _prepare_tables(x, W_src, b_src, W_dst, b_dst,
                             W_edge, b_edge, WgRp, WgCp, bgp)
    zeros = jnp.zeros((ZCH, D), _f32)
    partials = _sc_edges(sr, sc, eidx[0], eidx[1], zeros)
    partials = partials.reshape(NC, N_NODES, D)
    return _combine_partials(partials[0], partials[1])

# --- scband reference (transcript-rebuilt; emitter-appended) ---
"""Pipeline reference for scband-adaptive-message-passing-1984274890915 (READ-ONLY COPY).

The authoritative reference and input builder live on the scoring server;
editing this copy changes nothing except your own understanding.
"""

import jax, jax.numpy as jnp
import numpy as np

N_NODES = 10000
N_EDGES = 320000
D_IN = 128
D_OUT = 128


def setup_inputs(seed: int = 0) -> dict:
    key = jax.random.key(seed)
    ks = jax.random.split(key, 10)
    x = jax.random.normal(ks[0], (N_NODES, D_IN), dtype=jnp.float32)
    edge_index = jax.random.randint(ks[1], (2, N_EDGES), 0, N_NODES, dtype=jnp.int64 if jax.config.jax_enable_x64 else jnp.int32)
    W_src = jax.random.normal(ks[2], (D_IN, D_OUT), dtype=jnp.float32) * 0.02
    b_src = jnp.zeros((D_OUT,), dtype=jnp.float32)
    W_dst = jax.random.normal(ks[3], (D_IN, D_OUT), dtype=jnp.float32) * 0.02
    b_dst = jnp.zeros((D_OUT,), dtype=jnp.float32)
    W_edge = jax.random.normal(ks[4], (D_IN * 2, D_OUT), dtype=jnp.float32) * 0.02
    b_edge = jnp.zeros((D_OUT,), dtype=jnp.float32)
    W_gate = jax.random.normal(ks[5], (D_OUT * 3, 3), dtype=jnp.float32) * 0.02
    b_gate = jnp.zeros((3,), dtype=jnp.float32)
    return {
        "x": x,
        "edge_index": edge_index,
        "W_src": W_src, "b_src": b_src,
        "W_dst": W_dst, "b_dst": b_dst,
        "W_edge": W_edge, "b_edge": b_edge,
        "W_gate": W_gate, "b_gate": b_gate,
    }


def reference(x, edge_index, W_src, b_src, W_dst, b_dst, W_edge, b_edge, W_gate, b_gate):
    row = edge_index[0]
    col = edge_index[1]
    x_row = jnp.take(x, row, axis=0)
    x_col = jnp.take(x, col, axis=0)
    x_src = x_row @ W_src + b_src
    x_dst = x_col @ W_dst + b_dst
    x_edge = jnp.concatenate([x_row, x_col], axis=-1) @ W_edge + b_edge
    gate_input = jnp.concatenate([x_src, x_dst, x_edge], axis=-1)
    gates = jax.nn.softmax(gate_input @ W_gate + b_gate, axis=-1)
    out = gates[:, 0:1] * x_src + gates[:, 1:2] * x_dst + gates[:, 2:3] * x_edge
    out_scatter = jnp.zeros((x.shape[0], out.shape[1]), dtype=out.dtype).at[col].add(out)
    return out_scatter

if __name__ == "__main__":
    import jax
    _d = setup_inputs()
    print(jax.jit(kernel)(*tuple(_d.values())))

</pallas_src>

<mosaic_0001>
#map = affine_map<(d0, d1) -> (0, 0)>
#map1 = affine_map<(d0, d1) -> (0)>
#map2 = affine_map<(d0, d1) -> (0, 0, 0, 0, 0)>
module attributes {stable_mosaic.version = 14 : i64} {
  func.func @_sc_edges(%arg0: i32, %arg1: i32, %arg2: memref<10000x384xf32, #tpu.memory_space<hbm>>, %arg3: memref<10000x384xf32, #tpu.memory_space<hbm>>, %arg4: memref<320000xi32, #tpu.memory_space<hbm>>, %arg5: memref<320000xi32, #tpu.memory_space<hbm>>, %arg6: memref<125x128xf32, #tpu.memory_space<hbm>>, %arg7: memref<2x16x5x125x128xf32, #tpu.memory_space<hbm>>, %arg8: memref<16xi32, #tpu.memory_space<vmem>>, %arg9: memref<16xi32, #tpu.memory_space<vmem>>, %arg10: memref<16x384xf32, #tpu.memory_space<vmem>>, %arg11: memref<16x384xf32, #tpu.memory_space<vmem>>, %arg12: memref<16x128xf32, #tpu.memory_space<vmem>>, %arg13: memref<125x128xf32, #tpu.memory_space<vmem>>, %arg14: memref<10000x128xf32, #tpu.memory_space<vmem_shared>>, %arg15: memref<!tpu.dma_semaphore, #tpu.memory_space<semaphore_mem>>) attributes {dimension_semantics = [#tpu.dimension_semantics<core_parallel>, #tpu.dimension_semantics<subcore_parallel>], iteration_bounds = array<i64: 2, 16>, scalar_prefetch = 0 : i64, scratch_operands = 8 : i64, tpu.core_type = #tpu.core_type<sc_vector_subcore>, window_params = [{transform_indices = #map}, {transform_indices = #map}, {transform_indices = #map1}, {transform_indices = #map1}, {transform_indices = #map}, {transform_indices = #map2}]} {
    %mul3A = arith.constant 2 : i32
    %mul3A_0 = arith.muli %arg1, %mul3A : i32
    %add3A = arith.addi %mul3A_0, %arg0 : i32
    "tpu.region"() ({
      %run_scoped3A = tpu.sem_alloc : memref<!tpu.dma_semaphore, #tpu.memory_space<semaphore_mem>>
      tpu.enqueue_dma source(%arg6 : memref<125x128xf32, #tpu.memory_space<hbm>>) target(%arg13 : memref<125x128xf32, #tpu.memory_space<vmem>>) target_semaphore(%run_scoped3A : memref<!tpu.dma_semaphore, #tpu.memory_space<semaphore_mem>>)
      tpu.wait_dma2 semaphore(%run_scoped3A : memref<!tpu.dma_semaphore, #tpu.memory_space<semaphore_mem>>) src(%arg6 : memref<125x128xf32, #tpu.memory_space<hbm>>) dst(%arg13 : memref<125x128xf32, #tpu.memory_space<vmem>>)
      tpu.yield
    }) : () -> ()
    %scan3A = arith.constant 0 : i32
    %scan3A_1 = arith.constant 0 : i32
    %scan3A_2 = arith.constant 5 : i32
    %scan3A_3 = arith.addi %scan3A_1, %scan3A_2 : i32
    %scan3A_4 = arith.constant 1 : i32
    scf.for %scan3A_22 = %scan3A_1 to %scan3A_3 step %scan3A_4  : i32 {
      %mul3A_23 = arith.constant 625 : i32
      %mul3A_24 = arith.muli %arg1, %mul3A_23 : i32
      %mul3A_25 = arith.constant 125 : i32
      %mul3A_26 = arith.muli %scan3A_22, %mul3A_25 : i32
      %add3A_27 = arith.addi %mul3A_24, %mul3A_26 : i32
      "tpu.region"() ({
        %run_scoped3A = tpu.sem_alloc : memref<!tpu.dma_semaphore, #tpu.memory_space<semaphore_mem>>
        %dma_start3A = arith.constant 0 : i32
        %dma_start3A_28 = tpu.memref_slice %arg14[%add3A_27, %dma_start3A] : memref<10000x128xf32, #tpu.memory_space<vmem_shared>> -> memref<125x128xf32, #tpu.memory_space<vmem_shared>>
        %dma_start3A_29 = arith.constant 0 : i32
        %dma_start3A_30 = tpu.memref_slice %arg14[%add3A_27, %dma_start3A_29] : memref<10000x128xf32, #tpu.memory_space<vmem_shared>> -> memref<125x128xf32, #tpu.memory_space<vmem_shared>>
        tpu.enqueue_dma source(%arg13 : memref<125x128xf32, #tpu.memory_space<vmem>>) target(%dma_start3A_30 : memref<125x128xf32, #tpu.memory_space<vmem_shared>>) target_semaphore(%run_scoped3A : memref<!tpu.dma_semaphore, #tpu.memory_space<semaphore_mem>>)
        %dma_wait3A = arith.constant 0 : i32
        %dma_wait3A_31 = tpu.memref_slice %arg14[%add3A_27, %dma_wait3A] : memref<10000x128xf32, #tpu.memory_space<vmem_shared>> -> memref<125x128xf32, #tpu.memory_space<vmem_shared>>
        %dma_wait3A_32 = arith.constant 0 : i32
        %dma_wait3A_33 = tpu.memref_slice %arg14[%add3A_27, %dma_wait3A_32] : memref<10000x128xf32, #tpu.memory_space<vmem_shared>> -> memref<125x128xf32, #tpu.memory_space<vmem_shared>>
        tpu.wait_dma2 semaphore(%run_scoped3A : memref<!tpu.dma_semaphore, #tpu.memory_space<semaphore_mem>>) src(%arg13 : memref<125x128xf32, #tpu.memory_space<vmem>>) dst(%dma_wait3A_33 : memref<125x128xf32, #tpu.memory_space<vmem_shared>>)
        tpu.yield
      }) : () -> ()
    }
    %scan3A_5 = arith.constant 5 : i32
    %barrier3A = arith.constant 0 : index
    tpu.barrier barrier_id(%barrier3A)
    %mul3A_6 = arith.constant 10000 : i32
    %mul3A_7 = arith.muli %add3A, %mul3A_6 : i32
    %iota3A = tpu.iota {dimensions = array<i32: 0>} : vector<16xi32>
    %broadcast_in_dim3A = arith.constant 0 : i32
    %broadcast_in_dim3A_8 = vector.broadcast %broadcast_in_dim3A : i32 to vector<16xi32>
    %scan3A_9 = arith.constant 0 : i32
    %scan3A_10 = arith.constant 0 : i32
    %scan3A_11 = arith.constant 625 : i32
    %scan3A_12 = arith.addi %scan3A_10, %scan3A_11 : i32
    %scan3A_13 = arith.constant 1 : i32
    scf.for %scan3A_22 = %scan3A_10 to %scan3A_12 step %scan3A_13  : i32 {
      %mul3A_23 = arith.constant 16 : i32
      %mul3A_24 = arith.muli %scan3A_22, %mul3A_23 : i32
      %add3A_25 = arith.addi %mul3A_7, %mul3A_24 : i32
      "tpu.region"() ({
        %run_scoped3A = tpu.sem_alloc : memref<!tpu.dma_semaphore, #tpu.memory_space<semaphore_mem>>
        %dma_start3A_3304 = tpu.memref_slice %arg4[%add3A_25] : memref<320000xi32, #tpu.memory_space<hbm>> -> memref<16xi32, #tpu.memory_space<hbm>>
        %dma_start3A_3305 = tpu.memref_slice %arg4[%add3A_25] : memref<320000xi32, #tpu.memory_space<hbm>> -> memref<16xi32, #tpu.memory_space<hbm>>
        tpu.enqueue_dma source(%dma_start3A_3305 : memref<16xi32, #tpu.memory_space<hbm>>) target(%arg8 : memref<16xi32, #tpu.memory_space<vmem>>) target_semaphore(%run_scoped3A : memref<!tpu.dma_semaphore, #tpu.memory_space<semaphore_mem>>)
        %dma_wait3A_3306 = tpu.memref_slice %arg4[%add3A_25] : memref<320000xi32, #tpu.memory_space<hbm>> -> memref<16xi32, #tpu.memory_space<hbm>>
        %dma_wait3A_3307 = tpu.memref_slice %arg4[%add3A_25] : memref<320000xi32, #tpu.memory_space<hbm>> -> memref<16xi32, #tpu.memory_space<hbm>>
        tpu.wait_dma2 semaphore(%run_scoped3A : memref<!tpu.dma_semaphore, #tpu.memory_space<semaphore_mem>>) src(%dma_wait3A_3307 : memref<16xi32, #tpu.memory_space<hbm>>) dst(%arg8 : memref<16xi32, #tpu.memory_space<vmem>>)
        tpu.yield
      }) : () -> ()
      "tpu.region"() ({
        %run_scoped3A = tpu.sem_alloc : memref<!tpu.dma_semaphore, #tpu.memory_space<semaphore_mem>>
        %dma_start3A_3304 = tpu.memref_slice %arg5[%add3A_25] : memref<320000xi32, #tpu.memory_space<hbm>> -> memref<16xi32, #tpu.memory_space<hbm>>
        %dma_start3A_3305 = tpu.memref_slice %arg5[%add3A_25] : memref<320000xi32, #tpu.memory_space<hbm>> -> memref<16xi32, #tpu.memory_space<hbm>>
        tpu.enqueue_dma source(%dma_start3A_3305 : memref<16xi32, #tpu.memory_space<hbm>>) target(%arg9 : memref<16xi32, #tpu.memory_space<vmem>>) target_semaphore(%run_scoped3A : memref<!tpu.dma_semaphore, #tpu.memory_space<semaphore_mem>>)
        %dma_wait3A_3306 = tpu.memref_slice %arg5[%add3A_25] : memref<320000xi32, #tpu.memory_space<hbm>> -> memref<16xi32, #tpu.memory_space<hbm>>
        %dma_wait3A_3307 = tpu.memref_slice %arg5[%add3A_25] : memref<320000xi32, #tpu.memory_space<hbm>> -> memref<16xi32, #tpu.memory_space<hbm>>
        tpu.wait_dma2 semaphore(%run_scoped3A : memref<!tpu.dma_semaphore, #tpu.memory_space<semaphore_mem>>) src(%dma_wait3A_3307 : memref<16xi32, #tpu.memory_space<hbm>>) dst(%arg9 : memref<16xi32, #tpu.memory_space<vmem>>)
        tpu.yield
      }) : () -> ()
      %dma_start3A = arith.constant 0 : i32
      %dma_start3A_26 = arith.constant 0 : i32
      %dma_start3A_27 = tpu.memref_slice %arg2[%dma_start3A, %dma_start3A_26] : memref<10000x384xf32, #tpu.memory_space<hbm>> -> memref<10000x384xf32, #tpu.memory_space<hbm>>
      tpu.enqueue_indirect_dma source(%dma_start3A_27 : memref<10000x384xf32, #tpu.memory_space<hbm>>) target(%arg10 : memref<16x384xf32, #tpu.memory_space<vmem>>) offsets(%arg8 : memref<16xi32, #tpu.memory_space<vmem>>) semaphore(%arg15 : memref<!tpu.dma_semaphore, #tpu.memory_space<semaphore_mem>>)
      %dma_start3A_28 = arith.constant 0 : i32
      %dma_start3A_29 = arith.constant 0 : i32
      %dma_start3A_30 = tpu.memref_slice %arg3[%dma_start3A_28, %dma_start3A_29] : memref<10000x384xf32, #tpu.memory_space<hbm>> -> memref<10000x384xf32, #tpu.memory_space<hbm>>
      tpu.enqueue_indirect_dma source(%dma_start3A_30 : memref<10000x384xf32, #tpu.memory_space<hbm>>) target(%arg11 : memref<16x384xf32, #tpu.memory_space<vmem>>) offsets(%arg9 : memref<16xi32, #tpu.memory_space<vmem>>) semaphore(%arg15 : memref<!tpu.dma_semaphore, #tpu.memory_space<semaphore_mem>>)
      %dma_wait3A = arith.constant 0 : i32
      %dma_wait3A_31 = arith.constant 0 : i32
      %dma_wait3A_32 = tpu.memref_slice %arg2[%dma_wait3A, %dma_wait3A_31] : memref<10000x384xf32, #tpu.memory_space<hbm>> -> memref<10000x384xf32, #tpu.memory_space<hbm>>
      tpu.wait_indirect_dma semaphore(%arg15 : memref<!tpu.dma_semaphore, #tpu.memory_space<semaphore_mem>>) src(%dma_wait3A_32 : memref<10000x384xf32, #tpu.memory_space<hbm>>) dst(%arg10 : memref<16x384xf32, #tpu.memory_space<vmem>>)
      %dma_wait3A_33 = arith.constant 0 : i32
      %dma_wait3A_34 = arith.constant 0 : i32
      %dma_wait3A_35 = tpu.memref_slice %arg3[%dma_wait3A_33, %dma_wait3A_34] : memref<10000x384xf32, #tpu.memory_space<hbm>> -> memref<10000x384xf32, #tpu.memory_space<hbm>>
      tpu.wait_indirect_dma semaphore(%arg15 : memref<!tpu.dma_semaphore, #tpu.memory_space<semaphore_mem>>) src(%dma_wait3A_35 : memref<10000x384xf32, #tpu.memory_space<hbm>>) dst(%arg11 : memref<16x384xf32, #tpu.memory_space<vmem>>)
      %scan3A_36 = arith.constant 0 : i32
      %scan3A_37 = arith.constant 0 : i32
      %mul3A_38 = arith.constant 16 : i32
      %mul3A_39 = arith.muli %scan3A_37, %mul3A_38 : i32
      %add3A_40 = vector.broadcast %mul3A_39 : i32 to vector<16xi32>
      %add3A_41 = arith.addi %iota3A, %add3A_40 : vector<16xi32>
      %add3A_42 = arith.constant 256 : i32
      %add3A_43 = vector.broadcast %add3A_42 : i32 to vector<16xi32>
      %add3A_44 = arith.addi %broadcast_in_dim3A_8, %add3A_43 : vector<16xi32>
      %gather3A = tpu.vector_load_idx %arg10[%add3A_41, %add3A_44] : memref<16x384xf32, #tpu.memory_space<vmem>>[vector<16xi32>, vector<16xi32>], vector<16xf32>,
      %add3A_45 = arith.constant 257 : i32
      %add3A_46 = vector.broadcast %add3A_45 : i32 to vector<16xi32>
      %add3A_47 = arith.addi %broadcast_in_dim3A_8, %add3A_46 : vector<16xi32>
      %gather3A_48 = tpu.vector_load_idx %arg10[%add3A_41, %add3A_47] : memref<16x384xf32, #tpu.memory_space<vmem>>[vector<16xi32>, vector<16xi32>], vector<16xf32>,
      %add3A_49 = arith.constant 258 : i32
      %add3A_50 = vector.broadcast %add3A_49 : i32 to vector<16xi32>
      %add3A_51 = arith.addi %broadcast_in_dim3A_8, %add3A_50 : vector<16xi32>
      %gather3A_52 = tpu.vector_load_idx %arg10[%add3A_41, %add3A_51] : memref<16x384xf32, #tpu.memory_space<vmem>>[vector<16xi32>, vector<16xi32>], vector<16xf32>,
      %add3A_53 = arith.constant 256 : i32
      %add3A_54 = vector.broadcast %add3A_53 : i32 to vector<16xi32>
      %add3A_55 = arith.addi %broadcast_in_dim3A_8, %add3A_54 : vector<16xi32>
      %gather3A_56 = tpu.vector_load_idx %arg11[%add3A_41, %add3A_55] : memref<16x384xf32, #tpu.memory_space<vmem>>[vector<16xi32>, vector<16xi32>], vector<16xf32>,
      %add3A_57 = arith.constant 257 : i32
      %add3A_58 = vector.broadcast %add3A_57 : i32 to vector<16xi32>
      %add3A_59 = arith.addi %broadcast_in_dim3A_8, %add3A_58 : vector<16xi32>
      %gather3A_60 = tpu.vector_load_idx %arg11[%add3A_41, %add3A_59] : memref<16x384xf32, #tpu.memory_space<vmem>>[vector<16xi32>, vector<16xi32>], vector<16xf32>,
      %add3A_61 = arith.constant 258 : i32
      %add3A_62 = vector.broadcast %add3A_61 : i32 to vector<16xi32>
      %add3A_63 = arith.addi %broadcast_in_dim3A_8, %add3A_62 : vector<16xi32>
      %gather3A_64 = tpu.vector_load_idx %arg11[%add3A_41, %add3A_63] : memref<16x384xf32, #tpu.memory_space<vmem>>[vector<16xi32>, vector<16xi32>], vector<16xf32>,
      %mul3A_65 = arith.mulf %gather3A, %gather3A_56 : vector<16xf32>
      %mul3A_66 = arith.mulf %gather3A_48, %gather3A_60 : vector<16xf32>
      %mul3A_67 = arith.mulf %gather3A_52, %gather3A_64 : vector<16xf32>
      %add3A_68 = arith.addf %mul3A_65, %mul3A_66 : vector<16xf32>
      %add3A_69 = arith.addf %add3A_68, %mul3A_67 : vector<16xf32>
      %div3A = arith.constant 1.000000e+00 : f32
      %div3A_70 = vector.broadcast %div3A : f32 to vector<16xf32>
      %div3A_71 = arith.divf %div3A_70, %add3A_69 : vector<16xf32>
      %mul3A_72 = arith.mulf %mul3A_65, %div3A_71 : vector<16xf32>
      %mul3A_73 = arith.mulf %mul3A_66, %div3A_71 : vector<16xf32>
      %mul3A_74 = arith.mulf %mul3A_67, %div3A_71 : vector<16xf32>
      %mul3A_75 = arith.constant 16 : i32
      %mul3A_76 = arith.muli %scan3A_37, %mul3A_75 : i32
      %add3A_77 = arith.constant 0 : i32
      %add3A_78 = arith.addi %mul3A_76, %add3A_77 : i32
      %slice3A = vector.extract_strided_slice %mul3A_72 {offsets = [0], sizes = [1], strides = [1]} : vector<16xf32> to vector<1xf32>
      %squeeze3A = vector.extract %slice3A[0] : f32 from vector<1xf32>
      %slice3A_79 = vector.extract_strided_slice %mul3A_73 {offsets = [0], sizes = [1], strides = [1]} : vector<16xf32> to vector<1xf32>
      %squeeze3A_80 = vector.extract %slice3A_79[0] : f32 from vector<1xf32>
      %slice3A_81 = vector.extract_strided_slice %mul3A_74 {offsets = [0], sizes = [1], strides = [1]} : vector<16xf32> to vector<1xf32>
      %squeeze3A_82 = vector.extract %slice3A_81[0] : f32 from vector<1xf32>
      %get3A = arith.index_cast %add3A_78 : i32 to index
      %get3A_83 = arith.constant 0 : index
      %get3A_84 = tpu.vector_load %arg10[%get3A, %get3A_83] {strides = array<i32>} : memref<16x384xf32, #tpu.memory_space<vmem>>, vector<16xf32>,
      %get3A_85 = arith.index_cast %add3A_78 : i32 to index
      %get3A_86 = arith.constant 128 : index
      %get3A_87 = tpu.vector_load %arg10[%get3A_85, %get3A_86] {strides = array<i32>} : memref<16x384xf32, #tpu.memory_space<vmem>>, vector<16xf32>,
      %get3A_88 = arith.index_cast %add3A_78 : i32 to index
      %get3A_89 = arith.constant 0 : index
      %get3A_90 = tpu.vector_load %arg11[%get3A_88, %get3A_89] {strides = array<i32>} : memref<16x384xf32, #tpu.memory_space<vmem>>, vector<16xf32>,
      %get3A_91 = arith.index_cast %add3A_78 : i32 to index
      %get3A_92 = arith.constant 128 : index
      %get3A_93 = tpu.vector_load %arg11[%get3A_91, %get3A_92] {strides = array<i32>} : memref<16x384xf32, #tpu.memory_space<vmem>>, vector<16xf32>,
      %mul3A_94 = vector.broadcast %squeeze3A : f32 to vector<16xf32>
      %mul3A_95 = arith.mulf %mul3A_94, %get3A_84 : vector<16xf32>
      %mul3A_96 = vector.broadcast %squeeze3A_80 : f32 to vector<16xf32>
      %mul3A_97 = arith.mulf %mul3A_96, %get3A_90 : vector<16xf32>
      %add3A_98 = arith.addf %mul3A_95, %mul3A_97 : vector<16xf32>
      %add3A_99 = arith.addf %get3A_87, %get3A_93 : vector<16xf32>
      %mul3A_100 = vector.broadcast %squeeze3A_82 : f32 to vector<16xf32>
      %mul3A_101 = arith.mulf %mul3A_100, %add3A_99 : vector<16xf32>
      %add3A_102 = arith.addf %add3A_98, %mul3A_101 : vector<16xf32>
      %swap3A = arith.index_cast %add3A_78 : i32 to index
      %swap3A_103 = arith.constant 0 : index
      %swap3A_104 = tpu.vector_load %arg12[%swap3A, %swap3A_103] {strides = array<i32>} : memref<16x128xf32, #tpu.memory_space<vmem>>, vector<16xf32>,
      tpu.vector_store %arg12[%swap3A, %swap3A_103], %add3A_102 {strides = array<i32>} : memref<16x128xf32, #tpu.memory_space<vmem>>, vector<16xf32>,
      %get3A_105 = arith.index_cast %add3A_78 : i32 to index
      %get3A_106 = arith.constant 16 : index
      %get3A_107 = tpu.vector_load %arg10[%get3A_105, %get3A_106] {strides = array<i32>} : memref<16x384xf32, #tpu.memory_space<vmem>>, vector<16xf32>,
      %get3A_108 = arith.index_cast %add3A_78 : i32 to index
      %get3A_109 = arith.constant 144 : index
      %get3A_110 = tpu.vector_load %arg10[%get3A_108, %get3A_109] {strides = array<i32>} : memref<16x384xf32, #tpu.memory_space<vmem>>, vector<16xf32>,
      %get3A_111 = arith.index_cast %add3A_78 : i32 to index
      %get3A_112 = arith.constant 16 : index
      %get3A_113 = tpu.vector_load %arg11[%get3A_111, %get3A_112] {strides = array<i32>} : memref<16x384xf32, #tpu.memory_space<vmem>>, vector<16xf32>,
      %get3A_114 = arith.index_cast %add3A_78 : i32 to index
      %get3A_115 = arith.constant 144 : index
      %get3A_116 = tpu.vector_load %arg11[%get3A_114, %get3A_115] {strides = array<i32>} : memref<16x384xf32, #tpu.memory_space<vmem>>, vector<16xf32>,
      %mul3A_117 = vector.broadcast %squeeze3A : f32 to vector<16xf32>
      %mul3A_118 = arith.mulf %mul3A_117, %get3A_107 : vector<16xf32>
      %mul3A_119 = vector.broadcast %squeeze3A_80 : f32 to vector<16xf32>
      %mul3A_120 = arith.mulf %mul3A_119, %get3A_113 : vector<16xf32>
      %add3A_121 = arith.addf %mul3A_118, %mul3A_120 : vector<16xf32>
      %add3A_122 = arith.addf %get3A_110, %get3A_116 : vector<16xf32>
      %mul3A_123 = vector.broadcast %squeeze3A_82 : f32 to vector<16xf32>
      %mul3A_124 = arith.mulf %mul3A_123, %add3A_122 : vector<16xf32>
      %add3A_125 = arith.addf %add3A_121, %mul3A_124 : vector<16xf32>
      %swap3A_126 = arith.index_cast %add3A_78 : i32 to index
      %swap3A_127 = arith.constant 16 : index
      %swap3A_128 = tpu.vector_load %arg12[%swap3A_126, %swap3A_127] {strides = array<i32>} : memref<16x128xf32, #tpu.memory_space<vmem>>, vector<16xf32>,
      tpu.vector_store %arg12[%swap3A_126, %swap3A_127], %add3A_125 {strides = array<i32>} : memref<16x128xf32, #tpu.memory_space<vmem>>, vector<16xf32>,
      %get3A_129 = arith.index_cast %add3A_78 : i32 to index
      %get3A_130 = arith.constant 32 : index
      %get3A_131 = tpu.vector_load %arg10[%get3A_129, %get3A_130] {strides = array<i32>} : memref<16x384xf32, #tpu.memory_space<vmem>>, vector<16xf32>,
      %get3A_132 = arith.index_cast %add3A_78 : i32 to index
      %get3A_133 = arith.constant 160 : index
      %get3A_134 = tpu.vector_load %arg10[%get3A_132, %get3A_133] {strides = array<i32>} : memref<16x384xf32, #tpu.memory_space<vmem>>, vector<16xf32>,
      %get3A_135 = arith.index_cast %add3A_78 : i32 to index
      %get3A_136 = arith.constant 32 : index
      %get3A_137 = tpu.vector_load %arg11[%get3A_135, %get3A_136] {strides = array<i32>} : memref<16x384xf32, #tpu.memory_space<vmem>>, vector<16xf32>,
      %get3A_138 = arith.index_cast %add3A_78 : i32 to index
      %get3A_139 = arith.constant 160 : index
      %get3A_140 = tpu.vector_load %arg11[%get3A_138, %get3A_139] {strides = array<i32>} : memref<16x384xf32, #tpu.memory_space<vmem>>, vector<16xf32>,
      %mul3A_141 = vector.broadcast %squeeze3A : f32 to vector<16xf32>
      %mul3A_142 = arith.mulf %mul3A_141, %get3A_131 : vector<16xf32>
      %mul3A_143 = vector.broadcast %squeeze3A_80 : f32 to vector<16xf32>
      %mul3A_144 = arith.mulf %mul3A_143, %get3A_137 : vector<16xf32>
      %add3A_145 = arith.addf %mul3A_142, %mul3A_144 : vector<16xf32>
      %add3A_146 = arith.addf %get3A_134, %get3A_140 : vector<16xf32>
      %mul3A_147 = vector.broadcast %squeeze3A_82 : f32 to vector<16xf32>
      %mul3A_148 = arith.mulf %mul3A_147, %add3A_146 : vector<16xf32>
      %add3A_149 = arith.addf %add3A_145, %mul3A_148 : vector<16xf32>
      %swap3A_150 = arith.index_cast %add3A_78 : i32 to index
      %swap3A_151 = arith.constant 32 : index
      %swap3A_152 = tpu.vector_load %arg12[%swap3A_150, %swap3A_151] {strides = array<i32>} : memref<16x128xf32, #tpu.memory_space<vmem>>, vector<16xf32>,
      tpu.vector_store %arg12[%swap3A_150, %swap3A_151], %add3A_149 {strides = array<i32>} : memref<16x128xf32, #tpu.memory_space<vmem>>, vector<16xf32>,
      %get3A_153 = arith.index_cast %add3A_78 : i32 to index
      %get3A_154 = arith.constant 48 : index
      %get3A_155 = tpu.vector_load %arg10[%get3A_153, %get3A_154] {strides = array<i32>} : memref<16x384xf32, #tpu.memory_space<vmem>>, vector<16xf32>,
      %get3A_156 = arith.index_cast %add3A_78 : i32 to index
      %get3A_157 = arith.constant 176 : index
      %get3A_158 = tpu.vector_load %arg10[%get3A_156, %get3A_157] {strides = array<i32>} : memref<16x384xf32, #tpu.memory_space<vmem>>, vector<16xf32>,
      %get3A_159 = arith.index_cast %add3A_78 : i32 to index
      %get3A_160 = arith.constant 48 : index
      %get3A_161 = tpu.vector_load %arg11[%get3A_159, %get3A_160] {strides = array<i32>} : memref<16x384xf32, #tpu.memory_space<vmem>>, vector<16xf32>,
      %get3A_162 = arith.index_cast %add3A_78 : i32 to index
      %get3A_163 = arith.constant 176 : index
      %get3A_164 = tpu.vector_load %arg11[%get3A_162, %get3A_163] {strides = array<i32>} : memref<16x384xf32, #tpu.memory_space<vmem>>, vector<16xf32>,
      %mul3A_165 = vector.broadcast %squeeze3A : f32 to vector<16xf32>
      %mul3A_166 = arith.mulf %mul3A_165, %get3A_155 : vector<16xf32>
      %mul3A_167 = vector.broadcast %squeeze3A_80 : f32 to vector<16xf32>
      %mul3A_168 = arith.mulf %mul3A_167, %get3A_161 : vector<16xf32>
      %add3A_169 = arith.addf %mul3A_166, %mul3A_168 : vector<16xf32>
      %add3A_170 = arith.addf %get3A_158, %get3A_164 : vector<16xf32>
      %mul3A_171 = vector.broadcast %squeeze3A_82 : f32 to vector<16xf32>
      %mul3A_172 = arith.mulf %mul3A_171, %add3A_170 : vector<16xf32>
      %add3A_173 = arith.addf %add3A_169, %mul3A_172 : vector<16xf32>
      %swap3A_174 = arith.index_cast %add3A_78 : i32 to index
      %swap3A_175 = arith.constant 48 : index
      %swap3A_176 = tpu.vector_load %arg12[%swap3A_174, %swap3A_175] {strides = array<i32>} : memref<16x128xf32, #tpu.memory_space<vmem>>, vector<16xf32>,
      tpu.vector_store %arg12[%swap3A_174, %swap3A_175], %add3A_173 {strides = array<i32>} : memref<16x128xf32, #tpu.memory_space<vmem>>, vector<16xf32>,
      %get3A_177 = arith.index_cast %add3A_78 : i32 to index
      %get3A_178 = arith.constant 64 : index
      %get3A_179 = tpu.vector_load %arg10[%get3A_177, %get3A_178] {strides = array<i32>} : memref<16x384xf32, #tpu.memory_space<vmem>>, vector<16xf32>,
      %get3A_180 = arith.index_cast %add3A_78 : i32 to index
      %get3A_181 = arith.constant 192 : index
      %get3A_182 = tpu.vector_load %arg10[%get3A_180, %get3A_181] {strides = array<i32>} : memref<16x384xf32, #tpu.memory_space<vmem>>, vector<16xf32>,
      %get3A_183 = arith.index_cast %add3A_78 : i32 to index
      %get3A_184 = arith.constant 64 : index
      %get3A_185 = tpu.vector_load %arg11[%get3A_183, %get3A_184] {strides = array<i32>} : memref<16x384xf32, #tpu.memory_space<vmem>>, vector<16xf32>,
      %get3A_186 = arith.index_cast %add3A_78 : i32 to index
      %get3A_187 = arith.constant 192 : index
      %get3A_188 = tpu.vector_load %arg11[%get3A_186, %get3A_187] {strides = array<i32>} : memref<16x384xf32, #tpu.memory_space<vmem>>, vector<16xf32>,
      %mul3A_189 = vector.broadcast %squeeze3A : f32 to vector<16xf32>
      %mul3A_190 = arith.mulf %mul3A_189, %get3A_179 : vector<16xf32>
      %mul3A_191 = vector.broadcast %squeeze3A_80 : f32 to vector<16xf32>
      %mul3A_192 = arith.mulf %mul3A_191, %get3A_185 : vector<16xf32>
      %add3A_193 = arith.addf %mul3A_190, %mul3A_192 : vector<16xf32>
      %add3A_194 = arith.addf %get3A_182, %get3A_188 : vector<16xf32>
      %mul3A_195 = vector.broadcast %squeeze3A_82 : f32 to vector<16xf32>
      %mul3A_196 = arith.mulf %mul3A_195, %add3A_194 : vector<16xf32>
      %add3A_197 = arith.addf %add3A_193, %mul3A_196 : vector<16xf32>
      %swap3A_198 = arith.index_cast %add3A_78 : i32 to index
      %swap3A_199 = arith.constant 64 : index
      %swap3A_200 = tpu.vector_load %arg12[%swap3A_198, %swap3A_199] {strides = array<i32>} : memref<16x128xf32, #tpu.memory_space<vmem>>, vector<16xf32>,
      tpu.vector_store %arg12[%swap3A_198, %swap3A_199], %add3A_197 {strides = array<i32>} : memref<16x128xf32, #tpu.memory_space<vmem>>, vector<16xf32>,
      %get3A_201 = arith.index_cast %add3A_78 : i32 to index
      %get3A_202 = arith.constant 80 : index
      %get3A_203 = tpu.vector_load %arg10[%get3A_201, %get3A_202] {strides = array<i32>} : memref<16x384xf32, #tpu.memory_space<vmem>>, vector<16xf32>,
      %get3A_204 = arith.index_cast %add3A_78 : i32 to index
      %get3A_205 = arith.constant 208 : index
      %get3A_206 = tpu.vector_load %arg10[%get3A_204, %get3A_205] {strides = array<i32>} : memref<16x384xf32, #tpu.memory_space<vmem>>, vector<16xf32>,
      %get3A_207 = arith.index_cast %add3A_78 : i32 to index
      %get3A_208 = arith.constant 80 : index
      %get3A_209 = tpu.vector_load %arg11[%get3A_207, %get3A_208] {strides = array<i32>} : memref<16x384xf32, #tpu.memory_space<vmem>>, vector<16xf32>,
      %get3A_210 = arith.index_cast %add3A_78 : i32 to index
      %get3A_211 = arith.constant 208 : index
      %get3A_212 = tpu.vector_load %arg11[%get3A_210, %get3A_211] {strides = array<i32>} : memref<16x384xf32, #tpu.memory_space<vmem>>, vector<16xf32>,
      %mul3A_213 = vector.broadcast %squeeze3A : f32 to vector<16xf32>
      %mul3A_214 = arith.mulf %mul3A_213, %get3A_203 : vector<16xf32>
      %mul3A_215 = vector.broadcast %squeeze3A_80 : f32 to vector<16xf32>
      %mul3A_216 = arith.mulf %mul3A_215, %get3A_209 : vector<16xf32>
      %add3A_217 = arith.addf %mul3A_214, %mul3A_216 : vector<16xf32>
      %add3A_218 = arith.addf %get3A_206, %get3A_212 : vector<16xf32>
      %mul3A_219 = vector.broadcast %squeeze3A_82 : f32 to vector<16xf32>
      %mul3A_220 = arith.mulf %mul3A_219, %add3A_218 : vector<16xf32>
      %add3A_221 = arith.addf %add3A_217, %mul3A_220 : vector<16xf32>
      %swap3A_222 = arith.index_cast %add3A_78 : i32 to index
      %swap3A_223 = arith.constant 80 : index
      %swap3A_224 = tpu.vector_load %arg12[%swap3A_222, %swap3A_223] {strides = array<i32>} : memref<16x128xf32, #tpu.memory_space<vmem>>, vector<16xf32>,
      tpu.vector_store %arg12[%swap3A_222, %swap3A_223], %add3A_221 {strides = array<i32>} : memref<16x128xf32, #tpu.memory_space<vmem>>, vector<16xf32>,
      %get3A_225 = arith.index_cast %add3A_78 : i32 to index
      %get3A_226 = arith.constant 96 : index
      %get3A_227 = tpu.vector_load %arg10[%get3A_225, %get3A_226] {strides = array<i32>} : memref<16x384xf32, #tpu.memory_space<vmem>>, vector<16xf32>,
      %get3A_228 = arith.index_cast %add3A_78 : i32 to index
      %get3A_229 = arith.constant 224 : index
      %get3A_230 = tpu.vector_load %arg10[%get3A_228, %get3A_229] {strides = array<i32>} : memref<16x384xf32, #tpu.memory_space<vmem>>, vector<16xf32>,
      %get3A_231 = arith.index_cast %add3A_78 : i32 to index
      %get3A_232 = arith.constant 96 : index
      %get3A_233 = tpu.vector_load %arg11[%get3A_231, %get3A_232] {strides = array<i32>} : memref<16x384xf32, #tpu.memory_space<vmem>>, vector<16xf32>,
      %get3A_234 = arith.index_cast %add3A_78 : i32 to index
      %get3A_235 = arith.constant 224 : index
      %get3A_236 = tpu.vector_load %arg11[%get3A_234, %get3A_235] {strides = array<i32>} : memref<16x384xf32, #tpu.memory_space<vmem>>, vector<16xf32>,
      %mul3A_237 = vector.broadcast %squeeze3A : f32 to vector<16xf32>
      %mul3A_238 = arith.mulf %mul3A_237, %get3A_227 : vector<16xf32>
      %mul3A_239 = vector.broadcast %squeeze3A_80 : f32 to vector<16xf32>
      %mul3A_240 = arith.mulf %mul3A_239, %get3A_233 : vector<16xf32>
      %add3A_241 = arith.addf %mul3A_238, %mul3A_240 : vector<16xf32>
      %add3A_242 = arith.addf %get3A_230, %get3A_236 : vector<16xf32>
      %mul3A_243 = vector.broadcast %squeeze3A_82 : f32 to vector<16xf32>
      %mul3A_244 = arith.mulf %mul3A_243, %add3A_242 : vector<16xf32>
      %add3A_245 = arith.addf %add3A_241, %mul3A_244 : vector<16xf32>
      %swap3A_246 = arith.index_cast %add3A_78 : i32 to index
      %swap3A_247 = arith.constant 96 : index
      %swap3A_248 = tpu.vector_load %arg12[%swap3A_246, %swap3A_247] {strides = array<i32>} : memref<16x128xf32, #tpu.memory_space<vmem>>, vector<16xf32>,
      tpu.vector_store %arg12[%swap3A_246, %swap3A_247], %add3A_245 {strides = array<i32>} : memref<16x128xf32, #tpu.memory_space<vmem>>, vector<16xf32>,
      %get3A_249 = arith.index_cast %add3A_78 : i32 to index
      %get3A_250 = arith.constant 112 : index
      %get3A_251 = tpu.vector_load %arg10[%get3A_249, %get3A_250] {strides = array<i32>} : memref<16x384xf32, #tpu.memory_space<vmem>>, vector<16xf32>,
      %get3A_252 = arith.index_cast %add3A_78 : i32 to index
      %get3A_253 = arith.constant 240 : index
      %get3A_254 = tpu.vector_load %arg10[%get3A_252, %get3A_253] {strides = array<i32>} : memref<16x384xf32, #tpu.memory_space<vmem>>, vector<16xf32>,
      %get3A_255 = arith.index_cast %add3A_78 : i32 to index
      %get3A_256 = arith.constant 112 : index
      %get3A_257 = tpu.vector_load %arg11[%get3A_255, %get3A_256] {strides = array<i32>} : memref<16x384xf32, #tpu.memory_space<vmem>>, vector<16xf32>,
      %get3A_258 = arith.index_cast %add3A_78 : i32 to index
      %get3A_259 = arith.constant 240 : index
      %get3A_260 = tpu.vector_load %arg11[%get3A_258, %get3A_259] {strides = array<i32>} : memref<16x384xf32, #tpu.memory_space<vmem>>, vector<16xf32>,
      %mul3A_261 = vector.broadcast %squeeze3A : f32 to vector<16xf32>
      %mul3A_262 = arith.mulf %mul3A_261, %get3A_251 : vector<16xf32>
      %mul3A_263 = vector.broadcast %squeeze3A_80 : f32 to vector<16xf32>
      %mul3A_264 = arith.mulf %mul3A_263, %get3A_257 : vector<16xf32>
      %add3A_265 = arith.addf %mul3A_262, %mul3A_264 : vector<16xf32>
      %add3A_266 = arith.addf %get3A_254, %get3A_260 : vector<16xf32>
      %mul3A_267 = vector.broadcast %squeeze3A_82 : f32 to vector<16xf32>
      %mul3A_268 = arith.mulf %mul3A_267, %add3A_266 : vector<16xf32>
      %add3A_269 = arith.addf %add3A_265, %mul3A_268 : vector<16xf32>
      %swap3A_270 = arith.index_cast %add3A_78 : i32 to index
      %swap3A_271 = arith.constant 112 : index
      %swap3A_272 = tpu.vector_load %arg12[%swap3A_270, %swap3A_271] {strides = array<i32>} : memref<16x128xf32, #tpu.memory_space<vmem>>, vector<16xf32>,
      tpu.vector_store %arg12[%swap3A_270, %swap3A_271], %add3A_269 {strides = array<i32>} : memref<16x128xf32, #tpu.memory_space<vmem>>, vector<16xf32>,
      %mul3A_273 = arith.constant 16 : i32
      %mul3A_274 = arith.muli %scan3A_37, %mul3A_273 : i32
      %add3A_275 = arith.constant 1 : i32
      %add3A_276 = arith.addi %mul3A_274, %add3A_275 : i32
      %slice3A_277 = vector.extract_strided_slice %mul3A_72 {offsets = [1], sizes = [1], strides = [1]} : vector<16xf32> to vector<1xf32>
      %squeeze3A_278 = vector.extract %slice3A_277[0] : f32 from vector<1xf32>
      %slice3A_279 = vector.extract_strided_slice %mul3A_73 {offsets = [1], sizes = [1], strides = [1]} : vector<16xf32> to vector<1xf32>
      %squeeze3A_280 = vector.extract %slice3A_279[0] : f32 from vector<1xf32>
      %slice3A_281 = vector.extract_strided_slice %mul3A_74 {offsets = [1], sizes = [1], strides = [1]} : vector<16xf32> to vector<1xf32>
      %squeeze3A_282 = vector.extract %slice3A_281[0] : f32 from vector<1xf32>
      %get3A_283 = arith.index_cast %add3A_276 : i32 to index
      %get3A_284 = arith.constant 0 : index
      %get3A_285 = tpu.vector_load %arg10[%get3A_283, %get3A_284] {strides = array<i32>} : memref<16x384xf32, #tpu.memory_space<vmem>>, vector<16xf32>,
      %get3A_286 = arith.index_cast %add3A_276 : i32 to index
      %get3A_287 = arith.constant 128 : index
      %get3A_288 = tpu.vector_load %arg10[%get3A_286, %get3A_287] {strides = array<i32>} : memref<16x384xf32, #tpu.memory_space<vmem>>, vector<16xf32>,
      %get3A_289 = arith.index_cast %add3A_276 : i32 to index
      %get3A_290 = arith.constant 0 : index
      %get3A_291 = tpu.vector_load %arg11[%get3A_289, %get3A_290] {strides = array<i32>} : memref<16x384xf32, #tpu.memory_space<vmem>>, vector<16xf32>,
      %get3A_292 = arith.index_cast %add3A_276 : i32 to index
      %get3A_293 = arith.constant 128 : index
      %get3A_294 = tpu.vector_load %arg11[%get3A_292, %get3A_293] {strides = array<i32>} : memref<16x384xf32, #tpu.memory_space<vmem>>, vector<16xf32>,
      %mul3A_295 = vector.broadcast %squeeze3A_278 : f32 to vector<16xf32>
      %mul3A_296 = arith.mulf %mul3A_295, %get3A_285 : vector<16xf32>
      %mul3A_297 = vector.broadcast %squeeze3A_280 : f32 to vector<16xf32>
      %mul3A_298 = arith.mulf %mul3A_297, %get3A_291 : vector<16xf32>
      %add3A_299 = arith.addf %mul3A_296, %mul3A_298 : vector<16xf32>
      %add3A_300 = arith.addf %get3A_288, %get3A_294 : vector<16xf32>
      %mul3A_301 = vector.broadcast %squeeze3A_282 : f32 to vector<16xf32>
      %mul3A_302 = arith.mulf %mul3A_301, %add3A_300 : vector<16xf32>
      %add3A_303 = arith.addf %add3A_299, %mul3A_302 : vector<16xf32>
      %swap3A_304 = arith.index_cast %add3A_276 : i32 to index
      %swap3A_305 = arith.constant 0 : index
      %swap3A_306 = tpu.vector_load %arg12[%swap3A_304, %swap3A_305] {strides = array<i32>} : memref<16x128xf32, #tpu.memory_space<vmem>>, vector<16xf32>,
      tpu.vector_store %arg12[%swap3A_304, %swap3A_305], %add3A_303 {strides = array<i32>} : memref<16x128xf32, #tpu.memory_space<vmem>>, vector<16xf32>,
      %get3A_307 = arith.index_cast %add3A_276 : i32 to index
      %get3A_308 = arith.constant 16 : index
      %get3A_309 = tpu.vector_load %arg10[%get3A_307, %get3A_308] {strides = array<i32>} : memref<16x384xf32, #tpu.memory_space<vmem>>, vector<16xf32>,
      %get3A_310 = arith.index_cast %add3A_276 : i32 to index
      %get3A_311 = arith.constant 144 : index
      %get3A_312 = tpu.vector_load %arg10[%get3A_310, %get3A_311] {strides = array<i32>} : memref<16x384xf32, #tpu.memory_space<vmem>>, vector<16xf32>,
      %get3A_313 = arith.index_cast %add3A_276 : i32 to index
      %get3A_314 = arith.constant 16 : index
      %get3A_315 = tpu.vector_load %arg11[%get3A_313, %get3A_314] {strides = array<i32>} : memref<16x384xf32, #tpu.memory_space<vmem>>, vector<16xf32>,
      %get3A_316 = arith.index_cast %add3A_276 : i32 to index
      %get3A_317 = arith.constant 144 : index
      %get3A_318 = tpu.vector_load %arg11[%get3A_316, %get3A_317] {strides = array<i32>} : memref<16x384xf32, #tpu.memory_space<vmem>>, vector<16xf32>,
      %mul3A_319 = vector.broadcast %squeeze3A_278 : f32 to vector<16xf32>
      %mul3A_320 = arith.mulf %mul3A_319, %get3A_309 : vector<16xf32>
      %mul3A_321 = vector.broadcast %squeeze3A_280 : f32 to vector<16xf32>
      %mul3A_322 = arith.mulf %mul3A_321, %get3A_315 : vector<16xf32>
      %add3A_323 = arith.addf %mul3A_320, %mul3A_322 : vector<16xf32>
      %add3A_324 = arith.addf %get3A_312, %get3A_318 : vector<16xf32>
      %mul3A_325 = vector.broadcast %squeeze3A_282 : f32 to vector<16xf32>
      %mul3A_326 = arith.mulf %mul3A_325, %add3A_324 : vector<16xf32>
      %add3A_327 = arith.addf %add3A_323, %mul3A_326 : vector<16xf32>
      %swap3A_328 = arith.index_cast %add3A_276 : i32 to index
      %swap3A_329 = arith.constant 16 : index
      %swap3A_330 = tpu.vector_load %arg12[%swap3A_328, %swap3A_329] {strides = array<i32>} : memref<16x128xf32, #tpu.memory_space<vmem>>, vector<16xf32>,
      tpu.vector_store %arg12[%swap3A_328, %swap3A_329], %add3A_327 {strides = array<i32>} : memref<16x128xf32, #tpu.memory_space<vmem>>, vector<16xf32>,
      %get3A_331 = arith.index_cast %add3A_276 : i32 to index
      %get3A_332 = arith.constant 32 : index
      %get3A_333 = tpu.vector_load %arg10[%get3A_331, %get3A_332] {strides = array<i32>} : memref<16x384xf32, #tpu.memory_space<vmem>>, vector<16xf32>,
      %get3A_334 = arith.index_cast %add3A_276 : i32 to index
      %get3A_335 = arith.constant 160 : index
      %get3A_336 = tpu.vector_load %arg10[%get3A_334, %get3A_335] {strides = array<i32>} : memref<16x384xf32, #tpu.memory_space<vmem>>, vector<16xf32>,
      %get3A_337 = arith.index_cast %add3A_276 : i32 to index
      %get3A_338 = arith.constant 32 : index
      %get3A_339 = tpu.vector_load %arg11[%get3A_337, %get3A_338] {strides = array<i32>} : memref<16x384xf32, #tpu.memory_space<vmem>>, vector<16xf32>,
      %get3A_340 = arith.index_cast %add3A_276 : i32 to index
      %get3A_341 = arith.constant 160 : index
      %get3A_342 = tpu.vector_load %arg11[%get3A_340, %get3A_341] {strides = array<i32>} : memref<16x384xf32, #tpu.memory_space<vmem>>, vector<16xf32>,
      %mul3A_343 = vector.broadcast %squeeze3A_278 : f32 to vector<16xf32>
      %mul3A_344 = arith.mulf %mul3A_343, %get3A_333 : vector<16xf32>
      %mul3A_345 = vector.broadcast %squeeze3A_280 : f32 to vector<16xf32>
      %mul3A_346 = arith.mulf %mul3A_345, %get3A_339 : vector<16xf32>
      %add3A_347 = arith.addf %mul3A_344, %mul3A_346 : vector<16xf32>
      %add3A_348 = arith.addf %get3A_336, %get3A_342 : vector<16xf32>
      %mul3A_349 = vector.broadcast %squeeze3A_282 : f32 to vector<16xf32>
      %mul3A_350 = arith.mulf %mul3A_349, %add3A_348 : vector<16xf32>
      %add3A_351 = arith.addf %add3A_347, %mul3A_350 : vector<16xf32>
      %swap3A_352 = arith.index_cast %add3A_276 : i32 to index
      %swap3A_353 = arith.constant 32 : index
      %swap3A_354 = tpu.vector_load %arg12[%swap3A_352, %swap3A_353] {strides = array<i32>} : memref<16x128xf32, #tpu.memory_space<vmem>>, vector<16xf32>,
      tpu.vector_store %arg12[%swap3A_352, %swap3A_353], %add3A_351 {strides = array<i32>} : memref<16x128xf32, #tpu.memory_space<vmem>>, vector<16xf32>,
      %get3A_355 = arith.index_cast %add3A_276 : i32 to index
      %get3A_356 = arith.constant 48 : index
      %get3A_357 = tpu.vector_load %arg10[%get3A_355, %get3A_356] {strides = array<i32>} : memref<16x384xf32, #tpu.memory_space<vmem>>, vector<16xf32>,
      %get3A_358 = arith.index_cast %add3A_276 : i32 to index
      %get3A_359 = arith.constant 176 : index
      %get3A_360 = tpu.vector_load %arg10[%get3A_358, %get3A_359] {strides = array<i32>} : memref<16x384xf32, #tpu.memory_space<vmem>>, vector<16xf32>,
      %get3A_361 = arith.index_cast %add3A_276 : i32 to index
      %get3A_362 = arith.constant 48 : index
      %get3A_363 = tpu.vector_load %arg11[%get3A_361, %get3A_362] {strides = array<i32>} : memref<16x384xf32, #tpu.memory_space<vmem>>, vector<16xf32>,
      %get3A_364 = arith.index_cast %add3A_276 : i32 to index
      %get3A_365 = arith.constant 176 : index
      %get3A_366 = tpu.vector_load %arg11[%get3A_364, %get3A_365] {strides = array<i32>} : memref<16x384xf32, #tpu.memory_space<vmem>>, vector<16xf32>,
      %mul3A_367 = vector.broadcast %squeeze3A_278 : f32 to vector<16xf32>
      %mul3A_368 = arith.mulf %mul3A_367, %get3A_357 : vector<16xf32>
      %mul3A_369 = vector.broadcast %squeeze3A_280 : f32 to vector<16xf32>
      %mul3A_370 = arith.mulf %mul3A_369, %get3A_363 : vector<16xf32>
      %add3A_371 = arith.addf %mul3A_368, %mul3A_370 : vector<16xf32>
      %add3A_372 = arith.addf %get3A_360, %get3A_366 : vector<16xf32>
      %mul3A_373 = vector.broadcast %squeeze3A_282 : f32 to vector<16xf32>
      %mul3A_374 = arith.mulf %mul3A_373, %add3A_372 : vector<16xf32>
      %add3A_375 = arith.addf %add3A_371, %mul3A_374 : vector<16xf32>
      %swap3A_376 = arith.index_cast %add3A_276 : i32 to index
      %swap3A_377 = arith.constant 48 : index
      %swap3A_378 = tpu.vector_load %arg12[%swap3A_376, %swap3A_377] {strides = array<i32>} : memref<16x128xf32, #tpu.memory_space<vmem>>, vector<16xf32>,
      tpu.vector_store %arg12[%swap3A_376, %swap3A_377], %add3A_375 {strides = array<i32>} : memref<16x128xf32, #tpu.memory_space<vmem>>, vector<16xf32>,
      %get3A_379 = arith.index_cast %add3A_276 : i32 to index
      %get3A_380 = arith.constant 64 : index
      %get3A_381 = tpu.vector_load %arg10[%get3A_379, %get3A_380] {strides = array<i32>} : memref<16x384xf32, #tpu.memory_space<vmem>>, vector<16xf32>,
      %get3A_382 = arith.index_cast %add3A_276 : i32 to index
      %get3A_383 = arith.constant 192 : index
      %get3A_384 = tpu.vector_load %arg10[%get3A_382, %get3A_383] {strides = array<i32>} : memref<16x384xf32, #tpu.memory_space<vmem>>, vector<16xf32>,
      %get3A_385 = arith.index_cast %add3A_276 : i32 to index
      %get3A_386 = arith.constant 64 : index
      %get3A_387 = tpu.vector_load %arg11[%get3A_385, %get3A_386] {strides = array<i32>} : memref<16x384xf32, #tpu.memory_space<vmem>>, vector<16xf32>,
      %get3A_388 = arith.index_cast %add3A_276 : i32 to index
      %get3A_389 = arith.constant 192 : index
      %get3A_390 = tpu.vector_load %arg11[%get3A_388, %get3A_389] {strides = array<i32>} : memref<16x384xf32, #tpu.memory_space<vmem>>, vector<16xf32>,
      %mul3A_391 = vector.broadcast %squeeze3A_278 : f32 to vector<16xf32>
      %mul3A_392 = arith.mulf %mul3A_391, %get3A_381 : vector<16xf32>
      %mul3A_393 = vector.broadcast %squeeze3A_280 : f32 to vector<16xf32>
      %mul3A_394 = arith.mulf %mul3A_393, %get3A_387 : vector<16xf32>
      %add3A_395 = arith.addf %mul3A_392, %mul3A_394 : vector<16xf32>
      %add3A_396 = arith.addf %get3A_384, %get3A_390 : vector<16xf32>
      %mul3A_397 = vector.broadcast %squeeze3A_282 : f32 to vector<16xf32>
      %mul3A_398 = arith.mulf %mul3A_397, %add3A_396 : vector<16xf32>
      %add3A_399 = arith.addf %add3A_395, %mul3A_398 : vector<16xf32>
      %swap3A_400 = arith.index_cast %add3A_276 : i32 to index
      %swap3A_401 = arith.constant 64 : index
      %swap3A_402 = tpu.vector_load %arg12[%swap3A_400, %swap3A_401] {strides = array<i32>} : memref<16x128xf32, #tpu.memory_space<vmem>>, vector<16xf32>,
      tpu.vector_store %arg12[%swap3A_400, %swap3A_401], %add3A_399 {strides = array<i32>} : memref<16x128xf32, #tpu.memory_space<vmem>>, vector<16xf32>,
      %get3A_403 = arith.index_cast %add3A_276 : i32 to index
      %get3A_404 = arith.constant 80 : index
      %get3A_405 = tpu.vector_load %arg10[%get3A_403, %get3A_404] {strides = array<i32>} : memref<16x384xf32, #tpu.memory_space<vmem>>, vector<16xf32>,
      %get3A_406 = arith.index_cast %add3A_276 : i32 to index
      %get3A_407 = arith.constant 208 : index
      %get3A_408 = tpu.vector_load %arg10[%get3A_406, %get3A_407] {strides = array<i32>} : memref<16x384xf32, #tpu.memory_space<vmem>>, vector<16xf32>,
      %get3A_409 = arith.index_cast %add3A_276 : i32 to index
      %get3A_410 = arith.constant 80 : index
      %get3A_411 = tpu.vector_load %arg11[%get3A_409, %get3A_410] {strides = array<i32>} : memref<16x384xf32, #tpu.memory_space<vmem>>, vector<16xf32>,
      %get3A_412 = arith.index_cast %add3A_276 : i32 to index
      %get3A_413 = arith.constant 208 : index
      %get3A_414 = tpu.vector_load %arg11[%get3A_412, %get3A_413] {strides = array<i32>} : memref<16x384xf32, #tpu.memory_space<vmem>>, vector<16xf32>,
      %mul3A_415 = vector.broadcast %squeeze3A_278 : f32 to vector<16xf32>
      %mul3A_416 = arith.mulf %mul3A_415, %get3A_405 : vector<16xf32>
      %mul3A_417 = vector.broadcast %squeeze3A_280 : f32 to vector<16xf32>
      %mul3A_418 = arith.mulf %mul3A_417, %get3A_411 : vector<16xf32>
      %add3A_419 = arith.addf %mul3A_416, %mul3A_418 : vector<16xf32>
      %add3A_420 = arith.addf %get3A_408, %get3A_414 : vector<16xf32>
      %mul3A_421 = vector.broadcast %squeeze3A_282 : f32 to vector<16xf32>
      %mul3A_422 = arith.mulf %mul3A_421, %add3A_420 : vector<16xf32>
      %add3A_423 = arith.addf %add3A_419, %mul3A_422 : vector<16xf32>
      %swap3A_424 = arith.index_cast %add3A_276 : i32 to index
      %swap3A_425 = arith.constant 80 : index
      %swap3A_426 = tpu.vector_load %arg12[%swap3A_424, %swap3A_425] {strides = array<i32>} : memref<16x128xf32, #tpu.memory_space<vmem>>, vector<16xf32>,
      tpu.vector_store %arg12[%swap3A_424, %swap3A_425], %add3A_423 {strides = array<i32>} : memref<16x128xf32, #tpu.memory_space<vmem>>, vector<16xf32>,
      %get3A_427 = arith.index_cast %add3A_276 : i32 to index
      %get3A_428 = arith.constant 96 : index
      %get3A_429 = tpu.vector_load %arg10[%get3A_427, %get3A_428] {strides = array<i32>} : memref<16x384xf32, #tpu.memory_space<vmem>>, vector<16xf32>,
      %get3A_430 = arith.index_cast %add3A_276 : i32 to index
      %get3A_431 = arith.constant 224 : index
      %get3A_432 = tpu.vector_load %arg10[%get3A_430, %get3A_431] {strides = array<i32>} : memref<16x384xf32, #tpu.memory_space<vmem>>, vector<16xf32>,
      %get3A_433 = arith.index_cast %add3A_276 : i32 to index
      %get3A_434 = arith.constant 96 : index
      %get3A_435 = tpu.vector_load %arg11[%get3A_433, %get3A_434] {strides = array<i32>} : memref<16x384xf32, #tpu.memory_space<vmem>>, vector<16xf32>,
      %get3A_436 = arith.index_cast %add3A_276 : i32 to index
      %get3A_437 = arith.constant 224 : index
      %get3A_438 = tpu.vector_load %arg11[%get3A_436, %get3A_437] {strides = array<i32>} : memref<16x384xf32, #tpu.memory_space<vmem>>, vector<16xf32>,
      %mul3A_439 = vector.broadcast %squeeze3A_278 : f32 to vector<16xf32>
      %mul3A_440 = arith.mulf %mul3A_439, %get3A_429 : vector<16xf32>
      %mul3A_441 = vector.broadcast %squeeze3A_280 : f32 to vector<16xf32>
      %mul3A_442 = arith.mulf %mul3A_441, %get3A_435 : vector<16xf32>
      %add3A_443 = arith.addf %mul3A_440, %mul3A_442 : vector<16xf32>
      %add3A_444 = arith.addf %get3A_432, %get3A_438 : vector<16xf32>
      %mul3A_445 = vector.broadcast %squeeze3A_282 : f32 to vector<16xf32>
      %mul3A_446 = arith.mulf %mul3A_445, %add3A_444 : vector<16xf32>
      %add3A_447 = arith.addf %add3A_443, %mul3A_446 : vector<16xf32>
      %swap3A_448 = arith.index_cast %add3A_276 : i32 to index
      %swap3A_449 = arith.constant 96 : index
      %swap3A_450 = tpu.vector_load %arg12[%swap3A_448, %swap3A_449] {strides = array<i32>} : memref<16x128xf32, #tpu.memory_space<vmem>>, vector<16xf32>,
      tpu.vector_store %arg12[%swap3A_448, %swap3A_449], %add3A_447 {strides = array<i32>} : memref<16x128xf32, #tpu.memory_space<vmem>>, vector<16xf32>,
      %get3A_451 = arith.index_cast %add3A_276 : i32 to index
      %get3A_452 = arith.constant 112 : index
      %get3A_453 = tpu.vector_load %arg10[%get3A_451, %get3A_452] {strides = array<i32>} : memref<16x384xf32, #tpu.memory_space<vmem>>, vector<16xf32>,
      %get3A_454 = arith.index_cast %add3A_276 : i32 to index
      %get3A_455 = arith.constant 240 : index
      %get3A_456 = tpu.vector_load %arg10[%get3A_454, %get3A_455] {strides = array<i32>} : memref<16x384xf32, #tpu.memory_space<vmem>>, vector<16xf32>,
      %get3A_457 = arith.index_cast %add3A_276 : i32 to index
      %get3A_458 = arith.constant 112 : index
      %get3A_459 = tpu.vector_load %arg11[%get3A_457, %get3A_458] {strides = array<i32>} : memref<16x384xf32, #tpu.memory_space<vmem>>, vector<16xf32>,
      %get3A_460 = arith.index_cast %add3A_276 : i32 to index
      %get3A_461 = arith.constant 240 : index
      %get3A_462 = tpu.vector_load %arg11[%get3A_460, %get3A_461] {strides = array<i32>} : memref<16x384xf32, #tpu.memory_space<vmem>>, vector<16xf32>,
      %mul3A_463 = vector.broadcast %squeeze3A_278 : f32 to vector<16xf32>
      %mul3A_464 = arith.mulf %mul3A_463, %get3A_453 : vector<16xf32>
      %mul3A_465 = vector.broadcast %squeeze3A_280 : f32 to vector<16xf32>
      %mul3A_466 = arith.mulf %mul3A_465, %get3A_459 : vector<16xf32>
      %add3A_467 = arith.addf %mul3A_464, %mul3A_466 : vector<16xf32>
      %add3A_468 = arith.addf %get3A_456, %get3A_462 : vector<16xf32>
      %mul3A_469 = vector.broadcast %squeeze3A_282 : f32 to vector<16xf32>
      %mul3A_470 = arith.mulf %mul3A_469, %add3A_468 : vector<16xf32>
      %add3A_471 = arith.addf %add3A_467, %mul3A_470 : vector<16xf32>
      %swap3A_472 = arith.index_cast %add3A_276 : i32 to index
      %swap3A_473 = arith.constant 112 : index
      %swap3A_474 = tpu.vector_load %arg12[%swap3A_472, %swap3A_473] {strides = array<i32>} : memref<16x128xf32, #tpu.memory_space<vmem>>, vector<16xf32>,
      tpu.vector_store %arg12[%swap3A_472, %swap3A_473], %add3A_471 {strides = array<i32>} : memref<16x128xf32, #tpu.memory_space<vmem>>, vector<16xf32>,
      %mul3A_475 = arith.constant 16 : i32
      %mul3A_476 = arith.muli %scan3A_37, %mul3A_475 : i32
      %add3A_477 = arith.constant 2 : i32
      %add3A_478 = arith.addi %mul3A_476, %add3A_477 : i32
      %slice3A_479 = vector.extract_strided_slice %mul3A_72 {offsets = [2], sizes = [1], strides = [1]} : vector<16xf32> to vector<1xf32>
      %squeeze3A_480 = vector.extract %slice3A_479[0] : f32 from vector<1xf32>
      %slice3A_481 = vector.extract_strided_slice %mul3A_73 {offsets = [2], sizes = [1], strides = [1]} : vector<16xf32> to vector<1xf32>
      %squeeze3A_482 = vector.extract %slice3A_481[0] : f32 from vector<1xf32>
      %slice3A_483 = vector.extract_strided_slice %mul3A_74 {offsets = [2], sizes = [1], strides = [1]} : vector<16xf32> to vector<1xf32>
      %squeeze3A_484 = vector.extract %slice3A_483[0] : f32 from vector<1xf32>
      %get3A_485 = arith.index_cast %add3A_478 : i32 to index
      %get3A_486 = arith.constant 0 : index
      %get3A_487 = tpu.vector_load %arg10[%get3A_485, %get3A_486] {strides = array<i32>} : memref<16x384xf32, #tpu.memory_space<vmem>>, vector<16xf32>,
      %get3A_488 = arith.index_cast %add3A_478 : i32 to index
      %get3A_489 = arith.constant 128 : index
      %get3A_490 = tpu.vector_load %arg10[%get3A_488, %get3A_489] {strides = array<i32>} : memref<16x384xf32, #tpu.memory_space<vmem>>, vector<16xf32>,
      %get3A_491 = arith.index_cast %add3A_478 : i32 to index
      %get3A_492 = arith.constant 0 : index
      %get3A_493 = tpu.vector_load %arg11[%get3A_491, %get3A_492] {strides = array<i32>} : memref<16x384xf32, #tpu.memory_space<vmem>>, vector<16xf32>,
      %get3A_494 = arith.index_cast %add3A_478 : i32 to index
      %get3A_495 = arith.constant 128 : index
      %get3A_496 = tpu.vector_load %arg11[%get3A_494, %get3A_495] {strides = array<i32>} : memref<16x384xf32, #tpu.memory_space<vmem>>, vector<16xf32>,
      %mul3A_497 = vector.broadcast %squeeze3A_480 : f32 to vector<16xf32>
      %mul3A_498 = arith.mulf %mul3A_497, %get3A_487 : vector<16xf32>
      %mul3A_499 = vector.broadcast %squeeze3A_482 : f32 to vector<16xf32>
      %mul3A_500 = arith.mulf %mul3A_499, %get3A_493 : vector<16xf32>
      %add3A_501 = arith.addf %mul3A_498, %mul3A_500 : vector<16xf32>
      %add3A_502 = arith.addf %get3A_490, %get3A_496 : vector<16xf32>
      %mul3A_503 = vector.broadcast %squeeze3A_484 : f32 to vector<16xf32>
      %mul3A_504 = arith.mulf %mul3A_503, %add3A_502 : vector<16xf32>
      %add3A_505 = arith.addf %add3A_501, %mul3A_504 : vector<16xf32>
      %swap3A_506 = arith.index_cast %add3A_478 : i32 to index
      %swap3A_507 = arith.constant 0 : index
      %swap3A_508 = tpu.vector_load %arg12[%swap3A_506, %swap3A_507] {strides = array<i32>} : memref<16x128xf32, #tpu.memory_space<vmem>>, vector<16xf32>,
      tpu.vector_store %arg12[%swap3A_506, %swap3A_507], %add3A_505 {strides = array<i32>} : memref<16x128xf32, #tpu.memory_space<vmem>>, vector<16xf32>,
      %get3A_509 = arith.index_cast %add3A_478 : i32 to index
      %get3A_510 = arith.constant 16 : index
      %get3A_511 = tpu.vector_load %arg10[%get3A_509, %get3A_510] {strides = array<i32>} : memref<16x384xf32, #tpu.memory_space<vmem>>, vector<16xf32>,
      %get3A_512 = arith.index_cast %add3A_478 : i32 to index
      %get3A_513 = arith.constant 144 : index
      %get3A_514 = tpu.vector_load %arg10[%get3A_512, %get3A_513] {strides = array<i32>} : memref<16x384xf32, #tpu.memory_space<vmem>>, vector<16xf32>,
      %get3A_515 = arith.index_cast %add3A_478 : i32 to index
      %get3A_516 = arith.constant 16 : index
      %get3A_517 = tpu.vector_load %arg11[%get3A_515, %get3A_516] {strides = array<i32>} : memref<16x384xf32, #tpu.memory_space<vmem>>, vector<16xf32>,
      %get3A_518 = arith.index_cast %add3A_478 : i32 to index
      %get3A_519 = arith.constant 144 : index
      %get3A_520 = tpu.vector_load %arg11[%get3A_518, %get3A_519] {strides = array<i32>} : memref<16x384xf32, #tpu.memory_space<vmem>>, vector<16xf32>,
      %mul3A_521 = vector.broadcast %squeeze3A_480 : f32 to vector<16xf32>
      %mul3A_522 = arith.mulf %mul3A_521, %get3A_511 : vector<16xf32>
      %mul3A_523 = vector.broadcast %squeeze3A_482 : f32 to vector<16xf32>
      %mul3A_524 = arith.mulf %mul3A_523, %get3A_517 : vector<16xf32>
      %add3A_525 = arith.addf %mul3A_522, %mul3A_524 : vector<16xf32>
      %add3A_526 = arith.addf %get3A_514, %get3A_520 : vector<16xf32>
      %mul3A_527 = vector.broadcast %squeeze3A_484 : f32 to vector<16xf32>
      %mul3A_528 = arith.mulf %mul3A_527, %add3A_526 : vector<16xf32>
      %add3A_529 = arith.addf %add3A_525, %mul3A_528 : vector<16xf32>
      %swap3A_530 = arith.index_cast %add3A_478 : i32 to index
      %swap3A_531 = arith.constant 16 : index
      %swap3A_532 = tpu.vector_load %arg12[%swap3A_530, %swap3A_531] {strides = array<i32>} : memref<16x128xf32, #tpu.memory_space<vmem>>, vector<16xf32>,
      tpu.vector_store %arg12[%swap3A_530, %swap3A_531], %add3A_529 {strides = array<i32>} : memref<16x128xf32, #tpu.memory_space<vmem>>, vector<16xf32>,
      %get3A_533 = arith.index_cast %add3A_478 : i32 to index
      %get3A_534 = arith.constant 32 : index
      %get3A_535 = tpu.vector_load %arg10[%get3A_533, %get3A_534] {strides = array<i32>} : memref<16x384xf32, #tpu.memory_space<vmem>>, vector<16xf32>,
      %get3A_536 = arith.index_cast %add3A_478 : i32 to index
      %get3A_537 = arith.constant 160 : index
      %get3A_538 = tpu.vector_load %arg10[%get3A_536, %get3A_537] {strides = array<i32>} : memref<16x384xf32, #tpu.memory_space<vmem>>, vector<16xf32>,
      %get3A_539 = arith.index_cast %add3A_478 : i32 to index
      %get3A_540 = arith.constant 32 : index
      %get3A_541 = tpu.vector_load %arg11[%get3A_539, %get3A_540] {strides = array<i32>} : memref<16x384xf32, #tpu.memory_space<vmem>>, vector<16xf32>,
      %get3A_542 = arith.index_cast %add3A_478 : i32 to index
      %get3A_543 = arith.constant 160 : index
      %get3A_544 = tpu.vector_load %arg11[%get3A_542, %get3A_543] {strides = array<i32>} : memref<16x384xf32, #tpu.memory_space<vmem>>, vector<16xf32>,
      %mul3A_545 = vector.broadcast %squeeze3A_480 : f32 to vector<16xf32>
      %mul3A_546 = arith.mulf %mul3A_545, %get3A_535 : vector<16xf32>
      %mul3A_547 = vector.broadcast %squeeze3A_482 : f32 to vector<16xf32>
      %mul3A_548 = arith.mulf %mul3A_547, %get3A_541 : vector<16xf32>
      %add3A_549 = arith.addf %mul3A_546, %mul3A_548 : vector<16xf32>
      %add3A_550 = arith.addf %get3A_538, %get3A_544 : vector<16xf32>
      %mul3A_551 = vector.broadcast %squeeze3A_484 : f32 to vector<16xf32>
      %mul3A_552 = arith.mulf %mul3A_551, %add3A_550 : vector<16xf32>
      %add3A_553 = arith.addf %add3A_549, %mul3A_552 : vector<16xf32>
      %swap3A_554 = arith.index_cast %add3A_478 : i32 to index
      %swap3A_555 = arith.constant 32 : index
      %swap3A_556 = tpu.vector_load %arg12[%swap3A_554, %swap3A_555] {strides = array<i32>} : memref<16x128xf32, #tpu.memory_space<vmem>>, vector<16xf32>,
      tpu.vector_store %arg12[%swap3A_554, %swap3A_555], %add3A_553 {strides = array<i32>} : memref<16x128xf32, #tpu.memory_space<vmem>>, vector<16xf32>,
      %get3A_557 = arith.index_cast %add3A_478 : i32 to index
      %get3A_558 = arith.constant 48 : index
      %get3A_559 = tpu.vector_load %arg10[%get3A_557, %get3A_558] {strides = array<i32>} : memref<16x384xf32, #tpu.memory_space<vmem>>, vector<16xf32>,
      %get3A_560 = arith.index_cast %add3A_478 : i32 to index
      %get3A_561 = arith.constant 176 : index
      %get3A_562 = tpu.vector_load %arg10[%get3A_560, %get3A_561] {strides = array<i32>} : memref<16x384xf32, #tpu.memory_space<vmem>>, vector<16xf32>,
      %get3A_563 = arith.index_cast %add3A_478 : i32 to index
      %get3A_564 = arith.constant 48 : index
      %get3A_565 = tpu.vector_load %arg11[%get3A_563, %get3A_564] {strides = array<i32>} : memref<16x384xf32, #tpu.memory_space<vmem>>, vector<16xf32>,
      %get3A_566 = arith.index_cast %add3A_478 : i32 to index
      %get3A_567 = arith.constant 176 : index
      %get3A_568 = tpu.vector_load %arg11[%get3A_566, %get3A_567] {strides = array<i32>} : memref<16x384xf32, #tpu.memory_space<vmem>>, vector<16xf32>,
      %mul3A_569 = vector.broadcast %squeeze3A_480 : f32 to vector<16xf32>
      %mul3A_570 = arith.mulf %mul3A_569, %get3A_559 : vector<16xf32>
      %mul3A_571 = vector.broadcast %squeeze3A_482 : f32 to vector<16xf32>
      %mul3A_572 = arith.mulf %mul3A_571, %get3A_565 : vector<16xf32>
      %add3A_573 = arith.addf %mul3A_570, %mul3A_572 : vector<16xf32>
      %add3A_574 = arith.addf %get3A_562, %get3A_568 : vector<16xf32>
      %mul3A_575 = vector.broadcast %squeeze3A_484 : f32 to vector<16xf32>
      %mul3A_576 = arith.mulf %mul3A_575, %add3A_574 : vector<16xf32>
      %add3A_577 = arith.addf %add3A_573, %mul3A_576 : vector<16xf32>
      %swap3A_578 = arith.index_cast %add3A_478 : i32 to index
      %swap3A_579 = arith.constant 48 : index
      %swap3A_580 = tpu.vector_load %arg12[%swap3A_578, %swap3A_579] {strides = array<i32>} : memref<16x128xf32, #tpu.memory_space<vmem>>, vector<16xf32>,
      tpu.vector_store %arg12[%swap3A_578, %swap3A_579], %add3A_577 {strides = array<i32>} : memref<16x128xf32, #tpu.memory_space<vmem>>, vector<16xf32>,
      %get3A_581 = arith.index_cast %add3A_478 : i32 to index
      %get3A_582 = arith.constant 64 : index
      %get3A_583 = tpu.vector_load %arg10[%get3A_581, %get3A_582] {strides = array<i32>} : memref<16x384xf32, #tpu.memory_space<vmem>>, vector<16xf32>,
      %get3A_584 = arith.index_cast %add3A_478 : i32 to index
      %get3A_585 = arith.constant 192 : index
      %get3A_586 = tpu.vector_load %arg10[%get3A_584, %get3A_585] {strides = array<i32>} : memref<16x384xf32, #tpu.memory_space<vmem>>, vector<16xf32>,
      %get3A_587 = arith.index_cast %add3A_478 : i32 to index
      %get3A_588 = arith.constant 64 : index
      %get3A_589 = tpu.vector_load %arg11[%get3A_587, %get3A_588] {strides = array<i32>} : memref<16x384xf32, #tpu.memory_space<vmem>>, vector<16xf32>,
      %get3A_590 = arith.index_cast %add3A_478 : i32 to index
      %get3A_591 = arith.constant 192 : index
      %get3A_592 = tpu.vector_load %arg11[%get3A_590, %get3A_591] {strides = array<i32>} : memref<16x384xf32, #tpu.memory_space<vmem>>, vector<16xf32>,
      %mul3A_593 = vector.broadcast %squeeze3A_480 : f32 to vector<16xf32>
      %mul3A_594 = arith.mulf %mul3A_593, %get3A_583 : vector<16xf32>
      %mul3A_595 = vector.broadcast %squeeze3A_482 : f32 to vector<16xf32>
      %mul3A_596 = arith.mulf %mul3A_595, %get3A_589 : vector<16xf32>
      %add3A_597 = arith.addf %mul3A_594, %mul3A_596 : vector<16xf32>
      %add3A_598 = arith.addf %get3A_586, %get3A_592 : vector<16xf32>
      %mul3A_599 = vector.broadcast %squeeze3A_484 : f32 to vector<16xf32>
      %mul3A_600 = arith.mulf %mul3A_599, %add3A_598 : vector<16xf32>
      %add3A_601 = arith.addf %add3A_597, %mul3A_600 : vector<16xf32>
      %swap3A_602 = arith.index_cast %add3A_478 : i32 to index
      %swap3A_603 = arith.constant 64 : index
      %swap3A_604 = tpu.vector_load %arg12[%swap3A_602, %swap3A_603] {strides = array<i32>} : memref<16x128xf32, #tpu.memory_space<vmem>>, vector<16xf32>,
      tpu.vector_store %arg12[%swap3A_602, %swap3A_603], %add3A_601 {strides = array<i32>} : memref<16x128xf32, #tpu.memory_space<vmem>>, vector<16xf32>,
      %get3A_605 = arith.index_cast %add3A_478 : i32 to index
      %get3A_606 = arith.constant 80 : index
      %get3A_607 = tpu.vector_load %arg10[%get3A_605, %get3A_606] {strides = array<i32>} : memref<16x384xf32, #tpu.memory_space<vmem>>, vector<16xf32>,
      %get3A_608 = arith.index_cast %add3A_478 : i32 to index
      %get3A_609 = arith.constant 208 : index
      %get3A_610 = tpu.vector_load %arg10[%get3A_608, %get3A_609] {strides = array<i32>} : memref<16x384xf32, #tpu.memory_space<vmem>>, vector<16xf32>,
      %get3A_611 = arith.index_cast %add3A_478 : i32 to index
      %get3A_612 = arith.constant 80 : index
      %get3A_613 = tpu.vector_load %arg11[%get3A_611, %get3A_612] {strides = array<i32>} : memref<16x384xf32, #tpu.memory_space<vmem>>, vector<16xf32>,
      %get3A_614 = arith.index_cast %add3A_478 : i32 to index
      %get3A_615 = arith.constant 208 : index
      %get3A_616 = tpu.vector_load %arg11[%get3A_614, %get3A_615] {strides = array<i32>} : memref<16x384xf32, #tpu.memory_space<vmem>>, vector<16xf32>,
      %mul3A_617 = vector.broadcast %squeeze3A_480 : f32 to vector<16xf32>
      %mul3A_618 = arith.mulf %mul3A_617, %get3A_607 : vector<16xf32>
      %mul3A_619 = vector.broadcast %squeeze3A_482 : f32 to vector<16xf32>
      %mul3A_620 = arith.mulf %mul3A_619, %get3A_613 : vector<16xf32>
      %add3A_621 = arith.addf %mul3A_618, %mul3A_620 : vector<16xf32>
      %add3A_622 = arith.addf %get3A_610, %get3A_616 : vector<16xf32>
      %mul3A_623 = vector.broadcast %squeeze3A_484 : f32 to vector<16xf32>
      %mul3A_624 = arith.mulf %mul3A_623, %add3A_622 : vector<16xf32>
      %add3A_625 = arith.addf %add3A_621, %mul3A_624 : vector<16xf32>
      %swap3A_626 = arith.index_cast %add3A_478 : i32 to index
      %swap3A_627 = arith.constant 80 : index
      %swap3A_628 = tpu.vector_load %arg12[%swap3A_626, %swap3A_627] {strides = array<i32>} : memref<16x128xf32, #tpu.memory_space<vmem>>, vector<16xf32>,
      tpu.vector_store %arg12[%swap3A_626, %swap3A_627], %add3A_625 {strides = array<i32>} : memref<16x128xf32, #tpu.memory_space<vmem>>, vector<16xf32>,
      %get3A_629 = arith.index_cast %add3A_478 : i32 to index
      %get3A_630 = arith.constant 96 : index
      %get3A_631 = tpu.vector_load %arg10[%get3A_629, %get3A_630] {strides = array<i32>} : memref<16x384xf32, #tpu.memory_space<vmem>>, vector<16xf32>,
      %get3A_632 = arith.index_cast %add3A_478 : i32 to index
      %get3A_633 = arith.constant 224 : index
      %get3A_634 = tpu.vector_load %arg10[%get3A_632, %get3A_633] {strides = array<i32>} : memref<16x384xf32, #tpu.memory_space<vmem>>, vector<16xf32>,
      %get3A_635 = arith.index_cast %add3A_478 : i32 to index
      %get3A_636 = arith.constant 96 : index
      %get3A_637 = tpu.vector_load %arg11[%get3A_635, %get3A_636] {strides = array<i32>} : memref<16x384xf32, #tpu.memory_space<vmem>>, vector<16xf32>,
      %get3A_638 = arith.index_cast %add3A_478 : i32 to index
      %get3A_639 = arith.constant 224 : index
      %get3A_640 = tpu.vector_load %arg11[%get3A_638, %get3A_639] {strides = array<i32>} : memref<16x384xf32, #tpu.memory_space<vmem>>, vector<16xf32>,
      %mul3A_641 = vector.broadcast %squeeze3A_480 : f32 to vector<16xf32>
      %mul3A_642 = arith.mulf %mul3A_641, %get3A_631 : vector<16xf32>
      %mul3A_643 = vector.broadcast %squeeze3A_482 : f32 to vector<16xf32>
      %mul3A_644 = arith.mulf %mul3A_643, %get3A_637 : vector<16xf32>
      %add3A_645 = arith.addf %mul3A_642, %mul3A_644 : vector<16xf32>
      %add3A_646 = arith.addf %get3A_634, %get3A_640 : vector<16xf32>
      %mul3A_647 = vector.broadcast %squeeze3A_484 : f32 to vector<16xf32>
      %mul3A_648 = arith.mulf %mul3A_647, %add3A_646 : vector<16xf32>
      %add3A_649 = arith.addf %add3A_645, %mul3A_648 : vector<16xf32>
      %swap3A_650 = arith.index_cast %add3A_478 : i32 to index
      %swap3A_651 = arith.constant 96 : index
      %swap3A_652 = tpu.vector_load %arg12[%swap3A_650, %swap3A_651] {strides = array<i32>} : memref<16x128xf32, #tpu.memory_space<vmem>>, vector<16xf32>,
      tpu.vector_store %arg12[%swap3A_650, %swap3A_651], %add3A_649 {strides = array<i32>} : memref<16x128xf32, #tpu.memory_space<vmem>>, vector<16xf32>,
      %get3A_653 = arith.index_cast %add3A_478 : i32 to index
      %get3A_654 = arith.constant 112 : index
      %get3A_655 = tpu.vector_load %arg10[%get3A_653, %get3A_654] {strides = array<i32>} : memref<16x384xf32, #tpu.memory_space<vmem>>, vector<16xf32>,
      %get3A_656 = arith.index_cast %add3A_478 : i32 to index
      %get3A_657 = arith.constant 240 : index
      %get3A_658 = tpu.vector_load %arg10[%get3A_656, %get3A_657] {strides = array<i32>} : memref<16x384xf32, #tpu.memory_space<vmem>>, vector<16xf32>,
      %get3A_659 = arith.index_cast %add3A_478 : i32 to index
      %get3A_660 = arith.constant 112 : index
      %get3A_661 = tpu.vector_load %arg11[%get3A_659, %get3A_660] {strides = array<i32>} : memref<16x384xf32, #tpu.memory_space<vmem>>, vector<16xf32>,
      %get3A_662 = arith.index_cast %add3A_478 : i32 to index
      %get3A_663 = arith.constant 240 : index
      %get3A_664 = tpu.vector_load %arg11[%get3A_662, %get3A_663] {strides = array<i32>} : memref<16x384xf32, #tpu.memory_space<vmem>>, vector<16xf32>,
      %mul3A_665 = vector.broadcast %squeeze3A_480 : f32 to vector<16xf32>
      %mul3A_666 = arith.mulf %mul3A_665, %get3A_655 : vector<16xf32>
      %mul3A_667 = vector.broadcast %squeeze3A_482 : f32 to vector<16xf32>
      %mul3A_668 = arith.mulf %mul3A_667, %get3A_661 : vector<16xf32>
      %add3A_669 = arith.addf %mul3A_666, %mul3A_668 : vector<16xf32>
      %add3A_670 = arith.addf %get3A_658, %get3A_664 : vector<16xf32>
      %mul3A_671 = vector.broadcast %squeeze3A_484 : f32 to vector<16xf32>
      %mul3A_672 = arith.mulf %mul3A_671, %add3A_670 : vector<16xf32>
      %add3A_673 = arith.addf %add3A_669, %mul3A_672 : vector<16xf32>
      %swap3A_674 = arith.index_cast %add3A_478 : i32 to index
      %swap3A_675 = arith.constant 112 : index
      %swap3A_676 = tpu.vector_load %arg12[%swap3A_674, %swap3A_675] {strides = array<i32>} : memref<16x128xf32, #tpu.memory_space<vmem>>, vector<16xf32>,
      tpu.vector_store %arg12[%swap3A_674, %swap3A_675], %add3A_673 {strides = array<i32>} : memref<16x128xf32, #tpu.memory_space<vmem>>, vector<16xf32>,
      %mul3A_677 = arith.constant 16 : i32
      %mul3A_678 = arith.muli %scan3A_37, %mul3A_677 : i32
      %add3A_679 = arith.constant 3 : i32
      %add3A_680 = arith.addi %mul3A_678, %add3A_679 : i32
      %slice3A_681 = vector.extract_strided_slice %mul3A_72 {offsets = [3], sizes = [1], strides = [1]} : vector<16xf32> to vector<1xf32>
      %squeeze3A_682 = vector.extract %slice3A_681[0] : f32 from vector<1xf32>
      %slice3A_683 = vector.extract_strided_slice %mul3A_73 {offsets = [3], sizes = [1], strides = [1]} : vector<16xf32> to vector<1xf32>
      %squeeze3A_684 = vector.extract %slice3A_683[0] : f32 from vector<1xf32>
      %slice3A_685 = vector.extract_strided_slice %mul3A_74 {offsets = [3], sizes = [1], strides = [1]} : vector<16xf32> to vector<1xf32>
      %squeeze3A_686 = vector.extract %slice3A_685[0] : f32 from vector<1xf32>
      %get3A_687 = arith.index_cast %add3A_680 : i32 to index
      %get3A_688 = arith.constant 0 : index
      %get3A_689 = tpu.vector_load %arg10[%get3A_687, %get3A_688] {strides = array<i32>} : memref<16x384xf32, #tpu.memory_space<vmem>>, vector<16xf32>,
      %get3A_690 = arith.index_cast %add3A_680 : i32 to index
      %get3A_691 = arith.constant 128 : index
      %get3A_692 = tpu.vector_load %arg10[%get3A_690, %get3A_691] {strides = array<i32>} : memref<16x384xf32, #tpu.memory_space<vmem>>, vector<16xf32>,
      %get3A_693 = arith.index_cast %add3A_680 : i32 to index
      %get3A_694 = arith.constant 0 : index
      %get3A_695 = tpu.vector_load %arg11[%get3A_693, %get3A_694] {strides = array<i32>} : memref<16x384xf32, #tpu.memory_space<vmem>>, vector<16xf32>,
      %get3A_696 = arith.index_cast %add3A_680 : i32 to index
      %get3A_697 = arith.constant 128 : index
      %get3A_698 = tpu.vector_load %arg11[%get3A_696, %get3A_697] {strides = array<i32>} : memref<16x384xf32, #tpu.memory_space<vmem>>, vector<16xf32>,
      %mul3A_699 = vector.broadcast %squeeze3A_682 : f32 to vector<16xf32>
      %mul3A_700 = arith.mulf %mul3A_699, %get3A_689 : vector<16xf32>
      %mul3A_701 = vector.broadcast %squeeze3A_684 : f32 to vector<16xf32>
      %mul3A_702 = arith.mulf %mul3A_701, %get3A_695 : vector<16xf32>
      %add3A_703 = arith.addf %mul3A_700, %mul3A_702 : vector<16xf32>
      %add3A_704 = arith.addf %get3A_692, %get3A_698 : vector<16xf32>
      %mul3A_705 = vector.broadcast %squeeze3A_686 : f32 to vector<16xf32>
      %mul3A_706 = arith.mulf %mul3A_705, %add3A_704 : vector<16xf32>
      %add3A_707 = arith.addf %add3A_703, %mul3A_706 : vector<16xf32>
      %swap3A_708 = arith.index_cast %add3A_680 : i32 to index
      %swap3A_709 = arith.constant 0 : index
      %swap3A_710 = tpu.vector_load %arg12[%swap3A_708, %swap3A_709] {strides = array<i32>} : memref<16x128xf32, #tpu.memory_space<vmem>>, vector<16xf32>,
      tpu.vector_store %arg12[%swap3A_708, %swap3A_709], %add3A_707 {strides = array<i32>} : memref<16x128xf32, #tpu.memory_space<vmem>>, vector<16xf32>,
      %get3A_711 = arith.index_cast %add3A_680 : i32 to index
      %get3A_712 = arith.constant 16 : index
      %get3A_713 = tpu.vector_load %arg10[%get3A_711, %get3A_712] {strides = array<i32>} : memref<16x384xf32, #tpu.memory_space<vmem>>, vector<16xf32>,
      %get3A_714 = arith.index_cast %add3A_680 : i32 to index
      %get3A_715 = arith.constant 144 : index
      %get3A_716 = tpu.vector_load %arg10[%get3A_714, %get3A_715] {strides = array<i32>} : memref<16x384xf32, #tpu.memory_space<vmem>>, vector<16xf32>,
      %get3A_717 = arith.index_cast %add3A_680 : i32 to index
      %get3A_718 = arith.constant 16 : index
      %get3A_719 = tpu.vector_load %arg11[%get3A_717, %get3A_718] {strides = array<i32>} : memref<16x384xf32, #tpu.memory_space<vmem>>, vector<16xf32>,
      %get3A_720 = arith.index_cast %add3A_680 : i32 to index
      %get3A_721 = arith.constant 144 : index
      %get3A_722 = tpu.vector_load %arg11[%get3A_720, %get3A_721] {strides = array<i32>} : memref<16x384xf32, #tpu.memory_space<vmem>>, vector<16xf32>,
      %mul3A_723 = vector.broadcast %squeeze3A_682 : f32 to vector<16xf32>
      %mul3A_724 = arith.mulf %mul3A_723, %get3A_713 : vector<16xf32>
      %mul3A_725 = vector.broadcast %squeeze3A_684 : f32 to vector<16xf32>
      %mul3A_726 = arith.mulf %mul3A_725, %get3A_719 : vector<16xf32>
      %add3A_727 = arith.addf %mul3A_724, %mul3A_726 : vector<16xf32>
      %add3A_728 = arith.addf %get3A_716, %get3A_722 : vector<16xf32>
      %mul3A_729 = vector.broadcast %squeeze3A_686 : f32 to vector<16xf32>
      %mul3A_730 = arith.mulf %mul3A_729, %add3A_728 : vector<16xf32>
      %add3A_731 = arith.addf %add3A_727, %mul3A_730 : vector<16xf32>
      %swap3A_732 = arith.index_cast %add3A_680 : i32 to index
      %swap3A_733 = arith.constant 16 : index
      %swap3A_734 = tpu.vector_load %arg12[%swap3A_732, %swap3A_733] {strides = array<i32>} : memref<16x128xf32, #tpu.memory_space<vmem>>, vector<16xf32>,
      tpu.vector_store %arg12[%swap3A_732, %swap3A_733], %add3A_731 {strides = array<i32>} : memref<16x128xf32, #tpu.memory_space<vmem>>, vector<16xf32>,
      %get3A_735 = arith.index_cast %add3A_680 : i32 to index
      %get3A_736 = arith.constant 32 : index
      %get3A_737 = tpu.vector_load %arg10[%get3A_735, %get3A_736] {strides = array<i32>} : memref<16x384xf32, #tpu.memory_space<vmem>>, vector<16xf32>,
      %get3A_738 = arith.index_cast %add3A_680 : i32 to index
      %get3A_739 = arith.constant 160 : index
      %get3A_740 = tpu.vector_load %arg10[%get3A_738, %get3A_739] {strides = array<i32>} : memref<16x384xf32, #tpu.memory_space<vmem>>, vector<16xf32>,
      %get3A_741 = arith.index_cast %add3A_680 : i32 to index
      %get3A_742 = arith.constant 32 : index
      %get3A_743 = tpu.vector_load %arg11[%get3A_741, %get3A_742] {strides = array<i32>} : memref<16x384xf32, #tpu.memory_space<vmem>>, vector<16xf32>,
      %get3A_744 = arith.index_cast %add3A_680 : i32 to index
      %get3A_745 = arith.constant 160 : index
      %get3A_746 = tpu.vector_load %arg11[%get3A_744, %get3A_745] {strides = array<i32>} : memref<16x384xf32, #tpu.memory_space<vmem>>, vector<16xf32>,
      %mul3A_747 = vector.broadcast %squeeze3A_682 : f32 to vector<16xf32>
      %mul3A_748 = arith.mulf %mul3A_747, %get3A_737 : vector<16xf32>
      %mul3A_749 = vector.broadcast %squeeze3A_684 : f32 to vector<16xf32>
      %mul3A_750 = arith.mulf %mul3A_749, %get3A_743 : vector<16xf32>
      %add3A_751 = arith.addf %mul3A_748, %mul3A_750 : vector<16xf32>
      %add3A_752 = arith.addf %get3A_740, %get3A_746 : vector<16xf32>
      %mul3A_753 = vector.broadcast %squeeze3A_686 : f32 to vector<16xf32>
      %mul3A_754 = arith.mulf %mul3A_753, %add3A_752 : vector<16xf32>
      %add3A_755 = arith.addf %add3A_751, %mul3A_754 : vector<16xf32>
      %swap3A_756 = arith.index_cast %add3A_680 : i32 to index
      %swap3A_757 = arith.constant 32 : index
      %swap3A_758 = tpu.vector_load %arg12[%swap3A_756, %swap3A_757] {strides = array<i32>} : memref<16x128xf32, #tpu.memory_space<vmem>>, vector<16xf32>,
      tpu.vector_store %arg12[%swap3A_756, %swap3A_757], %add3A_755 {strides = array<i32>} : memref<16x128xf32, #tpu.memory_space<vmem>>, vector<16xf32>,
      %get3A_759 = arith.index_cast %add3A_680 : i32 to index
      %get3A_760 = arith.constant 48 : index
      %get3A_761 = tpu.vector_load %arg10[%get3A_759, %get3A_760] {strides = array<i32>} : memref<16x384xf32, #tpu.memory_space<vmem>>, vector<16xf32>,
      %get3A_762 = arith.index_cast %add3A_680 : i32 to index
      %get3A_763 = arith.constant 176 : index
      %get3A_764 = tpu.vector_load %arg10[%get3A_762, %get3A_763] {strides = array<i32>} : memref<16x384xf32, #tpu.memory_space<vmem>>, vector<16xf32>,
      %get3A_765 = arith.index_cast %add3A_680 : i32 to index
      %get3A_766 = arith.constant 48 : index
      %get3A_767 = tpu.vector_load %arg11[%get3A_765, %get3A_766] {strides = array<i32>} : memref<16x384xf32, #tpu.memory_space<vmem>>, vector<16xf32>,
      %get3A_768 = arith.index_cast %add3A_680 : i32 to index
      %get3A_769 = arith.constant 176 : index
      %get3A_770 = tpu.vector_load %arg11[%get3A_768, %get3A_769] {strides = array<i32>} : memref<16x384xf32, #tpu.memory_space<vmem>>, vector<16xf32>,
      %mul3A_771 = vector.broadcast %squeeze3A_682 : f32 to vector<16xf32>
      %mul3A_772 = arith.mulf %mul3A_771, %get3A_761 : vector<16xf32>
      %mul3A_773 = vector.broadcast %squeeze3A_684 : f32 to vector<16xf32>
      %mul3A_774 = arith.mulf %mul3A_773, %get3A_767 : vector<16xf32>
      %add3A_775 = arith.addf %mul3A_772, %mul3A_774 : vector<16xf32>
      %add3A_776 = arith.addf %get3A_764, %get3A_770 : vector<16xf32>
      %mul3A_777 = vector.broadcast %squeeze3A_686 : f32 to vector<16xf32>
      %mul3A_778 = arith.mulf %mul3A_777, %add3A_776 : vector<16xf32>
      %add3A_779 = arith.addf %add3A_775, %mul3A_778 : vector<16xf32>
      %swap3A_780 = arith.index_cast %add3A_680 : i32 to index
      %swap3A_781 = arith.constant 48 : index
      %swap3A_782 = tpu.vector_load %arg12[%swap3A_780, %swap3A_781] {strides = array<i32>} : memref<16x128xf32, #tpu.memory_space<vmem>>, vector<16xf32>,
      tpu.vector_store %arg12[%swap3A_780, %swap3A_781], %add3A_779 {strides = array<i32>} : memref<16x128xf32, #tpu.memory_space<vmem>>, vector<16xf32>,
      %get3A_783 = arith.index_cast %add3A_680 : i32 to index
      %get3A_784 = arith.constant 64 : index
      %get3A_785 = tpu.vector_load %arg10[%get3A_783, %get3A_784] {strides = array<i32>} : memref<16x384xf32, #tpu.memory_space<vmem>>, vector<16xf32>,
      %get3A_786 = arith.index_cast %add3A_680 : i32 to index
      %get3A_787 = arith.constant 192 : index
      %get3A_788 = tpu.vector_load %arg10[%get3A_786, %get3A_787] {strides = array<i32>} : memref<16x384xf32, #tpu.memory_space<vmem>>, vector<16xf32>,
      %get3A_789 = arith.index_cast %add3A_680 : i32 to index
      %get3A_790 = arith.constant 64 : index
      %get3A_791 = tpu.vector_load %arg11[%get3A_789, %get3A_790] {strides = array<i32>} : memref<16x384xf32, #tpu.memory_space<vmem>>, vector<16xf32>,
      %get3A_792 = arith.index_cast %add3A_680 : i32 to index
      %get3A_793 = arith.constant 192 : index
      %get3A_794 = tpu.vector_load %arg11[%get3A_792, %get3A_793] {strides = array<i32>} : memref<16x384xf32, #tpu.memory_space<vmem>>, vector<16xf32>,
      %mul3A_795 = vector.broadcast %squeeze3A_682 : f32 to vector<16xf32>
      %mul3A_796 = arith.mulf %mul3A_795, %get3A_785 : vector<16xf32>
      %mul3A_797 = vector.broadcast %squeeze3A_684 : f32 to vector<16xf32>
      %mul3A_798 = arith.mulf %mul3A_797, %get3A_791 : vector<16xf32>
      %add3A_799 = arith.addf %mul3A_796, %mul3A_798 : vector<16xf32>
      %add3A_800 = arith.addf %get3A_788, %get3A_794 : vector<16xf32>
      %mul3A_801 = vector.broadcast %squeeze3A_686 : f32 to vector<16xf32>
      %mul3A_802 = arith.mulf %mul3A_801, %add3A_800 : vector<16xf32>
      %add3A_803 = arith.addf %add3A_799, %mul3A_802 : vector<16xf32>
      %swap3A_804 = arith.index_cast %add3A_680 : i32 to index
      %swap3A_805 = arith.constant 64 : index
      %swap3A_806 = tpu.vector_load %arg12[%swap3A_804, %swap3A_805] {strides = array<i32>} : memref<16x128xf32, #tpu.memory_space<vmem>>, vector<16xf32>,
      tpu.vector_store %arg12[%swap3A_804, %swap3A_805], %add3A_803 {strides = array<i32>} : memref<16x128xf32, #tpu.memory_space<vmem>>, vector<16xf32>,
      %get3A_807 = arith.index_cast %add3A_680 : i32 to index
      %get3A_808 = arith.constant 80 : index
      %get3A_809 = tpu.vector_load %arg10[%get3A_807, %get3A_808] {strides = array<i32>} : memref<16x384xf32, #tpu.memory_space<vmem>>, vector<16xf32>,
      %get3A_810 = arith.index_cast %add3A_680 : i32 to index
      %get3A_811 = arith.constant 208 : index
      %get3A_812 = tpu.vector_load %arg10[%get3A_810, %get3A_811] {strides = array<i32>} : memref<16x384xf32, #tpu.memory_space<vmem>>, vector<16xf32>,
      %get3A_813 = arith.index_cast %add3A_680 : i32 to index
      %get3A_814 = arith.constant 80 : index
      %get3A_815 = tpu.vector_load %arg11[%get3A_813, %get3A_814] {strides = array<i32>} : memref<16x384xf32, #tpu.memory_space<vmem>>, vector<16xf32>,
      %get3A_816 = arith.index_cast %add3A_680 : i32 to index
      %get3A_817 = arith.constant 208 : index
      %get3A_818 = tpu.vector_load %arg11[%get3A_816, %get3A_817] {strides = array<i32>} : memref<16x384xf32, #tpu.memory_space<vmem>>, vector<16xf32>,
      %mul3A_819 = vector.broadcast %squeeze3A_682 : f32 to vector<16xf32>
      %mul3A_820 = arith.mulf %mul3A_819, %get3A_809 : vector<16xf32>
      %mul3A_821 = vector.broadcast %squeeze3A_684 : f32 to vector<16xf32>
      %mul3A_822 = arith.mulf %mul3A_821, %get3A_815 : vector<16xf32>
      %add3A_823 = arith.addf %mul3A_820, %mul3A_822 : vector<16xf32>
      %add3A_824 = arith.addf %get3A_812, %get3A_818 : vector<16xf32>
      %mul3A_825 = vector.broadcast %squeeze3A_686 : f32 to vector<16xf32>
      %mul3A_826 = arith.mulf %mul3A_825, %add3A_824 : vector<16xf32>
      %add3A_827 = arith.addf %add3A_823, %mul3A_826 : vector<16xf32>
      %swap3A_828 = arith.index_cast %add3A_680 : i32 to index
      %swap3A_829 = arith.constant 80 : index
      %swap3A_830 = tpu.vector_load %arg12[%swap3A_828, %swap3A_829] {strides = array<i32>} : memref<16x128xf32, #tpu.memory_space<vmem>>, vector<16xf32>,
      tpu.vector_store %arg12[%swap3A_828, %swap3A_829], %add3A_827 {strides = array<i32>} : memref<16x128xf32, #tpu.memory_space<vmem>>, vector<16xf32>,
      %get3A_831 = arith.index_cast %add3A_680 : i32 to index
      %get3A_832 = arith.constant 96 : index
      %get3A_833 = tpu.vector_load %arg10[%get3A_831, %get3A_832] {strides = array<i32>} : memref<16x384xf32, #tpu.memory_space<vmem>>, vector<16xf32>,
      %get3A_834 = arith.index_cast %add3A_680 : i32 to index
      %get3A_835 = arith.constant 224 : index
      %get3A_836 = tpu.vector_load %arg10[%get3A_834, %get3A_835] {strides = array<i32>} : memref<16x384xf32, #tpu.memory_space<vmem>>, vector<16xf32>,
      %get3A_837 = arith.index_cast %add3A_680 : i32 to index
      %get3A_838 = arith.constant 96 : index
      %get3A_839 = tpu.vector_load %arg11[%get3A_837, %get3A_838] {strides = array<i32>} : memref<16x384xf32, #tpu.memory_space<vmem>>, vector<16xf32>,
      %get3A_840 = arith.index_cast %add3A_680 : i32 to index
      %get3A_841 = arith.constant 224 : index
      %get3A_842 = tpu.vector_load %arg11[%get3A_840, %get3A_841] {strides = array<i32>} : memref<16x384xf32, #tpu.memory_space<vmem>>, vector<16xf32>,
      %mul3A_843 = vector.broadcast %squeeze3A_682 : f32 to vector<16xf32>
      %mul3A_844 = arith.mulf %mul3A_843, %get3A_833 : vector<16xf32>
      %mul3A_845 = vector.broadcast %squeeze3A_684 : f32 to vector<16xf32>
      %mul3A_846 = arith.mulf %mul3A_845, %get3A_839 : vector<16xf32>
      %add3A_847 = arith.addf %mul3A_844, %mul3A_846 : vector<16xf32>
      %add3A_848 = arith.addf %get3A_836, %get3A_842 : vector<16xf32>
      %mul3A_849 = vector.broadcast %squeeze3A_686 : f32 to vector<16xf32>
      %mul3A_850 = arith.mulf %mul3A_849, %add3A_848 : vector<16xf32>
      %add3A_851 = arith.addf %add3A_847, %mul3A_850 : vector<16xf32>
      %swap3A_852 = arith.index_cast %add3A_680 : i32 to index
      %swap3A_853 = arith.constant 96 : index
      %swap3A_854 = tpu.vector_load %arg12[%swap3A_852, %swap3A_853] {strides = array<i32>} : memref<16x128xf32, #tpu.memory_space<vmem>>, vector<16xf32>,
      tpu.vector_store %arg12[%swap3A_852, %swap3A_853], %add3A_851 {strides = array<i32>} : memref<16x128xf32, #tpu.memory_space<vmem>>, vector<16xf32>,
      %get3A_855 = arith.index_cast %add3A_680 : i32 to index
      %get3A_856 = arith.constant 112 : index
      %get3A_857 = tpu.vector_load %arg10[%get3A_855, %get3A_856] {strides = array<i32>} : memref<16x384xf32, #tpu.memory_space<vmem>>, vector<16xf32>,
      %get3A_858 = arith.index_cast %add3A_680 : i32 to index
      %get3A_859 = arith.constant 240 : index
      %get3A_860 = tpu.vector_load %arg10[%get3A_858, %get3A_859] {strides = array<i32>} : memref<16x384xf32, #tpu.memory_space<vmem>>, vector<16xf32>,
      %get3A_861 = arith.index_cast %add3A_680 : i32 to index
      %get3A_862 = arith.constant 112 : index
      %get3A_863 = tpu.vector_load %arg11[%get3A_861, %get3A_862] {strides = array<i32>} : memref<16x384xf32, #tpu.memory_space<vmem>>, vector<16xf32>,
      %get3A_864 = arith.index_cast %add3A_680 : i32 to index
      %get3A_865 = arith.constant 240 : index
      %get3A_866 = tpu.vector_load %arg11[%get3A_864, %get3A_865] {strides = array<i32>} : memref<16x384xf32, #tpu.memory_space<vmem>>, vector<16xf32>,
      %mul3A_867 = vector.broadcast %squeeze3A_682 : f32 to vector<16xf32>
      %mul3A_868 = arith.mulf %mul3A_867, %get3A_857 : vector<16xf32>
      %mul3A_869 = vector.broadcast %squeeze3A_684 : f32 to vector<16xf32>
      %mul3A_870 = arith.mulf %mul3A_869, %get3A_863 : vector<16xf32>
      %add3A_871 = arith.addf %mul3A_868, %mul3A_870 : vector<16xf32>
      %add3A_872 = arith.addf %get3A_860, %get3A_866 : vector<16xf32>
      %mul3A_873 = vector.broadcast %squeeze3A_686 : f32 to vector<16xf32>
      %mul3A_874 = arith.mulf %mul3A_873, %add3A_872 : vector<16xf32>
      %add3A_875 = arith.addf %add3A_871, %mul3A_874 : vector<16xf32>
      %swap3A_876 = arith.index_cast %add3A_680 : i32 to index
      %swap3A_877 = arith.constant 112 : index
      %swap3A_878 = tpu.vector_load %arg12[%swap3A_876, %swap3A_877] {strides = array<i32>} : memref<16x128xf32, #tpu.memory_space<vmem>>, vector<16xf32>,
      tpu.vector_store %arg12[%swap3A_876, %swap3A_877], %add3A_875 {strides = array<i32>} : memref<16x128xf32, #tpu.memory_space<vmem>>, vector<16xf32>,
      %mul3A_879 = arith.constant 16 : i32
      %mul3A_880 = arith.muli %scan3A_37, %mul3A_879 : i32
      %add3A_881 = arith.constant 4 : i32
      %add3A_882 = arith.addi %mul3A_880, %add3A_881 : i32
      %slice3A_883 = vector.extract_strided_slice %mul3A_72 {offsets = [4], sizes = [1], strides = [1]} : vector<16xf32> to vector<1xf32>
      %squeeze3A_884 = vector.extract %slice3A_883[0] : f32 from vector<1xf32>
      %slice3A_885 = vector.extract_strided_slice %mul3A_73 {offsets = [4], sizes = [1], strides = [1]} : vector<16xf32> to vector<1xf32>
      %squeeze3A_886 = vector.extract %slice3A_885[0] : f32 from vector<1xf32>
      %slice3A_887 = vector.extract_strided_slice %mul3A_74 {offsets = [4], sizes = [1], strides = [1]} : vector<16xf32> to vector<1xf32>
      %squeeze3A_888 = vector.extract %slice3A_887[0] : f32 from vector<1xf32>
      %get3A_889 = arith.index_cast %add3A_882 : i32 to index
      %get3A_890 = arith.constant 0 : index
      %get3A_891 = tpu.vector_load %arg10[%get3A_889, %get3A_890] {strides = array<i32>} : memref<16x384xf32, #tpu.memory_space<vmem>>, vector<16xf32>,
      %get3A_892 = arith.index_cast %add3A_882 : i32 to index
      %get3A_893 = arith.constant 128 : index
      %get3A_894 = tpu.vector_load %arg10[%get3A_892, %get3A_893] {strides = array<i32>} : memref<16x384xf32, #tpu.memory_space<vmem>>, vector<16xf32>,
      %get3A_895 = arith.index_cast %add3A_882 : i32 to index
      %get3A_896 = arith.constant 0 : index
      %get3A_897 = tpu.vector_load %arg11[%get3A_895, %get3A_896] {strides = array<i32>} : memref<16x384xf32, #tpu.memory_space<vmem>>, vector<16xf32>,
      %get3A_898 = arith.index_cast %add3A_882 : i32 to index
      %get3A_899 = arith.constant 128 : index
      %get3A_900 = tpu.vector_load %arg11[%get3A_898, %get3A_899] {strides = array<i32>} : memref<16x384xf32, #tpu.memory_space<vmem>>, vector<16xf32>,
      %mul3A_901 = vector.broadcast %squeeze3A_884 : f32 to vector<16xf32>
      %mul3A_902 = arith.mulf %mul3A_901, %get3A_891 : vector<16xf32>
      %mul3A_903 = vector.broadcast %squeeze3A_886 : f32 to vector<16xf32>
      %mul3A_904 = arith.mulf %mul3A_903, %get3A_897 : vector<16xf32>
      %add3A_905 = arith.addf %mul3A_902, %mul3A_904 : vector<16xf32>
      %add3A_906 = arith.addf %get3A_894, %get3A_900 : vector<16xf32>
      %mul3A_907 = vector.broadcast %squeeze3A_888 : f32 to vector<16xf32>
      %mul3A_908 = arith.mulf %mul3A_907, %add3A_906 : vector<16xf32>
      %add3A_909 = arith.addf %add3A_905, %mul3A_908 : vector<16xf32>
      %swap3A_910 = arith.index_cast %add3A_882 : i32 to index
      %swap3A_911 = arith.constant 0 : index
      %swap3A_912 = tpu.vector_load %arg12[%swap3A_910, %swap3A_911] {strides = array<i32>} : memref<16x128xf32, #tpu.memory_space<vmem>>, vector<16xf32>,
      tpu.vector_store %arg12[%swap3A_910, %swap3A_911], %add3A_909 {strides = array<i32>} : memref<16x128xf32, #tpu.memory_space<vmem>>, vector<16xf32>,
      %get3A_913 = arith.index_cast %add3A_882 : i32 to index
      %get3A_914 = arith.constant 16 : index
      %get3A_915 = tpu.vector_load %arg10[%get3A_913, %get3A_914] {strides = array<i32>} : memref<16x384xf32, #tpu.memory_space<vmem>>, vector<16xf32>,
      %get3A_916 = arith.index_cast %add3A_882 : i32 to index
      %get3A_917 = arith.constant 144 : index
      %get3A_918 = tpu.vector_load %arg10[%get3A_916, %get3A_917] {strides = array<i32>} : memref<16x384xf32, #tpu.memory_space<vmem>>, vector<16xf32>,
      %get3A_919 = arith.index_cast %add3A_882 : i32 to index
      %get3A_920 = arith.constant 16 : index
      %get3A_921 = tpu.vector_load %arg11[%get3A_919, %get3A_920] {strides = array<i32>} : memref<16x384xf32, #tpu.memory_space<vmem>>, vector<16xf32>,
      %get3A_922 = arith.index_cast %add3A_882 : i32 to index
      %get3A_923 = arith.constant 144 : index
      %get3A_924 = tpu.vector_load %arg11[%get3A_922, %get3A_923] {strides = array<i32>} : memref<16x384xf32, #tpu.memory_space<vmem>>, vector<16xf32>,
      %mul3A_925 = vector.broadcast %squeeze3A_884 : f32 to vector<16xf32>
      %mul3A_926 = arith.mulf %mul3A_925, %get3A_915 : vector<16xf32>
      %mul3A_927 = vector.broadcast %squeeze3A_886 : f32 to vector<16xf32>
      %mul3A_928 = arith.mulf %mul3A_927, %get3A_921 : vector<16xf32>
      %add3A_929 = arith.addf %mul3A_926, %mul3A_928 : vector<16xf32>
      %add3A_930 = arith.addf %get3A_918, %get3A_924 : vector<16xf32>
      %mul3A_931 = vector.broadcast %squeeze3A_888 : f32 to vector<16xf32>
      %mul3A_932 = arith.mulf %mul3A_931, %add3A_930 : vector<16xf32>
      %add3A_933 = arith.addf %add3A_929, %mul3A_932 : vector<16xf32>
      %swap3A_934 = arith.index_cast %add3A_882 : i32 to index
      %swap3A_935 = arith.constant 16 : index
      %swap3A_936 = tpu.vector_load %arg12[%swap3A_934, %swap3A_935] {strides = array<i32>} : memref<16x128xf32, #tpu.memory_space<vmem>>, vector<16xf32>,
      tpu.vector_store %arg12[%swap3A_934, %swap3A_935], %add3A_933 {strides = array<i32>} : memref<16x128xf32, #tpu.memory_space<vmem>>, vector<16xf32>,
      %get3A_937 = arith.index_cast %add3A_882 : i32 to index
      %get3A_938 = arith.constant 32 : index
      %get3A_939 = tpu.vector_load %arg10[%get3A_937, %get3A_938] {strides = array<i32>} : memref<16x384xf32, #tpu.memory_space<vmem>>, vector<16xf32>,
      %get3A_940 = arith.index_cast %add3A_882 : i32 to index
      %get3A_941 = arith.constant 160 : index
      %get3A_942 = tpu.vector_load %arg10[%get3A_940, %get3A_941] {strides = array<i32>} : memref<16x384xf32, #tpu.memory_space<vmem>>, vector<16xf32>,
      %get3A_943 = arith.index_cast %add3A_882 : i32 to index
      %get3A_944 = arith.constant 32 : index
      %get3A_945 = tpu.vector_load %arg11[%get3A_943, %get3A_944] {strides = array<i32>} : memref<16x384xf32, #tpu.memory_space<vmem>>, vector<16xf32>,
      %get3A_946 = arith.index_cast %add3A_882 : i32 to index
      %get3A_947 = arith.constant 160 : index
      %get3A_948 = tpu.vector_load %arg11[%get3A_946, %get3A_947] {strides = array<i32>} : memref<16x384xf32, #tpu.memory_space<vmem>>, vector<16xf32>,
      %mul3A_949 = vector.broadcast %squeeze3A_884 : f32 to vector<16xf32>
      %mul3A_950 = arith.mulf %mul3A_949, %get3A_939 : vector<16xf32>
      %mul3A_951 = vector.broadcast %squeeze3A_886 : f32 to vector<16xf32>
      %mul3A_952 = arith.mulf %mul3A_951, %get3A_945 : vector<16xf32>
      %add3A_953 = arith.addf %mul3A_950, %mul3A_952 : vector<16xf32>
      %add3A_954 = arith.addf %get3A_942, %get3A_948 : vector<16xf32>
      %mul3A_955 = vector.broadcast %squeeze3A_888 : f32 to vector<16xf32>
      %mul3A_956 = arith.mulf %mul3A_955, %add3A_954 : vector<16xf32>
      %add3A_957 = arith.addf %add3A_953, %mul3A_956 : vector<16xf32>
      %swap3A_958 = arith.index_cast %add3A_882 : i32 to index
      %swap3A_959 = arith.constant 32 : index
      %swap3A_960 = tpu.vector_load %arg12[%swap3A_958, %swap3A_959] {strides = array<i32>} : memref<16x128xf32, #tpu.memory_space<vmem>>, vector<16xf32>,
      tpu.vector_store %arg12[%swap3A_958, %swap3A_959], %add3A_957 {strides = array<i32>} : memref<16x128xf32, #tpu.memory_space<vmem>>, vector<16xf32>,
      %get3A_961 = arith.index_cast %add3A_882 : i32 to index
      %get3A_962 = arith.constant 48 : index
      %get3A_963 = tpu.vector_load %arg10[%get3A_961, %get3A_962] {strides = array<i32>} : memref<16x384xf32, #tpu.memory_space<vmem>>, vector<16xf32>,
      %get3A_964 = arith.index_cast %add3A_882 : i32 to index
      %get3A_965 = arith.constant 176 : index
      %get3A_966 = tpu.vector_load %arg10[%get3A_964, %get3A_965] {strides = array<i32>} : memref<16x384xf32, #tpu.memory_space<vmem>>, vector<16xf32>,
      %get3A_967 = arith.index_cast %add3A_882 : i32 to index
      %get3A_968 = arith.constant 48 : index
      %get3A_969 = tpu.vector_load %arg11[%get3A_967, %get3A_968] {strides = array<i32>} : memref<16x384xf32, #tpu.memory_space<vmem>>, vector<16xf32>,
      %get3A_970 = arith.index_cast %add3A_882 : i32 to index
      %get3A_971 = arith.constant 176 : index
      %get3A_972 = tpu.vector_load %arg11[%get3A_970, %get3A_971] {strides = array<i32>} : memref<16x384xf32, #tpu.memory_space<vmem>>, vector<16xf32>,
      %mul3A_973 = vector.broadcast %squeeze3A_884 : f32 to vector<16xf32>
      %mul3A_974 = arith.mulf %mul3A_973, %get3A_963 : vector<16xf32>
      %mul3A_975 = vector.broadcast %squeeze3A_886 : f32 to vector<16xf32>
      %mul3A_976 = arith.mulf %mul3A_975, %get3A_969 : vector<16xf32>
      %add3A_977 = arith.addf %mul3A_974, %mul3A_976 : vector<16xf32>
      %add3A_978 = arith.addf %get3A_966, %get3A_972 : vector<16xf32>
      %mul3A_979 = vector.broadcast %squeeze3A_888 : f32 to vector<16xf32>
      %mul3A_980 = arith.mulf %mul3A_979, %add3A_978 : vector<16xf32>
      %add3A_981 = arith.addf %add3A_977, %mul3A_980 : vector<16xf32>
      %swap3A_982 = arith.index_cast %add3A_882 : i32 to index
      %swap3A_983 = arith.constant 48 : index
      %swap3A_984 = tpu.vector_load %arg12[%swap3A_982, %swap3A_983] {strides = array<i32>} : memref<16x128xf32, #tpu.memory_space<vmem>>, vector<16xf32>,
      tpu.vector_store %arg12[%swap3A_982, %swap3A_983], %add3A_981 {strides = array<i32>} : memref<16x128xf32, #tpu.memory_space<vmem>>, vector<16xf32>,
      %get3A_985 = arith.index_cast %add3A_882 : i32 to index
      %get3A_986 = arith.constant 64 : index
      %get3A_987 = tpu.vector_load %arg10[%get3A_985, %get3A_986] {strides = array<i32>} : memref<16x384xf32, #tpu.memory_space<vmem>>, vector<16xf32>,
      %get3A_988 = arith.index_cast %add3A_882 : i32 to index
      %get3A_989 = arith.constant 192 : index
      %get3A_990 = tpu.vector_load %arg10[%get3A_988, %get3A_989] {strides = array<i32>} : memref<16x384xf32, #tpu.memory_space<vmem>>, vector<16xf32>,
      %get3A_991 = arith.index_cast %add3A_882 : i32 to index
      %get3A_992 = arith.constant 64 : index
      %get3A_993 = tpu.vector_load %arg11[%get3A_991, %get3A_992] {strides = array<i32>} : memref<16x384xf32, #tpu.memory_space<vmem>>, vector<16xf32>,
      %get3A_994 = arith.index_cast %add3A_882 : i32 to index
      %get3A_995 = arith.constant 192 : index
      %get3A_996 = tpu.vector_load %arg11[%get3A_994, %get3A_995] {strides = array<i32>} : memref<16x384xf32, #tpu.memory_space<vmem>>, vector<16xf32>,
      %mul3A_997 = vector.broadcast %squeeze3A_884 : f32 to vector<16xf32>
      %mul3A_998 = arith.mulf %mul3A_997, %get3A_987 : vector<16xf32>
      %mul3A_999 = vector.broadcast %squeeze3A_886 : f32 to vector<16xf32>
      %mul3A_1000 = arith.mulf %mul3A_999, %get3A_993 : vector<16xf32>
      %add3A_1001 = arith.addf %mul3A_998, %mul3A_1000 : vector<16xf32>
      %add3A_1002 = arith.addf %get3A_990, %get3A_996 : vector<16xf32>
      %mul3A_1003 = vector.broadcast %squeeze3A_888 : f32 to vector<16xf32>
      %mul3A_1004 = arith.mulf %mul3A_1003, %add3A_1002 : vector<16xf32>
      %add3A_1005 = arith.addf %add3A_1001, %mul3A_1004 : vector<16xf32>
      %swap3A_1006 = arith.index_cast %add3A_882 : i32 to index
      %swap3A_1007 = arith.constant 64 : index
      %swap3A_1008 = tpu.vector_load %arg12[%swap3A_1006, %swap3A_1007] {strides = array<i32>} : memref<16x128xf32, #tpu.memory_space<vmem>>, vector<16xf32>,
      tpu.vector_store %arg12[%swap3A_1006, %swap3A_1007], %add3A_1005 {strides = array<i32>} : memref<16x128xf32, #tpu.memory_space<vmem>>, vector<16xf32>,
      %get3A_1009 = arith.index_cast %add3A_882 : i32 to index
      %get3A_1010 = arith.constant 80 : index
      %get3A_1011 = tpu.vector_load %arg10[%get3A_1009, %get3A_1010] {strides = array<i32>} : memref<16x384xf32, #tpu.memory_space<vmem>>, vector<16xf32>,
      %get3A_1012 = arith.index_cast %add3A_882 : i32 to index
      %get3A_1013 = arith.constant 208 : index
      %get3A_1014 = tpu.vector_load %arg10[%get3A_1012, %get3A_1013] {strides = array<i32>} : memref<16x384xf32, #tpu.memory_space<vmem>>, vector<16xf32>,
      %get3A_1015 = arith.index_cast %add3A_882 : i32 to index
      %get3A_1016 = arith.constant 80 : index
      %get3A_1017 = tpu.vector_load %arg11[%get3A_1015, %get3A_1016] {strides = array<i32>} : memref<16x384xf32, #tpu.memory_space<vmem>>, vector<16xf32>,
      %get3A_1018 = arith.index_cast %add3A_882 : i32 to index
      %get3A_1019 = arith.constant 208 : index
      %get3A_1020 = tpu.vector_load %arg11[%get3A_1018, %get3A_1019] {strides = array<i32>} : memref<16x384xf32, #tpu.memory_space<vmem>>, vector<16xf32>,
      %mul3A_1021 = vector.broadcast %squeeze3A_884 : f32 to vector<16xf32>
      %mul3A_1022 = arith.mulf %mul3A_1021, %get3A_1011 : vector<16xf32>
      %mul3A_1023 = vector.broadcast %squeeze3A_886 : f32 to vector<16xf32>
      %mul3A_1024 = arith.mulf %mul3A_1023, %get3A_1017 : vector<16xf32>
      %add3A_1025 = arith.addf %mul3A_1022, %mul3A_1024 : vector<16xf32>
      %add3A_1026 = arith.addf %get3A_1014, %get3A_1020 : vector<16xf32>
      %mul3A_1027 = vector.broadcast %squeeze3A_888 : f32 to vector<16xf32>
      %mul3A_1028 = arith.mulf %mul3A_1027, %add3A_1026 : vector<16xf32>
      %add3A_1029 = arith.addf %add3A_1025, %mul3A_1028 : vector<16xf32>
      %swap3A_1030 = arith.index_cast %add3A_882 : i32 to index
      %swap3A_1031 = arith.constant 80 : index
      %swap3A_1032 = tpu.vector_load %arg12[%swap3A_1030, %swap3A_1031] {strides = array<i32>} : memref<16x128xf32, #tpu.memory_space<vmem>>, vector<16xf32>,
      tpu.vector_store %arg12[%swap3A_1030, %swap3A_1031], %add3A_1029 {strides = array<i32>} : memref<16x128xf32, #tpu.memory_space<vmem>>, vector<16xf32>,
      %get3A_1033 = arith.index_cast %add3A_882 : i32 to index
      %get3A_1034 = arith.constant 96 : index
      %get3A_1035 = tpu.vector_load %arg10[%get3A_1033, %get3A_1034] {strides = array<i32>} : memref<16x384xf32, #tpu.memory_space<vmem>>, vector<16xf32>,
      %get3A_1036 = arith.index_cast %add3A_882 : i32 to index
      %get3A_1037 = arith.constant 224 : index
      %get3A_1038 = tpu.vector_load %arg10[%get3A_1036, %get3A_1037] {strides = array<i32>} : memref<16x384xf32, #tpu.memory_space<vmem>>, vector<16xf32>,
      %get3A_1039 = arith.index_cast %add3A_882 : i32 to index
      %get3A_1040 = arith.constant 96 : index
      %get3A_1041 = tpu.vector_load %arg11[%get3A_1039, %get3A_1040] {strides = array<i32>} : memref<16x384xf32, #tpu.memory_space<vmem>>, vector<16xf32>,
      %get3A_1042 = arith.index_cast %add3A_882 : i32 to index
      %get3A_1043 = arith.constant 224 : index
      %get3A_1044 = tpu.vector_load %arg11[%get3A_1042, %get3A_1043] {strides = array<i32>} : memref<16x384xf32, #tpu.memory_space<vmem>>, vector<16xf32>,
      %mul3A_1045 = vector.broadcast %squeeze3A_884 : f32 to vector<16xf32>
      %mul3A_1046 = arith.mulf %mul3A_1045, %get3A_1035 : vector<16xf32>
      %mul3A_1047 = vector.broadcast %squeeze3A_886 : f32 to vector<16xf32>
      %mul3A_1048 = arith.mulf %mul3A_1047, %get3A_1041 : vector<16xf32>
      %add3A_1049 = arith.addf %mul3A_1046, %mul3A_1048 : vector<16xf32>
      %add3A_1050 = arith.addf %get3A_1038, %get3A_1044 : vector<16xf32>
      %mul3A_1051 = vector.broadcast %squeeze3A_888 : f32 to vector<16xf32>
      %mul3A_1052 = arith.mulf %mul3A_1051, %add3A_1050 : vector<16xf32>
      %add3A_1053 = arith.addf %add3A_1049, %mul3A_1052 : vector<16xf32>
      %swap3A_1054 = arith.index_cast %add3A_882 : i32 to index
      %swap3A_1055 = arith.constant 96 : index
      %swap3A_1056 = tpu.vector_load %arg12[%swap3A_1054, %swap3A_1055] {strides = array<i32>} : memref<16x128xf32, #tpu.memory_space<vmem>>, vector<16xf32>,
      tpu.vector_store %arg12[%swap3A_1054, %swap3A_1055], %add3A_1053 {strides = array<i32>} : memref<16x128xf32, #tpu.memory_space<vmem>>, vector<16xf32>,
      %get3A_1057 = arith.index_cast %add3A_882 : i32 to index
      %get3A_1058 = arith.constant 112 : index
      %get3A_1059 = tpu.vector_load %arg10[%get3A_1057, %get3A_1058] {strides = array<i32>} : memref<16x384xf32, #tpu.memory_space<vmem>>, vector<16xf32>,
      %get3A_1060 = arith.index_cast %add3A_882 : i32 to index
      %get3A_1061 = arith.constant 240 : index
      %get3A_1062 = tpu.vector_load %arg10[%get3A_1060, %get3A_1061] {strides = array<i32>} : memref<16x384xf32, #tpu.memory_space<vmem>>, vector<16xf32>,
      %get3A_1063 = arith.index_cast %add3A_882 : i32 to index
      %get3A_1064 = arith.constant 112 : index
      %get3A_1065 = tpu.vector_load %arg11[%get3A_1063, %get3A_1064] {strides = array<i32>} : memref<16x384xf32, #tpu.memory_space<vmem>>, vector<16xf32>,
      %get3A_1066 = arith.index_cast %add3A_882 : i32 to index
      %get3A_1067 = arith.constant 240 : index
      %get3A_1068 = tpu.vector_load %arg11[%get3A_1066, %get3A_1067] {strides = array<i32>} : memref<16x384xf32, #tpu.memory_space<vmem>>, vector<16xf32>,
      %mul3A_1069 = vector.broadcast %squeeze3A_884 : f32 to vector<16xf32>
      %mul3A_1070 = arith.mulf %mul3A_1069, %get3A_1059 : vector<16xf32>
      %mul3A_1071 = vector.broadcast %squeeze3A_886 : f32 to vector<16xf32>
      %mul3A_1072 = arith.mulf %mul3A_1071, %get3A_1065 : vector<16xf32>
      %add3A_1073 = arith.addf %mul3A_1070, %mul3A_1072 : vector<16xf32>
      %add3A_1074 = arith.addf %get3A_1062, %get3A_1068 : vector<16xf32>
      %mul3A_1075 = vector.broadcast %squeeze3A_888 : f32 to vector<16xf32>
      %mul3A_1076 = arith.mulf %mul3A_1075, %add3A_1074 : vector<16xf32>
      %add3A_1077 = arith.addf %add3A_1073, %mul3A_1076 : vector<16xf32>
      %swap3A_1078 = arith.index_cast %add3A_882 : i32 to index
      %swap3A_1079 = arith.constant 112 : index
      %swap3A_1080 = tpu.vector_load %arg12[%swap3A_1078, %swap3A_1079] {strides = array<i32>} : memref<16x128xf32, #tpu.memory_space<vmem>>, vector<16xf32>,
      tpu.vector_store %arg12[%swap3A_1078, %swap3A_1079], %add3A_1077 {strides = array<i32>} : memref<16x128xf32, #tpu.memory_space<vmem>>, vector<16xf32>,
      %mul3A_1081 = arith.constant 16 : i32
      %mul3A_1082 = arith.muli %scan3A_37, %mul3A_1081 : i32
      %add3A_1083 = arith.constant 5 : i32
      %add3A_1084 = arith.addi %mul3A_1082, %add3A_1083 : i32
      %slice3A_1085 = vector.extract_strided_slice %mul3A_72 {offsets = [5], sizes = [1], strides = [1]} : vector<16xf32> to vector<1xf32>
      %squeeze3A_1086 = vector.extract %slice3A_1085[0] : f32 from vector<1xf32>
      %slice3A_1087 = vector.extract_strided_slice %mul3A_73 {offsets = [5], sizes = [1], strides = [1]} : vector<16xf32> to vector<1xf32>
      %squeeze3A_1088 = vector.extract %slice3A_1087[0] : f32 from vector<1xf32>
      %slice3A_1089 = vector.extract_strided_slice %mul3A_74 {offsets = [5], sizes = [1], strides = [1]} : vector<16xf32> to vector<1xf32>
      %squeeze3A_1090 = vector.extract %slice3A_1089[0] : f32 from vector<1xf32>
      %get3A_1091 = arith.index_cast %add3A_1084 : i32 to index
      %get3A_1092 = arith.constant 0 : index
      %get3A_1093 = tpu.vector_load %arg10[%get3A_1091, %get3A_1092] {strides = array<i32>} : memref<16x384xf32, #tpu.memory_space<vmem>>, vector<16xf32>,
      %get3A_1094 = arith.index_cast %add3A_1084 : i32 to index
      %get3A_1095 = arith.constant 128 : index
      %get3A_1096 = tpu.vector_load %arg10[%get3A_1094, %get3A_1095] {strides = array<i32>} : memref<16x384xf32, #tpu.memory_space<vmem>>, vector<16xf32>,
      %get3A_1097 = arith.index_cast %add3A_1084 : i32 to index
      %get3A_1098 = arith.constant 0 : index
      %get3A_1099 = tpu.vector_load %arg11[%get3A_1097, %get3A_1098] {strides = array<i32>} : memref<16x384xf32, #tpu.memory_space<vmem>>, vector<16xf32>,
      %get3A_1100 = arith.index_cast %add3A_1084 : i32 to index
      %get3A_1101 = arith.constant 128 : index
      %get3A_1102 = tpu.vector_load %arg11[%get3A_1100, %get3A_1101] {strides = array<i32>} : memref<16x384xf32, #tpu.memory_space<vmem>>, vector<16xf32>,
      %mul3A_1103 = vector.broadcast %squeeze3A_1086 : f32 to vector<16xf32>
      %mul3A_1104 = arith.mulf %mul3A_1103, %get3A_1093 : vector<16xf32>
      %mul3A_1105 = vector.broadcast %squeeze3A_1088 : f32 to vector<16xf32>
      %mul3A_1106 = arith.mulf %mul3A_1105, %get3A_1099 : vector<16xf32>
      %add3A_1107 = arith.addf %mul3A_1104, %mul3A_1106 : vector<16xf32>
      %add3A_1108 = arith.addf %get3A_1096, %get3A_1102 : vector<16xf32>
      %mul3A_1109 = vector.broadcast %squeeze3A_1090 : f32 to vector<16xf32>
      %mul3A_1110 = arith.mulf %mul3A_1109, %add3A_1108 : vector<16xf32>
      %add3A_1111 = arith.addf %add3A_1107, %mul3A_1110 : vector<16xf32>
      %swap3A_1112 = arith.index_cast %add3A_1084 : i32 to index
      %swap3A_1113 = arith.constant 0 : index
      %swap3A_1114 = tpu.vector_load %arg12[%swap3A_1112, %swap3A_1113] {strides = array<i32>} : memref<16x128xf32, #tpu.memory_space<vmem>>, vector<16xf32>,
      tpu.vector_store %arg12[%swap3A_1112, %swap3A_1113], %add3A_1111 {strides = array<i32>} : memref<16x128xf32, #tpu.memory_space<vmem>>, vector<16xf32>,
      %get3A_1115 = arith.index_cast %add3A_1084 : i32 to index
      %get3A_1116 = arith.constant 16 : index
      %get3A_1117 = tpu.vector_load %arg10[%get3A_1115, %get3A_1116] {strides = array<i32>} : memref<16x384xf32, #tpu.memory_space<vmem>>, vector<16xf32>,
      %get3A_1118 = arith.index_cast %add3A_1084 : i32 to index
      %get3A_1119 = arith.constant 144 : index
      %get3A_1120 = tpu.vector_load %arg10[%get3A_1118, %get3A_1119] {strides = array<i32>} : memref<16x384xf32, #tpu.memory_space<vmem>>, vector<16xf32>,
      %get3A_1121 = arith.index_cast %add3A_1084 : i32 to index
      %get3A_1122 = arith.constant 16 : index
      %get3A_1123 = tpu.vector_load %arg11[%get3A_1121, %get3A_1122] {strides = array<i32>} : memref<16x384xf32, #tpu.memory_space<vmem>>, vector<16xf32>,
      %get3A_1124 = arith.index_cast %add3A_1084 : i32 to index
      %get3A_1125 = arith.constant 144 : index
      %get3A_1126 = tpu.vector_load %arg11[%get3A_1124, %get3A_1125] {strides = array<i32>} : memref<16x384xf32, #tpu.memory_space<vmem>>, vector<16xf32>,
      %mul3A_1127 = vector.broadcast %squeeze3A_1086 : f32 to vector<16xf32>
      %mul3A_1128 = arith.mulf %mul3A_1127, %get3A_1117 : vector<16xf32>
      %mul3A_1129 = vector.broadcast %squeeze3A_1088 : f32 to vector<16xf32>
      %mul3A_1130 = arith.mulf %mul3A_1129, %get3A_1123 : vector<16xf32>
      %add3A_1131 = arith.addf %mul3A_1128, %mul3A_1130 : vector<16xf32>
      %add3A_1132 = arith.addf %get3A_1120, %get3A_1126 : vector<16xf32>
      %mul3A_1133 = vector.broadcast %squeeze3A_1090 : f32 to vector<16xf32>
      %mul3A_1134 = arith.mulf %mul3A_1133, %add3A_1132 : vector<16xf32>
      %add3A_1135 = arith.addf %add3A_1131, %mul3A_1134 : vector<16xf32>
      %swap3A_1136 = arith.index_cast %add3A_1084 : i32 to index
      %swap3A_1137 = arith.constant 16 : index
      %swap3A_1138 = tpu.vector_load %arg12[%swap3A_1136, %swap3A_1137] {strides = array<i32>} : memref<16x128xf32, #tpu.memory_space<vmem>>, vector<16xf32>,
      tpu.vector_store %arg12[%swap3A_1136, %swap3A_1137], %add3A_1135 {strides = array<i32>} : memref<16x128xf32, #tpu.memory_space<vmem>>, vector<16xf32>,
      %get3A_1139 = arith.index_cast %add3A_1084 : i32 to index
      %get3A_1140 = arith.constant 32 : index
      %get3A_1141 = tpu.vector_load %arg10[%get3A_1139, %get3A_1140] {strides = array<i32>} : memref<16x384xf32, #tpu.memory_space<vmem>>, vector<16xf32>,
      %get3A_1142 = arith.index_cast %add3A_1084 : i32 to index
      %get3A_1143 = arith.constant 160 : index
      %get3A_1144 = tpu.vector_load %arg10[%get3A_1142, %get3A_1143] {strides = array<i32>} : memref<16x384xf32, #tpu.memory_space<vmem>>, vector<16xf32>,
      %get3A_1145 = arith.index_cast %add3A_1084 : i32 to index
      %get3A_1146 = arith.constant 32 : index
      %get3A_1147 = tpu.vector_load %arg11[%get3A_1145, %get3A_1146] {strides = array<i32>} : memref<16x384xf32, #tpu.memory_space<vmem>>, vector<16xf32>,
      %get3A_1148 = arith.index_cast %add3A_1084 : i32 to index
      %get3A_1149 = arith.constant 160 : index
      %get3A_1150 = tpu.vector_load %arg11[%get3A_1148, %get3A_1149] {strides = array<i32>} : memref<16x384xf32, #tpu.memory_space<vmem>>, vector<16xf32>,
      %mul3A_1151 = vector.broadcast %squeeze3A_1086 : f32 to vector<16xf32>
      %mul3A_1152 = arith.mulf %mul3A_1151, %get3A_1141 : vector<16xf32>
      %mul3A_1153 = vector.broadcast %squeeze3A_1088 : f32 to vector<16xf32>
      %mul3A_1154 = arith.mulf %mul3A_1153, %get3A_1147 : vector<16xf32>
      %add3A_1155 = arith.addf %mul3A_1152, %mul3A_1154 : vector<16xf32>
      %add3A_1156 = arith.addf %get3A_1144, %get3A_1150 : vector<16xf32>
      %mul3A_1157 = vector.broadcast %squeeze3A_1090 : f32 to vector<16xf32>
      %mul3A_1158 = arith.mulf %mul3A_1157, %add3A_1156 : vector<16xf32>
      %add3A_1159 = arith.addf %add3A_1155, %mul3A_1158 : vector<16xf32>
      %swap3A_1160 = arith.index_cast %add3A_1084 : i32 to index
      %swap3A_1161 = arith.constant 32 : index
      %swap3A_1162 = tpu.vector_load %arg12[%swap3A_1160, %swap3A_1161] {strides = array<i32>} : memref<16x128xf32, #tpu.memory_space<vmem>>, vector<16xf32>,
      tpu.vector_store %arg12[%swap3A_1160, %swap3A_1161], %add3A_1159 {strides = array<i32>} : memref<16x128xf32, #tpu.memory_space<vmem>>, vector<16xf32>,
      %get3A_1163 = arith.index_cast %add3A_1084 : i32 to index
      %get3A_1164 = arith.constant 48 : index
      %get3A_1165 = tpu.vector_load %arg10[%get3A_1163, %get3A_1164] {strides = array<i32>} : memref<16x384xf32, #tpu.memory_space<vmem>>, vector<16xf32>,
      %get3A_1166 = arith.index_cast %add3A_1084 : i32 to index
      %get3A_1167 = arith.constant 176 : index
      %get3A_1168 = tpu.vector_load %arg10[%get3A_1166, %get3A_1167] {strides = array<i32>} : memref<16x384xf32, #tpu.memory_space<vmem>>, vector<16xf32>,
      %get3A_1169 = arith.index_cast %add3A_1084 : i32 to index
      %get3A_1170 = arith.constant 48 : index
      %get3A_1171 = tpu.vector_load %arg11[%get3A_1169, %get3A_1170] {strides = array<i32>} : memref<16x384xf32, #tpu.memory_space<vmem>>, vector<16xf32>,
      %get3A_1172 = arith.index_cast %add3A_1084 : i32 to index
      %get3A_1173 = arith.constant 176 : index
      %get3A_1174 = tpu.vector_load %arg11[%get3A_1172, %get3A_1173] {strides = array<i32>} : memref<16x384xf32, #tpu.memory_space<vmem>>, vector<16xf32>,
      %mul3A_1175 = vector.broadcast %squeeze3A_1086 : f32 to vector<16xf32>
      %mul3A_1176 = arith.mulf %mul3A_1175, %get3A_1165 : vector<16xf32>
      %mul3A_1177 = vector.broadcast %squeeze3A_1088 : f32 to vector<16xf32>
      %mul3A_1178 = arith.mulf %mul3A_1177, %get3A_1171 : vector<16xf32>
      %add3A_1179 = arith.addf %mul3A_1176, %mul3A_1178 : vector<16xf32>
      %add3A_1180 = arith.addf %get3A_1168, %get3A_1174 : vector<16xf32>
      %mul3A_1181 = vector.broadcast %squeeze3A_1090 : f32 to vector<16xf32>
      %mul3A_1182 = arith.mulf %mul3A_1181, %add3A_1180 : vector<16xf32>
      %add3A_1183 = arith.addf %add3A_1179, %mul3A_1182 : vector<16xf32>
      %swap3A_1184 = arith.index_cast %add3A_1084 : i32 to index
      %swap3A_1185 = arith.constant 48 : index
      %swap3A_1186 = tpu.vector_load %arg12[%swap3A_1184, %swap3A_1185] {strides = array<i32>} : memref<16x128xf32, #tpu.memory_space<vmem>>, vector<16xf32>,
      tpu.vector_store %arg12[%swap3A_1184, %swap3A_1185], %add3A_1183 {strides = array<i32>} : memref<16x128xf32, #tpu.memory_space<vmem>>, vector<16xf32>,
      %get3A_1187 = arith.index_cast %add3A_1084 : i32 to index
      %get3A_1188 = arith.constant 64 : index
      %get3A_1189 = tpu.vector_load %arg10[%get3A_1187, %get3A_1188] {strides = array<i32>} : memref<16x384xf32, #tpu.memory_space<vmem>>, vector<16xf32>,
      %get3A_1190 = arith.index_cast %add3A_1084 : i32 to index
      %get3A_1191 = arith.constant 192 : index
      %get3A_1192 = tpu.vector_load %arg10[%get3A_1190, %get3A_1191] {strides = array<i32>} : memref<16x384xf32, #tpu.memory_space<vmem>>, vector<16xf32>,
      %get3A_1193 = arith.index_cast %add3A_1084 : i32 to index
      %get3A_1194 = arith.constant 64 : index
      %get3A_1195 = tpu.vector_load %arg11[%get3A_1193, %get3A_1194] {strides = array<i32>} : memref<16x384xf32, #tpu.memory_space<vmem>>, vector<16xf32>,
      %get3A_1196 = arith.index_cast %add3A_1084 : i32 to index
      %get3A_1197 = arith.constant 192 : index
      %get3A_1198 = tpu.vector_load %arg11[%get3A_1196, %get3A_1197] {strides = array<i32>} : memref<16x384xf32, #tpu.memory_space<vmem>>, vector<16xf32>,
      %mul3A_1199 = vector.broadcast %squeeze3A_1086 : f32 to vector<16xf32>
      %mul3A_1200 = arith.mulf %mul3A_1199, %get3A_1189 : vector<16xf32>
      %mul3A_1201 = vector.broadcast %squeeze3A_1088 : f32 to vector<16xf32>
      %mul3A_1202 = arith.mulf %mul3A_1201, %get3A_1195 : vector<16xf32>
      %add3A_1203 = arith.addf %mul3A_1200, %mul3A_1202 : vector<16xf32>
      %add3A_1204 = arith.addf %get3A_1192, %get3A_1198 : vector<16xf32>
      %mul3A_1205 = vector.broadcast %squeeze3A_1090 : f32 to vector<16xf32>
      %mul3A_1206 = arith.mulf %mul3A_1205, %add3A_1204 : vector<16xf32>
      %add3A_1207 = arith.addf %add3A_1203, %mul3A_1206 : vector<16xf32>
      %swap3A_1208 = arith.index_cast %add3A_1084 : i32 to index
      %swap3A_1209 = arith.constant 64 : index
      %swap3A_1210 = tpu.vector_load %arg12[%swap3A_1208, %swap3A_1209] {strides = array<i32>} : memref<16x128xf32, #tpu.memory_space<vmem>>, vector<16xf32>,
      tpu.vector_store %arg12[%swap3A_1208, %swap3A_1209], %add3A_1207 {strides = array<i32>} : memref<16x128xf32, #tpu.memory_space<vmem>>, vector<16xf32>,
      %get3A_1211 = arith.index_cast %add3A_1084 : i32 to index
      %get3A_1212 = arith.constant 80 : index
      %get3A_1213 = tpu.vector_load %arg10[%get3A_1211, %get3A_1212] {strides = array<i32>} : memref<16x384xf32, #tpu.memory_space<vmem>>, vector<16xf32>,
      %get3A_1214 = arith.index_cast %add3A_1084 : i32 to index
      %get3A_1215 = arith.constant 208 : index
      %get3A_1216 = tpu.vector_load %arg10[%get3A_1214, %get3A_1215] {strides = array<i32>} : memref<16x384xf32, #tpu.memory_space<vmem>>, vector<16xf32>,
      %get3A_1217 = arith.index_cast %add3A_1084 : i32 to index
      %get3A_1218 = arith.constant 80 : index
      %get3A_1219 = tpu.vector_load %arg11[%get3A_1217, %get3A_1218] {strides = array<i32>} : memref<16x384xf32, #tpu.memory_space<vmem>>, vector<16xf32>,
      %get3A_1220 = arith.index_cast %add3A_1084 : i32 to index
      %get3A_1221 = arith.constant 208 : index
      %get3A_1222 = tpu.vector_load %arg11[%get3A_1220, %get3A_1221] {strides = array<i32>} : memref<16x384xf32, #tpu.memory_space<vmem>>, vector<16xf32>,
      %mul3A_1223 = vector.broadcast %squeeze3A_1086 : f32 to vector<16xf32>
      %mul3A_1224 = arith.mulf %mul3A_1223, %get3A_1213 : vector<16xf32>
      %mul3A_1225 = vector.broadcast %squeeze3A_1088 : f32 to vector<16xf32>
      %mul3A_1226 = arith.mulf %mul3A_1225, %get3A_1219 : vector<16xf32>
      %add3A_1227 = arith.addf %mul3A_1224, %mul3A_1226 : vector<16xf32>
      %add3A_1228 = arith.addf %get3A_1216, %get3A_1222 : vector<16xf32>
      %mul3A_1229 = vector.broadcast %squeeze3A_1090 : f32 to vector<16xf32>
      %mul3A_1230 = arith.mulf %mul3A_1229, %add3A_1228 : vector<16xf32>
      %add3A_1231 = arith.addf %add3A_1227, %mul3A_1230 : vector<16xf32>
      %swap3A_1232 = arith.index_cast %add3A_1084 : i32 to index
      %swap3A_1233 = arith.constant 80 : index
      %swap3A_1234 = tpu.vector_load %arg12[%swap3A_1232, %swap3A_1233] {strides = array<i32>} : memref<16x128xf32, #tpu.memory_space<vmem>>, vector<16xf32>,
      tpu.vector_store %arg12[%swap3A_1232, %swap3A_1233], %add3A_1231 {strides = array<i32>} : memref<16x128xf32, #tpu.memory_space<vmem>>, vector<16xf32>,
      %get3A_1235 = arith.index_cast %add3A_1084 : i32 to index
      %get3A_1236 = arith.constant 96 : index
      %get3A_1237 = tpu.vector_load %arg10[%get3A_1235, %get3A_1236] {strides = array<i32>} : memref<16x384xf32, #tpu.memory_space<vmem>>, vector<16xf32>,
      %get3A_1238 = arith.index_cast %add3A_1084 : i32 to index
      %get3A_1239 = arith.constant 224 : index
      %get3A_1240 = tpu.vector_load %arg10[%get3A_1238, %get3A_1239] {strides = array<i32>} : memref<16x384xf32, #tpu.memory_space<vmem>>, vector<16xf32>,
      %get3A_1241 = arith.index_cast %add3A_1084 : i32 to index
      %get3A_1242 = arith.constant 96 : index
      %get3A_1243 = tpu.vector_load %arg11[%get3A_1241, %get3A_1242] {strides = array<i32>} : memref<16x384xf32, #tpu.memory_space<vmem>>, vector<16xf32>,
      %get3A_1244 = arith.index_cast %add3A_1084 : i32 to index
      %get3A_1245 = arith.constant 224 : index
      %get3A_1246 = tpu.vector_load %arg11[%get3A_1244, %get3A_1245] {strides = array<i32>} : memref<16x384xf32, #tpu.memory_space<vmem>>, vector<16xf32>,
      %mul3A_1247 = vector.broadcast %squeeze3A_1086 : f32 to vector<16xf32>
      %mul3A_1248 = arith.mulf %mul3A_1247, %get3A_1237 : vector<16xf32>
      %mul3A_1249 = vector.broadcast %squeeze3A_1088 : f32 to vector<16xf32>
      %mul3A_1250 = arith.mulf %mul3A_1249, %get3A_1243 : vector<16xf32>
      %add3A_1251 = arith.addf %mul3A_1248, %mul3A_1250 : vector<16xf32>
      %add3A_1252 = arith.addf %get3A_1240, %get3A_1246 : vector<16xf32>
      %mul3A_1253 = vector.broadcast %squeeze3A_1090 : f32 to vector<16xf32>
      %mul3A_1254 = arith.mulf %mul3A_1253, %add3A_1252 : vector<16xf32>
      %add3A_1255 = arith.addf %add3A_1251, %mul3A_1254 : vector<16xf32>
      %swap3A_1256 = arith.index_cast %add3A_1084 : i32 to index
      %swap3A_1257 = arith.constant 96 : index
      %swap3A_1258 = tpu.vector_load %arg12[%swap3A_1256, %swap3A_1257] {strides = array<i32>} : memref<16x128xf32, #tpu.memory_space<vmem>>, vector<16xf32>,
      tpu.vector_store %arg12[%swap3A_1256, %swap3A_1257], %add3A_1255 {strides = array<i32>} : memref<16x128xf32, #tpu.memory_space<vmem>>, vector<16xf32>,
      %get3A_1259 = arith.index_cast %add3A_1084 : i32 to index
      %get3A_1260 = arith.constant 112 : index
      %get3A_1261 = tpu.vector_load %arg10[%get3A_1259, %get3A_1260] {strides = array<i32>} : memref<16x384xf32, #tpu.memory_space<vmem>>, vector<16xf32>,
      %get3A_1262 = arith.index_cast %add3A_1084 : i32 to index
      %get3A_1263 = arith.constant 240 : index
      %get3A_1264 = tpu.vector_load %arg10[%get3A_1262, %get3A_1263] {strides = array<i32>} : memref<16x384xf32, #tpu.memory_space<vmem>>, vector<16xf32>,
      %get3A_1265 = arith.index_cast %add3A_1084 : i32 to index
      %get3A_1266 = arith.constant 112 : index
      %get3A_1267 = tpu.vector_load %arg11[%get3A_1265, %get3A_1266] {strides = array<i32>} : memref<16x384xf32, #tpu.memory_space<vmem>>, vector<16xf32>,
      %get3A_1268 = arith.index_cast %add3A_1084 : i32 to index
      %get3A_1269 = arith.constant 240 : index
      %get3A_1270 = tpu.vector_load %arg11[%get3A_1268, %get3A_1269] {strides = array<i32>} : memref<16x384xf32, #tpu.memory_space<vmem>>, vector<16xf32>,
      %mul3A_1271 = vector.broadcast %squeeze3A_1086 : f32 to vector<16xf32>
      %mul3A_1272 = arith.mulf %mul3A_1271, %get3A_1261 : vector<16xf32>
      %mul3A_1273 = vector.broadcast %squeeze3A_1088 : f32 to vector<16xf32>
      %mul3A_1274 = arith.mulf %mul3A_1273, %get3A_1267 : vector<16xf32>
      %add3A_1275 = arith.addf %mul3A_1272, %mul3A_1274 : vector<16xf32>
      %add3A_1276 = arith.addf %get3A_1264, %get3A_1270 : vector<16xf32>
      %mul3A_1277 = vector.broadcast %squeeze3A_1090 : f32 to vector<16xf32>
      %mul3A_1278 = arith.mulf %mul3A_1277, %add3A_1276 : vector<16xf32>
      %add3A_1279 = arith.addf %add3A_1275, %mul3A_1278 : vector<16xf32>
      %swap3A_1280 = arith.index_cast %add3A_1084 : i32 to index
      %swap3A_1281 = arith.constant 112 : index
      %swap3A_1282 = tpu.vector_load %arg12[%swap3A_1280, %swap3A_1281] {strides = array<i32>} : memref<16x128xf32, #tpu.memory_space<vmem>>, vector<16xf32>,
      tpu.vector_store %arg12[%swap3A_1280, %swap3A_1281], %add3A_1279 {strides = array<i32>} : memref<16x128xf32, #tpu.memory_space<vmem>>, vector<16xf32>,
      %mul3A_1283 = arith.constant 16 : i32
      %mul3A_1284 = arith.muli %scan3A_37, %mul3A_1283 : i32
      %add3A_1285 = arith.constant 6 : i32
      %add3A_1286 = arith.addi %mul3A_1284, %add3A_1285 : i32
      %slice3A_1287 = vector.extract_strided_slice %mul3A_72 {offsets = [6], sizes = [1], strides = [1]} : vector<16xf32> to vector<1xf32>
      %squeeze3A_1288 = vector.extract %slice3A_1287[0] : f32 from vector<1xf32>
      %slice3A_1289 = vector.extract_strided_slice %mul3A_73 {offsets = [6], sizes = [1], strides = [1]} : vector<16xf32> to vector<1xf32>
      %squeeze3A_1290 = vector.extract %slice3A_1289[0] : f32 from vector<1xf32>
      %slice3A_1291 = vector.extract_strided_slice %mul3A_74 {offsets = [6], sizes = [1], strides = [1]} : vector<16xf32> to vector<1xf32>
      %squeeze3A_1292 = vector.extract %slice3A_1291[0] : f32 from vector<1xf32>
      %get3A_1293 = arith.index_cast %add3A_1286 : i32 to index
      %get3A_1294 = arith.constant 0 : index
      %get3A_1295 = tpu.vector_load %arg10[%get3A_1293, %get3A_1294] {strides = array<i32>} : memref<16x384xf32, #tpu.memory_space<vmem>>, vector<16xf32>,
      %get3A_1296 = arith.index_cast %add3A_1286 : i32 to index
      %get3A_1297 = arith.constant 128 : index
      %get3A_1298 = tpu.vector_load %arg10[%get3A_1296, %get3A_1297] {strides = array<i32>} : memref<16x384xf32, #tpu.memory_space<vmem>>, vector<16xf32>,
      %get3A_1299 = arith.index_cast %add3A_1286 : i32 to index
      %get3A_1300 = arith.constant 0 : index
      %get3A_1301 = tpu.vector_load %arg11[%get3A_1299, %get3A_1300] {strides = array<i32>} : memref<16x384xf32, #tpu.memory_space<vmem>>, vector<16xf32>,
      %get3A_1302 = arith.index_cast %add3A_1286 : i32 to index
      %get3A_1303 = arith.constant 128 : index
      %get3A_1304 = tpu.vector_load %arg11[%get3A_1302, %get3A_1303] {strides = array<i32>} : memref<16x384xf32, #tpu.memory_space<vmem>>, vector<16xf32>,
      %mul3A_1305 = vector.broadcast %squeeze3A_1288 : f32 to vector<16xf32>
      %mul3A_1306 = arith.mulf %mul3A_1305, %get3A_1295 : vector<16xf32>
      %mul3A_1307 = vector.broadcast %squeeze3A_1290 : f32 to vector<16xf32>
      %mul3A_1308 = arith.mulf %mul3A_1307, %get3A_1301 : vector<16xf32>
      %add3A_1309 = arith.addf %mul3A_1306, %mul3A_1308 : vector<16xf32>
      %add3A_1310 = arith.addf %get3A_1298, %get3A_1304 : vector<16xf32>
      %mul3A_1311 = vector.broadcast %squeeze3A_1292 : f32 to vector<16xf32>
      %mul3A_1312 = arith.mulf %mul3A_1311, %add3A_1310 : vector<16xf32>
      %add3A_1313 = arith.addf %add3A_1309, %mul3A_1312 : vector<16xf32>
      %swap3A_1314 = arith.index_cast %add3A_1286 : i32 to index
      %swap3A_1315 = arith.constant 0 : index
      %swap3A_1316 = tpu.vector_load %arg12[%swap3A_1314, %swap3A_1315] {strides = array<i32>} : memref<16x128xf32, #tpu.memory_space<vmem>>, vector<16xf32>,
      tpu.vector_store %arg12[%swap3A_1314, %swap3A_1315], %add3A_1313 {strides = array<i32>} : memref<16x128xf32, #tpu.memory_space<vmem>>, vector<16xf32>,
      %get3A_1317 = arith.index_cast %add3A_1286 : i32 to index
      %get3A_1318 = arith.constant 16 : index
      %get3A_1319 = tpu.vector_load %arg10[%get3A_1317, %get3A_1318] {strides = array<i32>} : memref<16x384xf32, #tpu.memory_space<vmem>>, vector<16xf32>,
      %get3A_1320 = arith.index_cast %add3A_1286 : i32 to index
      %get3A_1321 = arith.constant 144 : index
      %get3A_1322 = tpu.vector_load %arg10[%get3A_1320, %get3A_1321] {strides = array<i32>} : memref<16x384xf32, #tpu.memory_space<vmem>>, vector<16xf32>,
      %get3A_1323 = arith.index_cast %add3A_1286 : i32 to index
      %get3A_1324 = arith.constant 16 : index
      %get3A_1325 = tpu.vector_load %arg11[%get3A_1323, %get3A_1324] {strides = array<i32>} : memref<16x384xf32, #tpu.memory_space<vmem>>, vector<16xf32>,
      %get3A_1326 = arith.index_cast %add3A_1286 : i32 to index
      %get3A_1327 = arith.constant 144 : index
      %get3A_1328 = tpu.vector_load %arg11[%get3A_1326, %get3A_1327] {strides = array<i32>} : memref<16x384xf32, #tpu.memory_space<vmem>>, vector<16xf32>,
      %mul3A_1329 = vector.broadcast %squeeze3A_1288 : f32 to vector<16xf32>
      %mul3A_1330 = arith.mulf %mul3A_1329, %get3A_1319 : vector<16xf32>
      %mul3A_1331 = vector.broadcast %squeeze3A_1290 : f32 to vector<16xf32>
      %mul3A_1332 = arith.mulf %mul3A_1331, %get3A_1325 : vector<16xf32>
      %add3A_1333 = arith.addf %mul3A_1330, %mul3A_1332 : vector<16xf32>
      %add3A_1334 = arith.addf %get3A_1322, %get3A_1328 : vector<16xf32>
      %mul3A_1335 = vector.broadcast %squeeze3A_1292 : f32 to vector<16xf32>
      %mul3A_1336 = arith.mulf %mul3A_1335, %add3A_1334 : vector<16xf32>
      %add3A_1337 = arith.addf %add3A_1333, %mul3A_1336 : vector<16xf32>
      %swap3A_1338 = arith.index_cast %add3A_1286 : i32 to index
      %swap3A_1339 = arith.constant 16 : index
      %swap3A_1340 = tpu.vector_load %arg12[%swap3A_1338, %swap3A_1339] {strides = array<i32>} : memref<16x128xf32, #tpu.memory_space<vmem>>, vector<16xf32>,
      tpu.vector_store %arg12[%swap3A_1338, %swap3A_1339], %add3A_1337 {strides = array<i32>} : memref<16x128xf32, #tpu.memory_space<vmem>>, vector<16xf32>,
      %get3A_1341 = arith.index_cast %add3A_1286 : i32 to index
      %get3A_1342 = arith.constant 32 : index
      %get3A_1343 = tpu.vector_load %arg10[%get3A_1341, %get3A_1342] {strides = array<i32>} : memref<16x384xf32, #tpu.memory_space<vmem>>, vector<16xf32>,
      %get3A_1344 = arith.index_cast %add3A_1286 : i32 to index
      %get3A_1345 = arith.constant 160 : index
      %get3A_1346 = tpu.vector_load %arg10[%get3A_1344, %get3A_1345] {strides = array<i32>} : memref<16x384xf32, #tpu.memory_space<vmem>>, vector<16xf32>,
      %get3A_1347 = arith.index_cast %add3A_1286 : i32 to index
      %get3A_1348 = arith.constant 32 : index
      %get3A_1349 = tpu.vector_load %arg11[%get3A_1347, %get3A_1348] {strides = array<i32>} : memref<16x384xf32, #tpu.memory_space<vmem>>, vector<16xf32>,
      %get3A_1350 = arith.index_cast %add3A_1286 : i32 to index
      %get3A_1351 = arith.constant 160 : index
      %get3A_1352 = tpu.vector_load %arg11[%get3A_1350, %get3A_1351] {strides = array<i32>} : memref<16x384xf32, #tpu.memory_space<vmem>>, vector<16xf32>,
      %mul3A_1353 = vector.broadcast %squeeze3A_1288 : f32 to vector<16xf32>
      %mul3A_1354 = arith.mulf %mul3A_1353, %get3A_1343 : vector<16xf32>
      %mul3A_1355 = vector.broadcast %squeeze3A_1290 : f32 to vector<16xf32>
      %mul3A_1356 = arith.mulf %mul3A_1355, %get3A_1349 : vector<16xf32>
      %add3A_1357 = arith.addf %mul3A_1354, %mul3A_1356 : vector<16xf32>
      %add3A_1358 = arith.addf %get3A_1346, %get3A_1352 : vector<16xf32>
      %mul3A_1359 = vector.broadcast %squeeze3A_1292 : f32 to vector<16xf32>
      %mul3A_1360 = arith.mulf %mul3A_1359, %add3A_1358 : vector<16xf32>
      %add3A_1361 = arith.addf %add3A_1357, %mul3A_1360 : vector<16xf32>
      %swap3A_1362 = arith.index_cast %add3A_1286 : i32 to index
      %swap3A_1363 = arith.constant 32 : index
      %swap3A_1364 = tpu.vector_load %arg12[%swap3A_1362, %swap3A_1363] {strides = array<i32>} : memref<16x128xf32, #tpu.memory_space<vmem>>, vector<16xf32>,
      tpu.vector_store %arg12[%swap3A_1362, %swap3A_1363], %add3A_1361 {strides = array<i32>} : memref<16x128xf32, #tpu.memory_space<vmem>>, vector<16xf32>,
      %get3A_1365 = arith.index_cast %add3A_1286 : i32 to index
      %get3A_1366 = arith.constant 48 : index
      %get3A_1367 = tpu.vector_load %arg10[%get3A_1365, %get3A_1366] {strides = array<i32>} : memref<16x384xf32, #tpu.memory_space<vmem>>, vector<16xf32>,
      %get3A_1368 = arith.index_cast %add3A_1286 : i32 to index
      %get3A_1369 = arith.constant 176 : index
      %get3A_1370 = tpu.vector_load %arg10[%get3A_1368, %get3A_1369] {strides = array<i32>} : memref<16x384xf32, #tpu.memory_space<vmem>>, vector<16xf32>,
      %get3A_1371 = arith.index_cast %add3A_1286 : i32 to index
      %get3A_1372 = arith.constant 48 : index
      %get3A_1373 = tpu.vector_load %arg11[%get3A_1371, %get3A_1372] {strides = array<i32>} : memref<16x384xf32, #tpu.memory_space<vmem>>, vector<16xf32>,
      %get3A_1374 = arith.index_cast %add3A_1286 : i32 to index
      %get3A_1375 = arith.constant 176 : index
      %get3A_1376 = tpu.vector_load %arg11[%get3A_1374, %get3A_1375] {strides = array<i32>} : memref<16x384xf32, #tpu.memory_space<vmem>>, vector<16xf32>,
      %mul3A_1377 = vector.broadcast %squeeze3A_1288 : f32 to vector<16xf32>
      %mul3A_1378 = arith.mulf %mul3A_1377, %get3A_1367 : vector<16xf32>
      %mul3A_1379 = vector.broadcast %squeeze3A_1290 : f32 to vector<16xf32>
      %mul3A_1380 = arith.mulf %mul3A_1379, %get3A_1373 : vector<16xf32>
      %add3A_1381 = arith.addf %mul3A_1378, %mul3A_1380 : vector<16xf32>
      %add3A_1382 = arith.addf %get3A_1370, %get3A_1376 : vector<16xf32>
      %mul3A_1383 = vector.broadcast %squeeze3A_1292 : f32 to vector<16xf32>
      %mul3A_1384 = arith.mulf %mul3A_1383, %add3A_1382 : vector<16xf32>
      %add3A_1385 = arith.addf %add3A_1381, %mul3A_1384 : vector<16xf32>
      %swap3A_1386 = arith.index_cast %add3A_1286 : i32 to index
      %swap3A_1387 = arith.constant 48 : index
      %swap3A_1388 = tpu.vector_load %arg12[%swap3A_1386, %swap3A_1387] {strides = array<i32>} : memref<16x128xf32, #tpu.memory_space<vmem>>, vector<16xf32>,
      tpu.vector_store %arg12[%swap3A_1386, %swap3A_1387], %add3A_1385 {strides = array<i32>} : memref<16x128xf32, #tpu.memory_space<vmem>>, vector<16xf32>,
      %get3A_1389 = arith.index_cast %add3A_1286 : i32 to index
      %get3A_1390 = arith.constant 64 : index
      %get3A_1391 = tpu.vector_load %arg10[%get3A_1389, %get3A_1390] {strides = array<i32>} : memref<16x384xf32, #tpu.memory_space<vmem>>, vector<16xf32>,
      %get3A_1392 = arith.index_cast %add3A_1286 : i32 to index
      %get3A_1393 = arith.constant 192 : index
      %get3A_1394 = tpu.vector_load %arg10[%get3A_1392, %get3A_1393] {strides = array<i32>} : memref<16x384xf32, #tpu.memory_space<vmem>>, vector<16xf32>,
      %get3A_1395 = arith.index_cast %add3A_1286 : i32 to index
      %get3A_1396 = arith.constant 64 : index
      %get3A_1397 = tpu.vector_load %arg11[%get3A_1395, %get3A_1396] {strides = array<i32>} : memref<16x384xf32, #tpu.memory_space<vmem>>, vector<16xf32>,
      %get3A_1398 = arith.index_cast %add3A_1286 : i32 to index
      %get3A_1399 = arith.constant 192 : index
      %get3A_1400 = tpu.vector_load %arg11[%get3A_1398, %get3A_1399] {strides = array<i32>} : memref<16x384xf32, #tpu.memory_space<vmem>>, vector<16xf32>,
      %mul3A_1401 = vector.broadcast %squeeze3A_1288 : f32 to vector<16xf32>
      %mul3A_1402 = arith.mulf %mul3A_1401, %get3A_1391 : vector<16xf32>
      %mul3A_1403 = vector.broadcast %squeeze3A_1290 : f32 to vector<16xf32>
      %mul3A_1404 = arith.mulf %mul3A_1403, %get3A_1397 : vector<16xf32>
      %add3A_1405 = arith.addf %mul3A_1402, %mul3A_1404 : vector<16xf32>
      %add3A_1406 = arith.addf %get3A_1394, %get3A_1400 : vector<16xf32>
      %mul3A_1407 = vector.broadcast %squeeze3A_1292 : f32 to vector<16xf32>
      %mul3A_1408 = arith.mulf %mul3A_1407, %add3A_1406 : vector<16xf32>
      %add3A_1409 = arith.addf %add3A_1405, %mul3A_1408 : vector<16xf32>
      %swap3A_1410 = arith.index_cast %add3A_1286 : i32 to index
      %swap3A_1411 = arith.constant 64 : index
      %swap3A_1412 = tpu.vector_load %arg12[%swap3A_1410, %swap3A_1411] {strides = array<i32>} : memref<16x128xf32, #tpu.memory_space<vmem>>, vector<16xf32>,
      tpu.vector_store %arg12[%swap3A_1410, %swap3A_1411], %add3A_1409 {strides = array<i32>} : memref<16x128xf32, #tpu.memory_space<vmem>>, vector<16xf32>,
      %get3A_1413 = arith.index_cast %add3A_1286 : i32 to index
      %get3A_1414 = arith.constant 80 : index
      %get3A_1415 = tpu.vector_load %arg10[%get3A_1413, %get3A_1414] {strides = array<i32>} : memref<16x384xf32, #tpu.memory_space<vmem>>, vector<16xf32>,
      %get3A_1416 = arith.index_cast %add3A_1286 : i32 to index
      %get3A_1417 = arith.constant 208 : index
      %get3A_1418 = tpu.vector_load %arg10[%get3A_1416, %get3A_1417] {strides = array<i32>} : memref<16x384xf32, #tpu.memory_space<vmem>>, vector<16xf32>,
      %get3A_1419 = arith.index_cast %add3A_1286 : i32 to index
      %get3A_1420 = arith.constant 80 : index
      %get3A_1421 = tpu.vector_load %arg11[%get3A_1419, %get3A_1420] {strides = array<i32>} : memref<16x384xf32, #tpu.memory_space<vmem>>, vector<16xf32>,
      %get3A_1422 = arith.index_cast %add3A_1286 : i32 to index
      %get3A_1423 = arith.constant 208 : index
      %get3A_1424 = tpu.vector_load %arg11[%get3A_1422, %get3A_1423] {strides = array<i32>} : memref<16x384xf32, #tpu.memory_space<vmem>>, vector<16xf32>,
      %mul3A_1425 = vector.broadcast %squeeze3A_1288 : f32 to vector<16xf32>
      %mul3A_1426 = arith.mulf %mul3A_1425, %get3A_1415 : vector<16xf32>
      %mul3A_1427 = vector.broadcast %squeeze3A_1290 : f32 to vector<16xf32>
      %mul3A_1428 = arith.mulf %mul3A_1427, %get3A_1421 : vector<16xf32>
      %add3A_1429 = arith.addf %mul3A_1426, %mul3A_1428 : vector<16xf32>
      %add3A_1430 = arith.addf %get3A_1418, %get3A_1424 : vector<16xf32>
      %mul3A_1431 = vector.broadcast %squeeze3A_1292 : f32 to vector<16xf32>
      %mul3A_1432 = arith.mulf %mul3A_1431, %add3A_1430 : vector<16xf32>
      %add3A_1433 = arith.addf %add3A_1429, %mul3A_1432 : vector<16xf32>
      %swap3A_1434 = arith.index_cast %add3A_1286 : i32 to index
      %swap3A_1435 = arith.constant 80 : index
      %swap3A_1436 = tpu.vector_load %arg12[%swap3A_1434, %swap3A_1435] {strides = array<i32>} : memref<16x128xf32, #tpu.memory_space<vmem>>, vector<16xf32>,
      tpu.vector_store %arg12[%swap3A_1434, %swap3A_1435], %add3A_1433 {strides = array<i32>} : memref<16x128xf32, #tpu.memory_space<vmem>>, vector<16xf32>,
      %get3A_1437 = arith.index_cast %add3A_1286 : i32 to index
      %get3A_1438 = arith.constant 96 : index
      %get3A_1439 = tpu.vector_load %arg10[%get3A_1437, %get3A_1438] {strides = array<i32>} : memref<16x384xf32, #tpu.memory_space<vmem>>, vector<16xf32>,
      %get3A_1440 = arith.index_cast %add3A_1286 : i32 to index
      %get3A_1441 = arith.constant 224 : index
      %get3A_1442 = tpu.vector_load %arg10[%get3A_1440, %get3A_1441] {strides = array<i32>} : memref<16x384xf32, #tpu.memory_space<vmem>>, vector<16xf32>,
      %get3A_1443 = arith.index_cast %add3A_1286 : i32 to index
      %get3A_1444 = arith.constant 96 : index
      %get3A_1445 = tpu.vector_load %arg11[%get3A_1443, %get3A_1444] {strides = array<i32>} : memref<16x384xf32, #tpu.memory_space<vmem>>, vector<16xf32>,
      %get3A_1446 = arith.index_cast %add3A_1286 : i32 to index
      %get3A_1447 = arith.constant 224 : index
      %get3A_1448 = tpu.vector_load %arg11[%get3A_1446, %get3A_1447] {strides = array<i32>} : memref<16x384xf32, #tpu.memory_space<vmem>>, vector<16xf32>,
      %mul3A_1449 = vector.broadcast %squeeze3A_1288 : f32 to vector<16xf32>
      %mul3A_1450 = arith.mulf %mul3A_1449, %get3A_1439 : vector<16xf32>
      %mul3A_1451 = vector.broadcast %squeeze3A_1290 : f32 to vector<16xf32>
      %mul3A_1452 = arith.mulf %mul3A_1451, %get3A_1445 : vector<16xf32>
      %add3A_1453 = arith.addf %mul3A_1450, %mul3A_1452 : vector<16xf32>
      %add3A_1454 = arith.addf %get3A_1442, %get3A_1448 : vector<16xf32>
      %mul3A_1455 = vector.broadcast %squeeze3A_1292 : f32 to vector<16xf32>
      %mul3A_1456 = arith.mulf %mul3A_1455, %add3A_1454 : vector<16xf32>
      %add3A_1457 = arith.addf %add3A_1453, %mul3A_1456 : vector<16xf32>
      %swap3A_1458 = arith.index_cast %add3A_1286 : i32 to index
      %swap3A_1459 = arith.constant 96 : index
      %swap3A_1460 = tpu.vector_load %arg12[%swap3A_1458, %swap3A_1459] {strides = array<i32>} : memref<16x128xf32, #tpu.memory_space<vmem>>, vector<16xf32>,
      tpu.vector_store %arg12[%swap3A_1458, %swap3A_1459], %add3A_1457 {strides = array<i32>} : memref<16x128xf32, #tpu.memory_space<vmem>>, vector<16xf32>,
      %get3A_1461 = arith.index_cast %add3A_1286 : i32 to index
      %get3A_1462 = arith.constant 112 : index
      %get3A_1463 = tpu.vector_load %arg10[%get3A_1461, %get3A_1462] {strides = array<i32>} : memref<16x384xf32, #tpu.memory_space<vmem>>, vector<16xf32>,
      %get3A_1464 = arith.index_cast %add3A_1286 : i32 to index
      %get3A_1465 = arith.constant 240 : index
      %get3A_1466 = tpu.vector_load %arg10[%get3A_1464, %get3A_1465] {strides = array<i32>} : memref<16x384xf32, #tpu.memory_space<vmem>>, vector<16xf32>,
      %get3A_1467 = arith.index_cast %add3A_1286 : i32 to index
      %get3A_1468 = arith.constant 112 : index
      %get3A_1469 = tpu.vector_load %arg11[%get3A_1467, %get3A_1468] {strides = array<i32>} : memref<16x384xf32, #tpu.memory_space<vmem>>, vector<16xf32>,
      %get3A_1470 = arith.index_cast %add3A_1286 : i32 to index
      %get3A_1471 = arith.constant 240 : index
      %get3A_1472 = tpu.vector_load %arg11[%get3A_1470, %get3A_1471] {strides = array<i32>} : memref<16x384xf32, #tpu.memory_space<vmem>>, vector<16xf32>,
      %mul3A_1473 = vector.broadcast %squeeze3A_1288 : f32 to vector<16xf32>
      %mul3A_1474 = arith.mulf %mul3A_1473, %get3A_1463 : vector<16xf32>
      %mul3A_1475 = vector.broadcast %squeeze3A_1290 : f32 to vector<16xf32>
      %mul3A_1476 = arith.mulf %mul3A_1475, %get3A_1469 : vector<16xf32>
      %add3A_1477 = arith.addf %mul3A_1474, %mul3A_1476 : vector<16xf32>
      %add3A_1478 = arith.addf %get3A_1466, %get3A_1472 : vector<16xf32>
      %mul3A_1479 = vector.broadcast %squeeze3A_1292 : f32 to vector<16xf32>
      %mul3A_1480 = arith.mulf %mul3A_1479, %add3A_1478 : vector<16xf32>
      %add3A_1481 = arith.addf %add3A_1477, %mul3A_1480 : vector<16xf32>
      %swap3A_1482 = arith.index_cast %add3A_1286 : i32 to index
      %swap3A_1483 = arith.constant 112 : index
      %swap3A_1484 = tpu.vector_load %arg12[%swap3A_1482, %swap3A_1483] {strides = array<i32>} : memref<16x128xf32, #tpu.memory_space<vmem>>, vector<16xf32>,
      tpu.vector_store %arg12[%swap3A_1482, %swap3A_1483], %add3A_1481 {strides = array<i32>} : memref<16x128xf32, #tpu.memory_space<vmem>>, vector<16xf32>,
      %mul3A_1485 = arith.constant 16 : i32
      %mul3A_1486 = arith.muli %scan3A_37, %mul3A_1485 : i32
      %add3A_1487 = arith.constant 7 : i32
      %add3A_1488 = arith.addi %mul3A_1486, %add3A_1487 : i32
      %slice3A_1489 = vector.extract_strided_slice %mul3A_72 {offsets = [7], sizes = [1], strides = [1]} : vector<16xf32> to vector<1xf32>
      %squeeze3A_1490 = vector.extract %slice3A_1489[0] : f32 from vector<1xf32>
      %slice3A_1491 = vector.extract_strided_slice %mul3A_73 {offsets = [7], sizes = [1], strides = [1]} : vector<16xf32> to vector<1xf32>
      %squeeze3A_1492 = vector.extract %slice3A_1491[0] : f32 from vector<1xf32>
      %slice3A_1493 = vector.extract_strided_slice %mul3A_74 {offsets = [7], sizes = [1], strides = [1]} : vector<16xf32> to vector<1xf32>
      %squeeze3A_1494 = vector.extract %slice3A_1493[0] : f32 from vector<1xf32>
      %get3A_1495 = arith.index_cast %add3A_1488 : i32 to index
      %get3A_1496 = arith.constant 0 : index
      %get3A_1497 = tpu.vector_load %arg10[%get3A_1495, %get3A_1496] {strides = array<i32>} : memref<16x384xf32, #tpu.memory_space<vmem>>, vector<16xf32>,
      %get3A_1498 = arith.index_cast %add3A_1488 : i32 to index
      %get3A_1499 = arith.constant 128 : index
      %get3A_1500 = tpu.vector_load %arg10[%get3A_1498, %get3A_1499] {strides = array<i32>} : memref<16x384xf32, #tpu.memory_space<vmem>>, vector<16xf32>,
      %get3A_1501 = arith.index_cast %add3A_1488 : i32 to index
      %get3A_1502 = arith.constant 0 : index
      %get3A_1503 = tpu.vector_load %arg11[%get3A_1501, %get3A_1502] {strides = array<i32>} : memref<16x384xf32, #tpu.memory_space<vmem>>, vector<16xf32>,
      %get3A_1504 = arith.index_cast %add3A_1488 : i32 to index
      %get3A_1505 = arith.constant 128 : index
      %get3A_1506 = tpu.vector_load %arg11[%get3A_1504, %get3A_1505] {strides = array<i32>} : memref<16x384xf32, #tpu.memory_space<vmem>>, vector<16xf32>,
      %mul3A_1507 = vector.broadcast %squeeze3A_1490 : f32 to vector<16xf32>
      %mul3A_1508 = arith.mulf %mul3A_1507, %get3A_1497 : vector<16xf32>
      %mul3A_1509 = vector.broadcast %squeeze3A_1492 : f32 to vector<16xf32>
      %mul3A_1510 = arith.mulf %mul3A_1509, %get3A_1503 : vector<16xf32>
      %add3A_1511 = arith.addf %mul3A_1508, %mul3A_1510 : vector<16xf32>
      %add3A_1512 = arith.addf %get3A_1500, %get3A_1506 : vector<16xf32>
      %mul3A_1513 = vector.broadcast %squeeze3A_1494 : f32 to vector<16xf32>
      %mul3A_1514 = arith.mulf %mul3A_1513, %add3A_1512 : vector<16xf32>
      %add3A_1515 = arith.addf %add3A_1511, %mul3A_1514 : vector<16xf32>
      %swap3A_1516 = arith.index_cast %add3A_1488 : i32 to index
      %swap3A_1517 = arith.constant 0 : index
      %swap3A_1518 = tpu.vector_load %arg12[%swap3A_1516, %swap3A_1517] {strides = array<i32>} : memref<16x128xf32, #tpu.memory_space<vmem>>, vector<16xf32>,
      tpu.vector_store %arg12[%swap3A_1516, %swap3A_1517], %add3A_1515 {strides = array<i32>} : memref<16x128xf32, #tpu.memory_space<vmem>>, vector<16xf32>,
      %get3A_1519 = arith.index_cast %add3A_1488 : i32 to index
      %get3A_1520 = arith.constant 16 : index
      %get3A_1521 = tpu.vector_load %arg10[%get3A_1519, %get3A_1520] {strides = array<i32>} : memref<16x384xf32, #tpu.memory_space<vmem>>, vector<16xf32>,
      %get3A_1522 = arith.index_cast %add3A_1488 : i32 to index
      %get3A_1523 = arith.constant 144 : index
      %get3A_1524 = tpu.vector_load %arg10[%get3A_1522, %get3A_1523] {strides = array<i32>} : memref<16x384xf32, #tpu.memory_space<vmem>>, vector<16xf32>,
      %get3A_1525 = arith.index_cast %add3A_1488 : i32 to index
      %get3A_1526 = arith.constant 16 : index
      %get3A_1527 = tpu.vector_load %arg11[%get3A_1525, %get3A_1526] {strides = array<i32>} : memref<16x384xf32, #tpu.memory_space<vmem>>, vector<16xf32>,
      %get3A_1528 = arith.index_cast %add3A_1488 : i32 to index
      %get3A_1529 = arith.constant 144 : index
      %get3A_1530 = tpu.vector_load %arg11[%get3A_1528, %get3A_1529] {strides = array<i32>} : memref<16x384xf32, #tpu.memory_space<vmem>>, vector<16xf32>,
      %mul3A_1531 = vector.broadcast %squeeze3A_1490 : f32 to vector<16xf32>
      %mul3A_1532 = arith.mulf %mul3A_1531, %get3A_1521 : vector<16xf32>
      %mul3A_1533 = vector.broadcast %squeeze3A_1492 : f32 to vector<16xf32>
      %mul3A_1534 = arith.mulf %mul3A_1533, %get3A_1527 : vector<16xf32>
      %add3A_1535 = arith.addf %mul3A_1532, %mul3A_1534 : vector<16xf32>
      %add3A_1536 = arith.addf %get3A_1524, %get3A_1530 : vector<16xf32>
      %mul3A_1537 = vector.broadcast %squeeze3A_1494 : f32 to vector<16xf32>
      %mul3A_1538 = arith.mulf %mul3A_1537, %add3A_1536 : vector<16xf32>
      %add3A_1539 = arith.addf %add3A_1535, %mul3A_1538 : vector<16xf32>
      %swap3A_1540 = arith.index_cast %add3A_1488 : i32 to index
      %swap3A_1541 = arith.constant 16 : index
      %swap3A_1542 = tpu.vector_load %arg12[%swap3A_1540, %swap3A_1541] {strides = array<i32>} : memref<16x128xf32, #tpu.memory_space<vmem>>, vector<16xf32>,
      tpu.vector_store %arg12[%swap3A_1540, %swap3A_1541], %add3A_1539 {strides = array<i32>} : memref<16x128xf32, #tpu.memory_space<vmem>>, vector<16xf32>,
      %get3A_1543 = arith.index_cast %add3A_1488 : i32 to index
      %get3A_1544 = arith.constant 32 : index
      %get3A_1545 = tpu.vector_load %arg10[%get3A_1543, %get3A_1544] {strides = array<i32>} : memref<16x384xf32, #tpu.memory_space<vmem>>, vector<16xf32>,
      %get3A_1546 = arith.index_cast %add3A_1488 : i32 to index
      %get3A_1547 = arith.constant 160 : index
      %get3A_1548 = tpu.vector_load %arg10[%get3A_1546, %get3A_1547] {strides = array<i32>} : memref<16x384xf32, #tpu.memory_space<vmem>>, vector<16xf32>,
      %get3A_1549 = arith.index_cast %add3A_1488 : i32 to index
      %get3A_1550 = arith.constant 32 : index
      %get3A_1551 = tpu.vector_load %arg11[%get3A_1549, %get3A_1550] {strides = array<i32>} : memref<16x384xf32, #tpu.memory_space<vmem>>, vector<16xf32>,
      %get3A_1552 = arith.index_cast %add3A_1488 : i32 to index
      %get3A_1553 = arith.constant 160 : index
      %get3A_1554 = tpu.vector_load %arg11[%get3A_1552, %get3A_1553] {strides = array<i32>} : memref<16x384xf32, #tpu.memory_space<vmem>>, vector<16xf32>,
      %mul3A_1555 = vector.broadcast %squeeze3A_1490 : f32 to vector<16xf32>
      %mul3A_1556 = arith.mulf %mul3A_1555, %get3A_1545 : vector<16xf32>
      %mul3A_1557 = vector.broadcast %squeeze3A_1492 : f32 to vector<16xf32>
      %mul3A_1558 = arith.mulf %mul3A_1557, %get3A_1551 : vector<16xf32>
      %add3A_1559 = arith.addf %mul3A_1556, %mul3A_1558 : vector<16xf32>
      %add3A_1560 = arith.addf %get3A_1548, %get3A_1554 : vector<16xf32>
      %mul3A_1561 = vector.broadcast %squeeze3A_1494 : f32 to vector<16xf32>
      %mul3A_1562 = arith.mulf %mul3A_1561, %add3A_1560 : vector<16xf32>
      %add3A_1563 = arith.addf %add3A_1559, %mul3A_1562 : vector<16xf32>
      %swap3A_1564 = arith.index_cast %add3A_1488 : i32 to index
      %swap3A_1565 = arith.constant 32 : index
      %swap3A_1566 = tpu.vector_load %arg12[%swap3A_1564, %swap3A_1565] {strides = array<i32>} : memref<16x128xf32, #tpu.memory_space<vmem>>, vector<16xf32>,
      tpu.vector_store %arg12[%swap3A_1564, %swap3A_1565], %add3A_1563 {strides = array<i32>} : memref<16x128xf32, #tpu.memory_space<vmem>>, vector<16xf32>,
      %get3A_1567 = arith.index_cast %add3A_1488 : i32 to index
      %get3A_1568 = arith.constant 48 : index
      %get3A_1569 = tpu.vector_load %arg10[%get3A_1567, %get3A_1568] {strides = array<i32>} : memref<16x384xf32, #tpu.memory_space<vmem>>, vector<16xf32>,
      %get3A_1570 = arith.index_cast %add3A_1488 : i32 to index
      %get3A_1571 = arith.constant 176 : index
      %get3A_1572 = tpu.vector_load %arg10[%get3A_1570, %get3A_1571] {strides = array<i32>} : memref<16x384xf32, #tpu.memory_space<vmem>>, vector<16xf32>,
      %get3A_1573 = arith.index_cast %add3A_1488 : i32 to index
      %get3A_1574 = arith.constant 48 : index
      %get3A_1575 = tpu.vector_load %arg11[%get3A_1573, %get3A_1574] {strides = array<i32>} : memref<16x384xf32, #tpu.memory_space<vmem>>, vector<16xf32>,
      %get3A_1576 = arith.index_cast %add3A_1488 : i32 to index
      %get3A_1577 = arith.constant 176 : index
      %get3A_1578 = tpu.vector_load %arg11[%get3A_1576, %get3A_1577] {strides = array<i32>} : memref<16x384xf32, #tpu.memory_space<vmem>>, vector<16xf32>,
      %mul3A_1579 = vector.broadcast %squeeze3A_1490 : f32 to vector<16xf32>
      %mul3A_1580 = arith.mulf %mul3A_1579, %get3A_1569 : vector<16xf32>
      %mul3A_1581 = vector.broadcast %squeeze3A_1492 : f32 to vector<16xf32>
      %mul3A_1582 = arith.mulf %mul3A_1581, %get3A_1575 : vector<16xf32>
      %add3A_1583 = arith.addf %mul3A_1580, %mul3A_1582 : vector<16xf32>
      %add3A_1584 = arith.addf %get3A_1572, %get3A_1578 : vector<16xf32>
      %mul3A_1585 = vector.broadcast %squeeze3A_1494 : f32 to vector<16xf32>
      %mul3A_1586 = arith.mulf %mul3A_1585, %add3A_1584 : vector<16xf32>
      %add3A_1587 = arith.addf %add3A_1583, %mul3A_1586 : vector<16xf32>
      %swap3A_1588 = arith.index_cast %add3A_1488 : i32 to index
      %swap3A_1589 = arith.constant 48 : index
      %swap3A_1590 = tpu.vector_load %arg12[%swap3A_1588, %swap3A_1589] {strides = array<i32>} : memref<16x128xf32, #tpu.memory_space<vmem>>, vector<16xf32>,
      tpu.vector_store %arg12[%swap3A_1588, %swap3A_1589], %add3A_1587 {strides = array<i32>} : memref<16x128xf32, #tpu.memory_space<vmem>>, vector<16xf32>,
      %get3A_1591 = arith.index_cast %add3A_1488 : i32 to index
      %get3A_1592 = arith.constant 64 : index
      %get3A_1593 = tpu.vector_load %arg10[%get3A_1591, %get3A_1592] {strides = array<i32>} : memref<16x384xf32, #tpu.memory_space<vmem>>, vector<16xf32>,
      %get3A_1594 = arith.index_cast %add3A_1488 : i32 to index
      %get3A_1595 = arith.constant 192 : index
      %get3A_1596 = tpu.vector_load %arg10[%get3A_1594, %get3A_1595] {strides = array<i32>} : memref<16x384xf32, #tpu.memory_space<vmem>>, vector<16xf32>,
      %get3A_1597 = arith.index_cast %add3A_1488 : i32 to index
      %get3A_1598 = arith.constant 64 : index
      %get3A_1599 = tpu.vector_load %arg11[%get3A_1597, %get3A_1598] {strides = array<i32>} : memref<16x384xf32, #tpu.memory_space<vmem>>, vector<16xf32>,
      %get3A_1600 = arith.index_cast %add3A_1488 : i32 to index
      %get3A_1601 = arith.constant 192 : index
      %get3A_1602 = tpu.vector_load %arg11[%get3A_1600, %get3A_1601] {strides = array<i32>} : memref<16x384xf32, #tpu.memory_space<vmem>>, vector<16xf32>,
      %mul3A_1603 = vector.broadcast %squeeze3A_1490 : f32 to vector<16xf32>
      %mul3A_1604 = arith.mulf %mul3A_1603, %get3A_1593 : vector<16xf32>
      %mul3A_1605 = vector.broadcast %squeeze3A_1492 : f32 to vector<16xf32>
      %mul3A_1606 = arith.mulf %mul3A_1605, %get3A_1599 : vector<16xf32>
      %add3A_1607 = arith.addf %mul3A_1604, %mul3A_1606 : vector<16xf32>
      %add3A_1608 = arith.addf %get3A_1596, %get3A_1602 : vector<16xf32>
      %mul3A_1609 = vector.broadcast %squeeze3A_1494 : f32 to vector<16xf32>
      %mul3A_1610 = arith.mulf %mul3A_1609, %add3A_1608 : vector<16xf32>
      %add3A_1611 = arith.addf %add3A_1607, %mul3A_1610 : vector<16xf32>
      %swap3A_1612 = arith.index_cast %add3A_1488 : i32 to index
      %swap3A_1613 = arith.constant 64 : index
      %swap3A_1614 = tpu.vector_load %arg12[%swap3A_1612, %swap3A_1613] {strides = array<i32>} : memref<16x128xf32, #tpu.memory_space<vmem>>, vector<16xf32>,
      tpu.vector_store %arg12[%swap3A_1612, %swap3A_1613], %add3A_1611 {strides = array<i32>} : memref<16x128xf32, #tpu.memory_space<vmem>>, vector<16xf32>,
      %get3A_1615 = arith.index_cast %add3A_1488 : i32 to index
      %get3A_1616 = arith.constant 80 : index
      %get3A_1617 = tpu.vector_load %arg10[%get3A_1615, %get3A_1616] {strides = array<i32>} : memref<16x384xf32, #tpu.memory_space<vmem>>, vector<16xf32>,
      %get3A_1618 = arith.index_cast %add3A_1488 : i32 to index
      %get3A_1619 = arith.constant 208 : index
      %get3A_1620 = tpu.vector_load %arg10[%get3A_1618, %get3A_1619] {strides = array<i32>} : memref<16x384xf32, #tpu.memory_space<vmem>>, vector<16xf32>,
      %get3A_1621 = arith.index_cast %add3A_1488 : i32 to index
      %get3A_1622 = arith.constant 80 : index
      %get3A_1623 = tpu.vector_load %arg11[%get3A_1621, %get3A_1622] {strides = array<i32>} : memref<16x384xf32, #tpu.memory_space<vmem>>, vector<16xf32>,
      %get3A_1624 = arith.index_cast %add3A_1488 : i32 to index
      %get3A_1625 = arith.constant 208 : index
      %get3A_1626 = tpu.vector_load %arg11[%get3A_1624, %get3A_1625] {strides = array<i32>} : memref<16x384xf32, #tpu.memory_space<vmem>>, vector<16xf32>,
      %mul3A_1627 = vector.broadcast %squeeze3A_1490 : f32 to vector<16xf32>
      %mul3A_1628 = arith.mulf %mul3A_1627, %get3A_1617 : vector<16xf32>
      %mul3A_1629 = vector.broadcast %squeeze3A_1492 : f32 to vector<16xf32>
      %mul3A_1630 = arith.mulf %mul3A_1629, %get3A_1623 : vector<16xf32>
      %add3A_1631 = arith.addf %mul3A_1628, %mul3A_1630 : vector<16xf32>
      %add3A_1632 = arith.addf %get3A_1620, %get3A_1626 : vector<16xf32>
      %mul3A_1633 = vector.broadcast %squeeze3A_1494 : f32 to vector<16xf32>
      %mul3A_1634 = arith.mulf %mul3A_1633, %add3A_1632 : vector<16xf32>
      %add3A_1635 = arith.addf %add3A_1631, %mul3A_1634 : vector<16xf32>
      %swap3A_1636 = arith.index_cast %add3A_1488 : i32 to index
      %swap3A_1637 = arith.constant 80 : index
      %swap3A_1638 = tpu.vector_load %arg12[%swap3A_1636, %swap3A_1637] {strides = array<i32>} : memref<16x128xf32, #tpu.memory_space<vmem>>, vector<16xf32>,
      tpu.vector_store %arg12[%swap3A_1636, %swap3A_1637], %add3A_1635 {strides = array<i32>} : memref<16x128xf32, #tpu.memory_space<vmem>>, vector<16xf32>,
      %get3A_1639 = arith.index_cast %add3A_1488 : i32 to index
      %get3A_1640 = arith.constant 96 : index
      %get3A_1641 = tpu.vector_load %arg10[%get3A_1639, %get3A_1640] {strides = array<i32>} : memref<16x384xf32, #tpu.memory_space<vmem>>, vector<16xf32>,
      %get3A_1642 = arith.index_cast %add3A_1488 : i32 to index
      %get3A_1643 = arith.constant 224 : index
      %get3A_1644 = tpu.vector_load %arg10[%get3A_1642, %get3A_1643] {strides = array<i32>} : memref<16x384xf32, #tpu.memory_space<vmem>>, vector<16xf32>,
      %get3A_1645 = arith.index_cast %add3A_1488 : i32 to index
      %get3A_1646 = arith.constant 96 : index
      %get3A_1647 = tpu.vector_load %arg11[%get3A_1645, %get3A_1646] {strides = array<i32>} : memref<16x384xf32, #tpu.memory_space<vmem>>, vector<16xf32>,
      %get3A_1648 = arith.index_cast %add3A_1488 : i32 to index
      %get3A_1649 = arith.constant 224 : index
      %get3A_1650 = tpu.vector_load %arg11[%get3A_1648, %get3A_1649] {strides = array<i32>} : memref<16x384xf32, #tpu.memory_space<vmem>>, vector<16xf32>,
      %mul3A_1651 = vector.broadcast %squeeze3A_1490 : f32 to vector<16xf32>
      %mul3A_1652 = arith.mulf %mul3A_1651, %get3A_1641 : vector<16xf32>
      %mul3A_1653 = vector.broadcast %squeeze3A_1492 : f32 to vector<16xf32>
      %mul3A_1654 = arith.mulf %mul3A_1653, %get3A_1647 : vector<16xf32>
      %add3A_1655 = arith.addf %mul3A_1652, %mul3A_1654 : vector<16xf32>
      %add3A_1656 = arith.addf %get3A_1644, %get3A_1650 : vector<16xf32>
      %mul3A_1657 = vector.broadcast %squeeze3A_1494 : f32 to vector<16xf32>
      %mul3A_1658 = arith.mulf %mul3A_1657, %add3A_1656 : vector<16xf32>
      %add3A_1659 = arith.addf %add3A_1655, %mul3A_1658 : vector<16xf32>
      %swap3A_1660 = arith.index_cast %add3A_1488 : i32 to index
      %swap3A_1661 = arith.constant 96 : index
      %swap3A_1662 = tpu.vector_load %arg12[%swap3A_1660, %swap3A_1661] {strides = array<i32>} : memref<16x128xf32, #tpu.memory_space<vmem>>, vector<16xf32>,
      tpu.vector_store %arg12[%swap3A_1660, %swap3A_1661], %add3A_1659 {strides = array<i32>} : memref<16x128xf32, #tpu.memory_space<vmem>>, vector<16xf32>,
      %get3A_1663 = arith.index_cast %add3A_1488 : i32 to index
      %get3A_1664 = arith.constant 112 : index
      %get3A_1665 = tpu.vector_load %arg10[%get3A_1663, %get3A_1664] {strides = array<i32>} : memref<16x384xf32, #tpu.memory_space<vmem>>, vector<16xf32>,
      %get3A_1666 = arith.index_cast %add3A_1488 : i32 to index
      %get3A_1667 = arith.constant 240 : index
      %get3A_1668 = tpu.vector_load %arg10[%get3A_1666, %get3A_1667] {strides = array<i32>} : memref<16x384xf32, #tpu.memory_space<vmem>>, vector<16xf32>,
      %get3A_1669 = arith.index_cast %add3A_1488 : i32 to index
      %get3A_1670 = arith.constant 112 : index
      %get3A_1671 = tpu.vector_load %arg11[%get3A_1669, %get3A_1670] {strides = array<i32>} : memref<16x384xf32, #tpu.memory_space<vmem>>, vector<16xf32>,
      %get3A_1672 = arith.index_cast %add3A_1488 : i32 to index
      %get3A_1673 = arith.constant 240 : index
      %get3A_1674 = tpu.vector_load %arg11[%get3A_1672, %get3A_1673] {strides = array<i32>} : memref<16x384xf32, #tpu.memory_space<vmem>>, vector<16xf32>,
      %mul3A_1675 = vector.broadcast %squeeze3A_1490 : f32 to vector<16xf32>
      %mul3A_1676 = arith.mulf %mul3A_1675, %get3A_1665 : vector<16xf32>
      %mul3A_1677 = vector.broadcast %squeeze3A_1492 : f32 to vector<16xf32>
      %mul3A_1678 = arith.mulf %mul3A_1677, %get3A_1671 : vector<16xf32>
      %add3A_1679 = arith.addf %mul3A_1676, %mul3A_1678 : vector<16xf32>
      %add3A_1680 = arith.addf %get3A_1668, %get3A_1674 : vector<16xf32>
      %mul3A_1681 = vector.broadcast %squeeze3A_1494 : f32 to vector<16xf32>
      %mul3A_1682 = arith.mulf %mul3A_1681, %add3A_1680 : vector<16xf32>
      %add3A_1683 = arith.addf %add3A_1679, %mul3A_1682 : vector<16xf32>
      %swap3A_1684 = arith.index_cast %add3A_1488 : i32 to index
      %swap3A_1685 = arith.constant 112 : index
      %swap3A_1686 = tpu.vector_load %arg12[%swap3A_1684, %swap3A_1685] {strides = array<i32>} : memref<16x128xf32, #tpu.memory_space<vmem>>, vector<16xf32>,
      tpu.vector_store %arg12[%swap3A_1684, %swap3A_1685], %add3A_1683 {strides = array<i32>} : memref<16x128xf32, #tpu.memory_space<vmem>>, vector<16xf32>,
      %mul3A_1687 = arith.constant 16 : i32
      %mul3A_1688 = arith.muli %scan3A_37, %mul3A_1687 : i32
      %add3A_1689 = arith.constant 8 : i32
      %add3A_1690 = arith.addi %mul3A_1688, %add3A_1689 : i32
      %slice3A_1691 = vector.extract_strided_slice %mul3A_72 {offsets = [8], sizes = [1], strides = [1]} : vector<16xf32> to vector<1xf32>
      %squeeze3A_1692 = vector.extract %slice3A_1691[0] : f32 from vector<1xf32>
      %slice3A_1693 = vector.extract_strided_slice %mul3A_73 {offsets = [8], sizes = [1], strides = [1]} : vector<16xf32> to vector<1xf32>
      %squeeze3A_1694 = vector.extract %slice3A_1693[0] : f32 from vector<1xf32>
      %slice3A_1695 = vector.extract_strided_slice %mul3A_74 {offsets = [8], sizes = [1], strides = [1]} : vector<16xf32> to vector<1xf32>
      %squeeze3A_1696 = vector.extract %slice3A_1695[0] : f32 from vector<1xf32>
      %get3A_1697 = arith.index_cast %add3A_1690 : i32 to index
      %get3A_1698 = arith.constant 0 : index
      %get3A_1699 = tpu.vector_load %arg10[%get3A_1697, %get3A_1698] {strides = array<i32>} : memref<16x384xf32, #tpu.memory_space<vmem>>, vector<16xf32>,
      %get3A_1700 = arith.index_cast %add3A_1690 : i32 to index
      %get3A_1701 = arith.constant 128 : index
      %get3A_1702 = tpu.vector_load %arg10[%get3A_1700, %get3A_1701] {strides = array<i32>} : memref<16x384xf32, #tpu.memory_space<vmem>>, vector<16xf32>,
      %get3A_1703 = arith.index_cast %add3A_1690 : i32 to index
      %get3A_1704 = arith.constant 0 : index
      %get3A_1705 = tpu.vector_load %arg11[%get3A_1703, %get3A_1704] {strides = array<i32>} : memref<16x384xf32, #tpu.memory_space<vmem>>, vector<16xf32>,
      %get3A_1706 = arith.index_cast %add3A_1690 : i32 to index
      %get3A_1707 = arith.constant 128 : index
      %get3A_1708 = tpu.vector_load %arg11[%get3A_1706, %get3A_1707] {strides = array<i32>} : memref<16x384xf32, #tpu.memory_space<vmem>>, vector<16xf32>,
      %mul3A_1709 = vector.broadcast %squeeze3A_1692 : f32 to vector<16xf32>
      %mul3A_1710 = arith.mulf %mul3A_1709, %get3A_1699 : vector<16xf32>
      %mul3A_1711 = vector.broadcast %squeeze3A_1694 : f32 to vector<16xf32>
      %mul3A_1712 = arith.mulf %mul3A_1711, %get3A_1705 : vector<16xf32>
      %add3A_1713 = arith.addf %mul3A_1710, %mul3A_1712 : vector<16xf32>
      %add3A_1714 = arith.addf %get3A_1702, %get3A_1708 : vector<16xf32>
      %mul3A_1715 = vector.broadcast %squeeze3A_1696 : f32 to vector<16xf32>
      %mul3A_1716 = arith.mulf %mul3A_1715, %add3A_1714 : vector<16xf32>
      %add3A_1717 = arith.addf %add3A_1713, %mul3A_1716 : vector<16xf32>
      %swap3A_1718 = arith.index_cast %add3A_1690 : i32 to index
      %swap3A_1719 = arith.constant 0 : index
      %swap3A_1720 = tpu.vector_load %arg12[%swap3A_1718, %swap3A_1719] {strides = array<i32>} : memref<16x128xf32, #tpu.memory_space<vmem>>, vector<16xf32>,
      tpu.vector_store %arg12[%swap3A_1718, %swap3A_1719], %add3A_1717 {strides = array<i32>} : memref<16x128xf32, #tpu.memory_space<vmem>>, vector<16xf32>,
      %get3A_1721 = arith.index_cast %add3A_1690 : i32 to index
      %get3A_1722 = arith.constant 16 : index
      %get3A_1723 = tpu.vector_load %arg10[%get3A_1721, %get3A_1722] {strides = array<i32>} : memref<16x384xf32, #tpu.memory_space<vmem>>, vector<16xf32>,
      %get3A_1724 = arith.index_cast %add3A_1690 : i32 to index
      %get3A_1725 = arith.constant 144 : index
      %get3A_1726 = tpu.vector_load %arg10[%get3A_1724, %get3A_1725] {strides = array<i32>} : memref<16x384xf32, #tpu.memory_space<vmem>>, vector<16xf32>,
      %get3A_1727 = arith.index_cast %add3A_1690 : i32 to index
      %get3A_1728 = arith.constant 16 : index
      %get3A_1729 = tpu.vector_load %arg11[%get3A_1727, %get3A_1728] {strides = array<i32>} : memref<16x384xf32, #tpu.memory_space<vmem>>, vector<16xf32>,
      %get3A_1730 = arith.index_cast %add3A_1690 : i32 to index
      %get3A_1731 = arith.constant 144 : index
      %get3A_1732 = tpu.vector_load %arg11[%get3A_1730, %get3A_1731] {strides = array<i32>} : memref<16x384xf32, #tpu.memory_space<vmem>>, vector<16xf32>,
      %mul3A_1733 = vector.broadcast %squeeze3A_1692 : f32 to vector<16xf32>
      %mul3A_1734 = arith.mulf %mul3A_1733, %get3A_1723 : vector<16xf32>
      %mul3A_1735 = vector.broadcast %squeeze3A_1694 : f32 to vector<16xf32>
      %mul3A_1736 = arith.mulf %mul3A_1735, %get3A_1729 : vector<16xf32>
      %add3A_1737 = arith.addf %mul3A_1734, %mul3A_1736 : vector<16xf32>
      %add3A_1738 = arith.addf %get3A_1726, %get3A_1732 : vector<16xf32>
      %mul3A_1739 = vector.broadcast %squeeze3A_1696 : f32 to vector<16xf32>
      %mul3A_1740 = arith.mulf %mul3A_1739, %add3A_1738 : vector<16xf32>
      %add3A_1741 = arith.addf %add3A_1737, %mul3A_1740 : vector<16xf32>
      %swap3A_1742 = arith.index_cast %add3A_1690 : i32 to index
      %swap3A_1743 = arith.constant 16 : index
      %swap3A_1744 = tpu.vector_load %arg12[%swap3A_1742, %swap3A_1743] {strides = array<i32>} : memref<16x128xf32, #tpu.memory_space<vmem>>, vector<16xf32>,
      tpu.vector_store %arg12[%swap3A_1742, %swap3A_1743], %add3A_1741 {strides = array<i32>} : memref<16x128xf32, #tpu.memory_space<vmem>>, vector<16xf32>,
      %get3A_1745 = arith.index_cast %add3A_1690 : i32 to index
      %get3A_1746 = arith.constant 32 : index
      %get3A_1747 = tpu.vector_load %arg10[%get3A_1745, %get3A_1746] {strides = array<i32>} : memref<16x384xf32, #tpu.memory_space<vmem>>, vector<16xf32>,
      %get3A_1748 = arith.index_cast %add3A_1690 : i32 to index
      %get3A_1749 = arith.constant 160 : index
      %get3A_1750 = tpu.vector_load %arg10[%get3A_1748, %get3A_1749] {strides = array<i32>} : memref<16x384xf32, #tpu.memory_space<vmem>>, vector<16xf32>,
      %get3A_1751 = arith.index_cast %add3A_1690 : i32 to index
      %get3A_1752 = arith.constant 32 : index
      %get3A_1753 = tpu.vector_load %arg11[%get3A_1751, %get3A_1752] {strides = array<i32>} : memref<16x384xf32, #tpu.memory_space<vmem>>, vector<16xf32>,
      %get3A_1754 = arith.index_cast %add3A_1690 : i32 to index
      %get3A_1755 = arith.constant 160 : index
      %get3A_1756 = tpu.vector_load %arg11[%get3A_1754, %get3A_1755] {strides = array<i32>} : memref<16x384xf32, #tpu.memory_space<vmem>>, vector<16xf32>,
      %mul3A_1757 = vector.broadcast %squeeze3A_1692 : f32 to vector<16xf32>
      %mul3A_1758 = arith.mulf %mul3A_1757, %get3A_1747 : vector<16xf32>
      %mul3A_1759 = vector.broadcast %squeeze3A_1694 : f32 to vector<16xf32>
      %mul3A_1760 = arith.mulf %mul3A_1759, %get3A_1753 : vector<16xf32>
      %add3A_1761 = arith.addf %mul3A_1758, %mul3A_1760 : vector<16xf32>
      %add3A_1762 = arith.addf %get3A_1750, %get3A_1756 : vector<16xf32>
      %mul3A_1763 = vector.broadcast %squeeze3A_1696 : f32 to vector<16xf32>
      %mul3A_1764 = arith.mulf %mul3A_1763, %add3A_1762 : vector<16xf32>
      %add3A_1765 = arith.addf %add3A_1761, %mul3A_1764 : vector<16xf32>
      %swap3A_1766 = arith.index_cast %add3A_1690 : i32 to index
      %swap3A_1767 = arith.constant 32 : index
      %swap3A_1768 = tpu.vector_load %arg12[%swap3A_1766, %swap3A_1767] {strides = array<i32>} : memref<16x128xf32, #tpu.memory_space<vmem>>, vector<16xf32>,
      tpu.vector_store %arg12[%swap3A_1766, %swap3A_1767], %add3A_1765 {strides = array<i32>} : memref<16x128xf32, #tpu.memory_space<vmem>>, vector<16xf32>,
      %get3A_1769 = arith.index_cast %add3A_1690 : i32 to index
      %get3A_1770 = arith.constant 48 : index
      %get3A_1771 = tpu.vector_load %arg10[%get3A_1769, %get3A_1770] {strides = array<i32>} : memref<16x384xf32, #tpu.memory_space<vmem>>, vector<16xf32>,
      %get3A_1772 = arith.index_cast %add3A_1690 : i32 to index
      %get3A_1773 = arith.constant 176 : index
      %get3A_1774 = tpu.vector_load %arg10[%get3A_1772, %get3A_1773] {strides = array<i32>} : memref<16x384xf32, #tpu.memory_space<vmem>>, vector<16xf32>,
      %get3A_1775 = arith.index_cast %add3A_1690 : i32 to index
      %get3A_1776 = arith.constant 48 : index
      %get3A_1777 = tpu.vector_load %arg11[%get3A_1775, %get3A_1776] {strides = array<i32>} : memref<16x384xf32, #tpu.memory_space<vmem>>, vector<16xf32>,
      %get3A_1778 = arith.index_cast %add3A_1690 : i32 to index
      %get3A_1779 = arith.constant 176 : index
      %get3A_1780 = tpu.vector_load %arg11[%get3A_1778, %get3A_1779] {strides = array<i32>} : memref<16x384xf32, #tpu.memory_space<vmem>>, vector<16xf32>,
      %mul3A_1781 = vector.broadcast %squeeze3A_1692 : f32 to vector<16xf32>
      %mul3A_1782 = arith.mulf %mul3A_1781, %get3A_1771 : vector<16xf32>
      %mul3A_1783 = vector.broadcast %squeeze3A_1694 : f32 to vector<16xf32>
      %mul3A_1784 = arith.mulf %mul3A_1783, %get3A_1777 : vector<16xf32>
      %add3A_1785 = arith.addf %mul3A_1782, %mul3A_1784 : vector<16xf32>
      %add3A_1786 = arith.addf %get3A_1774, %get3A_1780 : vector<16xf32>
      %mul3A_1787 = vector.broadcast %squeeze3A_1696 : f32 to vector<16xf32>
      %mul3A_1788 = arith.mulf %mul3A_1787, %add3A_1786 : vector<16xf32>
      %add3A_1789 = arith.addf %add3A_1785, %mul3A_1788 : vector<16xf32>
      %swap3A_1790 = arith.index_cast %add3A_1690 : i32 to index
      %swap3A_1791 = arith.constant 48 : index
      %swap3A_1792 = tpu.vector_load %arg12[%swap3A_1790, %swap3A_1791] {strides = array<i32>} : memref<16x128xf32, #tpu.memory_space<vmem>>, vector<16xf32>,
      tpu.vector_store %arg12[%swap3A_1790, %swap3A_1791], %add3A_1789 {strides = array<i32>} : memref<16x128xf32, #tpu.memory_space<vmem>>, vector<16xf32>,
      %get3A_1793 = arith.index_cast %add3A_1690 : i32 to index
      %get3A_1794 = arith.constant 64 : index
      %get3A_1795 = tpu.vector_load %arg10[%get3A_1793, %get3A_1794] {strides = array<i32>} : memref<16x384xf32, #tpu.memory_space<vmem>>, vector<16xf32>,
      %get3A_1796 = arith.index_cast %add3A_1690 : i32 to index
      %get3A_1797 = arith.constant 192 : index
      %get3A_1798 = tpu.vector_load %arg10[%get3A_1796, %get3A_1797] {strides = array<i32>} : memref<16x384xf32, #tpu.memory_space<vmem>>, vector<16xf32>,
      %get3A_1799 = arith.index_cast %add3A_1690 : i32 to index
      %get3A_1800 = arith.constant 64 : index
      %get3A_1801 = tpu.vector_load %arg11[%get3A_1799, %get3A_1800] {strides = array<i32>} : memref<16x384xf32, #tpu.memory_space<vmem>>, vector<16xf32>,
      %get3A_1802 = arith.index_cast %add3A_1690 : i32 to index
      %get3A_1803 = arith.constant 192 : index
      %get3A_1804 = tpu.vector_load %arg11[%get3A_1802, %get3A_1803] {strides = array<i32>} : memref<16x384xf32, #tpu.memory_space<vmem>>, vector<16xf32>,
      %mul3A_1805 = vector.broadcast %squeeze3A_1692 : f32 to vector<16xf32>
      %mul3A_1806 = arith.mulf %mul3A_1805, %get3A_1795 : vector<16xf32>
      %mul3A_1807 = vector.broadcast %squeeze3A_1694 : f32 to vector<16xf32>
      %mul3A_1808 = arith.mulf %mul3A_1807, %get3A_1801 : vector<16xf32>
      %add3A_1809 = arith.addf %mul3A_1806, %mul3A_1808 : vector<16xf32>
      %add3A_1810 = arith.addf %get3A_1798, %get3A_1804 : vector<16xf32>
      %mul3A_1811 = vector.broadcast %squeeze3A_1696 : f32 to vector<16xf32>
      %mul3A_1812 = arith.mulf %mul3A_1811, %add3A_1810 : vector<16xf32>
      %add3A_1813 = arith.addf %add3A_1809, %mul3A_1812 : vector<16xf32>
      %swap3A_1814 = arith.index_cast %add3A_1690 : i32 to index
      %swap3A_1815 = arith.constant 64 : index
      %swap3A_1816 = tpu.vector_load %arg12[%swap3A_1814, %swap3A_1815] {strides = array<i32>} : memref<16x128xf32, #tpu.memory_space<vmem>>, vector<16xf32>,
      tpu.vector_store %arg12[%swap3A_1814, %swap3A_1815], %add3A_1813 {strides = array<i32>} : memref<16x128xf32, #tpu.memory_space<vmem>>, vector<16xf32>,
      %get3A_1817 = arith.index_cast %add3A_1690 : i32 to index
      %get3A_1818 = arith.constant 80 : index
      %get3A_1819 = tpu.vector_load %arg10[%get3A_1817, %get3A_1818] {strides = array<i32>} : memref<16x384xf32, #tpu.memory_space<vmem>>, vector<16xf32>,
      %get3A_1820 = arith.index_cast %add3A_1690 : i32 to index
      %get3A_1821 = arith.constant 208 : index
      %get3A_1822 = tpu.vector_load %arg10[%get3A_1820, %get3A_1821] {strides = array<i32>} : memref<16x384xf32, #tpu.memory_space<vmem>>, vector<16xf32>,
      %get3A_1823 = arith.index_cast %add3A_1690 : i32 to index
      %get3A_1824 = arith.constant 80 : index
      %get3A_1825 = tpu.vector_load %arg11[%get3A_1823, %get3A_1824] {strides = array<i32>} : memref<16x384xf32, #tpu.memory_space<vmem>>, vector<16xf32>,
      %get3A_1826 = arith.index_cast %add3A_1690 : i32 to index
      %get3A_1827 = arith.constant 208 : index
      %get3A_1828 = tpu.vector_load %arg11[%get3A_1826, %get3A_1827] {strides = array<i32>} : memref<16x384xf32, #tpu.memory_space<vmem>>, vector<16xf32>,
      %mul3A_1829 = vector.broadcast %squeeze3A_1692 : f32 to vector<16xf32>
      %mul3A_1830 = arith.mulf %mul3A_1829, %get3A_1819 : vector<16xf32>
      %mul3A_1831 = vector.broadcast %squeeze3A_1694 : f32 to vector<16xf32>
      %mul3A_1832 = arith.mulf %mul3A_1831, %get3A_1825 : vector<16xf32>
      %add3A_1833 = arith.addf %mul3A_1830, %mul3A_1832 : vector<16xf32>
      %add3A_1834 = arith.addf %get3A_1822, %get3A_1828 : vector<16xf32>
      %mul3A_1835 = vector.broadcast %squeeze3A_1696 : f32 to vector<16xf32>
      %mul3A_1836 = arith.mulf %mul3A_1835, %add3A_1834 : vector<16xf32>
      %add3A_1837 = arith.addf %add3A_1833, %mul3A_1836 : vector<16xf32>
      %swap3A_1838 = arith.index_cast %add3A_1690 : i32 to index
      %swap3A_1839 = arith.constant 80 : index
      %swap3A_1840 = tpu.vector_load %arg12[%swap3A_1838, %swap3A_1839] {strides = array<i32>} : memref<16x128xf32, #tpu.memory_space<vmem>>, vector<16xf32>,
      tpu.vector_store %arg12[%swap3A_1838, %swap3A_1839], %add3A_1837 {strides = array<i32>} : memref<16x128xf32, #tpu.memory_space<vmem>>, vector<16xf32>,
      %get3A_1841 = arith.index_cast %add3A_1690 : i32 to index
      %get3A_1842 = arith.constant 96 : index
      %get3A_1843 = tpu.vector_load %arg10[%get3A_1841, %get3A_1842] {strides = array<i32>} : memref<16x384xf32, #tpu.memory_space<vmem>>, vector<16xf32>,
      %get3A_1844 = arith.index_cast %add3A_1690 : i32 to index
      %get3A_1845 = arith.constant 224 : index
      %get3A_1846 = tpu.vector_load %arg10[%get3A_1844, %get3A_1845] {strides = array<i32>} : memref<16x384xf32, #tpu.memory_space<vmem>>, vector<16xf32>,
      %get3A_1847 = arith.index_cast %add3A_1690 : i32 to index
      %get3A_1848 = arith.constant 96 : index
      %get3A_1849 = tpu.vector_load %arg11[%get3A_1847, %get3A_1848] {strides = array<i32>} : memref<16x384xf32, #tpu.memory_space<vmem>>, vector<16xf32>,
      %get3A_1850 = arith.index_cast %add3A_1690 : i32 to index
      %get3A_1851 = arith.constant 224 : index
      %get3A_1852 = tpu.vector_load %arg11[%get3A_1850, %get3A_1851] {strides = array<i32>} : memref<16x384xf32, #tpu.memory_space<vmem>>, vector<16xf32>,
      %mul3A_1853 = vector.broadcast %squeeze3A_1692 : f32 to vector<16xf32>
      %mul3A_1854 = arith.mulf %mul3A_1853, %get3A_1843 : vector<16xf32>
      %mul3A_1855 = vector.broadcast %squeeze3A_1694 : f32 to vector<16xf32>
      %mul3A_1856 = arith.mulf %mul3A_1855, %get3A_1849 : vector<16xf32>
      %add3A_1857 = arith.addf %mul3A_1854, %mul3A_1856 : vector<16xf32>
      %add3A_1858 = arith.addf %get3A_1846, %get3A_1852 : vector<16xf32>
      %mul3A_1859 = vector.broadcast %squeeze3A_1696 : f32 to vector<16xf32>
      %mul3A_1860 = arith.mulf %mul3A_1859, %add3A_1858 : vector<16xf32>
      %add3A_1861 = arith.addf %add3A_1857, %mul3A_1860 : vector<16xf32>
      %swap3A_1862 = arith.index_cast %add3A_1690 : i32 to index
      %swap3A_1863 = arith.constant 96 : index
      %swap3A_1864 = tpu.vector_load %arg12[%swap3A_1862, %swap3A_1863] {strides = array<i32>} : memref<16x128xf32, #tpu.memory_space<vmem>>, vector<16xf32>,
      tpu.vector_store %arg12[%swap3A_1862, %swap3A_1863], %add3A_1861 {strides = array<i32>} : memref<16x128xf32, #tpu.memory_space<vmem>>, vector<16xf32>,
      %get3A_1865 = arith.index_cast %add3A_1690 : i32 to index
      %get3A_1866 = arith.constant 112 : index
      %get3A_1867 = tpu.vector_load %arg10[%get3A_1865, %get3A_1866] {strides = array<i32>} : memref<16x384xf32, #tpu.memory_space<vmem>>, vector<16xf32>,
      %get3A_1868 = arith.index_cast %add3A_1690 : i32 to index
      %get3A_1869 = arith.constant 240 : index
      %get3A_1870 = tpu.vector_load %arg10[%get3A_1868, %get3A_1869] {strides = array<i32>} : memref<16x384xf32, #tpu.memory_space<vmem>>, vector<16xf32>,
      %get3A_1871 = arith.index_cast %add3A_1690 : i32 to index
      %get3A_1872 = arith.constant 112 : index
      %get3A_1873 = tpu.vector_load %arg11[%get3A_1871, %get3A_1872] {strides = array<i32>} : memref<16x384xf32, #tpu.memory_space<vmem>>, vector<16xf32>,
      %get3A_1874 = arith.index_cast %add3A_1690 : i32 to index
      %get3A_1875 = arith.constant 240 : index
      %get3A_1876 = tpu.vector_load %arg11[%get3A_1874, %get3A_1875] {strides = array<i32>} : memref<16x384xf32, #tpu.memory_space<vmem>>, vector<16xf32>,
      %mul3A_1877 = vector.broadcast %squeeze3A_1692 : f32 to vector<16xf32>
      %mul3A_1878 = arith.mulf %mul3A_1877, %get3A_1867 : vector<16xf32>
      %mul3A_1879 = vector.broadcast %squeeze3A_1694 : f32 to vector<16xf32>
      %mul3A_1880 = arith.mulf %mul3A_1879, %get3A_1873 : vector<16xf32>
      %add3A_1881 = arith.addf %mul3A_1878, %mul3A_1880 : vector<16xf32>
      %add3A_1882 = arith.addf %get3A_1870, %get3A_1876 : vector<16xf32>
      %mul3A_1883 = vector.broadcast %squeeze3A_1696 : f32 to vector<16xf32>
      %mul3A_1884 = arith.mulf %mul3A_1883, %add3A_1882 : vector<16xf32>
      %add3A_1885 = arith.addf %add3A_1881, %mul3A_1884 : vector<16xf32>
      %swap3A_1886 = arith.index_cast %add3A_1690 : i32 to index
      %swap3A_1887 = arith.constant 112 : index
      %swap3A_1888 = tpu.vector_load %arg12[%swap3A_1886, %swap3A_1887] {strides = array<i32>} : memref<16x128xf32, #tpu.memory_space<vmem>>, vector<16xf32>,
      tpu.vector_store %arg12[%swap3A_1886, %swap3A_1887], %add3A_1885 {strides = array<i32>} : memref<16x128xf32, #tpu.memory_space<vmem>>, vector<16xf32>,
      %mul3A_1889 = arith.constant 16 : i32
      %mul3A_1890 = arith.muli %scan3A_37, %mul3A_1889 : i32
      %add3A_1891 = arith.constant 9 : i32
      %add3A_1892 = arith.addi %mul3A_1890, %add3A_1891 : i32
      %slice3A_1893 = vector.extract_strided_slice %mul3A_72 {offsets = [9], sizes = [1], strides = [1]} : vector<16xf32> to vector<1xf32>
      %squeeze3A_1894 = vector.extract %slice3A_1893[0] : f32 from vector<1xf32>
      %slice3A_1895 = vector.extract_strided_slice %mul3A_73 {offsets = [9], sizes = [1], strides = [1]} : vector<16xf32> to vector<1xf32>
      %squeeze3A_1896 = vector.extract %slice3A_1895[0] : f32 from vector<1xf32>
      %slice3A_1897 = vector.extract_strided_slice %mul3A_74 {offsets = [9], sizes = [1], strides = [1]} : vector<16xf32> to vector<1xf32>
      %squeeze3A_1898 = vector.extract %slice3A_1897[0] : f32 from vector<1xf32>
      %get3A_1899 = arith.index_cast %add3A_1892 : i32 to index
      %get3A_1900 = arith.constant 0 : index
      %get3A_1901 = tpu.vector_load %arg10[%get3A_1899, %get3A_1900] {strides = array<i32>} : memref<16x384xf32, #tpu.memory_space<vmem>>, vector<16xf32>,
      %get3A_1902 = arith.index_cast %add3A_1892 : i32 to index
      %get3A_1903 = arith.constant 128 : index
      %get3A_1904 = tpu.vector_load %arg10[%get3A_1902, %get3A_1903] {strides = array<i32>} : memref<16x384xf32, #tpu.memory_space<vmem>>, vector<16xf32>,
      %get3A_1905 = arith.index_cast %add3A_1892 : i32 to index
      %get3A_1906 = arith.constant 0 : index
      %get3A_1907 = tpu.vector_load %arg11[%get3A_1905, %get3A_1906] {strides = array<i32>} : memref<16x384xf32, #tpu.memory_space<vmem>>, vector<16xf32>,
      %get3A_1908 = arith.index_cast %add3A_1892 : i32 to index
      %get3A_1909 = arith.constant 128 : index
      %get3A_1910 = tpu.vector_load %arg11[%get3A_1908, %get3A_1909] {strides = array<i32>} : memref<16x384xf32, #tpu.memory_space<vmem>>, vector<16xf32>,
      %mul3A_1911 = vector.broadcast %squeeze3A_1894 : f32 to vector<16xf32>
      %mul3A_1912 = arith.mulf %mul3A_1911, %get3A_1901 : vector<16xf32>
      %mul3A_1913 = vector.broadcast %squeeze3A_1896 : f32 to vector<16xf32>
      %mul3A_1914 = arith.mulf %mul3A_1913, %get3A_1907 : vector<16xf32>
      %add3A_1915 = arith.addf %mul3A_1912, %mul3A_1914 : vector<16xf32>
      %add3A_1916 = arith.addf %get3A_1904, %get3A_1910 : vector<16xf32>
      %mul3A_1917 = vector.broadcast %squeeze3A_1898 : f32 to vector<16xf32>
      %mul3A_1918 = arith.mulf %mul3A_1917, %add3A_1916 : vector<16xf32>
      %add3A_1919 = arith.addf %add3A_1915, %mul3A_1918 : vector<16xf32>
      %swap3A_1920 = arith.index_cast %add3A_1892 : i32 to index
      %swap3A_1921 = arith.constant 0 : index
      %swap3A_1922 = tpu.vector_load %arg12[%swap3A_1920, %swap3A_1921] {strides = array<i32>} : memref<16x128xf32, #tpu.memory_space<vmem>>, vector<16xf32>,
      tpu.vector_store %arg12[%swap3A_1920, %swap3A_1921], %add3A_1919 {strides = array<i32>} : memref<16x128xf32, #tpu.memory_space<vmem>>, vector<16xf32>,
      %get3A_1923 = arith.index_cast %add3A_1892 : i32 to index
      %get3A_1924 = arith.constant 16 : index
      %get3A_1925 = tpu.vector_load %arg10[%get3A_1923, %get3A_1924] {strides = array<i32>} : memref<16x384xf32, #tpu.memory_space<vmem>>, vector<16xf32>,
      %get3A_1926 = arith.index_cast %add3A_1892 : i32 to index
      %get3A_1927 = arith.constant 144 : index
      %get3A_1928 = tpu.vector_load %arg10[%get3A_1926, %get3A_1927] {strides = array<i32>} : memref<16x384xf32, #tpu.memory_space<vmem>>, vector<16xf32>,
      %get3A_1929 = arith.index_cast %add3A_1892 : i32 to index
      %get3A_1930 = arith.constant 16 : index
      %get3A_1931 = tpu.vector_load %arg11[%get3A_1929, %get3A_1930] {strides = array<i32>} : memref<16x384xf32, #tpu.memory_space<vmem>>, vector<16xf32>,
      %get3A_1932 = arith.index_cast %add3A_1892 : i32 to index
      %get3A_1933 = arith.constant 144 : index
      %get3A_1934 = tpu.vector_load %arg11[%get3A_1932, %get3A_1933] {strides = array<i32>} : memref<16x384xf32, #tpu.memory_space<vmem>>, vector<16xf32>,
      %mul3A_1935 = vector.broadcast %squeeze3A_1894 : f32 to vector<16xf32>
      %mul3A_1936 = arith.mulf %mul3A_1935, %get3A_1925 : vector<16xf32>
      %mul3A_1937 = vector.broadcast %squeeze3A_1896 : f32 to vector<16xf32>
      %mul3A_1938 = arith.mulf %mul3A_1937, %get3A_1931 : vector<16xf32>
      %add3A_1939 = arith.addf %mul3A_1936, %mul3A_1938 : vector<16xf32>
      %add3A_1940 = arith.addf %get3A_1928, %get3A_1934 : vector<16xf32>
      %mul3A_1941 = vector.broadcast %squeeze3A_1898 : f32 to vector<16xf32>
      %mul3A_1942 = arith.mulf %mul3A_1941, %add3A_1940 : vector<16xf32>
      %add3A_1943 = arith.addf %add3A_1939, %mul3A_1942 : vector<16xf32>
      %swap3A_1944 = arith.index_cast %add3A_1892 : i32 to index
      %swap3A_1945 = arith.constant 16 : index
      %swap3A_1946 = tpu.vector_load %arg12[%swap3A_1944, %swap3A_1945] {strides = array<i32>} : memref<16x128xf32, #tpu.memory_space<vmem>>, vector<16xf32>,
      tpu.vector_store %arg12[%swap3A_1944, %swap3A_1945], %add3A_1943 {strides = array<i32>} : memref<16x128xf32, #tpu.memory_space<vmem>>, vector<16xf32>,
      %get3A_1947 = arith.index_cast %add3A_1892 : i32 to index
      %get3A_1948 = arith.constant 32 : index
      %get3A_1949 = tpu.vector_load %arg10[%get3A_1947, %get3A_1948] {strides = array<i32>} : memref<16x384xf32, #tpu.memory_space<vmem>>, vector<16xf32>,
      %get3A_1950 = arith.index_cast %add3A_1892 : i32 to index
      %get3A_1951 = arith.constant 160 : index
      %get3A_1952 = tpu.vector_load %arg10[%get3A_1950, %get3A_1951] {strides = array<i32>} : memref<16x384xf32, #tpu.memory_space<vmem>>, vector<16xf32>,
      %get3A_1953 = arith.index_cast %add3A_1892 : i32 to index
      %get3A_1954 = arith.constant 32 : index
      %get3A_1955 = tpu.vector_load %arg11[%get3A_1953, %get3A_1954] {strides = array<i32>} : memref<16x384xf32, #tpu.memory_space<vmem>>, vector<16xf32>,
      %get3A_1956 = arith.index_cast %add3A_1892 : i32 to index
      %get3A_1957 = arith.constant 160 : index
      %get3A_1958 = tpu.vector_load %arg11[%get3A_1956, %get3A_1957] {strides = array<i32>} : memref<16x384xf32, #tpu.memory_space<vmem>>, vector<16xf32>,
      %mul3A_1959 = vector.broadcast %squeeze3A_1894 : f32 to vector<16xf32>
      %mul3A_1960 = arith.mulf %mul3A_1959, %get3A_1949 : vector<16xf32>
      %mul3A_1961 = vector.broadcast %squeeze3A_1896 : f32 to vector<16xf32>
      %mul3A_1962 = arith.mulf %mul3A_1961, %get3A_1955 : vector<16xf32>
      %add3A_1963 = arith.addf %mul3A_1960, %mul3A_1962 : vector<16xf32>
      %add3A_1964 = arith.addf %get3A_1952, %get3A_1958 : vector<16xf32>
      %mul3A_1965 = vector.broadcast %squeeze3A_1898 : f32 to vector<16xf32>
      %mul3A_1966 = arith.mulf %mul3A_1965, %add3A_1964 : vector<16xf32>
      %add3A_1967 = arith.addf %add3A_1963, %mul3A_1966 : vector<16xf32>
      %swap3A_1968 = arith.index_cast %add3A_1892 : i32 to index
      %swap3A_1969 = arith.constant 32 : index
      %swap3A_1970 = tpu.vector_load %arg12[%swap3A_1968, %swap3A_1969] {strides = array<i32>} : memref<16x128xf32, #tpu.memory_space<vmem>>, vector<16xf32>,
      tpu.vector_store %arg12[%swap3A_1968, %swap3A_1969], %add3A_1967 {strides = array<i32>} : memref<16x128xf32, #tpu.memory_space<vmem>>, vector<16xf32>,
      %get3A_1971 = arith.index_cast %add3A_1892 : i32 to index
      %get3A_1972 = arith.constant 48 : index
      %get3A_1973 = tpu.vector_load %arg10[%get3A_1971, %get3A_1972] {strides = array<i32>} : memref<16x384xf32, #tpu.memory_space<vmem>>, vector<16xf32>,
      %get3A_1974 = arith.index_cast %add3A_1892 : i32 to index
      %get3A_1975 = arith.constant 176 : index
      %get3A_1976 = tpu.vector_load %arg10[%get3A_1974, %get3A_1975] {strides = array<i32>} : memref<16x384xf32, #tpu.memory_space<vmem>>, vector<16xf32>,
      %get3A_1977 = arith.index_cast %add3A_1892 : i32 to index
      %get3A_1978 = arith.constant 48 : index
      %get3A_1979 = tpu.vector_load %arg11[%get3A_1977, %get3A_1978] {strides = array<i32>} : memref<16x384xf32, #tpu.memory_space<vmem>>, vector<16xf32>,
      %get3A_1980 = arith.index_cast %add3A_1892 : i32 to index
      %get3A_1981 = arith.constant 176 : index
      %get3A_1982 = tpu.vector_load %arg11[%get3A_1980, %get3A_1981] {strides = array<i32>} : memref<16x384xf32, #tpu.memory_space<vmem>>, vector<16xf32>,
      %mul3A_1983 = vector.broadcast %squeeze3A_1894 : f32 to vector<16xf32>
      %mul3A_1984 = arith.mulf %mul3A_1983, %get3A_1973 : vector<16xf32>
      %mul3A_1985 = vector.broadcast %squeeze3A_1896 : f32 to vector<16xf32>
      %mul3A_1986 = arith.mulf %mul3A_1985, %get3A_1979 : vector<16xf32>
      %add3A_1987 = arith.addf %mul3A_1984, %mul3A_1986 : vector<16xf32>
      %add3A_1988 = arith.addf %get3A_1976, %get3A_1982 : vector<16xf32>
      %mul3A_1989 = vector.broadcast %squeeze3A_1898 : f32 to vector<16xf32>
      %mul3A_1990 = arith.mulf %mul3A_1989, %add3A_1988 : vector<16xf32>
      %add3A_1991 = arith.addf %add3A_1987, %mul3A_1990 : vector<16xf32>
      %swap3A_1992 = arith.index_cast %add3A_1892 : i32 to index
      %swap3A_1993 = arith.constant 48 : index
      %swap3A_1994 = tpu.vector_load %arg12[%swap3A_1992, %swap3A_1993] {strides = array<i32>} : memref<16x128xf32, #tpu.memory_space<vmem>>, vector<16xf32>,
      tpu.vector_store %arg12[%swap3A_1992, %swap3A_1993], %add3A_1991 {strides = array<i32>} : memref<16x128xf32, #tpu.memory_space<vmem>>, vector<16xf32>,
      %get3A_1995 = arith.index_cast %add3A_1892 : i32 to index
      %get3A_1996 = arith.constant 64 : index
      %get3A_1997 = tpu.vector_load %arg10[%get3A_1995, %get3A_1996] {strides = array<i32>} : memref<16x384xf32, #tpu.memory_space<vmem>>, vector<16xf32>,
      %get3A_1998 = arith.index_cast %add3A_1892 : i32 to index
      %get3A_1999 = arith.constant 192 : index
      %get3A_2000 = tpu.vector_load %arg10[%get3A_1998, %get3A_1999] {strides = array<i32>} : memref<16x384xf32, #tpu.memory_space<vmem>>, vector<16xf32>,
      %get3A_2001 = arith.index_cast %add3A_1892 : i32 to index
      %get3A_2002 = arith.constant 64 : index
      %get3A_2003 = tpu.vector_load %arg11[%get3A_2001, %get3A_2002] {strides = array<i32>} : memref<16x384xf32, #tpu.memory_space<vmem>>, vector<16xf32>,
      %get3A_2004 = arith.index_cast %add3A_1892 : i32 to index
      %get3A_2005 = arith.constant 192 : index
      %get3A_2006 = tpu.vector_load %arg11[%get3A_2004, %get3A_2005] {strides = array<i32>} : memref<16x384xf32, #tpu.memory_space<vmem>>, vector<16xf32>,
      %mul3A_2007 = vector.broadcast %squeeze3A_1894 : f32 to vector<16xf32>
      %mul3A_2008 = arith.mulf %mul3A_2007, %get3A_1997 : vector<16xf32>
      %mul3A_2009 = vector.broadcast %squeeze3A_1896 : f32 to vector<16xf32>
      %mul3A_2010 = arith.mulf %mul3A_2009, %get3A_2003 : vector<16xf32>
      %add3A_2011 = arith.addf %mul3A_2008, %mul3A_2010 : vector<16xf32>
      %add3A_2012 = arith.addf %get3A_2000, %get3A_2006 : vector<16xf32>
      %mul3A_2013 = vector.broadcast %squeeze3A_1898 : f32 to vector<16xf32>
      %mul3A_2014 = arith.mulf %mul3A_2013, %add3A_2012 : vector<16xf32>
      %add3A_2015 = arith.addf %add3A_2011, %mul3A_2014 : vector<16xf32>
      %swap3A_2016 = arith.index_cast %add3A_1892 : i32 to index
      %swap3A_2017 = arith.constant 64 : index
      %swap3A_2018 = tpu.vector_load %arg12[%swap3A_2016, %swap3A_2017] {strides = array<i32>} : memref<16x128xf32, #tpu.memory_space<vmem>>, vector<16xf32>,
      tpu.vector_store %arg12[%swap3A_2016, %swap3A_2017], %add3A_2015 {strides = array<i32>} : memref<16x128xf32, #tpu.memory_space<vmem>>, vector<16xf32>,
      %get3A_2019 = arith.index_cast %add3A_1892 : i32 to index
      %get3A_2020 = arith.constant 80 : index
      %get3A_2021 = tpu.vector_load %arg10[%get3A_2019, %get3A_2020] {strides = array<i32>} : memref<16x384xf32, #tpu.memory_space<vmem>>, vector<16xf32>,
      %get3A_2022 = arith.index_cast %add3A_1892 : i32 to index
      %get3A_2023 = arith.constant 208 : index
      %get3A_2024 = tpu.vector_load %arg10[%get3A_2022, %get3A_2023] {strides = array<i32>} : memref<16x384xf32, #tpu.memory_space<vmem>>, vector<16xf32>,
      %get3A_2025 = arith.index_cast %add3A_1892 : i32 to index
      %get3A_2026 = arith.constant 80 : index
      %get3A_2027 = tpu.vector_load %arg11[%get3A_2025, %get3A_2026] {strides = array<i32>} : memref<16x384xf32, #tpu.memory_space<vmem>>, vector<16xf32>,
      %get3A_2028 = arith.index_cast %add3A_1892 : i32 to index
      %get3A_2029 = arith.constant 208 : index
      %get3A_2030 = tpu.vector_load %arg11[%get3A_2028, %get3A_2029] {strides = array<i32>} : memref<16x384xf32, #tpu.memory_space<vmem>>, vector<16xf32>,
      %mul3A_2031 = vector.broadcast %squeeze3A_1894 : f32 to vector<16xf32>
      %mul3A_2032 = arith.mulf %mul3A_2031, %get3A_2021 : vector<16xf32>
      %mul3A_2033 = vector.broadcast %squeeze3A_1896 : f32 to vector<16xf32>
      %mul3A_2034 = arith.mulf %mul3A_2033, %get3A_2027 : vector<16xf32>
      %add3A_2035 = arith.addf %mul3A_2032, %mul3A_2034 : vector<16xf32>
      %add3A_2036 = arith.addf %get3A_2024, %get3A_2030 : vector<16xf32>
      %mul3A_2037 = vector.broadcast %squeeze3A_1898 : f32 to vector<16xf32>
      %mul3A_2038 = arith.mulf %mul3A_2037, %add3A_2036 : vector<16xf32>
      %add3A_2039 = arith.addf %add3A_2035, %mul3A_2038 : vector<16xf32>
      %swap3A_2040 = arith.index_cast %add3A_1892 : i32 to index
      %swap3A_2041 = arith.constant 80 : index
      %swap3A_2042 = tpu.vector_load %arg12[%swap3A_2040, %swap3A_2041] {strides = array<i32>} : memref<16x128xf32, #tpu.memory_space<vmem>>, vector<16xf32>,
      tpu.vector_store %arg12[%swap3A_2040, %swap3A_2041], %add3A_2039 {strides = array<i32>} : memref<16x128xf32, #tpu.memory_space<vmem>>, vector<16xf32>,
      %get3A_2043 = arith.index_cast %add3A_1892 : i32 to index
      %get3A_2044 = arith.constant 96 : index
      %get3A_2045 = tpu.vector_load %arg10[%get3A_2043, %get3A_2044] {strides = array<i32>} : memref<16x384xf32, #tpu.memory_space<vmem>>, vector<16xf32>,
      %get3A_2046 = arith.index_cast %add3A_1892 : i32 to index
      %get3A_2047 = arith.constant 224 : index
      %get3A_2048 = tpu.vector_load %arg10[%get3A_2046, %get3A_2047] {strides = array<i32>} : memref<16x384xf32, #tpu.memory_space<vmem>>, vector<16xf32>,
      %get3A_2049 = arith.index_cast %add3A_1892 : i32 to index
      %get3A_2050 = arith.constant 96 : index
      %get3A_2051 = tpu.vector_load %arg11[%get3A_2049, %get3A_2050] {strides = array<i32>} : memref<16x384xf32, #tpu.memory_space<vmem>>, vector<16xf32>,
      %get3A_2052 = arith.index_cast %add3A_1892 : i32 to index
      %get3A_2053 = arith.constant 224 : index
      %get3A_2054 = tpu.vector_load %arg11[%get3A_2052, %get3A_2053] {strides = array<i32>} : memref<16x384xf32, #tpu.memory_space<vmem>>, vector<16xf32>,
      %mul3A_2055 = vector.broadcast %squeeze3A_1894 : f32 to vector<16xf32>
      %mul3A_2056 = arith.mulf %mul3A_2055, %get3A_2045 : vector<16xf32>
      %mul3A_2057 = vector.broadcast %squeeze3A_1896 : f32 to vector<16xf32>
      %mul3A_2058 = arith.mulf %mul3A_2057, %get3A_2051 : vector<16xf32>
      %add3A_2059 = arith.addf %mul3A_2056, %mul3A_2058 : vector<16xf32>
      %add3A_2060 = arith.addf %get3A_2048, %get3A_2054 : vector<16xf32>
      %mul3A_2061 = vector.broadcast %squeeze3A_1898 : f32 to vector<16xf32>
      %mul3A_2062 = arith.mulf %mul3A_2061, %add3A_2060 : vector<16xf32>
      %add3A_2063 = arith.addf %add3A_2059, %mul3A_2062 : vector<16xf32>
      %swap3A_2064 = arith.index_cast %add3A_1892 : i32 to index
      %swap3A_2065 = arith.constant 96 : index
      %swap3A_2066 = tpu.vector_load %arg12[%swap3A_2064, %swap3A_2065] {strides = array<i32>} : memref<16x128xf32, #tpu.memory_space<vmem>>, vector<16xf32>,
      tpu.vector_store %arg12[%swap3A_2064, %swap3A_2065], %add3A_2063 {strides = array<i32>} : memref<16x128xf32, #tpu.memory_space<vmem>>, vector<16xf32>,
      %get3A_2067 = arith.index_cast %add3A_1892 : i32 to index
      %get3A_2068 = arith.constant 112 : index
      %get3A_2069 = tpu.vector_load %arg10[%get3A_2067, %get3A_2068] {strides = array<i32>} : memref<16x384xf32, #tpu.memory_space<vmem>>, vector<16xf32>,
      %get3A_2070 = arith.index_cast %add3A_1892 : i32 to index
      %get3A_2071 = arith.constant 240 : index
      %get3A_2072 = tpu.vector_load %arg10[%get3A_2070, %get3A_2071] {strides = array<i32>} : memref<16x384xf32, #tpu.memory_space<vmem>>, vector<16xf32>,
      %get3A_2073 = arith.index_cast %add3A_1892 : i32 to index
      %get3A_2074 = arith.constant 112 : index
      %get3A_2075 = tpu.vector_load %arg11[%get3A_2073, %get3A_2074] {strides = array<i32>} : memref<16x384xf32, #tpu.memory_space<vmem>>, vector<16xf32>,
      %get3A_2076 = arith.index_cast %add3A_1892 : i32 to index
      %get3A_2077 = arith.constant 240 : index
      %get3A_2078 = tpu.vector_load %arg11[%get3A_2076, %get3A_2077] {strides = array<i32>} : memref<16x384xf32, #tpu.memory_space<vmem>>, vector<16xf32>,
      %mul3A_2079 = vector.broadcast %squeeze3A_1894 : f32 to vector<16xf32>
      %mul3A_2080 = arith.mulf %mul3A_2079, %get3A_2069 : vector<16xf32>
      %mul3A_2081 = vector.broadcast %squeeze3A_1896 : f32 to vector<16xf32>
      %mul3A_2082 = arith.mulf %mul3A_2081, %get3A_2075 : vector<16xf32>
      %add3A_2083 = arith.addf %mul3A_2080, %mul3A_2082 : vector<16xf32>
      %add3A_2084 = arith.addf %get3A_2072, %get3A_2078 : vector<16xf32>
      %mul3A_2085 = vector.broadcast %squeeze3A_1898 : f32 to vector<16xf32>
      %mul3A_2086 = arith.mulf %mul3A_2085, %add3A_2084 : vector<16xf32>
      %add3A_2087 = arith.addf %add3A_2083, %mul3A_2086 : vector<16xf32>
      %swap3A_2088 = arith.index_cast %add3A_1892 : i32 to index
      %swap3A_2089 = arith.constant 112 : index
      %swap3A_2090 = tpu.vector_load %arg12[%swap3A_2088, %swap3A_2089] {strides = array<i32>} : memref<16x128xf32, #tpu.memory_space<vmem>>, vector<16xf32>,
      tpu.vector_store %arg12[%swap3A_2088, %swap3A_2089], %add3A_2087 {strides = array<i32>} : memref<16x128xf32, #tpu.memory_space<vmem>>, vector<16xf32>,
      %mul3A_2091 = arith.constant 16 : i32
      %mul3A_2092 = arith.muli %scan3A_37, %mul3A_2091 : i32
      %add3A_2093 = arith.constant 10 : i32
      %add3A_2094 = arith.addi %mul3A_2092, %add3A_2093 : i32
      %slice3A_2095 = vector.extract_strided_slice %mul3A_72 {offsets = [10], sizes = [1], strides = [1]} : vector<16xf32> to vector<1xf32>
      %squeeze3A_2096 = vector.extract %slice3A_2095[0] : f32 from vector<1xf32>
      %slice3A_2097 = vector.extract_strided_slice %mul3A_73 {offsets = [10], sizes = [1], strides = [1]} : vector<16xf32> to vector<1xf32>
      %squeeze3A_2098 = vector.extract %slice3A_2097[0] : f32 from vector<1xf32>
      %slice3A_2099 = vector.extract_strided_slice %mul3A_74 {offsets = [10], sizes = [1], strides = [1]} : vector<16xf32> to vector<1xf32>
      %squeeze3A_2100 = vector.extract %slice3A_2099[0] : f32 from vector<1xf32>
      %get3A_2101 = arith.index_cast %add3A_2094 : i32 to index
      %get3A_2102 = arith.constant 0 : index
      %get3A_2103 = tpu.vector_load %arg10[%get3A_2101, %get3A_2102] {strides = array<i32>} : memref<16x384xf32, #tpu.memory_space<vmem>>, vector<16xf32>,
      %get3A_2104 = arith.index_cast %add3A_2094 : i32 to index
      %get3A_2105 = arith.constant 128 : index
      %get3A_2106 = tpu.vector_load %arg10[%get3A_2104, %get3A_2105] {strides = array<i32>} : memref<16x384xf32, #tpu.memory_space<vmem>>, vector<16xf32>,
      %get3A_2107 = arith.index_cast %add3A_2094 : i32 to index
      %get3A_2108 = arith.constant 0 : index
      %get3A_2109 = tpu.vector_load %arg11[%get3A_2107, %get3A_2108] {strides = array<i32>} : memref<16x384xf32, #tpu.memory_space<vmem>>, vector<16xf32>,
      %get3A_2110 = arith.index_cast %add3A_2094 : i32 to index
      %get3A_2111 = arith.constant 128 : index
      %get3A_2112 = tpu.vector_load %arg11[%get3A_2110, %get3A_2111] {strides = array<i32>} : memref<16x384xf32, #tpu.memory_space<vmem>>, vector<16xf32>,
      %mul3A_2113 = vector.broadcast %squeeze3A_2096 : f32 to vector<16xf32>
      %mul3A_2114 = arith.mulf %mul3A_2113, %get3A_2103 : vector<16xf32>
      %mul3A_2115 = vector.broadcast %squeeze3A_2098 : f32 to vector<16xf32>
      %mul3A_2116 = arith.mulf %mul3A_2115, %get3A_2109 : vector<16xf32>
      %add3A_2117 = arith.addf %mul3A_2114, %mul3A_2116 : vector<16xf32>
      %add3A_2118 = arith.addf %get3A_2106, %get3A_2112 : vector<16xf32>
      %mul3A_2119 = vector.broadcast %squeeze3A_2100 : f32 to vector<16xf32>
      %mul3A_2120 = arith.mulf %mul3A_2119, %add3A_2118 : vector<16xf32>
      %add3A_2121 = arith.addf %add3A_2117, %mul3A_2120 : vector<16xf32>
      %swap3A_2122 = arith.index_cast %add3A_2094 : i32 to index
      %swap3A_2123 = arith.constant 0 : index
      %swap3A_2124 = tpu.vector_load %arg12[%swap3A_2122, %swap3A_2123] {strides = array<i32>} : memref<16x128xf32, #tpu.memory_space<vmem>>, vector<16xf32>,
      tpu.vector_store %arg12[%swap3A_2122, %swap3A_2123], %add3A_2121 {strides = array<i32>} : memref<16x128xf32, #tpu.memory_space<vmem>>, vector<16xf32>,
      %get3A_2125 = arith.index_cast %add3A_2094 : i32 to index
      %get3A_2126 = arith.constant 16 : index
      %get3A_2127 = tpu.vector_load %arg10[%get3A_2125, %get3A_2126] {strides = array<i32>} : memref<16x384xf32, #tpu.memory_space<vmem>>, vector<16xf32>,
      %get3A_2128 = arith.index_cast %add3A_2094 : i32 to index
      %get3A_2129 = arith.constant 144 : index
      %get3A_2130 = tpu.vector_load %arg10[%get3A_2128, %get3A_2129] {strides = array<i32>} : memref<16x384xf32, #tpu.memory_space<vmem>>, vector<16xf32>,
      %get3A_2131 = arith.index_cast %add3A_2094 : i32 to index
      %get3A_2132 = arith.constant 16 : index
      %get3A_2133 = tpu.vector_load %arg11[%get3A_2131, %get3A_2132] {strides = array<i32>} : memref<16x384xf32, #tpu.memory_space<vmem>>, vector<16xf32>,
      %get3A_2134 = arith.index_cast %add3A_2094 : i32 to index
      %get3A_2135 = arith.constant 144 : index
      %get3A_2136 = tpu.vector_load %arg11[%get3A_2134, %get3A_2135] {strides = array<i32>} : memref<16x384xf32, #tpu.memory_space<vmem>>, vector<16xf32>,
      %mul3A_2137 = vector.broadcast %squeeze3A_2096 : f32 to vector<16xf32>
      %mul3A_2138 = arith.mulf %mul3A_2137, %get3A_2127 : vector<16xf32>
      %mul3A_2139 = vector.broadcast %squeeze3A_2098 : f32 to vector<16xf32>
      %mul3A_2140 = arith.mulf %mul3A_2139, %get3A_2133 : vector<16xf32>
      %add3A_2141 = arith.addf %mul3A_2138, %mul3A_2140 : vector<16xf32>
      %add3A_2142 = arith.addf %get3A_2130, %get3A_2136 : vector<16xf32>
      %mul3A_2143 = vector.broadcast %squeeze3A_2100 : f32 to vector<16xf32>
      %mul3A_2144 = arith.mulf %mul3A_2143, %add3A_2142 : vector<16xf32>
      %add3A_2145 = arith.addf %add3A_2141, %mul3A_2144 : vector<16xf32>
      %swap3A_2146 = arith.index_cast %add3A_2094 : i32 to index
      %swap3A_2147 = arith.constant 16 : index
      %swap3A_2148 = tpu.vector_load %arg12[%swap3A_2146, %swap3A_2147] {strides = array<i32>} : memref<16x128xf32, #tpu.memory_space<vmem>>, vector<16xf32>,
      tpu.vector_store %arg12[%swap3A_2146, %swap3A_2147], %add3A_2145 {strides = array<i32>} : memref<16x128xf32, #tpu.memory_space<vmem>>, vector<16xf32>,
      %get3A_2149 = arith.index_cast %add3A_2094 : i32 to index
      %get3A_2150 = arith.constant 32 : index
      %get3A_2151 = tpu.vector_load %arg10[%get3A_2149, %get3A_2150] {strides = array<i32>} : memref<16x384xf32, #tpu.memory_space<vmem>>, vector<16xf32>,
      %get3A_2152 = arith.index_cast %add3A_2094 : i32 to index
      %get3A_2153 = arith.constant 160 : index
      %get3A_2154 = tpu.vector_load %arg10[%get3A_2152, %get3A_2153] {strides = array<i32>} : memref<16x384xf32, #tpu.memory_space<vmem>>, vector<16xf32>,
      %get3A_2155 = arith.index_cast %add3A_2094 : i32 to index
      %get3A_2156 = arith.constant 32 : index
      %get3A_2157 = tpu.vector_load %arg11[%get3A_2155, %get3A_2156] {strides = array<i32>} : memref<16x384xf32, #tpu.memory_space<vmem>>, vector<16xf32>,
      %get3A_2158 = arith.index_cast %add3A_2094 : i32 to index
      %get3A_2159 = arith.constant 160 : index
      %get3A_2160 = tpu.vector_load %arg11[%get3A_2158, %get3A_2159] {strides = array<i32>} : memref<16x384xf32, #tpu.memory_space<vmem>>, vector<16xf32>,
      %mul3A_2161 = vector.broadcast %squeeze3A_2096 : f32 to vector<16xf32>
      %mul3A_2162 = arith.mulf %mul3A_2161, %get3A_2151 : vector<16xf32>
      %mul3A_2163 = vector.broadcast %squeeze3A_2098 : f32 to vector<16xf32>
      %mul3A_2164 = arith.mulf %mul3A_2163, %get3A_2157 : vector<16xf32>
      %add3A_2165 = arith.addf %mul3A_2162, %mul3A_2164 : vector<16xf32>
      %add3A_2166 = arith.addf %get3A_2154, %get3A_2160 : vector<16xf32>
      %mul3A_2167 = vector.broadcast %squeeze3A_2100 : f32 to vector<16xf32>
      %mul3A_2168 = arith.mulf %mul3A_2167, %add3A_2166 : vector<16xf32>
      %add3A_2169 = arith.addf %add3A_2165, %mul3A_2168 : vector<16xf32>
      %swap3A_2170 = arith.index_cast %add3A_2094 : i32 to index
      %swap3A_2171 = arith.constant 32 : index
      %swap3A_2172 = tpu.vector_load %arg12[%swap3A_2170, %swap3A_2171] {strides = array<i32>} : memref<16x128xf32, #tpu.memory_space<vmem>>, vector<16xf32>,
      tpu.vector_store %arg12[%swap3A_2170, %swap3A_2171], %add3A_2169 {strides = array<i32>} : memref<16x128xf32, #tpu.memory_space<vmem>>, vector<16xf32>,
      %get3A_2173 = arith.index_cast %add3A_2094 : i32 to index
      %get3A_2174 = arith.constant 48 : index
      %get3A_2175 = tpu.vector_load %arg10[%get3A_2173, %get3A_2174] {strides = array<i32>} : memref<16x384xf32, #tpu.memory_space<vmem>>, vector<16xf32>,
      %get3A_2176 = arith.index_cast %add3A_2094 : i32 to index
      %get3A_2177 = arith.constant 176 : index
      %get3A_2178 = tpu.vector_load %arg10[%get3A_2176, %get3A_2177] {strides = array<i32>} : memref<16x384xf32, #tpu.memory_space<vmem>>, vector<16xf32>,
      %get3A_2179 = arith.index_cast %add3A_2094 : i32 to index
      %get3A_2180 = arith.constant 48 : index
      %get3A_2181 = tpu.vector_load %arg11[%get3A_2179, %get3A_2180] {strides = array<i32>} : memref<16x384xf32, #tpu.memory_space<vmem>>, vector<16xf32>,
      %get3A_2182 = arith.index_cast %add3A_2094 : i32 to index
      %get3A_2183 = arith.constant 176 : index
      %get3A_2184 = tpu.vector_load %arg11[%get3A_2182, %get3A_2183] {strides = array<i32>} : memref<16x384xf32, #tpu.memory_space<vmem>>, vector<16xf32>,
      %mul3A_2185 = vector.broadcast %squeeze3A_2096 : f32 to vector<16xf32>
      %mul3A_2186 = arith.mulf %mul3A_2185, %get3A_2175 : vector<16xf32>
      %mul3A_2187 = vector.broadcast %squeeze3A_2098 : f32 to vector<16xf32>
      %mul3A_2188 = arith.mulf %mul3A_2187, %get3A_2181 : vector<16xf32>
      %add3A_2189 = arith.addf %mul3A_2186, %mul3A_2188 : vector<16xf32>
      %add3A_2190 = arith.addf %get3A_2178, %get3A_2184 : vector<16xf32>
      %mul3A_2191 = vector.broadcast %squeeze3A_2100 : f32 to vector<16xf32>
      %mul3A_2192 = arith.mulf %mul3A_2191, %add3A_2190 : vector<16xf32>
      %add3A_2193 = arith.addf %add3A_2189, %mul3A_2192 : vector<16xf32>
      %swap3A_2194 = arith.index_cast %add3A_2094 : i32 to index
      %swap3A_2195 = arith.constant 48 : index
      %swap3A_2196 = tpu.vector_load %arg12[%swap3A_2194, %swap3A_2195] {strides = array<i32>} : memref<16x128xf32, #tpu.memory_space<vmem>>, vector<16xf32>,
      tpu.vector_store %arg12[%swap3A_2194, %swap3A_2195], %add3A_2193 {strides = array<i32>} : memref<16x128xf32, #tpu.memory_space<vmem>>, vector<16xf32>,
      %get3A_2197 = arith.index_cast %add3A_2094 : i32 to index
      %get3A_2198 = arith.constant 64 : index
      %get3A_2199 = tpu.vector_load %arg10[%get3A_2197, %get3A_2198] {strides = array<i32>} : memref<16x384xf32, #tpu.memory_space<vmem>>, vector<16xf32>,
      %get3A_2200 = arith.index_cast %add3A_2094 : i32 to index
      %get3A_2201 = arith.constant 192 : index
      %get3A_2202 = tpu.vector_load %arg10[%get3A_2200, %get3A_2201] {strides = array<i32>} : memref<16x384xf32, #tpu.memory_space<vmem>>, vector<16xf32>,
      %get3A_2203 = arith.index_cast %add3A_2094 : i32 to index
      %get3A_2204 = arith.constant 64 : index
      %get3A_2205 = tpu.vector_load %arg11[%get3A_2203, %get3A_2204] {strides = array<i32>} : memref<16x384xf32, #tpu.memory_space<vmem>>, vector<16xf32>,
      %get3A_2206 = arith.index_cast %add3A_2094 : i32 to index
      %get3A_2207 = arith.constant 192 : index
      %get3A_2208 = tpu.vector_load %arg11[%get3A_2206, %get3A_2207] {strides = array<i32>} : memref<16x384xf32, #tpu.memory_space<vmem>>, vector<16xf32>,
      %mul3A_2209 = vector.broadcast %squeeze3A_2096 : f32 to vector<16xf32>
      %mul3A_2210 = arith.mulf %mul3A_2209, %get3A_2199 : vector<16xf32>
      %mul3A_2211 = vector.broadcast %squeeze3A_2098 : f32 to vector<16xf32>
      %mul3A_2212 = arith.mulf %mul3A_2211, %get3A_2205 : vector<16xf32>
      %add3A_2213 = arith.addf %mul3A_2210, %mul3A_2212 : vector<16xf32>
      %add3A_2214 = arith.addf %get3A_2202, %get3A_2208 : vector<16xf32>
      %mul3A_2215 = vector.broadcast %squeeze3A_2100 : f32 to vector<16xf32>
      %mul3A_2216 = arith.mulf %mul3A_2215, %add3A_2214 : vector<16xf32>
      %add3A_2217 = arith.addf %add3A_2213, %mul3A_2216 : vector<16xf32>
      %swap3A_2218 = arith.index_cast %add3A_2094 : i32 to index
      %swap3A_2219 = arith.constant 64 : index
      %swap3A_2220 = tpu.vector_load %arg12[%swap3A_2218, %swap3A_2219] {strides = array<i32>} : memref<16x128xf32, #tpu.memory_space<vmem>>, vector<16xf32>,
      tpu.vector_store %arg12[%swap3A_2218, %swap3A_2219], %add3A_2217 {strides = array<i32>} : memref<16x128xf32, #tpu.memory_space<vmem>>, vector<16xf32>,
      %get3A_2221 = arith.index_cast %add3A_2094 : i32 to index
      %get3A_2222 = arith.constant 80 : index
      %get3A_2223 = tpu.vector_load %arg10[%get3A_2221, %get3A_2222] {strides = array<i32>} : memref<16x384xf32, #tpu.memory_space<vmem>>, vector<16xf32>,
      %get3A_2224 = arith.index_cast %add3A_2094 : i32 to index
      %get3A_2225 = arith.constant 208 : index
      %get3A_2226 = tpu.vector_load %arg10[%get3A_2224, %get3A_2225] {strides = array<i32>} : memref<16x384xf32, #tpu.memory_space<vmem>>, vector<16xf32>,
      %get3A_2227 = arith.index_cast %add3A_2094 : i32 to index
      %get3A_2228 = arith.constant 80 : index
      %get3A_2229 = tpu.vector_load %arg11[%get3A_2227, %get3A_2228] {strides = array<i32>} : memref<16x384xf32, #tpu.memory_space<vmem>>, vector<16xf32>,
      %get3A_2230 = arith.index_cast %add3A_2094 : i32 to index
      %get3A_2231 = arith.constant 208 : index
      %get3A_2232 = tpu.vector_load %arg11[%get3A_2230, %get3A_2231] {strides = array<i32>} : memref<16x384xf32, #tpu.memory_space<vmem>>, vector<16xf32>,
      %mul3A_2233 = vector.broadcast %squeeze3A_2096 : f32 to vector<16xf32>
      %mul3A_2234 = arith.mulf %mul3A_2233, %get3A_2223 : vector<16xf32>
      %mul3A_2235 = vector.broadcast %squeeze3A_2098 : f32 to vector<16xf32>
      %mul3A_2236 = arith.mulf %mul3A_2235, %get3A_2229 : vector<16xf32>
      %add3A_2237 = arith.addf %mul3A_2234, %mul3A_2236 : vector<16xf32>
      %add3A_2238 = arith.addf %get3A_2226, %get3A_2232 : vector<16xf32>
      %mul3A_2239 = vector.broadcast %squeeze3A_2100 : f32 to vector<16xf32>
      %mul3A_2240 = arith.mulf %mul3A_2239, %add3A_2238 : vector<16xf32>
      %add3A_2241 = arith.addf %add3A_2237, %mul3A_2240 : vector<16xf32>
      %swap3A_2242 = arith.index_cast %add3A_2094 : i32 to index
      %swap3A_2243 = arith.constant 80 : index
      %swap3A_2244 = tpu.vector_load %arg12[%swap3A_2242, %swap3A_2243] {strides = array<i32>} : memref<16x128xf32, #tpu.memory_space<vmem>>, vector<16xf32>,
      tpu.vector_store %arg12[%swap3A_2242, %swap3A_2243], %add3A_2241 {strides = array<i32>} : memref<16x128xf32, #tpu.memory_space<vmem>>, vector<16xf32>,
      %get3A_2245 = arith.index_cast %add3A_2094 : i32 to index
      %get3A_2246 = arith.constant 96 : index
      %get3A_2247 = tpu.vector_load %arg10[%get3A_2245, %get3A_2246] {strides = array<i32>} : memref<16x384xf32, #tpu.memory_space<vmem>>, vector<16xf32>,
      %get3A_2248 = arith.index_cast %add3A_2094 : i32 to index
      %get3A_2249 = arith.constant 224 : index
      %get3A_2250 = tpu.vector_load %arg10[%get3A_2248, %get3A_2249] {strides = array<i32>} : memref<16x384xf32, #tpu.memory_space<vmem>>, vector<16xf32>,
      %get3A_2251 = arith.index_cast %add3A_2094 : i32 to index
      %get3A_2252 = arith.constant 96 : index
      %get3A_2253 = tpu.vector_load %arg11[%get3A_2251, %get3A_2252] {strides = array<i32>} : memref<16x384xf32, #tpu.memory_space<vmem>>, vector<16xf32>,
      %get3A_2254 = arith.index_cast %add3A_2094 : i32 to index
      %get3A_2255 = arith.constant 224 : index
      %get3A_2256 = tpu.vector_load %arg11[%get3A_2254, %get3A_2255] {strides = array<i32>} : memref<16x384xf32, #tpu.memory_space<vmem>>, vector<16xf32>,
      %mul3A_2257 = vector.broadcast %squeeze3A_2096 : f32 to vector<16xf32>
      %mul3A_2258 = arith.mulf %mul3A_2257, %get3A_2247 : vector<16xf32>
      %mul3A_2259 = vector.broadcast %squeeze3A_2098 : f32 to vector<16xf32>
      %mul3A_2260 = arith.mulf %mul3A_2259, %get3A_2253 : vector<16xf32>
      %add3A_2261 = arith.addf %mul3A_2258, %mul3A_2260 : vector<16xf32>
      %add3A_2262 = arith.addf %get3A_2250, %get3A_2256 : vector<16xf32>
      %mul3A_2263 = vector.broadcast %squeeze3A_2100 : f32 to vector<16xf32>
      %mul3A_2264 = arith.mulf %mul3A_2263, %add3A_2262 : vector<16xf32>
      %add3A_2265 = arith.addf %add3A_2261, %mul3A_2264 : vector<16xf32>
      %swap3A_2266 = arith.index_cast %add3A_2094 : i32 to index
      %swap3A_2267 = arith.constant 96 : index
      %swap3A_2268 = tpu.vector_load %arg12[%swap3A_2266, %swap3A_2267] {strides = array<i32>} : memref<16x128xf32, #tpu.memory_space<vmem>>, vector<16xf32>,
      tpu.vector_store %arg12[%swap3A_2266, %swap3A_2267], %add3A_2265 {strides = array<i32>} : memref<16x128xf32, #tpu.memory_space<vmem>>, vector<16xf32>,
      %get3A_2269 = arith.index_cast %add3A_2094 : i32 to index
      %get3A_2270 = arith.constant 112 : index
      %get3A_2271 = tpu.vector_load %arg10[%get3A_2269, %get3A_2270] {strides = array<i32>} : memref<16x384xf32, #tpu.memory_space<vmem>>, vector<16xf32>,
      %get3A_2272 = arith.index_cast %add3A_2094 : i32 to index
      %get3A_2273 = arith.constant 240 : index
      %get3A_2274 = tpu.vector_load %arg10[%get3A_2272, %get3A_2273] {strides = array<i32>} : memref<16x384xf32, #tpu.memory_space<vmem>>, vector<16xf32>,
      %get3A_2275 = arith.index_cast %add3A_2094 : i32 to index
      %get3A_2276 = arith.constant 112 : index
      %get3A_2277 = tpu.vector_load %arg11[%get3A_2275, %get3A_2276] {strides = array<i32>} : memref<16x384xf32, #tpu.memory_space<vmem>>, vector<16xf32>,
      %get3A_2278 = arith.index_cast %add3A_2094 : i32 to index
      %get3A_2279 = arith.constant 240 : index
      %get3A_2280 = tpu.vector_load %arg11[%get3A_2278, %get3A_2279] {strides = array<i32>} : memref<16x384xf32, #tpu.memory_space<vmem>>, vector<16xf32>,
      %mul3A_2281 = vector.broadcast %squeeze3A_2096 : f32 to vector<16xf32>
      %mul3A_2282 = arith.mulf %mul3A_2281, %get3A_2271 : vector<16xf32>
      %mul3A_2283 = vector.broadcast %squeeze3A_2098 : f32 to vector<16xf32>
      %mul3A_2284 = arith.mulf %mul3A_2283, %get3A_2277 : vector<16xf32>
      %add3A_2285 = arith.addf %mul3A_2282, %mul3A_2284 : vector<16xf32>
      %add3A_2286 = arith.addf %get3A_2274, %get3A_2280 : vector<16xf32>
      %mul3A_2287 = vector.broadcast %squeeze3A_2100 : f32 to vector<16xf32>
      %mul3A_2288 = arith.mulf %mul3A_2287, %add3A_2286 : vector<16xf32>
      %add3A_2289 = arith.addf %add3A_2285, %mul3A_2288 : vector<16xf32>
      %swap3A_2290 = arith.index_cast %add3A_2094 : i32 to index
      %swap3A_2291 = arith.constant 112 : index
      %swap3A_2292 = tpu.vector_load %arg12[%swap3A_2290, %swap3A_2291] {strides = array<i32>} : memref<16x128xf32, #tpu.memory_space<vmem>>, vector<16xf32>,
      tpu.vector_store %arg12[%swap3A_2290, %swap3A_2291], %add3A_2289 {strides = array<i32>} : memref<16x128xf32, #tpu.memory_space<vmem>>, vector<16xf32>,
      %mul3A_2293 = arith.constant 16 : i32
      %mul3A_2294 = arith.muli %scan3A_37, %mul3A_2293 : i32
      %add3A_2295 = arith.constant 11 : i32
      %add3A_2296 = arith.addi %mul3A_2294, %add3A_2295 : i32
      %slice3A_2297 = vector.extract_strided_slice %mul3A_72 {offsets = [11], sizes = [1], strides = [1]} : vector<16xf32> to vector<1xf32>
      %squeeze3A_2298 = vector.extract %slice3A_2297[0] : f32 from vector<1xf32>
      %slice3A_2299 = vector.extract_strided_slice %mul3A_73 {offsets = [11], sizes = [1], strides = [1]} : vector<16xf32> to vector<1xf32>
      %squeeze3A_2300 = vector.extract %slice3A_2299[0] : f32 from vector<1xf32>
      %slice3A_2301 = vector.extract_strided_slice %mul3A_74 {offsets = [11], sizes = [1], strides = [1]} : vector<16xf32> to vector<1xf32>
      %squeeze3A_2302 = vector.extract %slice3A_2301[0] : f32 from vector<1xf32>
      %get3A_2303 = arith.index_cast %add3A_2296 : i32 to index
      %get3A_2304 = arith.constant 0 : index
      %get3A_2305 = tpu.vector_load %arg10[%get3A_2303, %get3A_2304] {strides = array<i32>} : memref<16x384xf32, #tpu.memory_space<vmem>>, vector<16xf32>,
      %get3A_2306 = arith.index_cast %add3A_2296 : i32 to index
      %get3A_2307 = arith.constant 128 : index
      %get3A_2308 = tpu.vector_load %arg10[%get3A_2306, %get3A_2307] {strides = array<i32>} : memref<16x384xf32, #tpu.memory_space<vmem>>, vector<16xf32>,
      %get3A_2309 = arith.index_cast %add3A_2296 : i32 to index
      %get3A_2310 = arith.constant 0 : index
      %get3A_2311 = tpu.vector_load %arg11[%get3A_2309, %get3A_2310] {strides = array<i32>} : memref<16x384xf32, #tpu.memory_space<vmem>>, vector<16xf32>,
      %get3A_2312 = arith.index_cast %add3A_2296 : i32 to index
      %get3A_2313 = arith.constant 128 : index
      %get3A_2314 = tpu.vector_load %arg11[%get3A_2312, %get3A_2313] {strides = array<i32>} : memref<16x384xf32, #tpu.memory_space<vmem>>, vector<16xf32>,
      %mul3A_2315 = vector.broadcast %squeeze3A_2298 : f32 to vector<16xf32>
      %mul3A_2316 = arith.mulf %mul3A_2315, %get3A_2305 : vector<16xf32>
      %mul3A_2317 = vector.broadcast %squeeze3A_2300 : f32 to vector<16xf32>
      %mul3A_2318 = arith.mulf %mul3A_2317, %get3A_2311 : vector<16xf32>
      %add3A_2319 = arith.addf %mul3A_2316, %mul3A_2318 : vector<16xf32>
      %add3A_2320 = arith.addf %get3A_2308, %get3A_2314 : vector<16xf32>
      %mul3A_2321 = vector.broadcast %squeeze3A_2302 : f32 to vector<16xf32>
      %mul3A_2322 = arith.mulf %mul3A_2321, %add3A_2320 : vector<16xf32>
      %add3A_2323 = arith.addf %add3A_2319, %mul3A_2322 : vector<16xf32>
      %swap3A_2324 = arith.index_cast %add3A_2296 : i32 to index
      %swap3A_2325 = arith.constant 0 : index
      %swap3A_2326 = tpu.vector_load %arg12[%swap3A_2324, %swap3A_2325] {strides = array<i32>} : memref<16x128xf32, #tpu.memory_space<vmem>>, vector<16xf32>,
      tpu.vector_store %arg12[%swap3A_2324, %swap3A_2325], %add3A_2323 {strides = array<i32>} : memref<16x128xf32, #tpu.memory_space<vmem>>, vector<16xf32>,
      %get3A_2327 = arith.index_cast %add3A_2296 : i32 to index
      %get3A_2328 = arith.constant 16 : index
      %get3A_2329 = tpu.vector_load %arg10[%get3A_2327, %get3A_2328] {strides = array<i32>} : memref<16x384xf32, #tpu.memory_space<vmem>>, vector<16xf32>,
      %get3A_2330 = arith.index_cast %add3A_2296 : i32 to index
      %get3A_2331 = arith.constant 144 : index
      %get3A_2332 = tpu.vector_load %arg10[%get3A_2330, %get3A_2331] {strides = array<i32>} : memref<16x384xf32, #tpu.memory_space<vmem>>, vector<16xf32>,
      %get3A_2333 = arith.index_cast %add3A_2296 : i32 to index
      %get3A_2334 = arith.constant 16 : index
      %get3A_2335 = tpu.vector_load %arg11[%get3A_2333, %get3A_2334] {strides = array<i32>} : memref<16x384xf32, #tpu.memory_space<vmem>>, vector<16xf32>,
      %get3A_2336 = arith.index_cast %add3A_2296 : i32 to index
      %get3A_2337 = arith.constant 144 : index
      %get3A_2338 = tpu.vector_load %arg11[%get3A_2336, %get3A_2337] {strides = array<i32>} : memref<16x384xf32, #tpu.memory_space<vmem>>, vector<16xf32>,
      %mul3A_2339 = vector.broadcast %squeeze3A_2298 : f32 to vector<16xf32>
      %mul3A_2340 = arith.mulf %mul3A_2339, %get3A_2329 : vector<16xf32>
      %mul3A_2341 = vector.broadcast %squeeze3A_2300 : f32 to vector<16xf32>
      %mul3A_2342 = arith.mulf %mul3A_2341, %get3A_2335 : vector<16xf32>
      %add3A_2343 = arith.addf %mul3A_2340, %mul3A_2342 : vector<16xf32>
      %add3A_2344 = arith.addf %get3A_2332, %get3A_2338 : vector<16xf32>
      %mul3A_2345 = vector.broadcast %squeeze3A_2302 : f32 to vector<16xf32>
      %mul3A_2346 = arith.mulf %mul3A_2345, %add3A_2344 : vector<16xf32>
      %add3A_2347 = arith.addf %add3A_2343, %mul3A_2346 : vector<16xf32>
      %swap3A_2348 = arith.index_cast %add3A_2296 : i32 to index
      %swap3A_2349 = arith.constant 16 : index
      %swap3A_2350 = tpu.vector_load %arg12[%swap3A_2348, %swap3A_2349] {strides = array<i32>} : memref<16x128xf32, #tpu.memory_space<vmem>>, vector<16xf32>,
      tpu.vector_store %arg12[%swap3A_2348, %swap3A_2349], %add3A_2347 {strides = array<i32>} : memref<16x128xf32, #tpu.memory_space<vmem>>, vector<16xf32>,
      %get3A_2351 = arith.index_cast %add3A_2296 : i32 to index
      %get3A_2352 = arith.constant 32 : index
      %get3A_2353 = tpu.vector_load %arg10[%get3A_2351, %get3A_2352] {strides = array<i32>} : memref<16x384xf32, #tpu.memory_space<vmem>>, vector<16xf32>,
      %get3A_2354 = arith.index_cast %add3A_2296 : i32 to index
      %get3A_2355 = arith.constant 160 : index
      %get3A_2356 = tpu.vector_load %arg10[%get3A_2354, %get3A_2355] {strides = array<i32>} : memref<16x384xf32, #tpu.memory_space<vmem>>, vector<16xf32>,
      %get3A_2357 = arith.index_cast %add3A_2296 : i32 to index
      %get3A_2358 = arith.constant 32 : index
      %get3A_2359 = tpu.vector_load %arg11[%get3A_2357, %get3A_2358] {strides = array<i32>} : memref<16x384xf32, #tpu.memory_space<vmem>>, vector<16xf32>,
      %get3A_2360 = arith.index_cast %add3A_2296 : i32 to index
      %get3A_2361 = arith.constant 160 : index
      %get3A_2362 = tpu.vector_load %arg11[%get3A_2360, %get3A_2361] {strides = array<i32>} : memref<16x384xf32, #tpu.memory_space<vmem>>, vector<16xf32>,
      %mul3A_2363 = vector.broadcast %squeeze3A_2298 : f32 to vector<16xf32>
      %mul3A_2364 = arith.mulf %mul3A_2363, %get3A_2353 : vector<16xf32>
      %mul3A_2365 = vector.broadcast %squeeze3A_2300 : f32 to vector<16xf32>
      %mul3A_2366 = arith.mulf %mul3A_2365, %get3A_2359 : vector<16xf32>
      %add3A_2367 = arith.addf %mul3A_2364, %mul3A_2366 : vector<16xf32>
      %add3A_2368 = arith.addf %get3A_2356, %get3A_2362 : vector<16xf32>
      %mul3A_2369 = vector.broadcast %squeeze3A_2302 : f32 to vector<16xf32>
      %mul3A_2370 = arith.mulf %mul3A_2369, %add3A_2368 : vector<16xf32>
      %add3A_2371 = arith.addf %add3A_2367, %mul3A_2370 : vector<16xf32>
      %swap3A_2372 = arith.index_cast %add3A_2296 : i32 to index
      %swap3A_2373 = arith.constant 32 : index
      %swap3A_2374 = tpu.vector_load %arg12[%swap3A_2372, %swap3A_2373] {strides = array<i32>} : memref<16x128xf32, #tpu.memory_space<vmem>>, vector<16xf32>,
      tpu.vector_store %arg12[%swap3A_2372, %swap3A_2373], %add3A_2371 {strides = array<i32>} : memref<16x128xf32, #tpu.memory_space<vmem>>, vector<16xf32>,
      %get3A_2375 = arith.index_cast %add3A_2296 : i32 to index
      %get3A_2376 = arith.constant 48 : index
      %get3A_2377 = tpu.vector_load %arg10[%get3A_2375, %get3A_2376] {strides = array<i32>} : memref<16x384xf32, #tpu.memory_space<vmem>>, vector<16xf32>,
      %get3A_2378 = arith.index_cast %add3A_2296 : i32 to index
      %get3A_2379 = arith.constant 176 : index
      %get3A_2380 = tpu.vector_load %arg10[%get3A_2378, %get3A_2379] {strides = array<i32>} : memref<16x384xf32, #tpu.memory_space<vmem>>, vector<16xf32>,
      %get3A_2381 = arith.index_cast %add3A_2296 : i32 to index
      %get3A_2382 = arith.constant 48 : index
      %get3A_2383 = tpu.vector_load %arg11[%get3A_2381, %get3A_2382] {strides = array<i32>} : memref<16x384xf32, #tpu.memory_space<vmem>>, vector<16xf32>,
      %get3A_2384 = arith.index_cast %add3A_2296 : i32 to index
      %get3A_2385 = arith.constant 176 : index
      %get3A_2386 = tpu.vector_load %arg11[%get3A_2384, %get3A_2385] {strides = array<i32>} : memref<16x384xf32, #tpu.memory_space<vmem>>, vector<16xf32>,
      %mul3A_2387 = vector.broadcast %squeeze3A_2298 : f32 to vector<16xf32>
      %mul3A_2388 = arith.mulf %mul3A_2387, %get3A_2377 : vector<16xf32>
      %mul3A_2389 = vector.broadcast %squeeze3A_2300 : f32 to vector<16xf32>
      %mul3A_2390 = arith.mulf %mul3A_2389, %get3A_2383 : vector<16xf32>
      %add3A_2391 = arith.addf %mul3A_2388, %mul3A_2390 : vector<16xf32>
      %add3A_2392 = arith.addf %get3A_2380, %get3A_2386 : vector<16xf32>
      %mul3A_2393 = vector.broadcast %squeeze3A_2302 : f32 to vector<16xf32>
      %mul3A_2394 = arith.mulf %mul3A_2393, %add3A_2392 : vector<16xf32>
      %add3A_2395 = arith.addf %add3A_2391, %mul3A_2394 : vector<16xf32>
      %swap3A_2396 = arith.index_cast %add3A_2296 : i32 to index
      %swap3A_2397 = arith.constant 48 : index
      %swap3A_2398 = tpu.vector_load %arg12[%swap3A_2396, %swap3A_2397] {strides = array<i32>} : memref<16x128xf32, #tpu.memory_space<vmem>>, vector<16xf32>,
      tpu.vector_store %arg12[%swap3A_2396, %swap3A_2397], %add3A_2395 {strides = array<i32>} : memref<16x128xf32, #tpu.memory_space<vmem>>, vector<16xf32>,
      %get3A_2399 = arith.index_cast %add3A_2296 : i32 to index
      %get3A_2400 = arith.constant 64 : index
      %get3A_2401 = tpu.vector_load %arg10[%get3A_2399, %get3A_2400] {strides = array<i32>} : memref<16x384xf32, #tpu.memory_space<vmem>>, vector<16xf32>,
      %get3A_2402 = arith.index_cast %add3A_2296 : i32 to index
      %get3A_2403 = arith.constant 192 : index
      %get3A_2404 = tpu.vector_load %arg10[%get3A_2402, %get3A_2403] {strides = array<i32>} : memref<16x384xf32, #tpu.memory_space<vmem>>, vector<16xf32>,
      %get3A_2405 = arith.index_cast %add3A_2296 : i32 to index
      %get3A_2406 = arith.constant 64 : index
      %get3A_2407 = tpu.vector_load %arg11[%get3A_2405, %get3A_2406] {strides = array<i32>} : memref<16x384xf32, #tpu.memory_space<vmem>>, vector<16xf32>,
      %get3A_2408 = arith.index_cast %add3A_2296 : i32 to index
      %get3A_2409 = arith.constant 192 : index
      %get3A_2410 = tpu.vector_load %arg11[%get3A_2408, %get3A_2409] {strides = array<i32>} : memref<16x384xf32, #tpu.memory_space<vmem>>, vector<16xf32>,
      %mul3A_2411 = vector.broadcast %squeeze3A_2298 : f32 to vector<16xf32>
      %mul3A_2412 = arith.mulf %mul3A_2411, %get3A_2401 : vector<16xf32>
      %mul3A_2413 = vector.broadcast %squeeze3A_2300 : f32 to vector<16xf32>
      %mul3A_2414 = arith.mulf %mul3A_2413, %get3A_2407 : vector<16xf32>
      %add3A_2415 = arith.addf %mul3A_2412, %mul3A_2414 : vector<16xf32>
      %add3A_2416 = arith.addf %get3A_2404, %get3A_2410 : vector<16xf32>
      %mul3A_2417 = vector.broadcast %squeeze3A_2302 : f32 to vector<16xf32>
      %mul3A_2418 = arith.mulf %mul3A_2417, %add3A_2416 : vector<16xf32>
      %add3A_2419 = arith.addf %add3A_2415, %mul3A_2418 : vector<16xf32>
      %swap3A_2420 = arith.index_cast %add3A_2296 : i32 to index
      %swap3A_2421 = arith.constant 64 : index
      %swap3A_2422 = tpu.vector_load %arg12[%swap3A_2420, %swap3A_2421] {strides = array<i32>} : memref<16x128xf32, #tpu.memory_space<vmem>>, vector<16xf32>,
      tpu.vector_store %arg12[%swap3A_2420, %swap3A_2421], %add3A_2419 {strides = array<i32>} : memref<16x128xf32, #tpu.memory_space<vmem>>, vector<16xf32>,
      %get3A_2423 = arith.index_cast %add3A_2296 : i32 to index
      %get3A_2424 = arith.constant 80 : index
      %get3A_2425 = tpu.vector_load %arg10[%get3A_2423, %get3A_2424] {strides = array<i32>} : memref<16x384xf32, #tpu.memory_space<vmem>>, vector<16xf32>,
      %get3A_2426 = arith.index_cast %add3A_2296 : i32 to index
      %get3A_2427 = arith.constant 208 : index
      %get3A_2428 = tpu.vector_load %arg10[%get3A_2426, %get3A_2427] {strides = array<i32>} : memref<16x384xf32, #tpu.memory_space<vmem>>, vector<16xf32>,
      %get3A_2429 = arith.index_cast %add3A_2296 : i32 to index
      %get3A_2430 = arith.constant 80 : index
      %get3A_2431 = tpu.vector_load %arg11[%get3A_2429, %get3A_2430] {strides = array<i32>} : memref<16x384xf32, #tpu.memory_space<vmem>>, vector<16xf32>,
      %get3A_2432 = arith.index_cast %add3A_2296 : i32 to index
      %get3A_2433 = arith.constant 208 : index
      %get3A_2434 = tpu.vector_load %arg11[%get3A_2432, %get3A_2433] {strides = array<i32>} : memref<16x384xf32, #tpu.memory_space<vmem>>, vector<16xf32>,
      %mul3A_2435 = vector.broadcast %squeeze3A_2298 : f32 to vector<16xf32>
      %mul3A_2436 = arith.mulf %mul3A_2435, %get3A_2425 : vector<16xf32>
      %mul3A_2437 = vector.broadcast %squeeze3A_2300 : f32 to vector<16xf32>
      %mul3A_2438 = arith.mulf %mul3A_2437, %get3A_2431 : vector<16xf32>
      %add3A_2439 = arith.addf %mul3A_2436, %mul3A_2438 : vector<16xf32>
      %add3A_2440 = arith.addf %get3A_2428, %get3A_2434 : vector<16xf32>
      %mul3A_2441 = vector.broadcast %squeeze3A_2302 : f32 to vector<16xf32>
      %mul3A_2442 = arith.mulf %mul3A_2441, %add3A_2440 : vector<16xf32>
      %add3A_2443 = arith.addf %add3A_2439, %mul3A_2442 : vector<16xf32>
      %swap3A_2444 = arith.index_cast %add3A_2296 : i32 to index
      %swap3A_2445 = arith.constant 80 : index
      %swap3A_2446 = tpu.vector_load %arg12[%swap3A_2444, %swap3A_2445] {strides = array<i32>} : memref<16x128xf32, #tpu.memory_space<vmem>>, vector<16xf32>,
      tpu.vector_store %arg12[%swap3A_2444, %swap3A_2445], %add3A_2443 {strides = array<i32>} : memref<16x128xf32, #tpu.memory_space<vmem>>, vector<16xf32>,
      %get3A_2447 = arith.index_cast %add3A_2296 : i32 to index
      %get3A_2448 = arith.constant 96 : index
      %get3A_2449 = tpu.vector_load %arg10[%get3A_2447, %get3A_2448] {strides = array<i32>} : memref<16x384xf32, #tpu.memory_space<vmem>>, vector<16xf32>,
      %get3A_2450 = arith.index_cast %add3A_2296 : i32 to index
      %get3A_2451 = arith.constant 224 : index
      %get3A_2452 = tpu.vector_load %arg10[%get3A_2450, %get3A_2451] {strides = array<i32>} : memref<16x384xf32, #tpu.memory_space<vmem>>, vector<16xf32>,
      %get3A_2453 = arith.index_cast %add3A_2296 : i32 to index
      %get3A_2454 = arith.constant 96 : index
      %get3A_2455 = tpu.vector_load %arg11[%get3A_2453, %get3A_2454] {strides = array<i32>} : memref<16x384xf32, #tpu.memory_space<vmem>>, vector<16xf32>,
      %get3A_2456 = arith.index_cast %add3A_2296 : i32 to index
      %get3A_2457 = arith.constant 224 : index
      %get3A_2458 = tpu.vector_load %arg11[%get3A_2456, %get3A_2457] {strides = array<i32>} : memref<16x384xf32, #tpu.memory_space<vmem>>, vector<16xf32>,
      %mul3A_2459 = vector.broadcast %squeeze3A_2298 : f32 to vector<16xf32>
      %mul3A_2460 = arith.mulf %mul3A_2459, %get3A_2449 : vector<16xf32>
      %mul3A_2461 = vector.broadcast %squeeze3A_2300 : f32 to vector<16xf32>
      %mul3A_2462 = arith.mulf %mul3A_2461, %get3A_2455 : vector<16xf32>
      %add3A_2463 = arith.addf %mul3A_2460, %mul3A_2462 : vector<16xf32>
      %add3A_2464 = arith.addf %get3A_2452, %get3A_2458 : vector<16xf32>
      %mul3A_2465 = vector.broadcast %squeeze3A_2302 : f32 to vector<16xf32>
      %mul3A_2466 = arith.mulf %mul3A_2465, %add3A_2464 : vector<16xf32>
      %add3A_2467 = arith.addf %add3A_2463, %mul3A_2466 : vector<16xf32>
      %swap3A_2468 = arith.index_cast %add3A_2296 : i32 to index
      %swap3A_2469 = arith.constant 96 : index
      %swap3A_2470 = tpu.vector_load %arg12[%swap3A_2468, %swap3A_2469] {strides = array<i32>} : memref<16x128xf32, #tpu.memory_space<vmem>>, vector<16xf32>,
      tpu.vector_store %arg12[%swap3A_2468, %swap3A_2469], %add3A_2467 {strides = array<i32>} : memref<16x128xf32, #tpu.memory_space<vmem>>, vector<16xf32>,
      %get3A_2471 = arith.index_cast %add3A_2296 : i32 to index
      %get3A_2472 = arith.constant 112 : index
      %get3A_2473 = tpu.vector_load %arg10[%get3A_2471, %get3A_2472] {strides = array<i32>} : memref<16x384xf32, #tpu.memory_space<vmem>>, vector<16xf32>,
      %get3A_2474 = arith.index_cast %add3A_2296 : i32 to index
      %get3A_2475 = arith.constant 240 : index
      %get3A_2476 = tpu.vector_load %arg10[%get3A_2474, %get3A_2475] {strides = array<i32>} : memref<16x384xf32, #tpu.memory_space<vmem>>, vector<16xf32>,
      %get3A_2477 = arith.index_cast %add3A_2296 : i32 to index
      %get3A_2478 = arith.constant 112 : index
      %get3A_2479 = tpu.vector_load %arg11[%get3A_2477, %get3A_2478] {strides = array<i32>} : memref<16x384xf32, #tpu.memory_space<vmem>>, vector<16xf32>,
      %get3A_2480 = arith.index_cast %add3A_2296 : i32 to index
      %get3A_2481 = arith.constant 240 : index
      %get3A_2482 = tpu.vector_load %arg11[%get3A_2480, %get3A_2481] {strides = array<i32>} : memref<16x384xf32, #tpu.memory_space<vmem>>, vector<16xf32>,
      %mul3A_2483 = vector.broadcast %squeeze3A_2298 : f32 to vector<16xf32>
      %mul3A_2484 = arith.mulf %mul3A_2483, %get3A_2473 : vector<16xf32>
      %mul3A_2485 = vector.broadcast %squeeze3A_2300 : f32 to vector<16xf32>
      %mul3A_2486 = arith.mulf %mul3A_2485, %get3A_2479 : vector<16xf32>
      %add3A_2487 = arith.addf %mul3A_2484, %mul3A_2486 : vector<16xf32>
      %add3A_2488 = arith.addf %get3A_2476, %get3A_2482 : vector<16xf32>
      %mul3A_2489 = vector.broadcast %squeeze3A_2302 : f32 to vector<16xf32>
      %mul3A_2490 = arith.mulf %mul3A_2489, %add3A_2488 : vector<16xf32>
      %add3A_2491 = arith.addf %add3A_2487, %mul3A_2490 : vector<16xf32>
      %swap3A_2492 = arith.index_cast %add3A_2296 : i32 to index
      %swap3A_2493 = arith.constant 112 : index
      %swap3A_2494 = tpu.vector_load %arg12[%swap3A_2492, %swap3A_2493] {strides = array<i32>} : memref<16x128xf32, #tpu.memory_space<vmem>>, vector<16xf32>,
      tpu.vector_store %arg12[%swap3A_2492, %swap3A_2493], %add3A_2491 {strides = array<i32>} : memref<16x128xf32, #tpu.memory_space<vmem>>, vector<16xf32>,
      %mul3A_2495 = arith.constant 16 : i32
      %mul3A_2496 = arith.muli %scan3A_37, %mul3A_2495 : i32
      %add3A_2497 = arith.constant 12 : i32
      %add3A_2498 = arith.addi %mul3A_2496, %add3A_2497 : i32
      %slice3A_2499 = vector.extract_strided_slice %mul3A_72 {offsets = [12], sizes = [1], strides = [1]} : vector<16xf32> to vector<1xf32>
      %squeeze3A_2500 = vector.extract %slice3A_2499[0] : f32 from vector<1xf32>
      %slice3A_2501 = vector.extract_strided_slice %mul3A_73 {offsets = [12], sizes = [1], strides = [1]} : vector<16xf32> to vector<1xf32>
      %squeeze3A_2502 = vector.extract %slice3A_2501[0] : f32 from vector<1xf32>
      %slice3A_2503 = vector.extract_strided_slice %mul3A_74 {offsets = [12], sizes = [1], strides = [1]} : vector<16xf32> to vector<1xf32>
      %squeeze3A_2504 = vector.extract %slice3A_2503[0] : f32 from vector<1xf32>
      %get3A_2505 = arith.index_cast %add3A_2498 : i32 to index
      %get3A_2506 = arith.constant 0 : index
      %get3A_2507 = tpu.vector_load %arg10[%get3A_2505, %get3A_2506] {strides = array<i32>} : memref<16x384xf32, #tpu.memory_space<vmem>>, vector<16xf32>,
      %get3A_2508 = arith.index_cast %add3A_2498 : i32 to index
      %get3A_2509 = arith.constant 128 : index
      %get3A_2510 = tpu.vector_load %arg10[%get3A_2508, %get3A_2509] {strides = array<i32>} : memref<16x384xf32, #tpu.memory_space<vmem>>, vector<16xf32>,
      %get3A_2511 = arith.index_cast %add3A_2498 : i32 to index
      %get3A_2512 = arith.constant 0 : index
      %get3A_2513 = tpu.vector_load %arg11[%get3A_2511, %get3A_2512] {strides = array<i32>} : memref<16x384xf32, #tpu.memory_space<vmem>>, vector<16xf32>,
      %get3A_2514 = arith.index_cast %add3A_2498 : i32 to index
      %get3A_2515 = arith.constant 128 : index
      %get3A_2516 = tpu.vector_load %arg11[%get3A_2514, %get3A_2515] {strides = array<i32>} : memref<16x384xf32, #tpu.memory_space<vmem>>, vector<16xf32>,
      %mul3A_2517 = vector.broadcast %squeeze3A_2500 : f32 to vector<16xf32>
      %mul3A_2518 = arith.mulf %mul3A_2517, %get3A_2507 : vector<16xf32>
      %mul3A_2519 = vector.broadcast %squeeze3A_2502 : f32 to vector<16xf32>
      %mul3A_2520 = arith.mulf %mul3A_2519, %get3A_2513 : vector<16xf32>
      %add3A_2521 = arith.addf %mul3A_2518, %mul3A_2520 : vector<16xf32>
      %add3A_2522 = arith.addf %get3A_2510, %get3A_2516 : vector<16xf32>
      %mul3A_2523 = vector.broadcast %squeeze3A_2504 : f32 to vector<16xf32>
      %mul3A_2524 = arith.mulf %mul3A_2523, %add3A_2522 : vector<16xf32>
      %add3A_2525 = arith.addf %add3A_2521, %mul3A_2524 : vector<16xf32>
      %swap3A_2526 = arith.index_cast %add3A_2498 : i32 to index
      %swap3A_2527 = arith.constant 0 : index
      %swap3A_2528 = tpu.vector_load %arg12[%swap3A_2526, %swap3A_2527] {strides = array<i32>} : memref<16x128xf32, #tpu.memory_space<vmem>>, vector<16xf32>,
      tpu.vector_store %arg12[%swap3A_2526, %swap3A_2527], %add3A_2525 {strides = array<i32>} : memref<16x128xf32, #tpu.memory_space<vmem>>, vector<16xf32>,
      %get3A_2529 = arith.index_cast %add3A_2498 : i32 to index
      %get3A_2530 = arith.constant 16 : index
      %get3A_2531 = tpu.vector_load %arg10[%get3A_2529, %get3A_2530] {strides = array<i32>} : memref<16x384xf32, #tpu.memory_space<vmem>>, vector<16xf32>,
      %get3A_2532 = arith.index_cast %add3A_2498 : i32 to index
      %get3A_2533 = arith.constant 144 : index
      %get3A_2534 = tpu.vector_load %arg10[%get3A_2532, %get3A_2533] {strides = array<i32>} : memref<16x384xf32, #tpu.memory_space<vmem>>, vector<16xf32>,
      %get3A_2535 = arith.index_cast %add3A_2498 : i32 to index
      %get3A_2536 = arith.constant 16 : index
      %get3A_2537 = tpu.vector_load %arg11[%get3A_2535, %get3A_2536] {strides = array<i32>} : memref<16x384xf32, #tpu.memory_space<vmem>>, vector<16xf32>,
      %get3A_2538 = arith.index_cast %add3A_2498 : i32 to index
      %get3A_2539 = arith.constant 144 : index
      %get3A_2540 = tpu.vector_load %arg11[%get3A_2538, %get3A_2539] {strides = array<i32>} : memref<16x384xf32, #tpu.memory_space<vmem>>, vector<16xf32>,
      %mul3A_2541 = vector.broadcast %squeeze3A_2500 : f32 to vector<16xf32>
      %mul3A_2542 = arith.mulf %mul3A_2541, %get3A_2531 : vector<16xf32>
      %mul3A_2543 = vector.broadcast %squeeze3A_2502 : f32 to vector<16xf32>
      %mul3A_2544 = arith.mulf %mul3A_2543, %get3A_2537 : vector<16xf32>
      %add3A_2545 = arith.addf %mul3A_2542, %mul3A_2544 : vector<16xf32>
      %add3A_2546 = arith.addf %get3A_2534, %get3A_2540 : vector<16xf32>
      %mul3A_2547 = vector.broadcast %squeeze3A_2504 : f32 to vector<16xf32>
      %mul3A_2548 = arith.mulf %mul3A_2547, %add3A_2546 : vector<16xf32>
      %add3A_2549 = arith.addf %add3A_2545, %mul3A_2548 : vector<16xf32>
      %swap3A_2550 = arith.index_cast %add3A_2498 : i32 to index
      %swap3A_2551 = arith.constant 16 : index
      %swap3A_2552 = tpu.vector_load %arg12[%swap3A_2550, %swap3A_2551] {strides = array<i32>} : memref<16x128xf32, #tpu.memory_space<vmem>>, vector<16xf32>,
      tpu.vector_store %arg12[%swap3A_2550, %swap3A_2551], %add3A_2549 {strides = array<i32>} : memref<16x128xf32, #tpu.memory_space<vmem>>, vector<16xf32>,
      %get3A_2553 = arith.index_cast %add3A_2498 : i32 to index
      %get3A_2554 = arith.constant 32 : index
      %get3A_2555 = tpu.vector_load %arg10[%get3A_2553, %get3A_2554] {strides = array<i32>} : memref<16x384xf32, #tpu.memory_space<vmem>>, vector<16xf32>,
      %get3A_2556 = arith.index_cast %add3A_2498 : i32 to index
      %get3A_2557 = arith.constant 160 : index
      %get3A_2558 = tpu.vector_load %arg10[%get3A_2556, %get3A_2557] {strides = array<i32>} : memref<16x384xf32, #tpu.memory_space<vmem>>, vector<16xf32>,
      %get3A_2559 = arith.index_cast %add3A_2498 : i32 to index
      %get3A_2560 = arith.constant 32 : index
      %get3A_2561 = tpu.vector_load %arg11[%get3A_2559, %get3A_2560] {strides = array<i32>} : memref<16x384xf32, #tpu.memory_space<vmem>>, vector<16xf32>,
      %get3A_2562 = arith.index_cast %add3A_2498 : i32 to index
      %get3A_2563 = arith.constant 160 : index
      %get3A_2564 = tpu.vector_load %arg11[%get3A_2562, %get3A_2563] {strides = array<i32>} : memref<16x384xf32, #tpu.memory_space<vmem>>, vector<16xf32>,
      %mul3A_2565 = vector.broadcast %squeeze3A_2500 : f32 to vector<16xf32>
      %mul3A_2566 = arith.mulf %mul3A_2565, %get3A_2555 : vector<16xf32>
      %mul3A_2567 = vector.broadcast %squeeze3A_2502 : f32 to vector<16xf32>
      %mul3A_2568 = arith.mulf %mul3A_2567, %get3A_2561 : vector<16xf32>
      %add3A_2569 = arith.addf %mul3A_2566, %mul3A_2568 : vector<16xf32>
      %add3A_2570 = arith.addf %get3A_2558, %get3A_2564 : vector<16xf32>
      %mul3A_2571 = vector.broadcast %squeeze3A_2504 : f32 to vector<16xf32>
      %mul3A_2572 = arith.mulf %mul3A_2571, %add3A_2570 : vector<16xf32>
      %add3A_2573 = arith.addf %add3A_2569, %mul3A_2572 : vector<16xf32>
      %swap3A_2574 = arith.index_cast %add3A_2498 : i32 to index
      %swap3A_2575 = arith.constant 32 : index
      %swap3A_2576 = tpu.vector_load %arg12[%swap3A_2574, %swap3A_2575] {strides = array<i32>} : memref<16x128xf32, #tpu.memory_space<vmem>>, vector<16xf32>,
      tpu.vector_store %arg12[%swap3A_2574, %swap3A_2575], %add3A_2573 {strides = array<i32>} : memref<16x128xf32, #tpu.memory_space<vmem>>, vector<16xf32>,
      %get3A_2577 = arith.index_cast %add3A_2498 : i32 to index
      %get3A_2578 = arith.constant 48 : index
      %get3A_2579 = tpu.vector_load %arg10[%get3A_2577, %get3A_2578] {strides = array<i32>} : memref<16x384xf32, #tpu.memory_space<vmem>>, vector<16xf32>,
      %get3A_2580 = arith.index_cast %add3A_2498 : i32 to index
      %get3A_2581 = arith.constant 176 : index
      %get3A_2582 = tpu.vector_load %arg10[%get3A_2580, %get3A_2581] {strides = array<i32>} : memref<16x384xf32, #tpu.memory_space<vmem>>, vector<16xf32>,
      %get3A_2583 = arith.index_cast %add3A_2498 : i32 to index
      %get3A_2584 = arith.constant 48 : index
      %get3A_2585 = tpu.vector_load %arg11[%get3A_2583, %get3A_2584] {strides = array<i32>} : memref<16x384xf32, #tpu.memory_space<vmem>>, vector<16xf32>,
      %get3A_2586 = arith.index_cast %add3A_2498 : i32 to index
      %get3A_2587 = arith.constant 176 : index
      %get3A_2588 = tpu.vector_load %arg11[%get3A_2586, %get3A_2587] {strides = array<i32>} : memref<16x384xf32, #tpu.memory_space<vmem>>, vector<16xf32>,
      %mul3A_2589 = vector.broadcast %squeeze3A_2500 : f32 to vector<16xf32>
      %mul3A_2590 = arith.mulf %mul3A_2589, %get3A_2579 : vector<16xf32>
      %mul3A_2591 = vector.broadcast %squeeze3A_2502 : f32 to vector<16xf32>
      %mul3A_2592 = arith.mulf %mul3A_2591, %get3A_2585 : vector<16xf32>
      %add3A_2593 = arith.addf %mul3A_2590, %mul3A_2592 : vector<16xf32>
      %add3A_2594 = arith.addf %get3A_2582, %get3A_2588 : vector<16xf32>
      %mul3A_2595 = vector.broadcast %squeeze3A_2504 : f32 to vector<16xf32>
      %mul3A_2596 = arith.mulf %mul3A_2595, %add3A_2594 : vector<16xf32>
      %add3A_2597 = arith.addf %add3A_2593, %mul3A_2596 : vector<16xf32>
      %swap3A_2598 = arith.index_cast %add3A_2498 : i32 to index
      %swap3A_2599 = arith.constant 48 : index
      %swap3A_2600 = tpu.vector_load %arg12[%swap3A_2598, %swap3A_2599] {strides = array<i32>} : memref<16x128xf32, #tpu.memory_space<vmem>>, vector<16xf32>,
      tpu.vector_store %arg12[%swap3A_2598, %swap3A_2599], %add3A_2597 {strides = array<i32>} : memref<16x128xf32, #tpu.memory_space<vmem>>, vector<16xf32>,
      %get3A_2601 = arith.index_cast %add3A_2498 : i32 to index
      %get3A_2602 = arith.constant 64 : index
      %get3A_2603 = tpu.vector_load %arg10[%get3A_2601, %get3A_2602] {strides = array<i32>} : memref<16x384xf32, #tpu.memory_space<vmem>>, vector<16xf32>,
      %get3A_2604 = arith.index_cast %add3A_2498 : i32 to index
      %get3A_2605 = arith.constant 192 : index
      %get3A_2606 = tpu.vector_load %arg10[%get3A_2604, %get3A_2605] {strides = array<i32>} : memref<16x384xf32, #tpu.memory_space<vmem>>, vector<16xf32>,
      %get3A_2607 = arith.index_cast %add3A_2498 : i32 to index
      %get3A_2608 = arith.constant 64 : index
      %get3A_2609 = tpu.vector_load %arg11[%get3A_2607, %get3A_2608] {strides = array<i32>} : memref<16x384xf32, #tpu.memory_space<vmem>>, vector<16xf32>,
      %get3A_2610 = arith.index_cast %add3A_2498 : i32 to index
      %get3A_2611 = arith.constant 192 : index
      %get3A_2612 = tpu.vector_load %arg11[%get3A_2610, %get3A_2611] {strides = array<i32>} : memref<16x384xf32, #tpu.memory_space<vmem>>, vector<16xf32>,
      %mul3A_2613 = vector.broadcast %squeeze3A_2500 : f32 to vector<16xf32>
      %mul3A_2614 = arith.mulf %mul3A_2613, %get3A_2603 : vector<16xf32>
      %mul3A_2615 = vector.broadcast %squeeze3A_2502 : f32 to vector<16xf32>
      %mul3A_2616 = arith.mulf %mul3A_2615, %get3A_2609 : vector<16xf32>
      %add3A_2617 = arith.addf %mul3A_2614, %mul3A_2616 : vector<16xf32>
      %add3A_2618 = arith.addf %get3A_2606, %get3A_2612 : vector<16xf32>
      %mul3A_2619 = vector.broadcast %squeeze3A_2504 : f32 to vector<16xf32>
      %mul3A_2620 = arith.mulf %mul3A_2619, %add3A_2618 : vector<16xf32>
      %add3A_2621 = arith.addf %add3A_2617, %mul3A_2620 : vector<16xf32>
      %swap3A_2622 = arith.index_cast %add3A_2498 : i32 to index
      %swap3A_2623 = arith.constant 64 : index
      %swap3A_2624 = tpu.vector_load %arg12[%swap3A_2622, %swap3A_2623] {strides = array<i32>} : memref<16x128xf32, #tpu.memory_space<vmem>>, vector<16xf32>,
      tpu.vector_store %arg12[%swap3A_2622, %swap3A_2623], %add3A_2621 {strides = array<i32>} : memref<16x128xf32, #tpu.memory_space<vmem>>, vector<16xf32>,
      %get3A_2625 = arith.index_cast %add3A_2498 : i32 to index
      %get3A_2626 = arith.constant 80 : index
      %get3A_2627 = tpu.vector_load %arg10[%get3A_2625, %get3A_2626] {strides = array<i32>} : memref<16x384xf32, #tpu.memory_space<vmem>>, vector<16xf32>,
      %get3A_2628 = arith.index_cast %add3A_2498 : i32 to index
      %get3A_2629 = arith.constant 208 : index
      %get3A_2630 = tpu.vector_load %arg10[%get3A_2628, %get3A_2629] {strides = array<i32>} : memref<16x384xf32, #tpu.memory_space<vmem>>, vector<16xf32>,
      %get3A_2631 = arith.index_cast %add3A_2498 : i32 to index
      %get3A_2632 = arith.constant 80 : index
      %get3A_2633 = tpu.vector_load %arg11[%get3A_2631, %get3A_2632] {strides = array<i32>} : memref<16x384xf32, #tpu.memory_space<vmem>>, vector<16xf32>,
      %get3A_2634 = arith.index_cast %add3A_2498 : i32 to index
      %get3A_2635 = arith.constant 208 : index
      %get3A_2636 = tpu.vector_load %arg11[%get3A_2634, %get3A_2635] {strides = array<i32>} : memref<16x384xf32, #tpu.memory_space<vmem>>, vector<16xf32>,
      %mul3A_2637 = vector.broadcast %squeeze3A_2500 : f32 to vector<16xf32>
      %mul3A_2638 = arith.mulf %mul3A_2637, %get3A_2627 : vector<16xf32>
      %mul3A_2639 = vector.broadcast %squeeze3A_2502 : f32 to vector<16xf32>
      %mul3A_2640 = arith.mulf %mul3A_2639, %get3A_2633 : vector<16xf32>
      %add3A_2641 = arith.addf %mul3A_2638, %mul3A_2640 : vector<16xf32>
      %add3A_2642 = arith.addf %get3A_2630, %get3A_2636 : vector<16xf32>
      %mul3A_2643 = vector.broadcast %squeeze3A_2504 : f32 to vector<16xf32>
      %mul3A_2644 = arith.mulf %mul3A_2643, %add3A_2642 : vector<16xf32>
      %add3A_2645 = arith.addf %add3A_2641, %mul3A_2644 : vector<16xf32>
      %swap3A_2646 = arith.index_cast %add3A_2498 : i32 to index
      %swap3A_2647 = arith.constant 80 : index
      %swap3A_2648 = tpu.vector_load %arg12[%swap3A_2646, %swap3A_2647] {strides = array<i32>} : memref<16x128xf32, #tpu.memory_space<vmem>>, vector<16xf32>,
      tpu.vector_store %arg12[%swap3A_2646, %swap3A_2647], %add3A_2645 {strides = array<i32>} : memref<16x128xf32, #tpu.memory_space<vmem>>, vector<16xf32>,
      %get3A_2649 = arith.index_cast %add3A_2498 : i32 to index
      %get3A_2650 = arith.constant 96 : index
      %get3A_2651 = tpu.vector_load %arg10[%get3A_2649, %get3A_2650] {strides = array<i32>} : memref<16x384xf32, #tpu.memory_space<vmem>>, vector<16xf32>,
      %get3A_2652 = arith.index_cast %add3A_2498 : i32 to index
      %get3A_2653 = arith.constant 224 : index
      %get3A_2654 = tpu.vector_load %arg10[%get3A_2652, %get3A_2653] {strides = array<i32>} : memref<16x384xf32, #tpu.memory_space<vmem>>, vector<16xf32>,
      %get3A_2655 = arith.index_cast %add3A_2498 : i32 to index
      %get3A_2656 = arith.constant 96 : index
      %get3A_2657 = tpu.vector_load %arg11[%get3A_2655, %get3A_2656] {strides = array<i32>} : memref<16x384xf32, #tpu.memory_space<vmem>>, vector<16xf32>,
      %get3A_2658 = arith.index_cast %add3A_2498 : i32 to index
      %get3A_2659 = arith.constant 224 : index
      %get3A_2660 = tpu.vector_load %arg11[%get3A_2658, %get3A_2659] {strides = array<i32>} : memref<16x384xf32, #tpu.memory_space<vmem>>, vector<16xf32>,
      %mul3A_2661 = vector.broadcast %squeeze3A_2500 : f32 to vector<16xf32>
      %mul3A_2662 = arith.mulf %mul3A_2661, %get3A_2651 : vector<16xf32>
      %mul3A_2663 = vector.broadcast %squeeze3A_2502 : f32 to vector<16xf32>
      %mul3A_2664 = arith.mulf %mul3A_2663, %get3A_2657 : vector<16xf32>
      %add3A_2665 = arith.addf %mul3A_2662, %mul3A_2664 : vector<16xf32>
      %add3A_2666 = arith.addf %get3A_2654, %get3A_2660 : vector<16xf32>
      %mul3A_2667 = vector.broadcast %squeeze3A_2504 : f32 to vector<16xf32>
      %mul3A_2668 = arith.mulf %mul3A_2667, %add3A_2666 : vector<16xf32>
      %add3A_2669 = arith.addf %add3A_2665, %mul3A_2668 : vector<16xf32>
      %swap3A_2670 = arith.index_cast %add3A_2498 : i32 to index
      %swap3A_2671 = arith.constant 96 : index
      %swap3A_2672 = tpu.vector_load %arg12[%swap3A_2670, %swap3A_2671] {strides = array<i32>} : memref<16x128xf32, #tpu.memory_space<vmem>>, vector<16xf32>,
      tpu.vector_store %arg12[%swap3A_2670, %swap3A_2671], %add3A_2669 {strides = array<i32>} : memref<16x128xf32, #tpu.memory_space<vmem>>, vector<16xf32>,
      %get3A_2673 = arith.index_cast %add3A_2498 : i32 to index
      %get3A_2674 = arith.constant 112 : index
      %get3A_2675 = tpu.vector_load %arg10[%get3A_2673, %get3A_2674] {strides = array<i32>} : memref<16x384xf32, #tpu.memory_space<vmem>>, vector<16xf32>,
      %get3A_2676 = arith.index_cast %add3A_2498 : i32 to index
      %get3A_2677 = arith.constant 240 : index
      %get3A_2678 = tpu.vector_load %arg10[%get3A_2676, %get3A_2677] {strides = array<i32>} : memref<16x384xf32, #tpu.memory_space<vmem>>, vector<16xf32>,
      %get3A_2679 = arith.index_cast %add3A_2498 : i32 to index
      %get3A_2680 = arith.constant 112 : index
      %get3A_2681 = tpu.vector_load %arg11[%get3A_2679, %get3A_2680] {strides = array<i32>} : memref<16x384xf32, #tpu.memory_space<vmem>>, vector<16xf32>,
      %get3A_2682 = arith.index_cast %add3A_2498 : i32 to index
      %get3A_2683 = arith.constant 240 : index
      %get3A_2684 = tpu.vector_load %arg11[%get3A_2682, %get3A_2683] {strides = array<i32>} : memref<16x384xf32, #tpu.memory_space<vmem>>, vector<16xf32>,
      %mul3A_2685 = vector.broadcast %squeeze3A_2500 : f32 to vector<16xf32>
      %mul3A_2686 = arith.mulf %mul3A_2685, %get3A_2675 : vector<16xf32>
      %mul3A_2687 = vector.broadcast %squeeze3A_2502 : f32 to vector<16xf32>
      %mul3A_2688 = arith.mulf %mul3A_2687, %get3A_2681 : vector<16xf32>
      %add3A_2689 = arith.addf %mul3A_2686, %mul3A_2688 : vector<16xf32>
      %add3A_2690 = arith.addf %get3A_2678, %get3A_2684 : vector<16xf32>
      %mul3A_2691 = vector.broadcast %squeeze3A_2504 : f32 to vector<16xf32>
      %mul3A_2692 = arith.mulf %mul3A_2691, %add3A_2690 : vector<16xf32>
      %add3A_2693 = arith.addf %add3A_2689, %mul3A_2692 : vector<16xf32>
      %swap3A_2694 = arith.index_cast %add3A_2498 : i32 to index
      %swap3A_2695 = arith.constant 112 : index
      %swap3A_2696 = tpu.vector_load %arg12[%swap3A_2694, %swap3A_2695] {strides = array<i32>} : memref<16x128xf32, #tpu.memory_space<vmem>>, vector<16xf32>,
      tpu.vector_store %arg12[%swap3A_2694, %swap3A_2695], %add3A_2693 {strides = array<i32>} : memref<16x128xf32, #tpu.memory_space<vmem>>, vector<16xf32>,
      %mul3A_2697 = arith.constant 16 : i32
      %mul3A_2698 = arith.muli %scan3A_37, %mul3A_2697 : i32
      %add3A_2699 = arith.constant 13 : i32
      %add3A_2700 = arith.addi %mul3A_2698, %add3A_2699 : i32
      %slice3A_2701 = vector.extract_strided_slice %mul3A_72 {offsets = [13], sizes = [1], strides = [1]} : vector<16xf32> to vector<1xf32>
      %squeeze3A_2702 = vector.extract %slice3A_2701[0] : f32 from vector<1xf32>
      %slice3A_2703 = vector.extract_strided_slice %mul3A_73 {offsets = [13], sizes = [1], strides = [1]} : vector<16xf32> to vector<1xf32>
      %squeeze3A_2704 = vector.extract %slice3A_2703[0] : f32 from vector<1xf32>
      %slice3A_2705 = vector.extract_strided_slice %mul3A_74 {offsets = [13], sizes = [1], strides = [1]} : vector<16xf32> to vector<1xf32>
      %squeeze3A_2706 = vector.extract %slice3A_2705[0] : f32 from vector<1xf32>
      %get3A_2707 = arith.index_cast %add3A_2700 : i32 to index
      %get3A_2708 = arith.constant 0 : index
      %get3A_2709 = tpu.vector_load %arg10[%get3A_2707, %get3A_2708] {strides = array<i32>} : memref<16x384xf32, #tpu.memory_space<vmem>>, vector<16xf32>,
      %get3A_2710 = arith.index_cast %add3A_2700 : i32 to index
      %get3A_2711 = arith.constant 128 : index
      %get3A_2712 = tpu.vector_load %arg10[%get3A_2710, %get3A_2711] {strides = array<i32>} : memref<16x384xf32, #tpu.memory_space<vmem>>, vector<16xf32>,
      %get3A_2713 = arith.index_cast %add3A_2700 : i32 to index
      %get3A_2714 = arith.constant 0 : index
      %get3A_2715 = tpu.vector_load %arg11[%get3A_2713, %get3A_2714] {strides = array<i32>} : memref<16x384xf32, #tpu.memory_space<vmem>>, vector<16xf32>,
      %get3A_2716 = arith.index_cast %add3A_2700 : i32 to index
      %get3A_2717 = arith.constant 128 : index
      %get3A_2718 = tpu.vector_load %arg11[%get3A_2716, %get3A_2717] {strides = array<i32>} : memref<16x384xf32, #tpu.memory_space<vmem>>, vector<16xf32>,
      %mul3A_2719 = vector.broadcast %squeeze3A_2702 : f32 to vector<16xf32>
      %mul3A_2720 = arith.mulf %mul3A_2719, %get3A_2709 : vector<16xf32>
      %mul3A_2721 = vector.broadcast %squeeze3A_2704 : f32 to vector<16xf32>
      %mul3A_2722 = arith.mulf %mul3A_2721, %get3A_2715 : vector<16xf32>
      %add3A_2723 = arith.addf %mul3A_2720, %mul3A_2722 : vector<16xf32>
      %add3A_2724 = arith.addf %get3A_2712, %get3A_2718 : vector<16xf32>
      %mul3A_2725 = vector.broadcast %squeeze3A_2706 : f32 to vector<16xf32>
      %mul3A_2726 = arith.mulf %mul3A_2725, %add3A_2724 : vector<16xf32>
      %add3A_2727 = arith.addf %add3A_2723, %mul3A_2726 : vector<16xf32>
      %swap3A_2728 = arith.index_cast %add3A_2700 : i32 to index
      %swap3A_2729 = arith.constant 0 : index
      %swap3A_2730 = tpu.vector_load %arg12[%swap3A_2728, %swap3A_2729] {strides = array<i32>} : memref<16x128xf32, #tpu.memory_space<vmem>>, vector<16xf32>,
      tpu.vector_store %arg12[%swap3A_2728, %swap3A_2729], %add3A_2727 {strides = array<i32>} : memref<16x128xf32, #tpu.memory_space<vmem>>, vector<16xf32>,
      %get3A_2731 = arith.index_cast %add3A_2700 : i32 to index
      %get3A_2732 = arith.constant 16 : index
      %get3A_2733 = tpu.vector_load %arg10[%get3A_2731, %get3A_2732] {strides = array<i32>} : memref<16x384xf32, #tpu.memory_space<vmem>>, vector<16xf32>,
      %get3A_2734 = arith.index_cast %add3A_2700 : i32 to index
      %get3A_2735 = arith.constant 144 : index
      %get3A_2736 = tpu.vector_load %arg10[%get3A_2734, %get3A_2735] {strides = array<i32>} : memref<16x384xf32, #tpu.memory_space<vmem>>, vector<16xf32>,
      %get3A_2737 = arith.index_cast %add3A_2700 : i32 to index
      %get3A_2738 = arith.constant 16 : index
      %get3A_2739 = tpu.vector_load %arg11[%get3A_2737, %get3A_2738] {strides = array<i32>} : memref<16x384xf32, #tpu.memory_space<vmem>>, vector<16xf32>,
      %get3A_2740 = arith.index_cast %add3A_2700 : i32 to index
      %get3A_2741 = arith.constant 144 : index
      %get3A_2742 = tpu.vector_load %arg11[%get3A_2740, %get3A_2741] {strides = array<i32>} : memref<16x384xf32, #tpu.memory_space<vmem>>, vector<16xf32>,
      %mul3A_2743 = vector.broadcast %squeeze3A_2702 : f32 to vector<16xf32>
      %mul3A_2744 = arith.mulf %mul3A_2743, %get3A_2733 : vector<16xf32>
      %mul3A_2745 = vector.broadcast %squeeze3A_2704 : f32 to vector<16xf32>
      %mul3A_2746 = arith.mulf %mul3A_2745, %get3A_2739 : vector<16xf32>
      %add3A_2747 = arith.addf %mul3A_2744, %mul3A_2746 : vector<16xf32>
      %add3A_2748 = arith.addf %get3A_2736, %get3A_2742 : vector<16xf32>
      %mul3A_2749 = vector.broadcast %squeeze3A_2706 : f32 to vector<16xf32>
      %mul3A_2750 = arith.mulf %mul3A_2749, %add3A_2748 : vector<16xf32>
      %add3A_2751 = arith.addf %add3A_2747, %mul3A_2750 : vector<16xf32>
      %swap3A_2752 = arith.index_cast %add3A_2700 : i32 to index
      %swap3A_2753 = arith.constant 16 : index
      %swap3A_2754 = tpu.vector_load %arg12[%swap3A_2752, %swap3A_2753] {strides = array<i32>} : memref<16x128xf32, #tpu.memory_space<vmem>>, vector<16xf32>,
      tpu.vector_store %arg12[%swap3A_2752, %swap3A_2753], %add3A_2751 {strides = array<i32>} : memref<16x128xf32, #tpu.memory_space<vmem>>, vector<16xf32>,
      %get3A_2755 = arith.index_cast %add3A_2700 : i32 to index
      %get3A_2756 = arith.constant 32 : index
      %get3A_2757 = tpu.vector_load %arg10[%get3A_2755, %get3A_2756] {strides = array<i32>} : memref<16x384xf32, #tpu.memory_space<vmem>>, vector<16xf32>,
      %get3A_2758 = arith.index_cast %add3A_2700 : i32 to index
      %get3A_2759 = arith.constant 160 : index
      %get3A_2760 = tpu.vector_load %arg10[%get3A_2758, %get3A_2759] {strides = array<i32>} : memref<16x384xf32, #tpu.memory_space<vmem>>, vector<16xf32>,
      %get3A_2761 = arith.index_cast %add3A_2700 : i32 to index
      %get3A_2762 = arith.constant 32 : index
      %get3A_2763 = tpu.vector_load %arg11[%get3A_2761, %get3A_2762] {strides = array<i32>} : memref<16x384xf32, #tpu.memory_space<vmem>>, vector<16xf32>,
      %get3A_2764 = arith.index_cast %add3A_2700 : i32 to index
      %get3A_2765 = arith.constant 160 : index
      %get3A_2766 = tpu.vector_load %arg11[%get3A_2764, %get3A_2765] {strides = array<i32>} : memref<16x384xf32, #tpu.memory_space<vmem>>, vector<16xf32>,
      %mul3A_2767 = vector.broadcast %squeeze3A_2702 : f32 to vector<16xf32>
      %mul3A_2768 = arith.mulf %mul3A_2767, %get3A_2757 : vector<16xf32>
      %mul3A_2769 = vector.broadcast %squeeze3A_2704 : f32 to vector<16xf32>
      %mul3A_2770 = arith.mulf %mul3A_2769, %get3A_2763 : vector<16xf32>
      %add3A_2771 = arith.addf %mul3A_2768, %mul3A_2770 : vector<16xf32>
      %add3A_2772 = arith.addf %get3A_2760, %get3A_2766 : vector<16xf32>
      %mul3A_2773 = vector.broadcast %squeeze3A_2706 : f32 to vector<16xf32>
      %mul3A_2774 = arith.mulf %mul3A_2773, %add3A_2772 : vector<16xf32>
      %add3A_2775 = arith.addf %add3A_2771, %mul3A_2774 : vector<16xf32>
      %swap3A_2776 = arith.index_cast %add3A_2700 : i32 to index
      %swap3A_2777 = arith.constant 32 : index
      %swap3A_2778 = tpu.vector_load %arg12[%swap3A_2776, %swap3A_2777] {strides = array<i32>} : memref<16x128xf32, #tpu.memory_space<vmem>>, vector<16xf32>,
      tpu.vector_store %arg12[%swap3A_2776, %swap3A_2777], %add3A_2775 {strides = array<i32>} : memref<16x128xf32, #tpu.memory_space<vmem>>, vector<16xf32>,
      %get3A_2779 = arith.index_cast %add3A_2700 : i32 to index
      %get3A_2780 = arith.constant 48 : index
      %get3A_2781 = tpu.vector_load %arg10[%get3A_2779, %get3A_2780] {strides = array<i32>} : memref<16x384xf32, #tpu.memory_space<vmem>>, vector<16xf32>,
      %get3A_2782 = arith.index_cast %add3A_2700 : i32 to index
      %get3A_2783 = arith.constant 176 : index
      %get3A_2784 = tpu.vector_load %arg10[%get3A_2782, %get3A_2783] {strides = array<i32>} : memref<16x384xf32, #tpu.memory_space<vmem>>, vector<16xf32>,
      %get3A_2785 = arith.index_cast %add3A_2700 : i32 to index
      %get3A_2786 = arith.constant 48 : index
      %get3A_2787 = tpu.vector_load %arg11[%get3A_2785, %get3A_2786] {strides = array<i32>} : memref<16x384xf32, #tpu.memory_space<vmem>>, vector<16xf32>,
      %get3A_2788 = arith.index_cast %add3A_2700 : i32 to index
      %get3A_2789 = arith.constant 176 : index
      %get3A_2790 = tpu.vector_load %arg11[%get3A_2788, %get3A_2789] {strides = array<i32>} : memref<16x384xf32, #tpu.memory_space<vmem>>, vector<16xf32>,
      %mul3A_2791 = vector.broadcast %squeeze3A_2702 : f32 to vector<16xf32>
      %mul3A_2792 = arith.mulf %mul3A_2791, %get3A_2781 : vector<16xf32>
      %mul3A_2793 = vector.broadcast %squeeze3A_2704 : f32 to vector<16xf32>
      %mul3A_2794 = arith.mulf %mul3A_2793, %get3A_2787 : vector<16xf32>
      %add3A_2795 = arith.addf %mul3A_2792, %mul3A_2794 : vector<16xf32>
      %add3A_2796 = arith.addf %get3A_2784, %get3A_2790 : vector<16xf32>
      %mul3A_2797 = vector.broadcast %squeeze3A_2706 : f32 to vector<16xf32>
      %mul3A_2798 = arith.mulf %mul3A_2797, %add3A_2796 : vector<16xf32>
      %add3A_2799 = arith.addf %add3A_2795, %mul3A_2798 : vector<16xf32>
      %swap3A_2800 = arith.index_cast %add3A_2700 : i32 to index
      %swap3A_2801 = arith.constant 48 : index
      %swap3A_2802 = tpu.vector_load %arg12[%swap3A_2800, %swap3A_2801] {strides = array<i32>} : memref<16x128xf32, #tpu.memory_space<vmem>>, vector<16xf32>,
      tpu.vector_store %arg12[%swap3A_2800, %swap3A_2801], %add3A_2799 {strides = array<i32>} : memref<16x128xf32, #tpu.memory_space<vmem>>, vector<16xf32>,
      %get3A_2803 = arith.index_cast %add3A_2700 : i32 to index
      %get3A_2804 = arith.constant 64 : index
      %get3A_2805 = tpu.vector_load %arg10[%get3A_2803, %get3A_2804] {strides = array<i32>} : memref<16x384xf32, #tpu.memory_space<vmem>>, vector<16xf32>,
      %get3A_2806 = arith.index_cast %add3A_2700 : i32 to index
      %get3A_2807 = arith.constant 192 : index
      %get3A_2808 = tpu.vector_load %arg10[%get3A_2806, %get3A_2807] {strides = array<i32>} : memref<16x384xf32, #tpu.memory_space<vmem>>, vector<16xf32>,
      %get3A_2809 = arith.index_cast %add3A_2700 : i32 to index
      %get3A_2810 = arith.constant 64 : index
      %get3A_2811 = tpu.vector_load %arg11[%get3A_2809, %get3A_2810] {strides = array<i32>} : memref<16x384xf32, #tpu.memory_space<vmem>>, vector<16xf32>,
      %get3A_2812 = arith.index_cast %add3A_2700 : i32 to index
      %get3A_2813 = arith.constant 192 : index
      %get3A_2814 = tpu.vector_load %arg11[%get3A_2812, %get3A_2813] {strides = array<i32>} : memref<16x384xf32, #tpu.memory_space<vmem>>, vector<16xf32>,
      %mul3A_2815 = vector.broadcast %squeeze3A_2702 : f32 to vector<16xf32>
      %mul3A_2816 = arith.mulf %mul3A_2815, %get3A_2805 : vector<16xf32>
      %mul3A_2817 = vector.broadcast %squeeze3A_2704 : f32 to vector<16xf32>
      %mul3A_2818 = arith.mulf %mul3A_2817, %get3A_2811 : vector<16xf32>
      %add3A_2819 = arith.addf %mul3A_2816, %mul3A_2818 : vector<16xf32>
      %add3A_2820 = arith.addf %get3A_2808, %get3A_2814 : vector<16xf32>
      %mul3A_2821 = vector.broadcast %squeeze3A_2706 : f32 to vector<16xf32>
      %mul3A_2822 = arith.mulf %mul3A_2821, %add3A_2820 : vector<16xf32>
      %add3A_2823 = arith.addf %add3A_2819, %mul3A_2822 : vector<16xf32>
      %swap3A_2824 = arith.index_cast %add3A_2700 : i32 to index
      %swap3A_2825 = arith.constant 64 : index
      %swap3A_2826 = tpu.vector_load %arg12[%swap3A_2824, %swap3A_2825] {strides = array<i32>} : memref<16x128xf32, #tpu.memory_space<vmem>>, vector<16xf32>,
      tpu.vector_store %arg12[%swap3A_2824, %swap3A_2825], %add3A_2823 {strides = array<i32>} : memref<16x128xf32, #tpu.memory_space<vmem>>, vector<16xf32>,
      %get3A_2827 = arith.index_cast %add3A_2700 : i32 to index
      %get3A_2828 = arith.constant 80 : index
      %get3A_2829 = tpu.vector_load %arg10[%get3A_2827, %get3A_2828] {strides = array<i32>} : memref<16x384xf32, #tpu.memory_space<vmem>>, vector<16xf32>,
      %get3A_2830 = arith.index_cast %add3A_2700 : i32 to index
      %get3A_2831 = arith.constant 208 : index
      %get3A_2832 = tpu.vector_load %arg10[%get3A_2830, %get3A_2831] {strides = array<i32>} : memref<16x384xf32, #tpu.memory_space<vmem>>, vector<16xf32>,
      %get3A_2833 = arith.index_cast %add3A_2700 : i32 to index
      %get3A_2834 = arith.constant 80 : index
      %get3A_2835 = tpu.vector_load %arg11[%get3A_2833, %get3A_2834] {strides = array<i32>} : memref<16x384xf32, #tpu.memory_space<vmem>>, vector<16xf32>,
      %get3A_2836 = arith.index_cast %add3A_2700 : i32 to index
      %get3A_2837 = arith.constant 208 : index
      %get3A_2838 = tpu.vector_load %arg11[%get3A_2836, %get3A_2837] {strides = array<i32>} : memref<16x384xf32, #tpu.memory_space<vmem>>, vector<16xf32>,
      %mul3A_2839 = vector.broadcast %squeeze3A_2702 : f32 to vector<16xf32>
      %mul3A_2840 = arith.mulf %mul3A_2839, %get3A_2829 : vector<16xf32>
      %mul3A_2841 = vector.broadcast %squeeze3A_2704 : f32 to vector<16xf32>
      %mul3A_2842 = arith.mulf %mul3A_2841, %get3A_2835 : vector<16xf32>
      %add3A_2843 = arith.addf %mul3A_2840, %mul3A_2842 : vector<16xf32>
      %add3A_2844 = arith.addf %get3A_2832, %get3A_2838 : vector<16xf32>
      %mul3A_2845 = vector.broadcast %squeeze3A_2706 : f32 to vector<16xf32>
      %mul3A_2846 = arith.mulf %mul3A_2845, %add3A_2844 : vector<16xf32>
      %add3A_2847 = arith.addf %add3A_2843, %mul3A_2846 : vector<16xf32>
      %swap3A_2848 = arith.index_cast %add3A_2700 : i32 to index
      %swap3A_2849 = arith.constant 80 : index
      %swap3A_2850 = tpu.vector_load %arg12[%swap3A_2848, %swap3A_2849] {strides = array<i32>} : memref<16x128xf32, #tpu.memory_space<vmem>>, vector<16xf32>,
      tpu.vector_store %arg12[%swap3A_2848, %swap3A_2849], %add3A_2847 {strides = array<i32>} : memref<16x128xf32, #tpu.memory_space<vmem>>, vector<16xf32>,
      %get3A_2851 = arith.index_cast %add3A_2700 : i32 to index
      %get3A_2852 = arith.constant 96 : index
      %get3A_2853 = tpu.vector_load %arg10[%get3A_2851, %get3A_2852] {strides = array<i32>} : memref<16x384xf32, #tpu.memory_space<vmem>>, vector<16xf32>,
      %get3A_2854 = arith.index_cast %add3A_2700 : i32 to index
      %get3A_2855 = arith.constant 224 : index
      %get3A_2856 = tpu.vector_load %arg10[%get3A_2854, %get3A_2855] {strides = array<i32>} : memref<16x384xf32, #tpu.memory_space<vmem>>, vector<16xf32>,
      %get3A_2857 = arith.index_cast %add3A_2700 : i32 to index
      %get3A_2858 = arith.constant 96 : index
      %get3A_2859 = tpu.vector_load %arg11[%get3A_2857, %get3A_2858] {strides = array<i32>} : memref<16x384xf32, #tpu.memory_space<vmem>>, vector<16xf32>,
      %get3A_2860 = arith.index_cast %add3A_2700 : i32 to index
      %get3A_2861 = arith.constant 224 : index
      %get3A_2862 = tpu.vector_load %arg11[%get3A_2860, %get3A_2861] {strides = array<i32>} : memref<16x384xf32, #tpu.memory_space<vmem>>, vector<16xf32>,
      %mul3A_2863 = vector.broadcast %squeeze3A_2702 : f32 to vector<16xf32>
      %mul3A_2864 = arith.mulf %mul3A_2863, %get3A_2853 : vector<16xf32>
      %mul3A_2865 = vector.broadcast %squeeze3A_2704 : f32 to vector<16xf32>
      %mul3A_2866 = arith.mulf %mul3A_2865, %get3A_2859 : vector<16xf32>
      %add3A_2867 = arith.addf %mul3A_2864, %mul3A_2866 : vector<16xf32>
      %add3A_2868 = arith.addf %get3A_2856, %get3A_2862 : vector<16xf32>
      %mul3A_2869 = vector.broadcast %squeeze3A_2706 : f32 to vector<16xf32>
      %mul3A_2870 = arith.mulf %mul3A_2869, %add3A_2868 : vector<16xf32>
      %add3A_2871 = arith.addf %add3A_2867, %mul3A_2870 : vector<16xf32>
      %swap3A_2872 = arith.index_cast %add3A_2700 : i32 to index
      %swap3A_2873 = arith.constant 96 : index
      %swap3A_2874 = tpu.vector_load %arg12[%swap3A_2872, %swap3A_2873] {strides = array<i32>} : memref<16x128xf32, #tpu.memory_space<vmem>>, vector<16xf32>,
      tpu.vector_store %arg12[%swap3A_2872, %swap3A_2873], %add3A_2871 {strides = array<i32>} : memref<16x128xf32, #tpu.memory_space<vmem>>, vector<16xf32>,
      %get3A_2875 = arith.index_cast %add3A_2700 : i32 to index
      %get3A_2876 = arith.constant 112 : index
      %get3A_2877 = tpu.vector_load %arg10[%get3A_2875, %get3A_2876] {strides = array<i32>} : memref<16x384xf32, #tpu.memory_space<vmem>>, vector<16xf32>,
      %get3A_2878 = arith.index_cast %add3A_2700 : i32 to index
      %get3A_2879 = arith.constant 240 : index
      %get3A_2880 = tpu.vector_load %arg10[%get3A_2878, %get3A_2879] {strides = array<i32>} : memref<16x384xf32, #tpu.memory_space<vmem>>, vector<16xf32>,
      %get3A_2881 = arith.index_cast %add3A_2700 : i32 to index
      %get3A_2882 = arith.constant 112 : index
      %get3A_2883 = tpu.vector_load %arg11[%get3A_2881, %get3A_2882] {strides = array<i32>} : memref<16x384xf32, #tpu.memory_space<vmem>>, vector<16xf32>,
      %get3A_2884 = arith.index_cast %add3A_2700 : i32 to index
      %get3A_2885 = arith.constant 240 : index
      %get3A_2886 = tpu.vector_load %arg11[%get3A_2884, %get3A_2885] {strides = array<i32>} : memref<16x384xf32, #tpu.memory_space<vmem>>, vector<16xf32>,
      %mul3A_2887 = vector.broadcast %squeeze3A_2702 : f32 to vector<16xf32>
      %mul3A_2888 = arith.mulf %mul3A_2887, %get3A_2877 : vector<16xf32>
      %mul3A_2889 = vector.broadcast %squeeze3A_2704 : f32 to vector<16xf32>
      %mul3A_2890 = arith.mulf %mul3A_2889, %get3A_2883 : vector<16xf32>
      %add3A_2891 = arith.addf %mul3A_2888, %mul3A_2890 : vector<16xf32>
      %add3A_2892 = arith.addf %get3A_2880, %get3A_2886 : vector<16xf32>
      %mul3A_2893 = vector.broadcast %squeeze3A_2706 : f32 to vector<16xf32>
      %mul3A_2894 = arith.mulf %mul3A_2893, %add3A_2892 : vector<16xf32>
      %add3A_2895 = arith.addf %add3A_2891, %mul3A_2894 : vector<16xf32>
      %swap3A_2896 = arith.index_cast %add3A_2700 : i32 to index
      %swap3A_2897 = arith.constant 112 : index
      %swap3A_2898 = tpu.vector_load %arg12[%swap3A_2896, %swap3A_2897] {strides = array<i32>} : memref<16x128xf32, #tpu.memory_space<vmem>>, vector<16xf32>,
      tpu.vector_store %arg12[%swap3A_2896, %swap3A_2897], %add3A_2895 {strides = array<i32>} : memref<16x128xf32, #tpu.memory_space<vmem>>, vector<16xf32>,
      %mul3A_2899 = arith.constant 16 : i32
      %mul3A_2900 = arith.muli %scan3A_37, %mul3A_2899 : i32
      %add3A_2901 = arith.constant 14 : i32
      %add3A_2902 = arith.addi %mul3A_2900, %add3A_2901 : i32
      %slice3A_2903 = vector.extract_strided_slice %mul3A_72 {offsets = [14], sizes = [1], strides = [1]} : vector<16xf32> to vector<1xf32>
      %squeeze3A_2904 = vector.extract %slice3A_2903[0] : f32 from vector<1xf32>
      %slice3A_2905 = vector.extract_strided_slice %mul3A_73 {offsets = [14], sizes = [1], strides = [1]} : vector<16xf32> to vector<1xf32>
      %squeeze3A_2906 = vector.extract %slice3A_2905[0] : f32 from vector<1xf32>
      %slice3A_2907 = vector.extract_strided_slice %mul3A_74 {offsets = [14], sizes = [1], strides = [1]} : vector<16xf32> to vector<1xf32>
      %squeeze3A_2908 = vector.extract %slice3A_2907[0] : f32 from vector<1xf32>
      %get3A_2909 = arith.index_cast %add3A_2902 : i32 to index
      %get3A_2910 = arith.constant 0 : index
      %get3A_2911 = tpu.vector_load %arg10[%get3A_2909, %get3A_2910] {strides = array<i32>} : memref<16x384xf32, #tpu.memory_space<vmem>>, vector<16xf32>,
      %get3A_2912 = arith.index_cast %add3A_2902 : i32 to index
      %get3A_2913 = arith.constant 128 : index
      %get3A_2914 = tpu.vector_load %arg10[%get3A_2912, %get3A_2913] {strides = array<i32>} : memref<16x384xf32, #tpu.memory_space<vmem>>, vector<16xf32>,
      %get3A_2915 = arith.index_cast %add3A_2902 : i32 to index
      %get3A_2916 = arith.constant 0 : index
      %get3A_2917 = tpu.vector_load %arg11[%get3A_2915, %get3A_2916] {strides = array<i32>} : memref<16x384xf32, #tpu.memory_space<vmem>>, vector<16xf32>,
      %get3A_2918 = arith.index_cast %add3A_2902 : i32 to index
      %get3A_2919 = arith.constant 128 : index
      %get3A_2920 = tpu.vector_load %arg11[%get3A_2918, %get3A_2919] {strides = array<i32>} : memref<16x384xf32, #tpu.memory_space<vmem>>, vector<16xf32>,
      %mul3A_2921 = vector.broadcast %squeeze3A_2904 : f32 to vector<16xf32>
      %mul3A_2922 = arith.mulf %mul3A_2921, %get3A_2911 : vector<16xf32>
      %mul3A_2923 = vector.broadcast %squeeze3A_2906 : f32 to vector<16xf32>
      %mul3A_2924 = arith.mulf %mul3A_2923, %get3A_2917 : vector<16xf32>
      %add3A_2925 = arith.addf %mul3A_2922, %mul3A_2924 : vector<16xf32>
      %add3A_2926 = arith.addf %get3A_2914, %get3A_2920 : vector<16xf32>
      %mul3A_2927 = vector.broadcast %squeeze3A_2908 : f32 to vector<16xf32>
      %mul3A_2928 = arith.mulf %mul3A_2927, %add3A_2926 : vector<16xf32>
      %add3A_2929 = arith.addf %add3A_2925, %mul3A_2928 : vector<16xf32>
      %swap3A_2930 = arith.index_cast %add3A_2902 : i32 to index
      %swap3A_2931 = arith.constant 0 : index
      %swap3A_2932 = tpu.vector_load %arg12[%swap3A_2930, %swap3A_2931] {strides = array<i32>} : memref<16x128xf32, #tpu.memory_space<vmem>>, vector<16xf32>,
      tpu.vector_store %arg12[%swap3A_2930, %swap3A_2931], %add3A_2929 {strides = array<i32>} : memref<16x128xf32, #tpu.memory_space<vmem>>, vector<16xf32>,
      %get3A_2933 = arith.index_cast %add3A_2902 : i32 to index
      %get3A_2934 = arith.constant 16 : index
      %get3A_2935 = tpu.vector_load %arg10[%get3A_2933, %get3A_2934] {strides = array<i32>} : memref<16x384xf32, #tpu.memory_space<vmem>>, vector<16xf32>,
      %get3A_2936 = arith.index_cast %add3A_2902 : i32 to index
      %get3A_2937 = arith.constant 144 : index
      %get3A_2938 = tpu.vector_load %arg10[%get3A_2936, %get3A_2937] {strides = array<i32>} : memref<16x384xf32, #tpu.memory_space<vmem>>, vector<16xf32>,
      %get3A_2939 = arith.index_cast %add3A_2902 : i32 to index
      %get3A_2940 = arith.constant 16 : index
      %get3A_2941 = tpu.vector_load %arg11[%get3A_2939, %get3A_2940] {strides = array<i32>} : memref<16x384xf32, #tpu.memory_space<vmem>>, vector<16xf32>,
      %get3A_2942 = arith.index_cast %add3A_2902 : i32 to index
      %get3A_2943 = arith.constant 144 : index
      %get3A_2944 = tpu.vector_load %arg11[%get3A_2942, %get3A_2943] {strides = array<i32>} : memref<16x384xf32, #tpu.memory_space<vmem>>, vector<16xf32>,
      %mul3A_2945 = vector.broadcast %squeeze3A_2904 : f32 to vector<16xf32>
      %mul3A_2946 = arith.mulf %mul3A_2945, %get3A_2935 : vector<16xf32>
      %mul3A_2947 = vector.broadcast %squeeze3A_2906 : f32 to vector<16xf32>
      %mul3A_2948 = arith.mulf %mul3A_2947, %get3A_2941 : vector<16xf32>
      %add3A_2949 = arith.addf %mul3A_2946, %mul3A_2948 : vector<16xf32>
      %add3A_2950 = arith.addf %get3A_2938, %get3A_2944 : vector<16xf32>
      %mul3A_2951 = vector.broadcast %squeeze3A_2908 : f32 to vector<16xf32>
      %mul3A_2952 = arith.mulf %mul3A_2951, %add3A_2950 : vector<16xf32>
      %add3A_2953 = arith.addf %add3A_2949, %mul3A_2952 : vector<16xf32>
      %swap3A_2954 = arith.index_cast %add3A_2902 : i32 to index
      %swap3A_2955 = arith.constant 16 : index
      %swap3A_2956 = tpu.vector_load %arg12[%swap3A_2954, %swap3A_2955] {strides = array<i32>} : memref<16x128xf32, #tpu.memory_space<vmem>>, vector<16xf32>,
      tpu.vector_store %arg12[%swap3A_2954, %swap3A_2955], %add3A_2953 {strides = array<i32>} : memref<16x128xf32, #tpu.memory_space<vmem>>, vector<16xf32>,
      %get3A_2957 = arith.index_cast %add3A_2902 : i32 to index
      %get3A_2958 = arith.constant 32 : index
      %get3A_2959 = tpu.vector_load %arg10[%get3A_2957, %get3A_2958] {strides = array<i32>} : memref<16x384xf32, #tpu.memory_space<vmem>>, vector<16xf32>,
      %get3A_2960 = arith.index_cast %add3A_2902 : i32 to index
      %get3A_2961 = arith.constant 160 : index
      %get3A_2962 = tpu.vector_load %arg10[%get3A_2960, %get3A_2961] {strides = array<i32>} : memref<16x384xf32, #tpu.memory_space<vmem>>, vector<16xf32>,
      %get3A_2963 = arith.index_cast %add3A_2902 : i32 to index
      %get3A_2964 = arith.constant 32 : index
      %get3A_2965 = tpu.vector_load %arg11[%get3A_2963, %get3A_2964] {strides = array<i32>} : memref<16x384xf32, #tpu.memory_space<vmem>>, vector<16xf32>,
      %get3A_2966 = arith.index_cast %add3A_2902 : i32 to index
      %get3A_2967 = arith.constant 160 : index
      %get3A_2968 = tpu.vector_load %arg11[%get3A_2966, %get3A_2967] {strides = array<i32>} : memref<16x384xf32, #tpu.memory_space<vmem>>, vector<16xf32>,
      %mul3A_2969 = vector.broadcast %squeeze3A_2904 : f32 to vector<16xf32>
      %mul3A_2970 = arith.mulf %mul3A_2969, %get3A_2959 : vector<16xf32>
      %mul3A_2971 = vector.broadcast %squeeze3A_2906 : f32 to vector<16xf32>
      %mul3A_2972 = arith.mulf %mul3A_2971, %get3A_2965 : vector<16xf32>
      %add3A_2973 = arith.addf %mul3A_2970, %mul3A_2972 : vector<16xf32>
      %add3A_2974 = arith.addf %get3A_2962, %get3A_2968 : vector<16xf32>
      %mul3A_2975 = vector.broadcast %squeeze3A_2908 : f32 to vector<16xf32>
      %mul3A_2976 = arith.mulf %mul3A_2975, %add3A_2974 : vector<16xf32>
      %add3A_2977 = arith.addf %add3A_2973, %mul3A_2976 : vector<16xf32>
      %swap3A_2978 = arith.index_cast %add3A_2902 : i32 to index
      %swap3A_2979 = arith.constant 32 : index
      %swap3A_2980 = tpu.vector_load %arg12[%swap3A_2978, %swap3A_2979] {strides = array<i32>} : memref<16x128xf32, #tpu.memory_space<vmem>>, vector<16xf32>,
      tpu.vector_store %arg12[%swap3A_2978, %swap3A_2979], %add3A_2977 {strides = array<i32>} : memref<16x128xf32, #tpu.memory_space<vmem>>, vector<16xf32>,
      %get3A_2981 = arith.index_cast %add3A_2902 : i32 to index
      %get3A_2982 = arith.constant 48 : index
      %get3A_2983 = tpu.vector_load %arg10[%get3A_2981, %get3A_2982] {strides = array<i32>} : memref<16x384xf32, #tpu.memory_space<vmem>>, vector<16xf32>,
      %get3A_2984 = arith.index_cast %add3A_2902 : i32 to index
      %get3A_2985 = arith.constant 176 : index
      %get3A_2986 = tpu.vector_load %arg10[%get3A_2984, %get3A_2985] {strides = array<i32>} : memref<16x384xf32, #tpu.memory_space<vmem>>, vector<16xf32>,
      %get3A_2987 = arith.index_cast %add3A_2902 : i32 to index
      %get3A_2988 = arith.constant 48 : index
      %get3A_2989 = tpu.vector_load %arg11[%get3A_2987, %get3A_2988] {strides = array<i32>} : memref<16x384xf32, #tpu.memory_space<vmem>>, vector<16xf32>,
      %get3A_2990 = arith.index_cast %add3A_2902 : i32 to index
      %get3A_2991 = arith.constant 176 : index
      %get3A_2992 = tpu.vector_load %arg11[%get3A_2990, %get3A_2991] {strides = array<i32>} : memref<16x384xf32, #tpu.memory_space<vmem>>, vector<16xf32>,
      %mul3A_2993 = vector.broadcast %squeeze3A_2904 : f32 to vector<16xf32>
      %mul3A_2994 = arith.mulf %mul3A_2993, %get3A_2983 : vector<16xf32>
      %mul3A_2995 = vector.broadcast %squeeze3A_2906 : f32 to vector<16xf32>
      %mul3A_2996 = arith.mulf %mul3A_2995, %get3A_2989 : vector<16xf32>
      %add3A_2997 = arith.addf %mul3A_2994, %mul3A_2996 : vector<16xf32>
      %add3A_2998 = arith.addf %get3A_2986, %get3A_2992 : vector<16xf32>
      %mul3A_2999 = vector.broadcast %squeeze3A_2908 : f32 to vector<16xf32>
      %mul3A_3000 = arith.mulf %mul3A_2999, %add3A_2998 : vector<16xf32>
      %add3A_3001 = arith.addf %add3A_2997, %mul3A_3000 : vector<16xf32>
      %swap3A_3002 = arith.index_cast %add3A_2902 : i32 to index
      %swap3A_3003 = arith.constant 48 : index
      %swap3A_3004 = tpu.vector_load %arg12[%swap3A_3002, %swap3A_3003] {strides = array<i32>} : memref<16x128xf32, #tpu.memory_space<vmem>>, vector<16xf32>,
      tpu.vector_store %arg12[%swap3A_3002, %swap3A_3003], %add3A_3001 {strides = array<i32>} : memref<16x128xf32, #tpu.memory_space<vmem>>, vector<16xf32>,
      %get3A_3005 = arith.index_cast %add3A_2902 : i32 to index
      %get3A_3006 = arith.constant 64 : index
      %get3A_3007 = tpu.vector_load %arg10[%get3A_3005, %get3A_3006] {strides = array<i32>} : memref<16x384xf32, #tpu.memory_space<vmem>>, vector<16xf32>,
      %get3A_3008 = arith.index_cast %add3A_2902 : i32 to index
      %get3A_3009 = arith.constant 192 : index
      %get3A_3010 = tpu.vector_load %arg10[%get3A_3008, %get3A_3009] {strides = array<i32>} : memref<16x384xf32, #tpu.memory_space<vmem>>, vector<16xf32>,
      %get3A_3011 = arith.index_cast %add3A_2902 : i32 to index
      %get3A_3012 = arith.constant 64 : index
      %get3A_3013 = tpu.vector_load %arg11[%get3A_3011, %get3A_3012] {strides = array<i32>} : memref<16x384xf32, #tpu.memory_space<vmem>>, vector<16xf32>,
      %get3A_3014 = arith.index_cast %add3A_2902 : i32 to index
      %get3A_3015 = arith.constant 192 : index
      %get3A_3016 = tpu.vector_load %arg11[%get3A_3014, %get3A_3015] {strides = array<i32>} : memref<16x384xf32, #tpu.memory_space<vmem>>, vector<16xf32>,
      %mul3A_3017 = vector.broadcast %squeeze3A_2904 : f32 to vector<16xf32>
      %mul3A_3018 = arith.mulf %mul3A_3017, %get3A_3007 : vector<16xf32>
      %mul3A_3019 = vector.broadcast %squeeze3A_2906 : f32 to vector<16xf32>
      %mul3A_3020 = arith.mulf %mul3A_3019, %get3A_3013 : vector<16xf32>
      %add3A_3021 = arith.addf %mul3A_3018, %mul3A_3020 : vector<16xf32>
      %add3A_3022 = arith.addf %get3A_3010, %get3A_3016 : vector<16xf32>
      %mul3A_3023 = vector.broadcast %squeeze3A_2908 : f32 to vector<16xf32>
      %mul3A_3024 = arith.mulf %mul3A_3023, %add3A_3022 : vector<16xf32>
      %add3A_3025 = arith.addf %add3A_3021, %mul3A_3024 : vector<16xf32>
      %swap3A_3026 = arith.index_cast %add3A_2902 : i32 to index
      %swap3A_3027 = arith.constant 64 : index
      %swap3A_3028 = tpu.vector_load %arg12[%swap3A_3026, %swap3A_3027] {strides = array<i32>} : memref<16x128xf32, #tpu.memory_space<vmem>>, vector<16xf32>,
      tpu.vector_store %arg12[%swap3A_3026, %swap3A_3027], %add3A_3025 {strides = array<i32>} : memref<16x128xf32, #tpu.memory_space<vmem>>, vector<16xf32>,
      %get3A_3029 = arith.index_cast %add3A_2902 : i32 to index
      %get3A_3030 = arith.constant 80 : index
      %get3A_3031 = tpu.vector_load %arg10[%get3A_3029, %get3A_3030] {strides = array<i32>} : memref<16x384xf32, #tpu.memory_space<vmem>>, vector<16xf32>,
      %get3A_3032 = arith.index_cast %add3A_2902 : i32 to index
      %get3A_3033 = arith.constant 208 : index
      %get3A_3034 = tpu.vector_load %arg10[%get3A_3032, %get3A_3033] {strides = array<i32>} : memref<16x384xf32, #tpu.memory_space<vmem>>, vector<16xf32>,
      %get3A_3035 = arith.index_cast %add3A_2902 : i32 to index
      %get3A_3036 = arith.constant 80 : index
      %get3A_3037 = tpu.vector_load %arg11[%get3A_3035, %get3A_3036] {strides = array<i32>} : memref<16x384xf32, #tpu.memory_space<vmem>>, vector<16xf32>,
      %get3A_3038 = arith.index_cast %add3A_2902 : i32 to index
      %get3A_3039 = arith.constant 208 : index
      %get3A_3040 = tpu.vector_load %arg11[%get3A_3038, %get3A_3039] {strides = array<i32>} : memref<16x384xf32, #tpu.memory_space<vmem>>, vector<16xf32>,
      %mul3A_3041 = vector.broadcast %squeeze3A_2904 : f32 to vector<16xf32>
      %mul3A_3042 = arith.mulf %mul3A_3041, %get3A_3031 : vector<16xf32>
      %mul3A_3043 = vector.broadcast %squeeze3A_2906 : f32 to vector<16xf32>
      %mul3A_3044 = arith.mulf %mul3A_3043, %get3A_3037 : vector<16xf32>
      %add3A_3045 = arith.addf %mul3A_3042, %mul3A_3044 : vector<16xf32>
      %add3A_3046 = arith.addf %get3A_3034, %get3A_3040 : vector<16xf32>
      %mul3A_3047 = vector.broadcast %squeeze3A_2908 : f32 to vector<16xf32>
      %mul3A_3048 = arith.mulf %mul3A_3047, %add3A_3046 : vector<16xf32>
      %add3A_3049 = arith.addf %add3A_3045, %mul3A_3048 : vector<16xf32>
      %swap3A_3050 = arith.index_cast %add3A_2902 : i32 to index
      %swap3A_3051 = arith.constant 80 : index
      %swap3A_3052 = tpu.vector_load %arg12[%swap3A_3050, %swap3A_3051] {strides = array<i32>} : memref<16x128xf32, #tpu.memory_space<vmem>>, vector<16xf32>,
      tpu.vector_store %arg12[%swap3A_3050, %swap3A_3051], %add3A_3049 {strides = array<i32>} : memref<16x128xf32, #tpu.memory_space<vmem>>, vector<16xf32>,
      %get3A_3053 = arith.index_cast %add3A_2902 : i32 to index
      %get3A_3054 = arith.constant 96 : index
      %get3A_3055 = tpu.vector_load %arg10[%get3A_3053, %get3A_3054] {strides = array<i32>} : memref<16x384xf32, #tpu.memory_space<vmem>>, vector<16xf32>,
      %get3A_3056 = arith.index_cast %add3A_2902 : i32 to index
      %get3A_3057 = arith.constant 224 : index
      %get3A_3058 = tpu.vector_load %arg10[%get3A_3056, %get3A_3057] {strides = array<i32>} : memref<16x384xf32, #tpu.memory_space<vmem>>, vector<16xf32>,
      %get3A_3059 = arith.index_cast %add3A_2902 : i32 to index
      %get3A_3060 = arith.constant 96 : index
      %get3A_3061 = tpu.vector_load %arg11[%get3A_3059, %get3A_3060] {strides = array<i32>} : memref<16x384xf32, #tpu.memory_space<vmem>>, vector<16xf32>,
      %get3A_3062 = arith.index_cast %add3A_2902 : i32 to index
      %get3A_3063 = arith.constant 224 : index
      %get3A_3064 = tpu.vector_load %arg11[%get3A_3062, %get3A_3063] {strides = array<i32>} : memref<16x384xf32, #tpu.memory_space<vmem>>, vector<16xf32>,
      %mul3A_3065 = vector.broadcast %squeeze3A_2904 : f32 to vector<16xf32>
      %mul3A_3066 = arith.mulf %mul3A_3065, %get3A_3055 : vector<16xf32>
      %mul3A_3067 = vector.broadcast %squeeze3A_2906 : f32 to vector<16xf32>
      %mul3A_3068 = arith.mulf %mul3A_3067, %get3A_3061 : vector<16xf32>
      %add3A_3069 = arith.addf %mul3A_3066, %mul3A_3068 : vector<16xf32>
      %add3A_3070 = arith.addf %get3A_3058, %get3A_3064 : vector<16xf32>
      %mul3A_3071 = vector.broadcast %squeeze3A_2908 : f32 to vector<16xf32>
      %mul3A_3072 = arith.mulf %mul3A_3071, %add3A_3070 : vector<16xf32>
      %add3A_3073 = arith.addf %add3A_3069, %mul3A_3072 : vector<16xf32>
      %swap3A_3074 = arith.index_cast %add3A_2902 : i32 to index
      %swap3A_3075 = arith.constant 96 : index
      %swap3A_3076 = tpu.vector_load %arg12[%swap3A_3074, %swap3A_3075] {strides = array<i32>} : memref<16x128xf32, #tpu.memory_space<vmem>>, vector<16xf32>,
      tpu.vector_store %arg12[%swap3A_3074, %swap3A_3075], %add3A_3073 {strides = array<i32>} : memref<16x128xf32, #tpu.memory_space<vmem>>, vector<16xf32>,
      %get3A_3077 = arith.index_cast %add3A_2902 : i32 to index
      %get3A_3078 = arith.constant 112 : index
      %get3A_3079 = tpu.vector_load %arg10[%get3A_3077, %get3A_3078] {strides = array<i32>} : memref<16x384xf32, #tpu.memory_space<vmem>>, vector<16xf32>,
      %get3A_3080 = arith.index_cast %add3A_2902 : i32 to index
      %get3A_3081 = arith.constant 240 : index
      %get3A_3082 = tpu.vector_load %arg10[%get3A_3080, %get3A_3081] {strides = array<i32>} : memref<16x384xf32, #tpu.memory_space<vmem>>, vector<16xf32>,
      %get3A_3083 = arith.index_cast %add3A_2902 : i32 to index
      %get3A_3084 = arith.constant 112 : index
      %get3A_3085 = tpu.vector_load %arg11[%get3A_3083, %get3A_3084] {strides = array<i32>} : memref<16x384xf32, #tpu.memory_space<vmem>>, vector<16xf32>,
      %get3A_3086 = arith.index_cast %add3A_2902 : i32 to index
      %get3A_3087 = arith.constant 240 : index
      %get3A_3088 = tpu.vector_load %arg11[%get3A_3086, %get3A_3087] {strides = array<i32>} : memref<16x384xf32, #tpu.memory_space<vmem>>, vector<16xf32>,
      %mul3A_3089 = vector.broadcast %squeeze3A_2904 : f32 to vector<16xf32>
      %mul3A_3090 = arith.mulf %mul3A_3089, %get3A_3079 : vector<16xf32>
      %mul3A_3091 = vector.broadcast %squeeze3A_2906 : f32 to vector<16xf32>
      %mul3A_3092 = arith.mulf %mul3A_3091, %get3A_3085 : vector<16xf32>
      %add3A_3093 = arith.addf %mul3A_3090, %mul3A_3092 : vector<16xf32>
      %add3A_3094 = arith.addf %get3A_3082, %get3A_3088 : vector<16xf32>
      %mul3A_3095 = vector.broadcast %squeeze3A_2908 : f32 to vector<16xf32>
      %mul3A_3096 = arith.mulf %mul3A_3095, %add3A_3094 : vector<16xf32>
      %add3A_3097 = arith.addf %add3A_3093, %mul3A_3096 : vector<16xf32>
      %swap3A_3098 = arith.index_cast %add3A_2902 : i32 to index
      %swap3A_3099 = arith.constant 112 : index
      %swap3A_3100 = tpu.vector_load %arg12[%swap3A_3098, %swap3A_3099] {strides = array<i32>} : memref<16x128xf32, #tpu.memory_space<vmem>>, vector<16xf32>,
      tpu.vector_store %arg12[%swap3A_3098, %swap3A_3099], %add3A_3097 {strides = array<i32>} : memref<16x128xf32, #tpu.memory_space<vmem>>, vector<16xf32>,
      %mul3A_3101 = arith.constant 16 : i32
      %mul3A_3102 = arith.muli %scan3A_37, %mul3A_3101 : i32
      %add3A_3103 = arith.constant 15 : i32
      %add3A_3104 = arith.addi %mul3A_3102, %add3A_3103 : i32
      %slice3A_3105 = vector.extract_strided_slice %mul3A_72 {offsets = [15], sizes = [1], strides = [1]} : vector<16xf32> to vector<1xf32>
      %squeeze3A_3106 = vector.extract %slice3A_3105[0] : f32 from vector<1xf32>
      %slice3A_3107 = vector.extract_strided_slice %mul3A_73 {offsets = [15], sizes = [1], strides = [1]} : vector<16xf32> to vector<1xf32>
      %squeeze3A_3108 = vector.extract %slice3A_3107[0] : f32 from vector<1xf32>
      %slice3A_3109 = vector.extract_strided_slice %mul3A_74 {offsets = [15], sizes = [1], strides = [1]} : vector<16xf32> to vector<1xf32>
      %squeeze3A_3110 = vector.extract %slice3A_3109[0] : f32 from vector<1xf32>
      %get3A_3111 = arith.index_cast %add3A_3104 : i32 to index
      %get3A_3112 = arith.constant 0 : index
      %get3A_3113 = tpu.vector_load %arg10[%get3A_3111, %get3A_3112] {strides = array<i32>} : memref<16x384xf32, #tpu.memory_space<vmem>>, vector<16xf32>,
      %get3A_3114 = arith.index_cast %add3A_3104 : i32 to index
      %get3A_3115 = arith.constant 128 : index
      %get3A_3116 = tpu.vector_load %arg10[%get3A_3114, %get3A_3115] {strides = array<i32>} : memref<16x384xf32, #tpu.memory_space<vmem>>, vector<16xf32>,
      %get3A_3117 = arith.index_cast %add3A_3104 : i32 to index
      %get3A_3118 = arith.constant 0 : index
      %get3A_3119 = tpu.vector_load %arg11[%get3A_3117, %get3A_3118] {strides = array<i32>} : memref<16x384xf32, #tpu.memory_space<vmem>>, vector<16xf32>,
      %get3A_3120 = arith.index_cast %add3A_3104 : i32 to index
      %get3A_3121 = arith.constant 128 : index
      %get3A_3122 = tpu.vector_load %arg11[%get3A_3120, %get3A_3121] {strides = array<i32>} : memref<16x384xf32, #tpu.memory_space<vmem>>, vector<16xf32>,
      %mul3A_3123 = vector.broadcast %squeeze3A_3106 : f32 to vector<16xf32>
      %mul3A_3124 = arith.mulf %mul3A_3123, %get3A_3113 : vector<16xf32>
      %mul3A_3125 = vector.broadcast %squeeze3A_3108 : f32 to vector<16xf32>
      %mul3A_3126 = arith.mulf %mul3A_3125, %get3A_3119 : vector<16xf32>
      %add3A_3127 = arith.addf %mul3A_3124, %mul3A_3126 : vector<16xf32>
      %add3A_3128 = arith.addf %get3A_3116, %get3A_3122 : vector<16xf32>
      %mul3A_3129 = vector.broadcast %squeeze3A_3110 : f32 to vector<16xf32>
      %mul3A_3130 = arith.mulf %mul3A_3129, %add3A_3128 : vector<16xf32>
      %add3A_3131 = arith.addf %add3A_3127, %mul3A_3130 : vector<16xf32>
      %swap3A_3132 = arith.index_cast %add3A_3104 : i32 to index
      %swap3A_3133 = arith.constant 0 : index
      %swap3A_3134 = tpu.vector_load %arg12[%swap3A_3132, %swap3A_3133] {strides = array<i32>} : memref<16x128xf32, #tpu.memory_space<vmem>>, vector<16xf32>,
      tpu.vector_store %arg12[%swap3A_3132, %swap3A_3133], %add3A_3131 {strides = array<i32>} : memref<16x128xf32, #tpu.memory_space<vmem>>, vector<16xf32>,
      %get3A_3135 = arith.index_cast %add3A_3104 : i32 to index
      %get3A_3136 = arith.constant 16 : index
      %get3A_3137 = tpu.vector_load %arg10[%get3A_3135, %get3A_3136] {strides = array<i32>} : memref<16x384xf32, #tpu.memory_space<vmem>>, vector<16xf32>,
      %get3A_3138 = arith.index_cast %add3A_3104 : i32 to index
      %get3A_3139 = arith.constant 144 : index
      %get3A_3140 = tpu.vector_load %arg10[%get3A_3138, %get3A_3139] {strides = array<i32>} : memref<16x384xf32, #tpu.memory_space<vmem>>, vector<16xf32>,
      %get3A_3141 = arith.index_cast %add3A_3104 : i32 to index
      %get3A_3142 = arith.constant 16 : index
      %get3A_3143 = tpu.vector_load %arg11[%get3A_3141, %get3A_3142] {strides = array<i32>} : memref<16x384xf32, #tpu.memory_space<vmem>>, vector<16xf32>,
      %get3A_3144 = arith.index_cast %add3A_3104 : i32 to index
      %get3A_3145 = arith.constant 144 : index
      %get3A_3146 = tpu.vector_load %arg11[%get3A_3144, %get3A_3145] {strides = array<i32>} : memref<16x384xf32, #tpu.memory_space<vmem>>, vector<16xf32>,
      %mul3A_3147 = vector.broadcast %squeeze3A_3106 : f32 to vector<16xf32>
      %mul3A_3148 = arith.mulf %mul3A_3147, %get3A_3137 : vector<16xf32>
      %mul3A_3149 = vector.broadcast %squeeze3A_3108 : f32 to vector<16xf32>
      %mul3A_3150 = arith.mulf %mul3A_3149, %get3A_3143 : vector<16xf32>
      %add3A_3151 = arith.addf %mul3A_3148, %mul3A_3150 : vector<16xf32>
      %add3A_3152 = arith.addf %get3A_3140, %get3A_3146 : vector<16xf32>
      %mul3A_3153 = vector.broadcast %squeeze3A_3110 : f32 to vector<16xf32>
      %mul3A_3154 = arith.mulf %mul3A_3153, %add3A_3152 : vector<16xf32>
      %add3A_3155 = arith.addf %add3A_3151, %mul3A_3154 : vector<16xf32>
      %swap3A_3156 = arith.index_cast %add3A_3104 : i32 to index
      %swap3A_3157 = arith.constant 16 : index
      %swap3A_3158 = tpu.vector_load %arg12[%swap3A_3156, %swap3A_3157] {strides = array<i32>} : memref<16x128xf32, #tpu.memory_space<vmem>>, vector<16xf32>,
      tpu.vector_store %arg12[%swap3A_3156, %swap3A_3157], %add3A_3155 {strides = array<i32>} : memref<16x128xf32, #tpu.memory_space<vmem>>, vector<16xf32>,
      %get3A_3159 = arith.index_cast %add3A_3104 : i32 to index
      %get3A_3160 = arith.constant 32 : index
      %get3A_3161 = tpu.vector_load %arg10[%get3A_3159, %get3A_3160] {strides = array<i32>} : memref<16x384xf32, #tpu.memory_space<vmem>>, vector<16xf32>,
      %get3A_3162 = arith.index_cast %add3A_3104 : i32 to index
      %get3A_3163 = arith.constant 160 : index
      %get3A_3164 = tpu.vector_load %arg10[%get3A_3162, %get3A_3163] {strides = array<i32>} : memref<16x384xf32, #tpu.memory_space<vmem>>, vector<16xf32>,
      %get3A_3165 = arith.index_cast %add3A_3104 : i32 to index
      %get3A_3166 = arith.constant 32 : index
      %get3A_3167 = tpu.vector_load %arg11[%get3A_3165, %get3A_3166] {strides = array<i32>} : memref<16x384xf32, #tpu.memory_space<vmem>>, vector<16xf32>,
      %get3A_3168 = arith.index_cast %add3A_3104 : i32 to index
      %get3A_3169 = arith.constant 160 : index
      %get3A_3170 = tpu.vector_load %arg11[%get3A_3168, %get3A_3169] {strides = array<i32>} : memref<16x384xf32, #tpu.memory_space<vmem>>, vector<16xf32>,
      %mul3A_3171 = vector.broadcast %squeeze3A_3106 : f32 to vector<16xf32>
      %mul3A_3172 = arith.mulf %mul3A_3171, %get3A_3161 : vector<16xf32>
      %mul3A_3173 = vector.broadcast %squeeze3A_3108 : f32 to vector<16xf32>
      %mul3A_3174 = arith.mulf %mul3A_3173, %get3A_3167 : vector<16xf32>
      %add3A_3175 = arith.addf %mul3A_3172, %mul3A_3174 : vector<16xf32>
      %add3A_3176 = arith.addf %get3A_3164, %get3A_3170 : vector<16xf32>
      %mul3A_3177 = vector.broadcast %squeeze3A_3110 : f32 to vector<16xf32>
      %mul3A_3178 = arith.mulf %mul3A_3177, %add3A_3176 : vector<16xf32>
      %add3A_3179 = arith.addf %add3A_3175, %mul3A_3178 : vector<16xf32>
      %swap3A_3180 = arith.index_cast %add3A_3104 : i32 to index
      %swap3A_3181 = arith.constant 32 : index
      %swap3A_3182 = tpu.vector_load %arg12[%swap3A_3180, %swap3A_3181] {strides = array<i32>} : memref<16x128xf32, #tpu.memory_space<vmem>>, vector<16xf32>,
      tpu.vector_store %arg12[%swap3A_3180, %swap3A_3181], %add3A_3179 {strides = array<i32>} : memref<16x128xf32, #tpu.memory_space<vmem>>, vector<16xf32>,
      %get3A_3183 = arith.index_cast %add3A_3104 : i32 to index
      %get3A_3184 = arith.constant 48 : index
      %get3A_3185 = tpu.vector_load %arg10[%get3A_3183, %get3A_3184] {strides = array<i32>} : memref<16x384xf32, #tpu.memory_space<vmem>>, vector<16xf32>,
      %get3A_3186 = arith.index_cast %add3A_3104 : i32 to index
      %get3A_3187 = arith.constant 176 : index
      %get3A_3188 = tpu.vector_load %arg10[%get3A_3186, %get3A_3187] {strides = array<i32>} : memref<16x384xf32, #tpu.memory_space<vmem>>, vector<16xf32>,
      %get3A_3189 = arith.index_cast %add3A_3104 : i32 to index
      %get3A_3190 = arith.constant 48 : index
      %get3A_3191 = tpu.vector_load %arg11[%get3A_3189, %get3A_3190] {strides = array<i32>} : memref<16x384xf32, #tpu.memory_space<vmem>>, vector<16xf32>,
      %get3A_3192 = arith.index_cast %add3A_3104 : i32 to index
      %get3A_3193 = arith.constant 176 : index
      %get3A_3194 = tpu.vector_load %arg11[%get3A_3192, %get3A_3193] {strides = array<i32>} : memref<16x384xf32, #tpu.memory_space<vmem>>, vector<16xf32>,
      %mul3A_3195 = vector.broadcast %squeeze3A_3106 : f32 to vector<16xf32>
      %mul3A_3196 = arith.mulf %mul3A_3195, %get3A_3185 : vector<16xf32>
      %mul3A_3197 = vector.broadcast %squeeze3A_3108 : f32 to vector<16xf32>
      %mul3A_3198 = arith.mulf %mul3A_3197, %get3A_3191 : vector<16xf32>
      %add3A_3199 = arith.addf %mul3A_3196, %mul3A_3198 : vector<16xf32>
      %add3A_3200 = arith.addf %get3A_3188, %get3A_3194 : vector<16xf32>
      %mul3A_3201 = vector.broadcast %squeeze3A_3110 : f32 to vector<16xf32>
      %mul3A_3202 = arith.mulf %mul3A_3201, %add3A_3200 : vector<16xf32>
      %add3A_3203 = arith.addf %add3A_3199, %mul3A_3202 : vector<16xf32>
      %swap3A_3204 = arith.index_cast %add3A_3104 : i32 to index
      %swap3A_3205 = arith.constant 48 : index
      %swap3A_3206 = tpu.vector_load %arg12[%swap3A_3204, %swap3A_3205] {strides = array<i32>} : memref<16x128xf32, #tpu.memory_space<vmem>>, vector<16xf32>,
      tpu.vector_store %arg12[%swap3A_3204, %swap3A_3205], %add3A_3203 {strides = array<i32>} : memref<16x128xf32, #tpu.memory_space<vmem>>, vector<16xf32>,
      %get3A_3207 = arith.index_cast %add3A_3104 : i32 to index
      %get3A_3208 = arith.constant 64 : index
      %get3A_3209 = tpu.vector_load %arg10[%get3A_3207, %get3A_3208] {strides = array<i32>} : memref<16x384xf32, #tpu.memory_space<vmem>>, vector<16xf32>,
      %get3A_3210 = arith.index_cast %add3A_3104 : i32 to index
      %get3A_3211 = arith.constant 192 : index
      %get3A_3212 = tpu.vector_load %arg10[%get3A_3210, %get3A_3211] {strides = array<i32>} : memref<16x384xf32, #tpu.memory_space<vmem>>, vector<16xf32>,
      %get3A_3213 = arith.index_cast %add3A_3104 : i32 to index
      %get3A_3214 = arith.constant 64 : index
      %get3A_3215 = tpu.vector_load %arg11[%get3A_3213, %get3A_3214] {strides = array<i32>} : memref<16x384xf32, #tpu.memory_space<vmem>>, vector<16xf32>,
      %get3A_3216 = arith.index_cast %add3A_3104 : i32 to index
      %get3A_3217 = arith.constant 192 : index
      %get3A_3218 = tpu.vector_load %arg11[%get3A_3216, %get3A_3217] {strides = array<i32>} : memref<16x384xf32, #tpu.memory_space<vmem>>, vector<16xf32>,
      %mul3A_3219 = vector.broadcast %squeeze3A_3106 : f32 to vector<16xf32>
      %mul3A_3220 = arith.mulf %mul3A_3219, %get3A_3209 : vector<16xf32>
      %mul3A_3221 = vector.broadcast %squeeze3A_3108 : f32 to vector<16xf32>
      %mul3A_3222 = arith.mulf %mul3A_3221, %get3A_3215 : vector<16xf32>
      %add3A_3223 = arith.addf %mul3A_3220, %mul3A_3222 : vector<16xf32>
      %add3A_3224 = arith.addf %get3A_3212, %get3A_3218 : vector<16xf32>
      %mul3A_3225 = vector.broadcast %squeeze3A_3110 : f32 to vector<16xf32>
      %mul3A_3226 = arith.mulf %mul3A_3225, %add3A_3224 : vector<16xf32>
      %add3A_3227 = arith.addf %add3A_3223, %mul3A_3226 : vector<16xf32>
      %swap3A_3228 = arith.index_cast %add3A_3104 : i32 to index
      %swap3A_3229 = arith.constant 64 : index
      %swap3A_3230 = tpu.vector_load %arg12[%swap3A_3228, %swap3A_3229] {strides = array<i32>} : memref<16x128xf32, #tpu.memory_space<vmem>>, vector<16xf32>,
      tpu.vector_store %arg12[%swap3A_3228, %swap3A_3229], %add3A_3227 {strides = array<i32>} : memref<16x128xf32, #tpu.memory_space<vmem>>, vector<16xf32>,
      %get3A_3231 = arith.index_cast %add3A_3104 : i32 to index
      %get3A_3232 = arith.constant 80 : index
      %get3A_3233 = tpu.vector_load %arg10[%get3A_3231, %get3A_3232] {strides = array<i32>} : memref<16x384xf32, #tpu.memory_space<vmem>>, vector<16xf32>,
      %get3A_3234 = arith.index_cast %add3A_3104 : i32 to index
      %get3A_3235 = arith.constant 208 : index
      %get3A_3236 = tpu.vector_load %arg10[%get3A_3234, %get3A_3235] {strides = array<i32>} : memref<16x384xf32, #tpu.memory_space<vmem>>, vector<16xf32>,
      %get3A_3237 = arith.index_cast %add3A_3104 : i32 to index
      %get3A_3238 = arith.constant 80 : index
      %get3A_3239 = tpu.vector_load %arg11[%get3A_3237, %get3A_3238] {strides = array<i32>} : memref<16x384xf32, #tpu.memory_space<vmem>>, vector<16xf32>,
      %get3A_3240 = arith.index_cast %add3A_3104 : i32 to index
      %get3A_3241 = arith.constant 208 : index
      %get3A_3242 = tpu.vector_load %arg11[%get3A_3240, %get3A_3241] {strides = array<i32>} : memref<16x384xf32, #tpu.memory_space<vmem>>, vector<16xf32>,
      %mul3A_3243 = vector.broadcast %squeeze3A_3106 : f32 to vector<16xf32>
      %mul3A_3244 = arith.mulf %mul3A_3243, %get3A_3233 : vector<16xf32>
      %mul3A_3245 = vector.broadcast %squeeze3A_3108 : f32 to vector<16xf32>
      %mul3A_3246 = arith.mulf %mul3A_3245, %get3A_3239 : vector<16xf32>
      %add3A_3247 = arith.addf %mul3A_3244, %mul3A_3246 : vector<16xf32>
      %add3A_3248 = arith.addf %get3A_3236, %get3A_3242 : vector<16xf32>
      %mul3A_3249 = vector.broadcast %squeeze3A_3110 : f32 to vector<16xf32>
      %mul3A_3250 = arith.mulf %mul3A_3249, %add3A_3248 : vector<16xf32>
      %add3A_3251 = arith.addf %add3A_3247, %mul3A_3250 : vector<16xf32>
      %swap3A_3252 = arith.index_cast %add3A_3104 : i32 to index
      %swap3A_3253 = arith.constant 80 : index
      %swap3A_3254 = tpu.vector_load %arg12[%swap3A_3252, %swap3A_3253] {strides = array<i32>} : memref<16x128xf32, #tpu.memory_space<vmem>>, vector<16xf32>,
      tpu.vector_store %arg12[%swap3A_3252, %swap3A_3253], %add3A_3251 {strides = array<i32>} : memref<16x128xf32, #tpu.memory_space<vmem>>, vector<16xf32>,
      %get3A_3255 = arith.index_cast %add3A_3104 : i32 to index
      %get3A_3256 = arith.constant 96 : index
      %get3A_3257 = tpu.vector_load %arg10[%get3A_3255, %get3A_3256] {strides = array<i32>} : memref<16x384xf32, #tpu.memory_space<vmem>>, vector<16xf32>,
      %get3A_3258 = arith.index_cast %add3A_3104 : i32 to index
      %get3A_3259 = arith.constant 224 : index
      %get3A_3260 = tpu.vector_load %arg10[%get3A_3258, %get3A_3259] {strides = array<i32>} : memref<16x384xf32, #tpu.memory_space<vmem>>, vector<16xf32>,
      %get3A_3261 = arith.index_cast %add3A_3104 : i32 to index
      %get3A_3262 = arith.constant 96 : index
      %get3A_3263 = tpu.vector_load %arg11[%get3A_3261, %get3A_3262] {strides = array<i32>} : memref<16x384xf32, #tpu.memory_space<vmem>>, vector<16xf32>,
      %get3A_3264 = arith.index_cast %add3A_3104 : i32 to index
      %get3A_3265 = arith.constant 224 : index
      %get3A_3266 = tpu.vector_load %arg11[%get3A_3264, %get3A_3265] {strides = array<i32>} : memref<16x384xf32, #tpu.memory_space<vmem>>, vector<16xf32>,
      %mul3A_3267 = vector.broadcast %squeeze3A_3106 : f32 to vector<16xf32>
      %mul3A_3268 = arith.mulf %mul3A_3267, %get3A_3257 : vector<16xf32>
      %mul3A_3269 = vector.broadcast %squeeze3A_3108 : f32 to vector<16xf32>
      %mul3A_3270 = arith.mulf %mul3A_3269, %get3A_3263 : vector<16xf32>
      %add3A_3271 = arith.addf %mul3A_3268, %mul3A_3270 : vector<16xf32>
      %add3A_3272 = arith.addf %get3A_3260, %get3A_3266 : vector<16xf32>
      %mul3A_3273 = vector.broadcast %squeeze3A_3110 : f32 to vector<16xf32>
      %mul3A_3274 = arith.mulf %mul3A_3273, %add3A_3272 : vector<16xf32>
      %add3A_3275 = arith.addf %add3A_3271, %mul3A_3274 : vector<16xf32>
      %swap3A_3276 = arith.index_cast %add3A_3104 : i32 to index
      %swap3A_3277 = arith.constant 96 : index
      %swap3A_3278 = tpu.vector_load %arg12[%swap3A_3276, %swap3A_3277] {strides = array<i32>} : memref<16x128xf32, #tpu.memory_space<vmem>>, vector<16xf32>,
      tpu.vector_store %arg12[%swap3A_3276, %swap3A_3277], %add3A_3275 {strides = array<i32>} : memref<16x128xf32, #tpu.memory_space<vmem>>, vector<16xf32>,
      %get3A_3279 = arith.index_cast %add3A_3104 : i32 to index
      %get3A_3280 = arith.constant 112 : index
      %get3A_3281 = tpu.vector_load %arg10[%get3A_3279, %get3A_3280] {strides = array<i32>} : memref<16x384xf32, #tpu.memory_space<vmem>>, vector<16xf32>,
      %get3A_3282 = arith.index_cast %add3A_3104 : i32 to index
      %get3A_3283 = arith.constant 240 : index
      %get3A_3284 = tpu.vector_load %arg10[%get3A_3282, %get3A_3283] {strides = array<i32>} : memref<16x384xf32, #tpu.memory_space<vmem>>, vector<16xf32>,
      %get3A_3285 = arith.index_cast %add3A_3104 : i32 to index
      %get3A_3286 = arith.constant 112 : index
      %get3A_3287 = tpu.vector_load %arg11[%get3A_3285, %get3A_3286] {strides = array<i32>} : memref<16x384xf32, #tpu.memory_space<vmem>>, vector<16xf32>,
      %get3A_3288 = arith.index_cast %add3A_3104 : i32 to index
      %get3A_3289 = arith.constant 240 : index
      %get3A_3290 = tpu.vector_load %arg11[%get3A_3288, %get3A_3289] {strides = array<i32>} : memref<16x384xf32, #tpu.memory_space<vmem>>, vector<16xf32>,
      %mul3A_3291 = vector.broadcast %squeeze3A_3106 : f32 to vector<16xf32>
      %mul3A_3292 = arith.mulf %mul3A_3291, %get3A_3281 : vector<16xf32>
      %mul3A_3293 = vector.broadcast %squeeze3A_3108 : f32 to vector<16xf32>
      %mul3A_3294 = arith.mulf %mul3A_3293, %get3A_3287 : vector<16xf32>
      %add3A_3295 = arith.addf %mul3A_3292, %mul3A_3294 : vector<16xf32>
      %add3A_3296 = arith.addf %get3A_3284, %get3A_3290 : vector<16xf32>
      %mul3A_3297 = vector.broadcast %squeeze3A_3110 : f32 to vector<16xf32>
      %mul3A_3298 = arith.mulf %mul3A_3297, %add3A_3296 : vector<16xf32>
      %add3A_3299 = arith.addf %add3A_3295, %mul3A_3298 : vector<16xf32>
      %swap3A_3300 = arith.index_cast %add3A_3104 : i32 to index
      %swap3A_3301 = arith.constant 112 : index
      %swap3A_3302 = tpu.vector_load %arg12[%swap3A_3300, %swap3A_3301] {strides = array<i32>} : memref<16x128xf32, #tpu.memory_space<vmem>>, vector<16xf32>,
      tpu.vector_store %arg12[%swap3A_3300, %swap3A_3301], %add3A_3299 {strides = array<i32>} : memref<16x128xf32, #tpu.memory_space<vmem>>, vector<16xf32>,
      %scan3A_3303 = arith.constant 1 : i32
      "tpu.region"() ({
        %run_scoped3A = tpu.sem_alloc : memref<!tpu.dma_semaphore, #tpu.memory_space<semaphore_mem>>
        %dma_start3A_3304 = arith.constant 0 : i32
        %dma_start3A_3305 = arith.constant 0 : i32
        %dma_start3A_3306 = tpu.memref_slice %arg14[%dma_start3A_3304, %dma_start3A_3305] : memref<10000x128xf32, #tpu.memory_space<vmem_shared>> -> memref<10000x128xf32, #tpu.memory_space<vmem_shared>>
        tpu.enqueue_indirect_dma source(%arg12 : memref<16x128xf32, #tpu.memory_space<vmem>>) target(%dma_start3A_3306 : memref<10000x128xf32, #tpu.memory_space<vmem_shared>>) offsets(%arg9 : memref<16xi32, #tpu.memory_space<vmem>>) semaphore(%run_scoped3A : memref<!tpu.dma_semaphore, #tpu.memory_space<semaphore_mem>>) {add = true}
        %dma_wait3A_3307 = arith.constant 0 : i32
        %dma_wait3A_3308 = arith.constant 0 : i32
        %dma_wait3A_3309 = tpu.memref_slice %arg14[%dma_wait3A_3307, %dma_wait3A_3308] : memref<10000x128xf32, #tpu.memory_space<vmem_shared>> -> memref<10000x128xf32, #tpu.memory_space<vmem_shared>>
        tpu.wait_indirect_dma semaphore(%run_scoped3A : memref<!tpu.dma_semaphore, #tpu.memory_space<semaphore_mem>>) src(%arg12 : memref<16x128xf32, #tpu.memory_space<vmem>>) dst(%dma_wait3A_3309 : memref<10000x128xf32, #tpu.memory_space<vmem_shared>>)
        tpu.yield
      }) : () -> ()
    }
    %scan3A_14 = arith.constant 625 : i32
    %barrier3A_15 = arith.constant 0 : index
    tpu.barrier barrier_id(%barrier3A_15)
    %scan3A_16 = arith.constant 0 : i32
    %scan3A_17 = arith.constant 0 : i32
    %scan3A_18 = arith.constant 5 : i32
    %scan3A_19 = arith.addi %scan3A_17, %scan3A_18 : i32
    %scan3A_20 = arith.constant 1 : i32
    scf.for %scan3A_22 = %scan3A_17 to %scan3A_19 step %scan3A_20  : i32 {
      %mul3A_23 = arith.constant 625 : i32
      %mul3A_24 = arith.muli %arg1, %mul3A_23 : i32
      %mul3A_25 = arith.constant 125 : i32
      %mul3A_26 = arith.muli %scan3A_22, %mul3A_25 : i32
      %add3A_27 = arith.addi %mul3A_24, %mul3A_26 : i32
      "tpu.region"() ({
        %run_scoped3A = tpu.sem_alloc : memref<!tpu.dma_semaphore, #tpu.memory_space<semaphore_mem>>
        %dma_start3A = arith.constant 0 : i32
        %dma_start3A_28 = tpu.memref_slice %arg14[%add3A_27, %dma_start3A] : memref<10000x128xf32, #tpu.memory_space<vmem_shared>> -> memref<125x128xf32, #tpu.memory_space<vmem_shared>>
        %dma_start3A_29 = arith.constant 0 : i32
        %dma_start3A_30 = tpu.memref_slice %arg14[%add3A_27, %dma_start3A_29] : memref<10000x128xf32, #tpu.memory_space<vmem_shared>> -> memref<125x128xf32, #tpu.memory_space<vmem_shared>>
        tpu.enqueue_dma source(%dma_start3A_30 : memref<125x128xf32, #tpu.memory_space<vmem_shared>>) target(%arg13 : memref<125x128xf32, #tpu.memory_space<vmem>>) target_semaphore(%run_scoped3A : memref<!tpu.dma_semaphore, #tpu.memory_space<semaphore_mem>>)
        %dma_wait3A = arith.constant 0 : i32
        %dma_wait3A_31 = tpu.memref_slice %arg14[%add3A_27, %dma_wait3A] : memref<10000x128xf32, #tpu.memory_space<vmem_shared>> -> memref<125x128xf32, #tpu.memory_space<vmem_shared>>
        %dma_wait3A_32 = arith.constant 0 : i32
        %dma_wait3A_33 = tpu.memref_slice %arg14[%add3A_27, %dma_wait3A_32] : memref<10000x128xf32, #tpu.memory_space<vmem_shared>> -> memref<125x128xf32, #tpu.memory_space<vmem_shared>>
        tpu.wait_dma2 semaphore(%run_scoped3A : memref<!tpu.dma_semaphore, #tpu.memory_space<semaphore_mem>>) src(%dma_wait3A_33 : memref<125x128xf32, #tpu.memory_space<vmem_shared>>) dst(%arg13 : memref<125x128xf32, #tpu.memory_space<vmem>>)
        tpu.yield
      }) : () -> ()
      "tpu.region"() ({
        %run_scoped3A = tpu.sem_alloc : memref<!tpu.dma_semaphore, #tpu.memory_space<semaphore_mem>>
        %dma_start3A = arith.constant 0 : i32
        %dma_start3A_28 = arith.constant 0 : i32
        %dma_start3A_29 = tpu.memref_slice %arg7[%arg0, %arg1, %scan3A_22, %dma_start3A, %dma_start3A_28] : memref<2x16x5x125x128xf32, #tpu.memory_space<hbm>> -> memref<1x1x1x125x128xf32, #tpu.memory_space<hbm>>
        %dma_start3A_30 = tpu.memref_squeeze %dma_start3A_29 : memref<1x1x1x125x128xf32, #tpu.memory_space<hbm>> -> memref<125x128xf32, #tpu.memory_space<hbm>>
        %dma_start3A_31 = arith.constant 0 : i32
        %dma_start3A_32 = arith.constant 0 : i32
        %dma_start3A_33 = tpu.memref_slice %arg7[%arg0, %arg1, %scan3A_22, %dma_start3A_31, %dma_start3A_32] : memref<2x16x5x125x128xf32, #tpu.memory_space<hbm>> -> memref<1x1x1x125x128xf32, #tpu.memory_space<hbm>>
        %dma_start3A_34 = tpu.memref_squeeze %dma_start3A_33 : memref<1x1x1x125x128xf32, #tpu.memory_space<hbm>> -> memref<125x128xf32, #tpu.memory_space<hbm>>
        tpu.enqueue_dma source(%arg13 : memref<125x128xf32, #tpu.memory_space<vmem>>) target(%dma_start3A_34 : memref<125x128xf32, #tpu.memory_space<hbm>>) target_semaphore(%run_scoped3A : memref<!tpu.dma_semaphore, #tpu.memory_space<semaphore_mem>>)
        %dma_wait3A = arith.constant 0 : i32
        %dma_wait3A_35 = arith.constant 0 : i32
        %dma_wait3A_36 = tpu.memref_slice %arg7[%arg0, %arg1, %scan3A_22, %dma_wait3A, %dma_wait3A_35] : memref<2x16x5x125x128xf32, #tpu.memory_space<hbm>> -> memref<1x1x1x125x128xf32, #tpu.memory_space<hbm>>
        %dma_wait3A_37 = tpu.memref_squeeze %dma_wait3A_36 : memref<1x1x1x125x128xf32, #tpu.memory_space<hbm>> -> memref<125x128xf32, #tpu.memory_space<hbm>>
        %dma_wait3A_38 = arith.constant 0 : i32
        %dma_wait3A_39 = arith.constant 0 : i32
        %dma_wait3A_40 = tpu.memref_slice %arg7[%arg0, %arg1, %scan3A_22, %dma_wait3A_38, %dma_wait3A_39] : memref<2x16x5x125x128xf32, #tpu.memory_space<hbm>> -> memref<1x1x1x125x128xf32, #tpu.memory_space<hbm>>
        %dma_wait3A_41 = tpu.memref_squeeze %dma_wait3A_40 : memref<1x1x1x125x128xf32, #tpu.memory_space<hbm>> -> memref<125x128xf32, #tpu.memory_space<hbm>>
        tpu.wait_dma2 semaphore(%run_scoped3A : memref<!tpu.dma_semaphore, #tpu.memory_space<semaphore_mem>>) src(%arg13 : memref<125x128xf32, #tpu.memory_space<vmem>>) dst(%dma_wait3A_41 : memref<125x128xf32, #tpu.memory_space<hbm>>)
        tpu.yield
      }) : () -> ()
    }
    %scan3A_21 = arith.constant 5 : i32
    return
  }
}

module attributes {stable_mosaic.version = 14 : i64} {
  func.func @_prep_body(%arg0: i32, %arg1: memref<1000x128xf32, #tpu.memory_space<vmem>>, %arg2: memref<128x128xf32, #tpu.memory_space<vmem>>, %arg3: memref<128x128xf32, #tpu.memory_space<vmem>>, %arg4: memref<256x128xf32, #tpu.memory_space<vmem>>, %arg5: memref<256x16xf32, #tpu.memory_space<vmem>>, %arg6: memref<256x16xf32, #tpu.memory_space<vmem>>, %arg7: memref<128xf32, #tpu.memory_space<vmem>>, %arg8: memref<128xf32, #tpu.memory_space<vmem>>, %arg9: memref<128xf32, #tpu.memory_space<vmem>>, %arg10: memref<16xf32, #tpu.memory_space<vmem>>, %arg11: memref<1000x384xf32, #tpu.memory_space<vmem>>, %arg12: memref<1000x384xf32, #tpu.memory_space<vmem>>) attributes {dimension_semantics = [#tpu.dimension_semantics<arbitrary>], iteration_bounds = array<i64: 10>, scalar_prefetch = 0 : i64, scratch_operands = 0 : i64, tpu.core_type = #tpu.core_type<tc>, window_params = [{transform_indices = @transform_0, window_bounds = array<i64: 1000, 128>}, {pipeline_mode = #tpu.pipeline_mode<synchronous>, transform_indices = @transform_1, window_bounds = array<i64: 128, 128>}, {pipeline_mode = #tpu.pipeline_mode<synchronous>, transform_indices = @transform_2, window_bounds = array<i64: 128, 128>}, {pipeline_mode = #tpu.pipeline_mode<synchronous>, transform_indices = @transform_3, window_bounds = array<i64: 256, 128>}, {pipeline_mode = #tpu.pipeline_mode<synchronous>, transform_indices = @transform_4, window_bounds = array<i64: 256, 16>}, {pipeline_mode = #tpu.pipeline_mode<synchronous>, transform_indices = @transform_5, window_bounds = array<i64: 256, 16>}, {pipeline_mode = #tpu.pipeline_mode<synchronous>, transform_indices = @transform_6, window_bounds = array<i64: 128>}, {pipeline_mode = #tpu.pipeline_mode<synchronous>, transform_indices = @transform_7, window_bounds = array<i64: 128>}, {pipeline_mode = #tpu.pipeline_mode<synchronous>, transform_indices = @transform_8, window_bounds = array<i64: 128>}, {pipeline_mode = #tpu.pipeline_mode<synchronous>, transform_indices = @transform_9, window_bounds = array<i64: 16>}, {transform_indices = @transform_10, window_bounds = array<i64: 1000, 384>}, {transform_indices = @transform_11, window_bounds = array<i64: 1000, 384>}]} {
    %get3A = arith.constant 0 : index
    %get3A_0 = arith.constant 0 : index
    %get3A_1 = vector.load %arg1[%get3A, %get3A_0] : memref<1000x128xf32, #tpu.memory_space<vmem>>, vector<1000x128xf32>
    %get3A_2 = arith.constant 0 : index
    %get3A_3 = arith.constant 0 : index
    %get3A_4 = vector.load %arg2[%get3A_2, %get3A_3] : memref<128x128xf32, #tpu.memory_space<vmem>>, vector<128x128xf32>
    %dot_general3A = arith.constant dense<0.000000e+00> : vector<1000x128xf32>
    %dot_general3A_5 = tpu.matmul %get3A_1, %get3A_4, %dot_general3A {dimension_numbers = #tpu.dot_dimension_numbers<[1], [0], [0], [1], [0, 0, 1, 1], [], []>, transpose_lhs_hint = false} : vector<1000x128xf32>, vector<128x128xf32>, vector<1000x128xf32> -> vector<1000x128xf32>
    %get3A_6 = arith.constant 0 : index
    %get3A_7 = vector.load %arg7[%get3A_6] : memref<128xf32, #tpu.memory_space<vmem>>, vector<128xf32>
    %broadcast_in_dim3A = vector.shape_cast %get3A_7 : vector<128xf32> to vector<1x128xf32>
    %add3A = vector.broadcast %broadcast_in_dim3A : vector<1x128xf32> to vector<1000x128xf32>
    %add3A_8 = arith.addf %dot_general3A_5, %add3A : vector<1000x128xf32>
    %get3A_9 = arith.constant 0 : index
    %get3A_10 = arith.constant 0 : index
    %get3A_11 = vector.load %arg3[%get3A_9, %get3A_10] : memref<128x128xf32, #tpu.memory_space<vmem>>, vector<128x128xf32>
    %dot_general3A_12 = arith.constant dense<0.000000e+00> : vector<1000x128xf32>
    %dot_general3A_13 = tpu.matmul %get3A_1, %get3A_11, %dot_general3A_12 {dimension_numbers = #tpu.dot_dimension_numbers<[1], [0], [0], [1], [0, 0, 1, 1], [], []>, transpose_lhs_hint = false} : vector<1000x128xf32>, vector<128x128xf32>, vector<1000x128xf32> -> vector<1000x128xf32>
    %get3A_14 = arith.constant 0 : index
    %get3A_15 = vector.load %arg8[%get3A_14] : memref<128xf32, #tpu.memory_space<vmem>>, vector<128xf32>
    %broadcast_in_dim3A_16 = vector.shape_cast %get3A_15 : vector<128xf32> to vector<1x128xf32>
    %add3A_17 = vector.broadcast %broadcast_in_dim3A_16 : vector<1x128xf32> to vector<1000x128xf32>
    %add3A_18 = arith.addf %dot_general3A_13, %add3A_17 : vector<1000x128xf32>
    %get3A_19 = arith.constant 0 : index
    %get3A_20 = arith.constant 0 : index
    %get3A_21 = vector.load %arg4[%get3A_19, %get3A_20] : memref<256x128xf32, #tpu.memory_space<vmem>>, vector<128x128xf32>
    %dot_general3A_22 = arith.constant dense<0.000000e+00> : vector<1000x128xf32>
    %dot_general3A_23 = tpu.matmul %get3A_1, %get3A_21, %dot_general3A_22 {dimension_numbers = #tpu.dot_dimension_numbers<[1], [0], [0], [1], [0, 0, 1, 1], [], []>, transpose_lhs_hint = false} : vector<1000x128xf32>, vector<128x128xf32>, vector<1000x128xf32> -> vector<1000x128xf32>
    %get3A_24 = arith.constant 128 : index
    %get3A_25 = arith.constant 0 : index
    %get3A_26 = vector.load %arg4[%get3A_24, %get3A_25] : memref<256x128xf32, #tpu.memory_space<vmem>>, vector<128x128xf32>
    %dot_general3A_27 = arith.constant dense<0.000000e+00> : vector<1000x128xf32>
    %dot_general3A_28 = tpu.matmul %get3A_1, %get3A_26, %dot_general3A_27 {dimension_numbers = #tpu.dot_dimension_numbers<[1], [0], [0], [1], [0, 0, 1, 1], [], []>, transpose_lhs_hint = false} : vector<1000x128xf32>, vector<128x128xf32>, vector<1000x128xf32> -> vector<1000x128xf32>
    %get3A_29 = arith.constant 0 : index
    %get3A_30 = vector.load %arg9[%get3A_29] : memref<128xf32, #tpu.memory_space<vmem>>, vector<128xf32>
    %broadcast_in_dim3A_31 = vector.shape_cast %get3A_30 : vector<128xf32> to vector<1x128xf32>
    %add3A_32 = vector.broadcast %broadcast_in_dim3A_31 : vector<1x128xf32> to vector<1000x128xf32>
    %add3A_33 = arith.addf %dot_general3A_28, %add3A_32 : vector<1000x128xf32>
    %swap3A = arith.constant 0 : index
    %swap3A_34 = arith.constant 0 : index
    %swap3A_35 = vector.load %arg11[%swap3A, %swap3A_34] : memref<1000x384xf32, #tpu.memory_space<vmem>>, vector<1000x128xf32>
    tpu.vector_store %arg11[%swap3A, %swap3A_34], %add3A_8 {strides = array<i32>} : memref<1000x384xf32, #tpu.memory_space<vmem>>, vector<1000x128xf32>,
    %swap3A_36 = arith.constant 0 : index
    %swap3A_37 = arith.constant 128 : index
    %swap3A_38 = vector.load %arg11[%swap3A_36, %swap3A_37] : memref<1000x384xf32, #tpu.memory_space<vmem>>, vector<1000x128xf32>
    tpu.vector_store %arg11[%swap3A_36, %swap3A_37], %dot_general3A_23 {strides = array<i32>} : memref<1000x384xf32, #tpu.memory_space<vmem>>, vector<1000x128xf32>,
    %swap3A_39 = arith.constant 0 : index
    %swap3A_40 = arith.constant 0 : index
    %swap3A_41 = vector.load %arg12[%swap3A_39, %swap3A_40] : memref<1000x384xf32, #tpu.memory_space<vmem>>, vector<1000x128xf32>
    tpu.vector_store %arg12[%swap3A_39, %swap3A_40], %add3A_18 {strides = array<i32>} : memref<1000x384xf32, #tpu.memory_space<vmem>>, vector<1000x128xf32>,
    %swap3A_42 = arith.constant 0 : index
    %swap3A_43 = arith.constant 128 : index
    %swap3A_44 = vector.load %arg12[%swap3A_42, %swap3A_43] : memref<1000x384xf32, #tpu.memory_space<vmem>>, vector<1000x128xf32>
    tpu.vector_store %arg12[%swap3A_42, %swap3A_43], %add3A_33 {strides = array<i32>} : memref<1000x384xf32, #tpu.memory_space<vmem>>, vector<1000x128xf32>,
    %concatenate3A = tpu.concatenate %add3A_8, %dot_general3A_23 in 1 : vector<1000x128xf32>, vector<1000x128xf32> -> vector<1000x256xf32>
    %get3A_45 = arith.constant 0 : index
    %get3A_46 = arith.constant 0 : index
    %get3A_47 = vector.load %arg5[%get3A_45, %get3A_46] : memref<256x16xf32, #tpu.memory_space<vmem>>, vector<256x16xf32>
    %dot_general3A_48 = arith.constant dense<0.000000e+00> : vector<1000x16xf32>
    %dot_general3A_49 = tpu.matmul %concatenate3A, %get3A_47, %dot_general3A_48 {dimension_numbers = #tpu.dot_dimension_numbers<[1], [0], [0], [1], [0, 0, 1, 1], [], []>, transpose_lhs_hint = false} : vector<1000x256xf32>, vector<256x16xf32>, vector<1000x16xf32> -> vector<1000x16xf32>
    %get3A_50 = arith.constant 0 : index
    %get3A_51 = vector.load %arg10[%get3A_50] : memref<16xf32, #tpu.memory_space<vmem>>, vector<16xf32>
    %broadcast_in_dim3A_52 = vector.shape_cast %get3A_51 : vector<16xf32> to vector<1x16xf32>
    %add3A_53 = vector.broadcast %broadcast_in_dim3A_52 : vector<1x16xf32> to vector<1000x16xf32>
    %add3A_54 = arith.addf %dot_general3A_49, %add3A_53 : vector<1000x16xf32>
    %concatenate3A_55 = tpu.concatenate %add3A_18, %add3A_33 in 1 : vector<1000x128xf32>, vector<1000x128xf32> -> vector<1000x256xf32>
    %get3A_56 = arith.constant 0 : index
    %get3A_57 = arith.constant 0 : index
    %get3A_58 = vector.load %arg6[%get3A_56, %get3A_57] : memref<256x16xf32, #tpu.memory_space<vmem>>, vector<256x16xf32>
    %dot_general3A_59 = arith.constant dense<0.000000e+00> : vector<1000x16xf32>
    %dot_general3A_60 = tpu.matmul %concatenate3A_55, %get3A_58, %dot_general3A_59 {dimension_numbers = #tpu.dot_dimension_numbers<[1], [0], [0], [1], [0, 0, 1, 1], [], []>, transpose_lhs_hint = false} : vector<1000x256xf32>, vector<256x16xf32>, vector<1000x16xf32> -> vector<1000x16xf32>
    %iota3A = tpu.iota {dimensions = array<i32: 1>} : vector<1000x16xi32>
    %lt3A = arith.constant 3 : i32
    %lt3A_61 = vector.broadcast %lt3A : i32 to vector<1000x16xi32>
    %lt3A_62 = arith.cmpi slt, %iota3A, %lt3A_61 : vector<1000x16xi32>
    %exp3A = math.exp %add3A_54 : vector<1000x16xf32>
    %jit3A = arith.constant 0.000000e+00 : f32
    %broadcast_in_dim3A_63 = vector.broadcast %jit3A : f32 to vector<1000x16xf32>
    %select_n3A = arith.select %lt3A_62, %exp3A, %broadcast_in_dim3A_63 : vector<1000x16xi1>, vector<1000x16xf32>
    %lt3A_64 = arith.constant 3 : i32
    %lt3A_65 = vector.broadcast %lt3A_64 : i32 to vector<1000x16xi32>
    %lt3A_66 = arith.cmpi slt, %iota3A, %lt3A_65 : vector<1000x16xi32>
    %exp3A_67 = math.exp %dot_general3A_60 : vector<1000x16xf32>
    %jit3A_68 = arith.constant 0.000000e+00 : f32
    %broadcast_in_dim3A_69 = vector.broadcast %jit3A_68 : f32 to vector<1000x16xf32>
    %select_n3A_70 = arith.select %lt3A_66, %exp3A_67, %broadcast_in_dim3A_69 : vector<1000x16xi1>, vector<1000x16xf32>
    %broadcast_in_dim3A_71 = arith.constant 0.000000e+00 : f32
    %broadcast_in_dim3A_72 = vector.broadcast %broadcast_in_dim3A_71 : f32 to vector<1000x112xf32>
    %concatenate3A_73 = tpu.concatenate %select_n3A, %broadcast_in_dim3A_72 in 1 : vector<1000x16xf32>, vector<1000x112xf32> -> vector<1000x128xf32>
    %swap3A_74 = arith.constant 0 : index
    %swap3A_75 = arith.constant 256 : index
    %swap3A_76 = vector.load %arg11[%swap3A_74, %swap3A_75] : memref<1000x384xf32, #tpu.memory_space<vmem>>, vector<1000x128xf32>
    tpu.vector_store %arg11[%swap3A_74, %swap3A_75], %concatenate3A_73 {strides = array<i32>} : memref<1000x384xf32, #tpu.memory_space<vmem>>, vector<1000x128xf32>,
    %concatenate3A_77 = tpu.concatenate %select_n3A_70, %broadcast_in_dim3A_72 in 1 : vector<1000x16xf32>, vector<1000x112xf32> -> vector<1000x128xf32>
    %swap3A_78 = arith.constant 0 : index
    %swap3A_79 = arith.constant 256 : index
    %swap3A_80 = vector.load %arg12[%swap3A_78, %swap3A_79] : memref<1000x384xf32, #tpu.memory_space<vmem>>, vector<1000x128xf32>
    tpu.vector_store %arg12[%swap3A_78, %swap3A_79], %concatenate3A_77 {strides = array<i32>} : memref<1000x384xf32, #tpu.memory_space<vmem>>, vector<1000x128xf32>,
    return
  }
  func.func @transform_0(%arg0: i32) -> (i32, i32) {
    %c0_i32 = arith.constant 0 : i32
    %c0_i32_0 = arith.constant 0 : i32
    return %arg0, %c0_i32 : i32, i32
  }
  func.func @transform_1(%arg0: i32) -> (i32, i32) {
    %c0_i32 = arith.constant 0 : i32
    %c0_i32_0 = arith.constant 0 : i32
    %c0_i32_1 = arith.constant 0 : i32
    return %c0_i32, %c0_i32_0 : i32, i32
  }
  func.func @transform_2(%arg0: i32) -> (i32, i32) {
    %c0_i32 = arith.constant 0 : i32
    %c0_i32_0 = arith.constant 0 : i32
    %c0_i32_1 = arith.constant 0 : i32
    return %c0_i32, %c0_i32_0 : i32, i32
  }
  func.func @transform_3(%arg0: i32) -> (i32, i32) {
    %c0_i32 = arith.constant 0 : i32
    %c0_i32_0 = arith.constant 0 : i32
    %c0_i32_1 = arith.constant 0 : i32
    return %c0_i32, %c0_i32_0 : i32, i32
  }
  func.func @transform_4(%arg0: i32) -> (i32, i32) {
    %c0_i32 = arith.constant 0 : i32
    %c0_i32_0 = arith.constant 0 : i32
    %c0_i32_1 = arith.constant 0 : i32
    return %c0_i32, %c0_i32_0 : i32, i32
  }
  func.func @transform_5(%arg0: i32) -> (i32, i32) {
    %c0_i32 = arith.constant 0 : i32
    %c0_i32_0 = arith.constant 0 : i32
    %c0_i32_1 = arith.constant 0 : i32
    return %c0_i32, %c0_i32_0 : i32, i32
  }
  func.func @transform_6(%arg0: i32) -> i32 {
    %c0_i32 = arith.constant 0 : i32
    %c0_i32_0 = arith.constant 0 : i32
    return %c0_i32 : i32
  }
  func.func @transform_7(%arg0: i32) -> i32 {
    %c0_i32 = arith.constant 0 : i32
    %c0_i32_0 = arith.constant 0 : i32
    return %c0_i32 : i32
  }
  func.func @transform_8(%arg0: i32) -> i32 {
    %c0_i32 = arith.constant 0 : i32
    %c0_i32_0 = arith.constant 0 : i32
    return %c0_i32 : i32
  }
  func.func @transform_9(%arg0: i32) -> i32 {
    %c0_i32 = arith.constant 0 : i32
    %c0_i32_0 = arith.constant 0 : i32
    return %c0_i32 : i32
  }
  func.func @transform_10(%arg0: i32) -> (i32, i32) {
    %c0_i32 = arith.constant 0 : i32
    %c0_i32_0 = arith.constant 0 : i32
    return %arg0, %c0_i32 : i32, i32
  }
  func.func @transform_11(%arg0: i32) -> (i32, i32) {
    %c0_i32 = arith.constant 0 : i32
    %c0_i32_0 = arith.constant 0 : i32
    return %arg0, %c0_i32 : i32, i32
  }
}

module attributes {stable_mosaic.version = 14 : i64} {
  func.func @_add_body(%arg0: i32, %arg1: memref<1000x128xf32, #tpu.memory_space<vmem>>, %arg2: memref<1000x128xf32, #tpu.memory_space<vmem>>, %arg3: memref<1000x128xf32, #tpu.memory_space<vmem>>) attributes {dimension_semantics = [#tpu.dimension_semantics<arbitrary>], iteration_bounds = array<i64: 10>, scalar_prefetch = 0 : i64, scratch_operands = 0 : i64, tpu.core_type = #tpu.core_type<tc>, window_params = [{transform_indices = @transform_0, window_bounds = array<i64: 1000, 128>}, {transform_indices = @transform_1, window_bounds = array<i64: 1000, 128>}, {transform_indices = @transform_2, window_bounds = array<i64: 1000, 128>}]} {
    %get3A = arith.constant 0 : index
    %get3A_0 = arith.constant 0 : index
    %get3A_1 = vector.load %arg1[%get3A, %get3A_0] : memref<1000x128xf32, #tpu.memory_space<vmem>>, vector<1000x128xf32>
    %get3A_2 = arith.constant 0 : index
    %get3A_3 = arith.constant 0 : index
    %get3A_4 = vector.load %arg2[%get3A_2, %get3A_3] : memref<1000x128xf32, #tpu.memory_space<vmem>>, vector<1000x128xf32>
    %add3A = arith.addf %get3A_1, %get3A_4 : vector<1000x128xf32>
    %swap3A = arith.constant 0 : index
    %swap3A_5 = arith.constant 0 : index
    %swap3A_6 = vector.load %arg3[%swap3A, %swap3A_5] : memref<1000x128xf32, #tpu.memory_space<vmem>>, vector<1000x128xf32>
    tpu.vector_store %arg3[%swap3A, %swap3A_5], %add3A {strides = array<i32>} : memref<1000x128xf32, #tpu.memory_space<vmem>>, vector<1000x128xf32>,
    return
  }
  func.func @transform_0(%arg0: i32) -> (i32, i32) {
    %c0_i32 = arith.constant 0 : i32
    %c0_i32_0 = arith.constant 0 : i32
    return %arg0, %c0_i32 : i32, i32
  }
  func.func @transform_1(%arg0: i32) -> (i32, i32) {
    %c0_i32 = arith.constant 0 : i32
    %c0_i32_0 = arith.constant 0 : i32
    return %arg0, %c0_i32 : i32, i32
  }
  func.func @transform_2(%arg0: i32) -> (i32, i32) {
    %c0_i32 = arith.constant 0 : i32
    %c0_i32_0 = arith.constant 0 : i32
    return %arg0, %c0_i32 : i32, i32
  }
}

</mosaic_0001>

<sc_bundles>
// kernel: kernel.5.cloned.1.call-start
scs
__scs_entry_jumppad:
0x0: {  	(pc) =	sbr.rel $0x88, $3  }
0x1: {  	(tag) =	ssettag $0x0;
	lr =	simm.s32 $0x1  }
0x2: {  	[smem:$0x3F97] =	sst lr;
	_ =	strace $0xD0000000  }
0x3: {  	_ = 	snop  }
0x4: {  	_ = 	snop  }
0x5: {  	_ = 	snop  }
0x6: {  	_ = 	snop  }
0x7: {  	_ = 	snop  }
__scs_overlays_trampoline_lowered:
0x8: {  	[smem:$0x3FA6] =	sst s0  }
0x9: {  	[smem:$0x3FA7] =	sst s1  }
0xa: {  	[smem:$0x3FA8] =	sst s2  }
0xb: {  	[smem:$0x3FA9] =	sst s3  }
0xc: {  	[smem:$0x3FAA] =	sst s4  }
0xd: {  	[smem:$0x3FAB] =	sst s5  }
0xe: {  	[smem:$0x3FAC] =	sst s6  }
0xf: {  	[smem:$0x3FAD] =	sst s7  }
0x10: {  	[smem:$0x3FAE] =	sst s8  }
0x11: {  	[smem:$0x3FAF] =	sst s9;
	s0 =	simm.s32 @!p0 $0x0  }
0x12: {  	s1 =	sld [smem:$0x3F95];
	s0 =	simm.s32 @p0 $0x1  }
0x13: {  	[smem:$0x3FB0] =	sst s0;
	s0 =	simm.s32 @!p1 $0x0  }
0x14: {  	s2 =	sld [smem:$0x3F94];
	s0 =	simm.s32 @p1 $0x1  }
0x15: {  	[smem:$0x3FB1] =	sst s0;
	s0 =	simm.s32 @!p2 $0x0  }
0x16: {  	s3 =	sld [smem:$0x3FDB];
	s0 =	simm.s32 @p2 $0x1  }
0x17: {  	s4 =	simm.s32 $0x1BF5;
	[smem:$0x3FB3] =	sst s0  }
0x18: {  	s0 =	sld [smem:$0x3F96];
	_ =	swait.ge [sflag:s4], $0x0  }
0x19: {  	s7 =	sld [smem:$0x3F97]  }
0x1a: {  	s8 =	sadd.s32 $0xFFFFE003, lr  }
0x1b: {  	s9 =	sadd.s32 $0xFFFFFEF7, lr;
	s5 =	simm.s32 $0xFFFFFFFF;
	p2 =	slt.u32 s8, $0xFFFFF086  }
0x1c: {  	p1 =	slt.u32 s9, $0xF7A;
	s5 =	simm.s32 @!p2 $0x0  }
0x1d: {  	s5 =	simm.s32 @p1 $0x1;
	p0 =	seq.s32 s7, s2  }
0x1e: {  	s7 =	smul.u32 @!p0 $0xF7A, s2;
	p2 =	seq.s32 @!p0 s5, $0x0  }
0x1f: {  	s9 =	smul.u32 $0xF7A, s1;
	s8 =	simm.s32 @!p0 $0x1BF5;
	p2 =	por !p2, p0  }
0x20: {  	[sflag:s8] =	ssyncset.s32 @!p0 $0xFFFFF086;
	s6 =	sadd.s32 @!p0 s3, s7;
	s7 =	simm.s32 @!p0 $0x108  }
0x21: {  	s3 =	sadd.s32 s3, s9;
	s6 =	sadd.s32 @!p0 $0x88, s6;
	s7 =	simm.s32 @p2 $0x1082  }
0x22: {  	[simem:s7], [sflag:s8] =	dma.local @!p0 [hbm:s6], $0xF7A  }
0x23: {  	s9 =	sor.u32 $0xD0000000, s2;
	s6 =	simm.s32 $0x108;
	_ =	swait.ge @!p0 [sflag:s8], $0x0  }
0x24: {  	s3 =	sadd.s32 $0x88, s3;
	s6 =	simm.s32 @!p1 $0x1082;
	[sflag:s4] =	ssyncset.s32 $0xFFFFF086  }
0x25: {  	[simem:s6], [sflag:s4] =	dma.local [hbm:s3], $0xF7A  }
0x26: {  	[smem:$0x3F97] =	sst s1;
	(tag) =	ssettag s2;
	_ =	strace s9  }
0x27: {  	s1 =	sld [smem:$0x3FA7]  }
0x28: {  	s2 =	sld [smem:$0x3FA8]  }
0x29: {  	s4 =	sld [smem:$0x3FAA]  }
0x2a: {  	p0 =	seq.s32 s5, $0x0;
	s5 =	sld [smem:$0x3FAB]  }
0x2b: {  	s6 =	sld [smem:$0x3FAC]  }
0x2c: {  	s7 =	sld [smem:$0x3FAD]  }
0x2d: {  	s3 =	simm.s32 $0x108;
	s8 =	sld [smem:$0x3FAE]  }
0x2e: {  	s3 =	simm.s32 @!p0 $0x1082;
	s9 =	sld [smem:$0x3FAF]  }
0x2f: {  	lr =	sadd.s32 s0, s3;
	s0 =	sld [smem:$0x3FA6]  }
0x30: {  	s3 =	sld [smem:$0x3FA9]  }
0x31: {  	[smem:$0x3FB2] =	sst s10  }
0x32: {  	s10 =	sld [smem:$0x3FB0];
	_ =	sdelay $0x3  }
0x33: {  	p0 =	seq.s32 s10, $0x1;
	s10 =	sld [smem:$0x3FB2];
	_ =	sdelay $0x3  }
0x34: {  	[smem:$0x3FB2] =	sst s10  }
0x35: {  	s10 =	sld [smem:$0x3FB1];
	_ =	sdelay $0x3  }
0x36: {  	p1 =	seq.s32 s10, $0x1;
	s10 =	sld [smem:$0x3FB2];
	_ =	sdelay $0x3  }
0x37: {  	[smem:$0x3FB2] =	sst s10  }
0x38: {  	s10 =	sld [smem:$0x3FB3]  }
0x39: {  	_ = 	snop;
	(pc) =	sbr.ind lr, $3  }
0x3a: {  	_ = 	snop  }
0x3b: {  	_ = 	snop  }
0x3c: {  	p2 =	seq.s32 s10, $0x1;
	s10 =	sld [smem:$0x3FB2]  }
0x3d: {  	_ =	shalt  }
0x3e: {  	_ =	shalt  }
0x3f: {  	_ =	shalt  }
0x40: {  	_ =	shalt  }
0x41: {  	_ =	shalt  }
0x42: {  	_ =	shalt  }
0x43: {  	_ =	shalt  }
0x44: {  	_ =	shalt  }
0x45: {  	_ =	shalt  }
0x46: {  	_ =	shalt  }
0x47: {  	_ =	shalt  }
0x48: {  	_ =	shalt  }
0x49: {  	_ =	shalt  }
0x4a: {  	_ =	shalt  }
0x4b: {  	_ =	shalt  }
0x4c: {  	_ =	shalt  }
0x4d: {  	_ =	shalt  }
0x4e: {  	_ =	shalt  }
0x4f: {  	_ =	shalt  }
0x50: {  	_ =	shalt  }
0x51: {  	_ =	shalt  }
0x52: {  	_ =	shalt  }
0x53: {  	_ =	shalt  }
0x54: {  	_ =	shalt  }
0x55: {  	_ =	shalt  }
0x56: {  	_ =	shalt  }
0x57: {  	_ =	shalt  }
0x58: {  	_ =	shalt  }
0x59: {  	_ =	shalt  }
0x5a: {  	_ =	shalt  }
0x5b: {  	_ =	shalt  }
0x5c: {  	_ =	shalt  }
0x5d: {  	_ =	shalt  }
0x5e: {  	_ =	shalt  }
0x5f: {  	_ =	shalt  }
0x60: {  	_ =	shalt  }
0x61: {  	_ =	shalt  }
0x62: {  	_ =	shalt  }
0x63: {  	_ =	shalt  }
0x64: {  	_ =	shalt  }
0x65: {  	_ =	shalt  }
0x66: {  	_ =	shalt  }
0x67: {  	_ =	shalt  }
0x68: {  	_ =	shalt  }
0x69: {  	_ =	shalt  }
0x6a: {  	_ =	shalt  }
0x6b: {  	_ =	shalt  }
0x6c: {  	_ =	shalt  }
0x6d: {  	_ =	shalt  }
0x6e: {  	_ =	shalt  }
0x6f: {  	_ =	shalt  }
0x70: {  	_ =	shalt  }
0x71: {  	_ =	shalt  }
0x72: {  	_ =	shalt  }
0x73: {  	_ =	shalt  }
0x74: {  	_ =	shalt  }
0x75: {  	_ =	shalt  }
0x76: {  	_ =	shalt  }
0x77: {  	_ =	shalt  }
0x78: {  	_ =	shalt  }
0x79: {  	_ =	shalt  }
0x7a: {  	_ =	shalt  }
0x7b: {  	_ =	shalt  }
0x7c: {  	_ =	shalt  }
0x7d: {  	_ =	shalt  }
0x7e: {  	_ =	shalt  }
0x7f: {  	_ =	shalt  }
0x80: {  	_ =	shalt  }
0x81: {  	_ =	shalt  }
0x82: {  	_ =	shalt  }
0x83: {  	_ =	shalt  }
0x84: {  	_ =	shalt  }
0x85: {  	_ =	shalt  }
0x86: {  	_ =	shalt  }
0x87: {  	_ =	shalt  }
.Lfunc_end0:
.L_simem_size_0:
called_computation_lowered:
.L_overlay_start_0:
0x88: {  	s2 =	sld [smem:$0x3FD9]  }
0x89: {  	s3 =	sld [smem:$0x3FFE];
	_ =	sdelay $0x1  }
0x8a: {  	s1 =	srdreg.scid  }
0x8b: {  	s0 =	sand.u32 $0x1, s1  }
0x8c: {  	s17 =	sshll.u32 s0, $0xA;
	s2 =	sadd.s32 s3, s2  }
0x8d: {  	s2 =	sadd.s32 s2, s17  }
0x8e: {  	[smem:$0x3FBE] =	sst s2  }
0x8f: {  	_ = 	snop  }
0x90: {  	s2 =	sld [smem:$0x3FD0];
	(tm) =	ssettm $0x1  }
0x91: {  	s18 =	sld [smem:$0x3FFB];
	_ =	sdelay $0x3  }
0x92: {  	_ =	strace s18  }
0x93: {  	s3 =	sld [smem:$0x3FFC];
	_ =	sdelay $0x3  }
0x94: {  	_ =	strace s3  }
0x95: {  	s3 =	sld [smem:$0x3FFD];
	_ =	sdelay $0x3  }
0x96: {  	_ =	strace s3  }
0x97: {  	_ =	strace $0x8FFFFFFF  }
0x98: {  	s19 =	sld [smem:$0x3FDB];
	_ =	sdelay $0x1  }
0x99: {  	s4 =	simm.s32 $_scs_section_size  }
0x9a: {  	s5 =	simm.s32 $_size__tile_overlayer_lowered;
	s6 =	simm.s32 $_tile_overlayer_lowered  }
0x9b: {  	s22 =	simm.s32 $0x1BFF;
	s21 =	sshll.u32 s6, $0x1;
	s3 =	sadd.s32 s4, s19  }
0x9c: {  	s7 =	simm.s32 $0x0;
	s20 =	sshll.u32 s5, $0x1;
	s5 =	sadd.s32 s21, s3  }
0x9d: {  	[timem:s7], [sflag:s22] =	dma.local [hbm:s5], s20  }
0x9e: {  	_ =	swait.ge [sflag:s22], s20  }
0x9f: {  	s4 =	ssub.s32 $0x0, s20;
	[sflag:s22] =	ssyncset.done $0x0  }
0xa0: {  	[sflag:s22] =	ssyncadd.s32 s4;
	_ =	sdelay $0x1  }
0xa1: {  	s23 =	simm.s32 $0x1B8B  }
0xa2: {  	_ =	swait.ge [sflag:s23], $0x1  }
0xa3: {  	[sflag:s23] =	ssyncset.done $0x0  }
0xa4: {  	s25 =	simm.s32 $0x1B8E;
	s24 =	sld [smem:$0x3FFE];
	[sflag:s23] =	ssyncadd.s32 $0xFFFFFFFF  }
0xa5: {  	s26 =	simm.s32 $execute0_lowered;
	[smem:$0x3FD2] =	sst s25  }
0xa6: {  	s5 =	sshll.u32 s26, $0x1;
	_ =	strace $0x80000046;
	[dreg:$0x1] =	wrdreg $0xFFFFFFFF  }
0xa7: {  	s28 =	simm.s32 $_size_execute0_lowered;
	s3 =	sadd.s32 s3, s5;
	[dreg:$0x0] =	wrdreg $0x0  }
0xa8: {  	s5 =	sshll.u32 s28, $0x1;
	[dreg:$0x2] =	wrdreg s3  }
0xa9: {  	[dreg:$0x3] =	wrdreg s5  }
0xaa: {  	[dreg:$0x4] =	wrdreg $0xC0  }
0xab: {  	_ =	task [dreg:s7], $0x5FFFF  }
0xac: {  	[dreg:$0x1] =	wrdreg $0xFFFFFFFF  }
0xad: {  	[dreg:$0x0] =	wrdreg $0x60  }
0xae: {  	[dreg:$0x2] =	wrdreg s24  }
0xaf: {  	[dreg:$0x3] =	wrdreg s2  }
0xb0: {  	[dreg:$0x4] =	wrdreg $0x79000  }
0xb1: {  	[dreg:$0x5] =	wrdreg $0x9  }
0xb2: {  	_ =	task.clear_ibuf [dreg:s7], $0x6FFFF;
	_ =	strace $0x90000046  }
0xb3: {  	s29 =	simm.s32 $0x9;
	_ =	strace $0x80000048  }
0xb4: {  	_ =	swait.ge [sflag:s29], $0x1  }
0xb5: {  	[sflag:s29] =	ssyncadd.s32 $0xFFFFFFFF  }
0xb6: {  	_ =	strace $0x90000048  }
0xb7: {  	_ =	sfence  }
0xb8: {  	s30 =	sld [smem:$0x0];
	_ =	sdelay $0x2  }
0xb9: {  	s31 =	sshll.u32 s1, $0xD;
	s1 =	sshrl.u32 s1, $0x2  }
0xba: {  	s3 =	sand.u32 $0x4000, s31;
	s1 =	sadd.s32 s1, s30  }
0xbb: {  	s0 =	sor.u32 s3, s0;
	s1 =	sshll.u32 s1, $0x11  }
0xbc: {  	s0 =	sor.u32 s1, s0  }
0xbd: {  	s0 =	sadd.s32 $0x8F2B, s0  }
0xbe: {  	[sflag:s0] =	ssyncadd.remote.s32 $0x1  }
0xbf: {  	_ =	sfence.sel $0xFFFF  }
0xc0: {  	[dreg:$0x0] =	wrdreg $0xFFFFFFFF;
	(pc) =	sbr.abs _section_cstart, $3  }
0xc1: {  	[dreg:$0x1] =	wrdreg $0xFFFFFFFF  }
0xc2: {  	_ =	task.clear_ibuf [dreg:s7], $0x2FFFF;
	_ =	strace $0x9FFFFFFF  }
0xc3: {  	(tm) =	ssettm $0x7FFFFFFF  }
tec
execute0_lowered:
.L_overlay_start_1:
0x0: {  	(tag) =	ssettag $0x1  }
0x1: {  	v0 =	vimm.s32 $0x1780  }
0x2: {  	vm4 =	vcmask $0x300;
	vm5 =	vcmask $0x704;
	vm6 =	vcmask $0xB08  }
0x3: {  	vm3 =	vcmask $0xF0C;
	vm2 =	vcmask $0x1310;
	vm0 =	vcmask $0x1714  }
0x4: {  	vm1 =	vcmask $0x1B18;
	v1 =	vimm.s32 $0x1781;
	v2 =	vimm.s32 $0x1782  }
0x5: {  	s1 =	rddreg [dreg:$0x0];
	vm15 =	vcmask $0x1F1C;
	v3 =	vlaneseq.u32;
	v0 =	vsel vm4, $0x800, v0  }
0x6: {  	s2 =	srdreg.scid;
	s9 =	stileid.u32;
	v1 =	vsel vm4, $0x801, v1;
	v2 =	vsel vm4, $0x802, v2;
	v4 =	vshrl.u32 v3, $0x3  }
0x7: {  	s0 =	rddreg [dreg:$0x1];
	s3 =	simm.s32 $0x0;
	s4 =	smul.u32 $0x4E20, s9;
	v5 =	vand.u32 $0x7, v3;
	v0 =	vsel vm5, $0x880, v0;
	v1 =	vsel vm5, $0x881, v1  }
0x8: {  	s28 =	simm.s32 $0xD00;
	s29 =	simm.s32 $0x1500;
	s8 =	smul.u32 $0x14000, s9;
	v2 =	vsel vm5, $0x882, v2;
	v4 =	vmul.u32 $0x8, v4;
	v0 =	vsel vm6, $0x900, v0  }
0x9: {  	s30 =	simm.s32 $0x1900;
	s6 =	sand.u32 $0x1, s2;
	s18 =	smul.u32 $0x4E200, s9;
	v1 =	vsel vm6, $0x901, v1;
	v2 =	vsel vm6, $0x902, v2;
	v0 =	vsel vm3, $0x980, v0  }
0xa: {  	s31 =	simm.s32 $0x2100;
	s2 =	rddreg [dreg:$0x2];
	s5 =	smul.u32 $0x2710, s6;
	v1 =	vsel vm3, $0x981, v1;
	v2 =	vsel vm3, $0x982, v2;
	vm3 =	vcmask $0x2320  }
0xb: {  	[smem:$0x7FF] =	sst s3;
	s19 =	sadd.s32 $0xF5600, s1;
	s7 =	smul.u32 $0x140000, s6;
	v0 =	vsel vm2, $0xA00, v0;
	v1 =	vsel vm2, $0xA01, v1;
	v2 =	vsel vm2, $0xA02, v2  }
0xc: {  	_ =	strace $0x80000047;
	s6 =	ssub.s32 $0x2, s6;
	[dreg:$0x4] =	wrdreg s19;
	vm2 =	vcmask $0x2F2C;
	v0 =	vsel vm0, $0xA80, v0;
	v1 =	vsel vm0, $0xA81, v1  }
0xd: {  	s20 =	sshrl.u32 s6, $0x1;
	s21 =	sshrl.u32 s18, $0x2;
	s4 =	sadd.s32 s5, s4;
	v2 =	vsel vm0, $0xA82, v2;
	vm0 =	vcmask $0x2724;
	v0 =	vsel vm1, $0xB00, v0  }
0xe: {  	s5 =	sadd.s32 $0xAE00, s1;
	s7 =	sadd.s32 s8, s7;
	s6 =	ssub.s32 s6, s20;
	v1 =	vsel vm1, $0xB01, v1;
	v2 =	vsel vm1, $0xB02, v2;
	vm1 =	vcmask $0x2B28  }
0xf: {  	s8 =	sadd.s32 $0xAF00, s1;
	s9 =	sadd.s32 s21, s2;
	s10 =	sshrl.u32 s4, $0x3;
	v0 =	vsel vm15, $0xB80, v0;
	v1 =	vsel vm15, $0xB81, v1;
	v2 =	vsel vm15, $0xB82, v2  }
0x10: {  	s4 =	sadd.s32 $0x80200, s1;
	s7 =	sshrl.u32 s7, $0x3;
	s22 =	smax.u32 s6, $0x1;
	v0 =	vsel vm3, $0x1400, v0;
	v1 =	vsel vm3, $0x1401, v1;
	v2 =	vsel vm3, $0x1402, v2  }
0x11: {  	s11 =	sadd.s32 $0x3E80, s9;
	s12 =	sadd.s32 $0x7D00, s9;
	s13 =	sadd.s32 $0xBB80, s9;
	v0 =	vsel vm0, $0x1480, v0;
	v1 =	vsel vm0, $0x1481, v1;
	v2 =	vsel vm0, $0x1482, v2  }
0x12: {  	s14 =	sadd.s32 $0xFA00, s9;
	s6 =	simm.s32 $0x1;
	s15 =	sadd.s32 s10, s1;
	vm0 =	vcmask $0x3330;
	v0 =	vsel vm1, $0x1500, v0;
	v1 =	vsel vm1, $0x1501, v1  }
0x13: {  	s16 =	sadd.s32 s7, s1;
	s7 =	sadd.s32 $0x80300, s1;
	[dreg:$0x5] =	wrdreg s22;
	v2 =	vsel vm1, $0x1502, v2;
	vm1 =	vcmask $0x3734;
	v0 =	vsel vm2, $0x1580, v0  }
0x14: {  	s20 =	sadd.s32 s10, s0;
	s22 =	simm.s32 $0x3900;
	s1 =	simm.s32 $0x2500;
	v1 =	vsel vm2, $0x1581, v1;
	v2 =	vsel vm2, $0x1582, v2;
	v0 =	vsel vm0, $0x1600, v0  }
0x15: {  	[tilespmem:$0x1FFA0] =	vst v5;
	s0 =	simm.s32 $0x2D00;
	s10 =	simm.s32 $0x10;
	s23 =	sadd.s32 $0xF5E00, s16;
	vm2 =	vcmask $0x3B38;
	v1 =	vsel vm0, $0x1601, v1;
	v0 =	vsel vm1, $0x1680, v0  }
0x16: {  	[tilespmem:$0x1FFB0] =	vst v4;
	s24 =	sadd.s32 $0xF6600, s16;
	s25 =	sadd.s32 $0xF6E00, s16;
	[dreg:$0x6] =	wrdreg s23;
	v2 =	vsel vm0, $0x1602, v2;
	v1 =	vsel vm1, $0x1681, v1;
	v6 =	vsel vm2, $0x1700, v0  }
0x17: {  	s26 =	sadd.s32 $0xF7600, s16;
	s19 =	sadd.s32 $0xF7E00, s16;
	[dreg:$0x7] =	wrdreg s24;
	v2 =	vsel vm1, $0x1682, v2;
	v7 =	vsel vm2, $0x1701, v1;
	[tilespmem:$0x1FFC0] =	vst v6  }
0x18: {  	s21 =	sadd.s32 $0x1000, s15;
	s15 =	simm.s32 $0x3100;
	[dreg:$0x8] =	wrdreg s25;
	v8 =	vsel vm2, $0x1702, v2;
	[tilespmem:$0x1FFD0] =	vst v7  }
0x19: {  	s16 =	simm.s32 $0x0;
	[dreg:$0x9] =	wrdreg s26;
	s23 =	simm.s32 $0x2;
	v2 =	vor.u32 $0x8, v3;
	[tilespmem:$0x1FFE0] =	vst v8  }
0x1a: {  	s24 =	simm.s32 $0x80;
	s25 =	simm.s32 $0x100;
	s26 =	simm.s32 $0x900;
	vm0 =	vmmov $0xffff;
	vm1 =	vmmov $0xff;
	[tilespmem:$0x1FFF0] =	vst v2  }
.LBB2_1:
0x1b: {  	s17 =	rddreg [dreg:$0x4]  }
0x1c: {  	[tilespmem:s22], [sflag:$0x2] =	stream.linear.gather [hbm4b:s17+s3], $0x3E80, $0x38;
	[tilespmem:$0x1B180] =	vst v63  }
0x1d: {  	_ =	swait.ge [sflag:s23], $0x3E80  }
0x1e: {  	[sflag:s23] =	ssyncset.done $0x0  }
0x1f: {  	[sflag:s23] =	ssyncadd.s32 $0xFFFFC180  }
0x20: {  	[spmem:s9] =	stream.linear.scatter [tilespmem:s22], [sflag:$0x2], $0x3E80, $0x38;
	[tilespmem:$0x1B180] =	vst v63  }
0x21: {  	_ =	swait.ge [sflag:s23], $0x3E80  }
0x22: {  	[sflag:s23] =	ssyncset.done $0x0  }
0x23: {  	[sflag:s23] =	ssyncadd.s32 $0xFFFFC180  }
0x24: {  	[spmem:s11] =	stream.linear.scatter [tilespmem:s22], [sflag:$0x2], $0x3E80, $0x38;
	[tilespmem:$0x1B180] =	vst v63  }
0x25: {  	_ =	swait.ge [sflag:s23], $0x3E80  }
0x26: {  	[sflag:s23] =	ssyncset.done $0x0  }
0x27: {  	[sflag:s23] =	ssyncadd.s32 $0xFFFFC180  }
0x28: {  	[spmem:s12] =	stream.linear.scatter [tilespmem:s22], [sflag:$0x2], $0x3E80, $0x38;
	[tilespmem:$0x1B180] =	vst v63  }
0x29: {  	_ =	swait.ge [sflag:s23], $0x3E80  }
0x2a: {  	[sflag:s23] =	ssyncset.done $0x0  }
0x2b: {  	[sflag:s23] =	ssyncadd.s32 $0xFFFFC180  }
0x2c: {  	[spmem:s13] =	stream.linear.scatter [tilespmem:s22], [sflag:$0x2], $0x3E80, $0x38;
	[tilespmem:$0x1B180] =	vst v63  }
0x2d: {  	_ =	swait.ge [sflag:s23], $0x3E80  }
0x2e: {  	[sflag:s23] =	ssyncset.done $0x0  }
0x2f: {  	[sflag:s23] =	ssyncadd.s32 $0xFFFFC180  }
0x30: {  	[spmem:s14] =	stream.linear.scatter [tilespmem:s22], [sflag:$0x2], $0x3E80, $0x38;
	[tilespmem:$0x1B180] =	vst v63  }
0x31: {  	_ =	swait.ge [sflag:s23], $0x3E80  }
0x32: {  	[sflag:s23] =	ssyncset.done $0x0  }
0x33: {  	[sflag:s23] =	ssyncadd.s32 $0xFFFFC180  }
0x34: {  	s17 =	simm.s32 $0x0;
	[bflag:$0x0] =	sbarrier.arrive $0xFFFF  }
.LBB2_2:
0x35: {  	s18 =	sadd.s32 s17, s21  }
0x36: {  	[tilespmem:s3], [sflag:$0x2] =	stream.linear.gather [hbm4b:s18+s3], $0x10, $0x38;
	[tilespmem:$0x1B180] =	vst v63  }
0x37: {  	_ =	swait.ge [sflag:s23], $0x10  }
0x38: {  	[sflag:s23] =	ssyncset.done $0x0  }
0x39: {  	s18 =	sadd.s32 s17, s20;
	[sflag:s23] =	ssyncadd.s32 $0xFFFFFFF0  }
0x3a: {  	[tilespmem:s24], [sflag:$0x2] =	stream.linear.gather [hbm4b:s18+s3], $0x10, $0x38;
	[tilespmem:$0x1B180] =	vst v63  }
0x3b: {  	_ =	swait.ge [sflag:s23], $0x10  }
0x3c: {  	[sflag:s23] =	ssyncset.done $0x0  }
0x3d: {  	[sflag:s23] =	ssyncadd.s32 $0xFFFFFFF0  }
0x3e: {  	v0 =	vld [tilespmem:$0x0];
	_ =	sdelay $0x4  }
0x3f: {  	v1 =	vshrl.u32 v0, $0x3  }
0x40: {  	v1 =	vmul.u32 $0x18, v1  }
0x41: {  	v0 =	vand.u32 $0x7, v0  }
0x42: {  	v0 =	vor.u32 v0, v1  }
0x43: {  	v1 =	vperm.xlane v0, v5;
	_ =	sdelay $0x1  }
0x44: {  	v1 =	vadd.s32 v4, v1;
	_ =	sdelay $0x1  }
0x45: {  	v0 =	vperm.xlane v0, v2;
	_ =	sdelay $0x1  }
0x46: {  	v0 =	vadd.s32 v4, v0  }
0x47: {  	[tilespmem:s25], [sflag:$0x1] =	stream.indirect_vreg.gather [hbm4b:s4+s3], $0x80, v1, vm0, $0xb8;
	[tilespmem:$0x1B180] =	vst v63  }
0x48: {  	_ = 	snop  }
0x49: {  	[tilespmem:s26], [sflag:$0x1] =	stream.indirect_vreg.gather [hbm4b:s7+s3], $0x80, v1, vm1, $0xb8;
	[tilespmem:$0x1B180] =	vst v63  }
0x4a: {  	_ = 	snop  }
0x4b: {  	[tilespmem:s28], [sflag:$0x1] =	stream.indirect_vreg.gather [hbm4b:s4+s3], $0x80, v0, vm0, $0xb8;
	[tilespmem:$0x1B180] =	vst v63  }
0x4c: {  	_ = 	snop  }
0x4d: {  	[tilespmem:s29], [sflag:$0x1] =	stream.indirect_vreg.gather [hbm4b:s7+s3], $0x80, v0, vm1, $0xb8;
	[tilespmem:$0x1B180] =	vst v63  }
0x4e: {  	v0 =	vld [tilespmem:$0x80];
	_ =	sdelay $0x4  }
0x4f: {  	v1 =	vshrl.u32 v0, $0x3  }
0x50: {  	v1 =	vmul.u32 $0x18, v1  }
0x51: {  	v0 =	vand.u32 $0x7, v0  }
0x52: {  	v0 =	vor.u32 v0, v1  }
0x53: {  	v1 =	vperm.xlane v0, v5;
	_ =	sdelay $0x1  }
0x54: {  	v1 =	vadd.s32 v4, v1;
	_ =	sdelay $0x1  }
0x55: {  	v0 =	vperm.xlane v0, v2;
	_ =	sdelay $0x1  }
0x56: {  	v0 =	vadd.s32 v4, v0  }
0x57: {  	[tilespmem:s30], [sflag:$0x1] =	stream.indirect_vreg.gather [hbm4b:s5+s3], $0x80, v1, vm0, $0xb8;
	[tilespmem:$0x1B180] =	vst v63  }
0x58: {  	_ = 	snop  }
0x59: {  	[tilespmem:s31], [sflag:$0x1] =	stream.indirect_vreg.gather [hbm4b:s8+s3], $0x80, v1, vm1, $0xb8;
	[tilespmem:$0x1B180] =	vst v63  }
0x5a: {  	_ = 	snop  }
0x5b: {  	[tilespmem:s1], [sflag:$0x1] =	stream.indirect_vreg.gather [hbm4b:s5+s3], $0x80, v0, vm0, $0xb8;
	[tilespmem:$0x1B180] =	vst v63  }
0x5c: {  	_ = 	snop  }
0x5d: {  	[tilespmem:s0], [sflag:$0x1] =	stream.indirect_vreg.gather [hbm4b:s8+s3], $0x80, v0, vm1, $0xb8;
	[tilespmem:$0x1B180] =	vst v63  }
0x5e: {  	_ =	swait.ge [sflag:s6], $0x1800  }
0x5f: {  	[sflag:s6] =	ssyncset.done $0x0  }
0x60: {  	[sflag:s6] =	ssyncadd.s32 $0xFFFFE800  }
0x61: {  	_ =	swait.ge [sflag:s6], $0x1800  }
0x62: {  	[sflag:s6] =	ssyncset.done $0x0  }
0x63: {  	[sflag:s6] =	ssyncadd.s32 $0xFFFFE800  }
0x64: {  	v0 =	vld.idx.msk [tilespmem:v6+s25+$0x0], $0xffff  }
0x65: {  	v1 =	vld.idx.msk [tilespmem:v7+s25+$0x0], $0xffff  }
0x66: {  	v2 =	vld.idx.msk [tilespmem:v8+s25+$0x0], $0xffff  }
0x67: {  	v3 =	vld.idx.msk [tilespmem:v6+s30+$0x0], $0xffff  }
0x68: {  	v4 =	vld.idx.msk [tilespmem:v7+s30+$0x0], $0xffff  }
0x69: {  	v5 =	vld.idx.msk [tilespmem:v8+s30+$0x0], $0xffff  }
0x6a: {  	v9 =	vld [tilespmem:$0x100]  }
0x6b: {  	v10 =	vld [tilespmem:$0x500]  }
0x6c: {  	v11 =	vld [tilespmem:$0x1900]  }
0x6d: {  	v12 =	vld [tilespmem:$0x1D00]  }
0x6e: {  	v13 =	vld [tilespmem:$0x110]  }
0x6f: {  	v14 =	vld [tilespmem:$0x510]  }
0x70: {  	v15 =	vld [tilespmem:$0x1910]  }
0x71: {  	v16 =	vld [tilespmem:$0x1D10]  }
0x72: {  	v17 =	vld [tilespmem:$0x120]  }
0x73: {  	v18 =	vld [tilespmem:$0x520]  }
0x74: {  	v19 =	vld [tilespmem:$0x1920]  }
0x75: {  	v20 =	vld [tilespmem:$0x1D20]  }
0x76: {  	v21 =	vld [tilespmem:$0x130]  }
0x77: {  	v22 =	vld [tilespmem:$0x530]  }
0x78: {  	v23 =	vld [tilespmem:$0x1930]  }
0x79: {  	v24 =	vld [tilespmem:$0x1D30]  }
0x7a: {  	v25 =	vld [tilespmem:$0x140]  }
0x7b: {  	v26 =	vld [tilespmem:$0x540]  }
0x7c: {  	v27 =	vld [tilespmem:$0x1940]  }
0x7d: {  	v28 =	vld [tilespmem:$0x1D40]  }
0x7e: {  	v29 =	vld [tilespmem:$0x150]  }
0x7f: {  	v30 =	vld [tilespmem:$0x550]  }
0x80: {  	v31 =	vld [tilespmem:$0x1950]  }
0x81: {  	v32 =	vld [tilespmem:$0x1D50]  }
0x82: {  	v33 =	vld [tilespmem:$0x160]  }
0x83: {  	v34 =	vld [tilespmem:$0x560]  }
0x84: {  	v35 =	vld [tilespmem:$0x1960]  }
0x85: {  	v36 =	vld [tilespmem:$0x1D60]  }
0x86: {  	v37 =	vld [tilespmem:$0x170]  }
0x87: {  	v38 =	vld [tilespmem:$0x570]  }
0x88: {  	v39 =	vld [tilespmem:$0x1970]  }
0x89: {  	v40 =	vld [tilespmem:$0x1D70]  }
0x8a: {  	v41 =	vld [tilespmem:$0x180]  }
0x8b: {  	v42 =	vld [tilespmem:$0x580]  }
0x8c: {  	v43 =	vld [tilespmem:$0x1980]  }
0x8d: {  	v44 =	vld [tilespmem:$0x1D80]  }
0x8e: {  	v45 =	vld [tilespmem:$0x190]  }
0x8f: {  	v46 =	vld [tilespmem:$0x1D90]  }
0x90: {  	v47 =	vld [tilespmem:$0x1A0]  }
0x91: {  	v48 =	vld [tilespmem:$0x5A0]  }
0x92: {  	v49 =	vld [tilespmem:$0x19A0]  }
0x93: {  	v50 =	vld [tilespmem:$0x1B0];
	v0 =	vmul.f32 v3, v0;
	v1 =	vmul.f32 v4, v1  }
0x94: {  	v51 =	vld [tilespmem:$0x5B0]  }
0x95: {  	v52 =	vld [tilespmem:$0x19B0];
	v2 =	vmul.f32 v5, v2;
	v5 =	vadd.f32 v1, v0  }
0x96: {  	v53 =	vld [tilespmem:$0x1DB0]  }
0x97: {  	v54 =	vld [tilespmem:$0x1C0];
	v5 =	vadd.f32 v2, v5  }
0x98: {  	v55 =	vld [tilespmem:$0x5C0]  }
0x99: {  	v56 =	vld [tilespmem:$0x19C0];
	(erf) = vrcp.f32 v5  }
0x9a: {  	v57 =	vld [tilespmem:$0x1DC0]  }
0x9b: {  	v58 =	vld [tilespmem:$0x1D0]  }
0x9c: {  	v60 =	vld [tilespmem:$0x1DD0]  }
0x9d: {  	v61 =	vld [tilespmem:$0x1E0]  }
0x9e: {  	v62 =	vld [tilespmem:$0x5E0]  }
0x9f: {  	v63 =	vld [tilespmem:$0x19E0]  }
0xa0: {  	v3 =	vld [tilespmem:$0x590]  }
0xa1: {  	v5 =	vld [tilespmem:$0x1DA0]  }
0xa2: {  	v4 =	vld [tilespmem:$0x1990];
	v6 =	vpop (erf)  }
0xa3: {  	v14 =	vadd.f32 v16, v14;
	v16 =	vld [tilespmem:$0x1DE0];
	v8 =	vmul.f32 v6, v0;
	v7 =	vmul.f32 v6, v1  }
0xa4: {  	v53 =	vadd.f32 v53, v51;
	v51 =	vld [tilespmem:$0x1E50];
	v6 =	vmul.f32 v6, v2  }
0xa5: {  	v3 =	vadd.f32 v46, v3;
	v46 =	vld [tilespmem:$0x1A40];
	v59 =	vbroadcast v8, $0x0;
	v2 =	vbroadcast v7, $0x0  }
0xa6: {  	v10 =	vadd.f32 v12, v10;
	v5 =	vadd.f32 v5, v48;
	v48 =	vld [tilespmem:$0x650];
	v12 =	vbroadcast v6, $0x0  }
0xa7: {  	v0 =	vld [tilespmem:$0x5D0];
	v9 =	vmul.f32 v59, v9;
	v11 =	vmul.f32 v2, v11  }
0xa8: {  	v1 =	vld [tilespmem:$0x19D0];
	v13 =	vmul.f32 v13, v59;
	v15 =	vmul.f32 v15, v2  }
0xa9: {  	v10 =	vmul.f32 v10, v12;
	v9 =	vadd.f32 v11, v9;
	v11 =	vld [tilespmem:$0x1F0]  }
0xaa: {  	v14 =	vmul.f32 v14, v12;
	v13 =	vadd.f32 v15, v13;
	v15 =	vadd.f32 v20, v18;
	v18 =	vld [tilespmem:$0x5F0]  }
0xab: {  	v17 =	vmul.f32 v17, v59;
	v19 =	vmul.f32 v19, v2;
	v20 =	vld [tilespmem:$0x19F0]  }
0xac: {  	v9 =	vadd.f32 v9, v10;
	v10 =	vadd.f32 v14, v13;
	v13 =	vmul.f32 v15, v12;
	v14 =	vld [tilespmem:$0x1DF0]  }
0xad: {  	v15 =	vadd.f32 v19, v17;
	v17 =	vmul.f32 v21, v59;
	v19 =	vmul.f32 v23, v2;
	v21 =	vld [tilespmem:$0x200]  }
0xae: {  	v22 =	vadd.f32 v24, v22;
	v24 =	vmul.f32 v27, v2;
	v23 =	vmul.f32 v25, v59;
	v25 =	vld [tilespmem:$0x600]  }
0xaf: {  	v13 =	vadd.f32 v13, v15;
	v15 =	vadd.f32 v19, v17;
	v17 =	vld [tilespmem:$0x1A00]  }
0xb0: {  	v27 =	vmul.f32 v31, v2;
	v19 =	vmul.f32 v22, v12;
	v22 =	vadd.f32 v24, v23;
	v24 =	vld [tilespmem:$0x1E00]  }
0xb1: {  	v23 =	vadd.f32 v28, v26;
	v26 =	vmul.f32 v29, v59;
	v28 =	vadd.f32 v32, v30;
	v29 =	vld [tilespmem:$0x210]  }
0xb2: {  	v31 =	vmul.f32 v35, v2;
	v30 =	vmul.f32 v33, v59;
	v33 =	vld [tilespmem:$0x610]  }
0xb3: {  	v36 =	vadd.f32 v36, v34;
	v34 =	vmul.f32 v28, v12;
	v28 =	vld [tilespmem:$0x1A10]  }
0xb4: {  	v35 =	vadd.f32 v31, v30;
	v31 =	vld [tilespmem:$0x1E10]  }
0xb5: {  	v26 =	vadd.f32 v27, v26;
	v27 =	vld [tilespmem:$0x220]  }
0xb6: {  	v30 =	vmul.f32 v37, v59;
	v37 =	vld [tilespmem:$0x1A20]  }
0xb7: {  	v36 =	vmul.f32 v36, v12;
	v23 =	vmul.f32 v23, v12;
	v59 =	vadd.f32 v44, v42;
	v44 =	vld [tilespmem:$0x1E30]  }
0xb8: {  	v32 =	vbroadcast v7, $0x1;
	v15 =	vadd.f32 v19, v15;
	v14 =	vadd.f32 v14, v18;
	v18 =	vld [tilespmem:$0x1E80]  }
0xb9: {  	v22 =	vadd.f32 v23, v22;
	v23 =	vadd.f32 v34, v26;
	v26 =	vbroadcast v8, $0x1;
	v34 =	vld [tilespmem:$0x620]  }
0xba: {  	v19 =	vadd.f32 v36, v35;
	v35 =	vadd.f32 v40, v38;
	v38 =	vmul.f32 v43, v32;
	v43 =	vld [tilespmem:$0x230]  }
0xbb: {  	v36 =	vmul.f32 v41, v26;
	v41 =	vld [tilespmem:$0x1E20]  }
0xbc: {  	v12 =	vmul.f32 v35, v12;
	v35 =	vld [tilespmem:$0x630]  }
0xbd: {  	v2 =	vmul.f32 v39, v2;
	v39 =	vmul.f32 v50, v26;
	v50 =	vld [tilespmem:$0x1E40]  }
0xbe: {  	v24 =	vadd.f32 v24, v25;
	v25 =	vbroadcast v6, $0x2;
	[tilespmem:$0x3150] =	vst v23;
	v23 =	vld [tilespmem:$0x300]  }
0xbf: {  	v16 =	vadd.f32 v16, v62;
	v0 =	vadd.f32 v60, v0;
	v4 =	vmul.f32 v4, v32;
	[tilespmem:$0x3140] =	vst v22;
	v22 =	vld [tilespmem:$0x1F10]  }
0xc0: {  	v42 =	vmul.f32 v52, v32;
	v52 =	vadd.f32 v57, v55;
	v60 =	vmul.f32 v24, v25;
	v24 =	vld [tilespmem:$0x670]  }
0xc1: {  	v20 =	vmul.f32 v20, v32;
	v40 =	vbroadcast v6, $0x1;
	v62 =	vadd.f32 v31, v33;
	v31 =	vld [tilespmem:$0x680]  }
0xc2: {  	v2 =	vadd.f32 v2, v30;
	v45 =	vmul.f32 v45, v26;
	v11 =	vmul.f32 v11, v26;
	v33 =	vld [tilespmem:$0x320]  }
0xc3: {  	v55 =	vmul.f32 v52, v40;
	v52 =	vbroadcast v8, $0x2;
	v30 =	vadd.f32 v38, v36;
	v38 =	vld [tilespmem:$0x1A30]  }
0xc4: {  	v49 =	vmul.f32 v49, v32;
	v36 =	vmul.f32 v59, v40;
	v11 =	vadd.f32 v20, v11;
	v20 =	vld [tilespmem:$0x270]  }
0xc5: {  	[tilespmem:$0x3110] =	vst v10;
	v3 =	vmul.f32 v3, v40;
	v4 =	vadd.f32 v4, v45;
	v10 =	vmul.f32 v29, v52;
	v29 =	vld [tilespmem:$0x1F20]  }
0xc6: {  	v59 =	vmul.f32 v47, v26;
	v2 =	vadd.f32 v12, v2;
	v12 =	vadd.f32 v36, v30;
	v30 =	vld [tilespmem:$0x240]  }
0xc7: {  	v1 =	vmul.f32 v1, v32;
	v14 =	vmul.f32 v14, v40;
	v36 =	vld [tilespmem:$0x640]  }
0xc8: {  	v3 =	vadd.f32 v3, v4;
	v4 =	vadd.f32 v49, v59;
	v59 =	vmul.f32 v56, v32;
	v49 =	vld [tilespmem:$0x1A50]  }
0xc9: {  	v56 =	vmul.f32 v58, v26;
	v58 =	vmul.f32 v63, v32;
	v32 =	vld [tilespmem:$0x1E60]  }
0xca: {  	[tilespmem:$0x3100] =	vst v9;
	v5 =	vmul.f32 v5, v40;
	v9 =	vadd.f32 v14, v11;
	v14 =	vld [tilespmem:$0x1E70]  }
0xcb: {  	v54 =	vmul.f32 v54, v26;
	v63 =	vmul.f32 v27, v52;
	v27 =	vld [tilespmem:$0x290]  }
0xcc: {  	v53 =	vmul.f32 v53, v40;
	v0 =	vmul.f32 v0, v40;
	v47 =	vadd.f32 v44, v35;
	v35 =	vld [tilespmem:$0x1A80]  }
0xcd: {  	v57 =	vmul.f32 v61, v26;
	v16 =	vmul.f32 v16, v40;
	v40 =	vadd.f32 v41, v34;
	v34 =	vld [tilespmem:$0x1F30]  }
0xce: {  	v26 =	vbroadcast v7, $0x2;
	v4 =	vadd.f32 v5, v4;
	v5 =	vadd.f32 v42, v39;
	v42 =	vld [tilespmem:$0x250]  }
0xcf: {  	v54 =	vadd.f32 v59, v54;
	v59 =	vmul.f32 v21, v52;
	v21 =	vld [tilespmem:$0x1A60]  }
0xd0: {  	v61 =	vmul.f32 v28, v26;
	v28 =	vld [tilespmem:$0x280]  }
0xd1: {  	[tilespmem:$0x3180] =	vst v12;
	v12 =	vld [tilespmem:$0x6D0]  }
0xd2: {  	v18 =	vadd.f32 v18, v31;
	v31 =	vld [tilespmem:$0x1B20]  }
0xd3: {  	v41 =	vmul.f32 v43, v52;
	v43 =	vmul.f32 v38, v26;
	v38 =	vld [tilespmem:$0x1E90]  }
0xd4: {  	v1 =	vadd.f32 v1, v56;
	v56 =	vmul.f32 v40, v25;
	v40 =	vadd.f32 v51, v48;
	v51 =	vld [tilespmem:$0x1B70]  }
0xd5: {  	v48 =	vld [tilespmem:$0x1F80]  }
0xd6: {  	v39 =	vadd.f32 v58, v57;
	v5 =	vadd.f32 v53, v5;
	v53 =	vld [tilespmem:$0x260]  }
0xd7: {  	v45 =	vadd.f32 v55, v54;
	v54 =	vld [tilespmem:$0x660]  }
0xd8: {  	v0 =	vadd.f32 v0, v1;
	v1 =	vadd.f32 v16, v39;
	v16 =	vld [tilespmem:$0x1A70]  }
0xd9: {  	v17 =	vmul.f32 v17, v26;
	v10 =	vadd.f32 v61, v10;
	v61 =	vld [tilespmem:$0x690]  }
0xda: {  	v55 =	vmul.f32 v62, v25;
	v62 =	vld [tilespmem:$0x1A90]  }
0xdb: {  	v17 =	vadd.f32 v17, v59;
	v59 =	vmul.f32 v46, v26;
	v46 =	vld [tilespmem:$0x1AA0]  }
0xdc: {  	[tilespmem:$0x3130] =	vst v15;
	v15 =	vadd.f32 v43, v41;
	v41 =	vld [tilespmem:$0x2A0]  }
0xdd: {  	v43 =	vld [tilespmem:$0x6A0]  }
0xde: {  	v14 =	vadd.f32 v14, v24;
	v24 =	vld [tilespmem:$0x310]  }
0xdf: {  	v58 =	vmul.f32 v30, v52;
	v30 =	vld [tilespmem:$0x720]  }
0xe0: {  	v44 =	vmul.f32 v40, v25;
	v40 =	vld [tilespmem:$0x340]  }
0xe1: {  	[tilespmem:$0x3170] =	vst v2;
	v2 =	vadd.f32 v55, v10;
	v55 =	vld [tilespmem:$0x6B0]  }
0xe2: {  	v39 =	vmul.f32 v37, v26;
	v11 =	vadd.f32 v60, v17;
	v17 =	vld [tilespmem:$0x2F0]  }
0xe3: {  	v57 =	vmul.f32 v47, v25;
	[tilespmem:$0x31C0] =	vst v45;
	v45 =	vld [tilespmem:$0x1F50]  }
0xe4: {  	[tilespmem:$0x3120] =	vst v13;
	v13 =	vadd.f32 v39, v63;
	v39 =	vmul.f32 v49, v26;
	v49 =	vld [tilespmem:$0x380]  }
0xe5: {  	v60 =	vadd.f32 v50, v36;
	v50 =	vbroadcast v8, $0x3;
	v63 =	vadd.f32 v57, v15;
	v57 =	vld [tilespmem:$0x1AB0]  }
0xe6: {  	[tilespmem:$0x31E0] =	vst v1;
	v36 =	vadd.f32 v59, v58;
	v58 =	vld [tilespmem:$0x1EB0]  }
0xe7: {  	v1 =	vbroadcast v7, $0x3;
	[tilespmem:$0x3210] =	vst v2;
	v2 =	vmul.f32 v27, v50;
	v27 =	vld [tilespmem:$0x710]  }
0xe8: {  	v10 =	vadd.f32 v56, v13;
	v56 =	vmul.f32 v28, v50;
	v28 =	vld [tilespmem:$0x1B10]  }
0xe9: {  	[tilespmem:$0x3200] =	vst v11;
	v11 =	vmul.f32 v35, v1;
	v35 =	vld [tilespmem:$0x740]  }
0xea: {  	[tilespmem:$0x31A0] =	vst v4;
	v4 =	vmul.f32 v53, v52;
	v53 =	vld [tilespmem:$0x1EA0]  }
0xeb: {  	[tilespmem:$0x3190] =	vst v3;
	v3 =	vmul.f32 v42, v52;
	v42 =	vadd.f32 v32, v54;
	v54 =	vld [tilespmem:$0x2B0]  }
0xec: {  	[tilespmem:$0x31D0] =	vst v0;
	v0 =	vmul.f32 v16, v26;
	v16 =	vld [tilespmem:$0x2E0]  }
0xed: {  	v21 =	vmul.f32 v21, v26;
	v26 =	vld [tilespmem:$0x1B00]  }
0xee: {  	v3 =	vadd.f32 v39, v3;
	v39 =	vld [tilespmem:$0x330]  }
0xef: {  	[tilespmem:$0x3160] =	vst v19;
	v19 =	vadd.f32 v38, v61;
	v38 =	vld [tilespmem:$0x1B40]  }
0xf0: {  	v32 =	vld [tilespmem:$0x1F40]  }
0xf1: {  	v37 =	vmul.f32 v60, v25;
	v60 =	vmul.f32 v46, v1;
	v46 =	vld [tilespmem:$0x1F60]  }
0xf2: {  	v20 =	vmul.f32 v20, v52;
	v52 =	vld [tilespmem:$0x1F70]  }
0xf3: {  	[tilespmem:$0x3230] =	vst v63;
	v63 =	vld [tilespmem:$0x390]  }
0xf4: {  	[tilespmem:$0x31B0] =	vst v5;
	v5 =	vadd.f32 v37, v36;
	v36 =	vld [tilespmem:$0x730]  }
0xf5: {  	v13 =	vmul.f32 v62, v1;
	v37 =	vld [tilespmem:$0x1B30]  }
0xf6: {  	[tilespmem:$0x3220] =	vst v10;
	v10 =	vadd.f32 v11, v56;
	v56 =	vld [tilespmem:$0x780]  }
0xf7: {  	v2 =	vadd.f32 v13, v2;
	v13 =	vld [tilespmem:$0x1AD0]  }
0xf8: {  	[tilespmem:$0x31F0] =	vst v9;
	v9 =	vadd.f32 v0, v20;
	v20 =	vld [tilespmem:$0x6F0]  }
0xf9: {  	v14 =	vmul.f32 v14, v25;
	v47 =	vmul.f32 v42, v25;
	v25 =	vld [tilespmem:$0x700]  }
0xfa: {  	v4 =	vadd.f32 v21, v4;
	v21 =	vld [tilespmem:$0x1F00]  }
0xfb: {  	v3 =	vadd.f32 v44, v3;
	v44 =	vld [tilespmem:$0x360]  }
0xfc: {  	v42 =	vld [tilespmem:$0x1B60]  }
0xfd: {  	[tilespmem:$0x3240] =	vst v5;
	v5 =	vmul.f32 v41, v50;
	v41 =	vld [tilespmem:$0x1B50]  }
0xfe: {  	v15 =	vadd.f32 v58, v55;
	v55 =	vld [tilespmem:$0x760]  }
0xff: {  	v0 =	vbroadcast v6, $0x3;
	v62 =	vmul.f32 v57, v1;
	v57 =	vld [tilespmem:$0x770]  }
0x100: {  	v9 =	vadd.f32 v14, v9;
	v14 =	vld [tilespmem:$0x1AE0]  }
0x101: {  	v59 =	vmul.f32 v19, v0;
	v19 =	vld [tilespmem:$0x1AF0]  }
0x102: {  	v11 =	vmul.f32 v18, v0;
	v18 =	vld [tilespmem:$0x1EF0]  }
0x103: {  	v4 =	vadd.f32 v47, v4;
	v47 =	vld [tilespmem:$0x370]  }
0x104: {  	v61 =	vadd.f32 v53, v43;
	v43 =	vld [tilespmem:$0x350]  }
0x105: {  	[tilespmem:$0x3250] =	vst v3;
	v3 =	vmul.f32 v54, v50;
	v54 =	vld [tilespmem:$0x750]  }
0x106: {  	v53 =	vld [tilespmem:$0x1B80]  }
0x107: {  	[tilespmem:$0x1EE80] =	vst v63;
	v63 =	vld [tilespmem:$0x790]  }
0x108: {  	v5 =	vadd.f32 v60, v5;
	v60 =	vld [tilespmem:$0x1B90];
	[tilespmem:$0x3260] =	vst v4;
	v4 =	vadd.f32 v11, v10  }
0x109: {  	[tilespmem:$0x3270] =	vst v9;
	v2 =	vadd.f32 v59, v2;
	v9 =	vmul.f32 v15, v0;
	v11 =	vld [tilespmem:$0x2C0];
	v3 =	vadd.f32 v62, v3  }
0x10a: {  	v15 =	vld [tilespmem:$0x2D0]  }
0x10b: {  	v10 =	vmul.f32 v61, v0;
	[tilespmem:$0x3290] =	vst v2;
	v2 =	vadd.f32 v9, v3;
	v3 =	vld [tilespmem:$0x1AC0]  }
0x10c: {  	v9 =	vld [tilespmem:$0x1ED0]  }
0x10d: {  	[tilespmem:$0x3280] =	vst v4;
	v4 =	vadd.f32 v10, v5;
	v10 =	vld [tilespmem:$0x6E0]  }
0x10e: {  	v5 =	vld [tilespmem:$0x1EE0];
	[tilespmem:$0x1EE90] =	vst v60  }
0x10f: {  	[tilespmem:$0x32A0] =	vst v4;
	v4 =	vld [tilespmem:$0x6C0]  }
0x110: {  	[tilespmem:$0x32B0] =	vst v2;
	v2 =	vld [tilespmem:$0x1EC0]  }
0x111: {  	v60 =	vld [tilespmem:$0x1F90]  }
0x112: {  	v61 =	vld [tilespmem:$0x3A0];
	_ =	sdelay $0x4  }
0x113: {  	[tilespmem:$0x1EEB0] =	vst v61;
	v61 =	vld [tilespmem:$0x1BA0];
	_ =	sdelay $0x4  }
0x114: {  	[tilespmem:$0x1EEC0] =	vst v61;
	v61 =	vld [tilespmem:$0x1BB0];
	_ =	sdelay $0x4  }
0x115: {  	[tilespmem:$0x1EEE0] =	vst v61;
	v61 =	vld [tilespmem:$0x3C0];
	_ =	sdelay $0x4  }
0x116: {  	[tilespmem:$0x1EF10] =	vst v61;
	v61 =	vld [tilespmem:$0x7C0];
	_ =	sdelay $0x4  }
0x117: {  	[tilespmem:$0x1EEF0] =	vst v61;
	v61 =	vld [tilespmem:$0x1BC0];
	_ =	sdelay $0x4  }
0x118: {  	[tilespmem:$0x1EF20] =	vst v61;
	v61 =	vld [tilespmem:$0x1FC0];
	_ =	sdelay $0x4  }
0x119: {  	[tilespmem:$0x1EF00] =	vst v61;
	v61 =	vld [tilespmem:$0x3D0];
	_ =	sdelay $0x4  }
0x11a: {  	[tilespmem:$0x1EF50] =	vst v61;
	v61 =	vld [tilespmem:$0x7D0];
	_ =	sdelay $0x4  }
0x11b: {  	[tilespmem:$0x1EF30] =	vst v61;
	v61 =	vld [tilespmem:$0x1BD0];
	_ =	sdelay $0x4  }
0x11c: {  	[tilespmem:$0x1EF60] =	vst v61;
	v61 =	vld [tilespmem:$0x1FD0];
	_ =	sdelay $0x4  }
0x11d: {  	[tilespmem:$0x1EF40] =	vst v61;
	v61 =	vld [tilespmem:$0x3E0];
	_ =	sdelay $0x4  }
0x11e: {  	[tilespmem:$0x1EF90] =	vst v61;
	v61 =	vld [tilespmem:$0x7E0];
	_ =	sdelay $0x4  }
0x11f: {  	[tilespmem:$0x1EF70] =	vst v61;
	v61 =	vld [tilespmem:$0x1BE0];
	_ =	sdelay $0x4  }
0x120: {  	[tilespmem:$0x1EFA0] =	vst v61;
	v61 =	vld [tilespmem:$0x1FE0];
	_ =	sdelay $0x4  }
0x121: {  	[tilespmem:$0x1EF80] =	vst v61;
	v61 =	vld [tilespmem:$0x3F0];
	_ =	sdelay $0x4  }
0x122: {  	[tilespmem:$0x1EFB0] =	vst v61;
	v61 =	vld [tilespmem:$0x7F0];
	_ =	sdelay $0x4  }
0x123: {  	[tilespmem:$0x1EFD0] =	vst v61;
	v61 =	vld [tilespmem:$0x1BF0];
	_ =	sdelay $0x4  }
0x124: {  	[tilespmem:$0x1EFC0] =	vst v61;
	v61 =	vld [tilespmem:$0x1FF0];
	_ =	sdelay $0x4  }
0x125: {  	[tilespmem:$0x1EFE0] =	vst v61;
	v61 =	vld [tilespmem:$0x400];
	_ =	sdelay $0x4  }
0x126: {  	[tilespmem:$0x1EFF0] =	vst v61;
	v61 =	vld [tilespmem:$0x800];
	_ =	sdelay $0x4  }
0x127: {  	[tilespmem:$0x1F000] =	vst v61;
	v61 =	vld [tilespmem:$0x1C00];
	_ =	sdelay $0x4  }
0x128: {  	[tilespmem:$0x1F020] =	vst v61;
	v61 =	vld [tilespmem:$0x2000];
	_ =	sdelay $0x4  }
0x129: {  	[tilespmem:$0x1F010] =	vst v61;
	v61 =	vld [tilespmem:$0x410];
	_ =	sdelay $0x4  }
0x12a: {  	[tilespmem:$0x1F030] =	vst v61;
	v61 =	vld [tilespmem:$0x810];
	_ =	sdelay $0x4  }
0x12b: {  	[tilespmem:$0x1F040] =	vst v61;
	v61 =	vld [tilespmem:$0x1C10];
	_ =	sdelay $0x4  }
0x12c: {  	[tilespmem:$0x1F060] =	vst v61;
	v61 =	vld [tilespmem:$0x2010];
	_ =	sdelay $0x4  }
0x12d: {  	[tilespmem:$0x1F050] =	vst v61;
	v61 =	vld [tilespmem:$0x420];
	_ =	sdelay $0x4  }
0x12e: {  	[tilespmem:$0x1F090] =	vst v61;
	v61 =	vld [tilespmem:$0x820];
	_ =	sdelay $0x4  }
0x12f: {  	[tilespmem:$0x1F070] =	vst v61;
	v61 =	vld [tilespmem:$0x1C20];
	_ =	sdelay $0x4  }
0x130: {  	[tilespmem:$0x1F0A0] =	vst v61;
	v61 =	vld [tilespmem:$0x2020];
	_ =	sdelay $0x4  }
0x131: {  	[tilespmem:$0x1F080] =	vst v61;
	v61 =	vld [tilespmem:$0x430];
	_ =	sdelay $0x1  }
0x132: {  	v2 =	vadd.f32 v2, v4;
	v4 =	vmul.f32 v11, v50;
	v11 =	vld [tilespmem:$0x2990];
	_ =	sdelay $0x1  }
0x133: {  	v3 =	vmul.f32 v3, v1  }
0x134: {  	[tilespmem:$0x1F0F0] =	vst v61;
	v61 =	vld [tilespmem:$0x830]  }
0x135: {  	v3 =	vadd.f32 v3, v4;
	v4 =	vld [tilespmem:$0x11A0]  }
0x136: {  	[tilespmem:$0x1F640] =	vst v11;
	v11 =	vld [tilespmem:$0xDA0];
	_ =	sdelay $0x1  }
0x137: {  	v2 =	vmul.f32 v2, v0  }
0x138: {  	[tilespmem:$0x1F0B0] =	vst v61;
	v61 =	vld [tilespmem:$0x1C30]  }
0x139: {  	v2 =	vadd.f32 v2, v3;
	[tilespmem:$0x1F660] =	vst v4  }
0x13a: {  	v4 =	vadd.f32 v9, v12;
	v9 =	vmul.f32 v15, v50;
	v12 =	vld [tilespmem:$0x25A0];
	[tilespmem:$0x1F680] =	vst v11;
	v11 =	vmul.f32 v13, v1;
	_ =	sdelay $0x1  }
0x13b: {  	[tilespmem:$0x1F850] =	vst v2;
	v2 =	vadd.f32 v11, v9;
	v9 =	vld [tilespmem:$0xDB0]  }
0x13c: {  	[tilespmem:$0x1F100] =	vst v61;
	v61 =	vld [tilespmem:$0x2030]  }
0x13d: {  	v4 =	vmul.f32 v4, v0  }
0x13e: {  	v5 =	vadd.f32 v5, v10;
	v10 =	vmul.f32 v16, v50;
	[tilespmem:$0x1F690] =	vst v12;
	v12 =	vmul.f32 v14, v1  }
0x13f: {  	v2 =	vadd.f32 v4, v2;
	v4 =	vld [tilespmem:$0x29B0]  }
0x140: {  	[tilespmem:$0x1F6C0] =	vst v9;
	v9 =	vadd.f32 v12, v10;
	v10 =	vld [tilespmem:$0x11B0]  }
0x141: {  	[tilespmem:$0x1F0C0] =	vst v61;
	v61 =	vld [tilespmem:$0x440];
	_ =	sdelay $0x1  }
0x142: {  	[tilespmem:$0x1F880] =	vst v2  }
0x143: {  	v5 =	vmul.f32 v5, v0;
	[tilespmem:$0x1F6B0] =	vst v4  }
0x144: {  	v3 =	vmul.f32 v17, v50;
	v4 =	vld [tilespmem:$0xDC0];
	[tilespmem:$0x1F6A0] =	vst v10  }
0x145: {  	v1 =	vmul.f32 v19, v1;
	v2 =	vadd.f32 v5, v9;
	v10 =	vadd.f32 v18, v20;
	[tilespmem:$0x1F110] =	vst v61;
	v61 =	vld [tilespmem:$0x840]  }
0x146: {  	v11 =	vbroadcast v8, $0x4  }
0x147: {  	v1 =	vadd.f32 v1, v3;
	[tilespmem:$0x1F8A0] =	vst v2;
	v2 =	vbroadcast v7, $0x4;
	v0 =	vmul.f32 v10, v0  }
0x148: {  	v13 =	vbroadcast v6, $0x4;
	v3 =	vmul.f32 v23, v11;
	v10 =	vld [tilespmem:$0x11C0]  }
0x149: {  	v5 =	vmul.f32 v26, v2;
	[tilespmem:$0x1F700] =	vst v4;
	v4 =	vadd.f32 v21, v25;
	v25 =	vadd.f32 v0, v1;
	v1 =	vld [tilespmem:$0x29C0]  }
0x14a: {  	[tilespmem:$0x1F0D0] =	vst v61;
	v61 =	vld [tilespmem:$0x1C40]  }
0x14b: {  	v0 =	vadd.f32 v5, v3;
	v3 =	vmul.f32 v4, v13;
	v5 =	vld [tilespmem:$0xDD0]  }
0x14c: {  	v9 =	vmul.f32 v24, v11  }
0x14d: {  	v18 =	vmul.f32 v28, v2;
	[tilespmem:$0x1F6E0] =	vst v10;
	v10 =	vadd.f32 v22, v27;
	v27 =	vadd.f32 v3, v0;
	v0 =	vld [tilespmem:$0x25D0]  }
0x14e: {  	[tilespmem:$0x1F6F0] =	vst v1  }
0x14f: {  	v1 =	vadd.f32 v18, v9;
	v4 =	vmul.f32 v10, v13;
	[tilespmem:$0x1F120] =	vst v61;
	v61 =	vld [tilespmem:$0x2040]  }
0x150: {  	[tilespmem:$0x1F730] =	vst v5;
	v5 =	vadd.f32 v29, v30;
	v9 =	vmul.f32 v33, v11;
	v10 =	vmul.f32 v31, v2;
	_ =	sdelay $0x1  }
0x151: {  	v26 =	vadd.f32 v4, v1;
	v3 =	vmul.f32 v5, v13;
	[tilespmem:$0x1F740] =	vst v0;
	v0 =	vadd.f32 v10, v9  }
0x152: {  	v4 =	vadd.f32 v32, v35;
	v5 =	vmul.f32 v39, v11;
	v9 =	vmul.f32 v37, v2  }
0x153: {  	v28 =	vadd.f32 v3, v0;
	v0 =	vmul.f32 v40, v11;
	v3 =	vmul.f32 v38, v2;
	[tilespmem:$0x1F0E0] =	vst v61;
	v61 =	vld [tilespmem:$0x450]  }
0x154: {  	v4 =	vmul.f32 v4, v13;
	v5 =	vadd.f32 v9, v5  }
0x155: {  	v9 =	vmul.f32 v41, v2;
	v0 =	vadd.f32 v3, v0;
	v3 =	vmul.f32 v43, v11  }
0x156: {  	v24 =	vbroadcast v6, $0x5  }
0x157: {  	v30 =	vadd.f32 v4, v0;
	v0 =	vadd.f32 v9, v3;
	v9 =	vmul.f32 v47, v11;
	v47 =	vmovc v6;
	v6 =	vld [tilespmem:$0x2600]  }
0x158: {  	[tilespmem:$0x1F130] =	vst v61;
	v61 =	vld [tilespmem:$0x850];
	_ =	sdelay $0x1  }
0x159: {  	v10 =	vld [tilespmem:$0x29E0];
	_ =	sdelay $0x1  }
0x15a: {  	[tilespmem:$0x1F780] =	vst v6;
	v6 =	vld [tilespmem:$0x2A00]  }
0x15b: {  	v1 =	vadd.f32 v34, v36;
	[tilespmem:$0x1F170] =	vst v61;
	v61 =	vld [tilespmem:$0x1C50];
	_ =	sdelay $0x1  }
0x15c: {  	v1 =	vmul.f32 v1, v13;
	[tilespmem:$0x1F750] =	vst v10;
	v10 =	vld [tilespmem:$0xDF0]  }
0x15d: {  	v62 =	vld [tilespmem:$0x7A0]  }
0x15e: {  	v31 =	vadd.f32 v1, v5;
	v1 =	vmul.f32 v44, v11;
	[tilespmem:$0x1F770] =	vst v6;
	v6 =	vld [tilespmem:$0x1EEC0]  }
0x15f: {  	v5 =	vmul.f32 v42, v2;
	v2 =	vmul.f32 v51, v2;
	v11 =	vadd.f32 v52, v57;
	[tilespmem:$0x1F140] =	vst v61;
	v61 =	vld [tilespmem:$0x2050];
	_ =	sdelay $0x1  }
0x160: {  	v2 =	vadd.f32 v2, v9;
	v9 =	vmul.f32 v11, v13;
	[tilespmem:$0x1F760] =	vst v10;
	v10 =	vbroadcast v7, $0x5  }
0x161: {  	[tilespmem:$0x1EEA0] =	vst v62;
	v62 =	vld [tilespmem:$0x3B0]  }
0x162: {  	v33 =	vadd.f32 v9, v2;
	v9 =	vmul.f32 v6, v10;
	v6 =	vld [tilespmem:$0x2A10]  }
0x163: {  	[tilespmem:$0x1F180] =	vst v61;
	v61 =	vld [tilespmem:$0x460];
	_ =	sdelay $0x2  }
0x164: {  	v17 =	vld [tilespmem:$0x25B0];
	[tilespmem:$0x1EED0] =	vst v62  }
0x165: {  	[tilespmem:$0x1F7B0] =	vst v6;
	v6 =	vld [tilespmem:$0x1EED0]  }
0x166: {  	[tilespmem:$0x1F150] =	vst v61;
	v61 =	vld [tilespmem:$0x860];
	_ =	sdelay $0x1  }
0x167: {  	v4 =	vbroadcast v8, $0x5;
	_ =	sdelay $0x1  }
0x168: {  	[tilespmem:$0x1F6D0] =	vst v17;
	v1 =	vadd.f32 v5, v1;
	v5 =	vadd.f32 v46, v55;
	v17 =	vmul.f32 v6, v4;
	v6 =	vld [tilespmem:$0x1EEE0]  }
0x169: {  	[tilespmem:$0x1F190] =	vst v61;
	v61 =	vld [tilespmem:$0x1C60]  }
0x16a: {  	v59 =	vld [tilespmem:$0x1FB0];
	v5 =	vmul.f32 v5, v13  }
0x16b: {  	v62 =	vld [tilespmem:$0x7B0]  }
0x16c: {  	v35 =	vadd.f32 v5, v1;
	v1 =	vld [tilespmem:$0x1EE80]  }
0x16d: {  	v18 =	vmul.f32 v6, v10;
	v6 =	vld [tilespmem:$0x2620]  }
0x16e: {  	[tilespmem:$0x1F160] =	vst v61;
	v61 =	vld [tilespmem:$0x2060]  }
0x16f: {  	v2 =	vld [tilespmem:$0x1EE90]  }
0x170: {  	v5 =	vld [tilespmem:$0x1EEB0]  }
0x171: {  	v22 =	vadd.f32 v48, v56;
	v43 =	vmovc v7;
	v21 =	vmul.f32 v49, v4;
	v7 =	vld [tilespmem:$0x1EF00];
	v23 =	vmul.f32 v53, v10  }
0x172: {  	[tilespmem:$0x1F7E0] =	vst v6;
	v6 =	vld [tilespmem:$0x1EEF0]  }
0x173: {  	v57 =	vmul.f32 v22, v24;
	v11 =	vadd.f32 v23, v21;
	[tilespmem:$0x1F1A0] =	vst v61;
	v61 =	vld [tilespmem:$0x470]  }
0x174: {  	v1 =	vmul.f32 v1, v4;
	v2 =	vmul.f32 v2, v10  }
0x175: {  	v5 =	vmul.f32 v5, v4;
	v32 =	vadd.f32 v57, v11;
	v11 =	vadd.f32 v59, v62  }
0x176: {  	v19 =	vld [tilespmem:$0x25C0];
	v1 =	vadd.f32 v2, v1  }
0x177: {  	v2 =	vadd.f32 v9, v5;
	v9 =	vmul.f32 v11, v24;
	v11 =	vadd.f32 v7, v6;
	v6 =	vld [tilespmem:$0x1EF10]  }
0x178: {  	[tilespmem:$0x1F1B0] =	vst v61;
	v61 =	vld [tilespmem:$0x870];
	_ =	sdelay $0x2  }
0x179: {  	v20 =	vld [tilespmem:$0x11D0]  }
0x17a: {  	[tilespmem:$0x1F710] =	vst v19;
	v19 =	vmul.f32 v6, v4;
	v6 =	vld [tilespmem:$0x1EF20]  }
0x17b: {  	[tilespmem:$0x1F1D0] =	vst v61;
	v61 =	vld [tilespmem:$0x1C70];
	_ =	sdelay $0x1  }
0x17c: {  	v3 =	vadd.f32 v45, v54;
	_ =	sdelay $0x1  }
0x17d: {  	[tilespmem:$0x1F720] =	vst v20;
	v3 =	vmul.f32 v3, v13;
	v20 =	vmul.f32 v6, v10;
	v6 =	vld [tilespmem:$0x2A20]  }
0x17e: {  	[tilespmem:$0x1F1C0] =	vst v61;
	v61 =	vld [tilespmem:$0x2070]  }
0x17f: {  	v37 =	vadd.f32 v3, v0;
	v0 =	vld [tilespmem:$0xE10]  }
0x180: {  	v58 =	vld [tilespmem:$0x1FA0]  }
0x181: {  	v3 =	vld [tilespmem:$0x1EEA0]  }
0x182: {  	[tilespmem:$0x1F7D0] =	vst v6;
	v6 =	vld [tilespmem:$0x2630]  }
0x183: {  	[tilespmem:$0x1F1E0] =	vst v61;
	v61 =	vld [tilespmem:$0x480]  }
0x184: {  	[tilespmem:$0x1F790] =	vst v0;
	v0 =	vld [tilespmem:$0x1210]  }
0x185: {  	v5 =	vld [tilespmem:$0x1220]  }
0x186: {  	v3 =	vadd.f32 v58, v3;
	v7 =	vld [tilespmem:$0x1EF80]  }
0x187: {  	[tilespmem:$0x1F820] =	vst v6;
	v6 =	vld [tilespmem:$0x1EF70]  }
0x188: {  	v3 =	vmul.f32 v3, v24;
	[tilespmem:$0x1F1F0] =	vst v61;
	v61 =	vld [tilespmem:$0x880];
	_ =	sdelay $0x1  }
0x189: {  	v38 =	vadd.f32 v3, v2;
	v2 =	vld [tilespmem:$0x1230];
	[tilespmem:$0x1F7C0] =	vst v5;
	v5 =	vadd.f32 v18, v17;
	_ =	sdelay $0x1  }
0x18a: {  	[tilespmem:$0x1F7A0] =	vst v0;
	v42 =	vadd.f32 v9, v5;
	v9 =	vadd.f32 v7, v6;
	v6 =	vld [tilespmem:$0x1EF90]  }
0x18b: {  	v0 =	vadd.f32 v60, v63;
	[tilespmem:$0x1F200] =	vst v61;
	v61 =	vld [tilespmem:$0x1C80]  }
0x18c: {  	v3 =	vld [tilespmem:$0x1EF40]  }
0x18d: {  	v0 =	vmul.f32 v0, v24;
	[tilespmem:$0x1F7F0] =	vst v2;
	v2 =	vld [tilespmem:$0x1EF30];
	_ =	sdelay $0x1  }
0x18e: {  	v45 =	vadd.f32 v0, v1;
	v1 =	vmul.f32 v11, v24;
	v11 =	vmul.f32 v6, v4;
	v6 =	vld [tilespmem:$0x1EFA0]  }
0x18f: {  	[tilespmem:$0x1F220] =	vst v61;
	v61 =	vld [tilespmem:$0x2080];
	_ =	sdelay $0x1  }
0x190: {  	v2 =	vadd.f32 v3, v2;
	v3 =	vld [tilespmem:$0x1EF50]  }
0x191: {  	v5 =	vld [tilespmem:$0x1EF60]  }
0x192: {  	v21 =	vmul.f32 v6, v10;
	v6 =	vld [tilespmem:$0x2A30]  }
0x193: {  	v0 =	vadd.f32 v20, v19;
	[tilespmem:$0x1F210] =	vst v61;
	v61 =	vld [tilespmem:$0x490];
	_ =	sdelay $0x1  }
0x194: {  	v48 =	vadd.f32 v1, v0;
	v1 =	vld [tilespmem:$0x1EFB0]  }
0x195: {  	v7 =	vld [tilespmem:$0x1EFE0]  }
0x196: {  	v3 =	vmul.f32 v3, v4;
	v5 =	vmul.f32 v5, v10;
	[tilespmem:$0x1F800] =	vst v6;
	v6 =	vld [tilespmem:$0x1EFD0]  }
0x197: {  	[tilespmem:$0x1F250] =	vst v61;
	v61 =	vld [tilespmem:$0x890]  }
0x198: {  	v0 =	vadd.f32 v5, v3;
	v5 =	vld [tilespmem:$0x1240];
	_ =	sdelay $0x1  }
0x199: {  	v3 =	vmul.f32 v1, v4;
	v1 =	vld [tilespmem:$0xE40]  }
0x19a: {  	v4 =	vmul.f32 v9, v24;
	v9 =	vadd.f32 v7, v6;
	v6 =	vld [tilespmem:$0x2640]  }
0x19b: {  	[tilespmem:$0x1F230] =	vst v61;
	v61 =	vld [tilespmem:$0x1C90]  }
0x19c: {  	[tilespmem:$0x1F810] =	vst v5;
	v5 =	vld [tilespmem:$0x1EFC0];
	_ =	sdelay $0x1  }
0x19d: {  	[tilespmem:$0x1F830] =	vst v1  }
0x19e: {  	v1 =	vadd.f32 v21, v11;
	[tilespmem:$0x1F840] =	vst v6;
	v6 =	vld [tilespmem:$0x1F030]  }
0x19f: {  	[tilespmem:$0x1F260] =	vst v61;
	v61 =	vld [tilespmem:$0x2090]  }
0x1a0: {  	v2 =	vmul.f32 v2, v24;
	v5 =	vmul.f32 v5, v10;
	v56 =	vadd.f32 v4, v1;
	v4 =	vld [tilespmem:$0xE50]  }
0x1a1: {  	v10 =	vbroadcast v8, $0x6  }
0x1a2: {  	v57 =	vadd.f32 v2, v0;
	v0 =	vadd.f32 v5, v3;
	v5 =	vld [tilespmem:$0x1F010]  }
0x1a3: {  	v2 =	vmul.f32 v9, v24;
	v9 =	vmul.f32 v6, v10;
	v6 =	vld [tilespmem:$0x1250]  }
0x1a4: {  	[tilespmem:$0x1F240] =	vst v61;
	v61 =	vld [tilespmem:$0x4A0]  }
0x1a5: {  	[tilespmem:$0x1F860] =	vst v4;
	v4 =	vld [tilespmem:$0x1F000]  }
0x1a6: {  	v3 =	vld [tilespmem:$0x1EFF0]  }
0x1a7: {  	v7 =	vld [tilespmem:$0x1F050]  }
0x1a8: {  	[tilespmem:$0x1F8B0] =	vst v6;
	v6 =	vld [tilespmem:$0x1F040]  }
0x1a9: {  	[tilespmem:$0x1F290] =	vst v61;
	v61 =	vld [tilespmem:$0x8A0]  }
0x1aa: {  	v4 =	vadd.f32 v5, v4;
	v5 =	vld [tilespmem:$0x1F020];
	_ =	sdelay $0x2  }
0x1ab: {  	v11 =	vbroadcast v43, $0x6;
	v22 =	vadd.f32 v7, v6;
	v6 =	vld [tilespmem:$0x1F060]  }
0x1ac: {  	[tilespmem:$0x1F270] =	vst v61;
	v61 =	vld [tilespmem:$0x1CA0]  }
0x1ad: {  	v3 =	vmul.f32 v3, v10;
	v5 =	vmul.f32 v5, v11;
	_ =	sdelay $0x1  }
0x1ae: {  	v62 =	vadd.f32 v2, v0;
	v0 =	vadd.f32 v5, v3;
	v5 =	vld [tilespmem:$0xE60]  }
0x1af: {  	v23 =	vmul.f32 v6, v11;
	v6 =	vld [tilespmem:$0x2650]  }
0x1b0: {  	[tilespmem:$0x1F2A0] =	vst v61;
	v61 =	vld [tilespmem:$0x20A0];
	_ =	sdelay $0x2  }
0x1b1: {  	[tilespmem:$0x1F890] =	vst v5;
	v5 =	vld [tilespmem:$0x1F070]  }
0x1b2: {  	[tilespmem:$0x1F870] =	vst v6;
	v6 =	vld [tilespmem:$0x1F080]  }
0x1b3: {  	[tilespmem:$0x1F280] =	vst v61;
	v61 =	vld [tilespmem:$0x4B0]  }
0x1b4: {  	v2 =	vld [tilespmem:$0x2A50]  }
0x1b5: {  	v14 =	vbroadcast v47, $0x6;
	_ =	sdelay $0x1  }
0x1b6: {  	v3 =	vmul.f32 v4, v14;
	v5 =	vadd.f32 v6, v5;
	v6 =	vld [tilespmem:$0x1F090]  }
0x1b7: {  	[tilespmem:$0x1F2D0] =	vst v61;
	v61 =	vld [tilespmem:$0x8B0]  }
0x1b8: {  	[tilespmem:$0x1F8C0] =	vst v2;
	v0 =	vadd.f32 v3, v0;
	v4 =	vmul.f32 v22, v14;
	v2 =	vadd.f32 v23, v9  }
0x1b9: {  	v3 =	vld [tilespmem:$0x1F0B0]  }
0x1ba: {  	[tilespmem:$0x1FA60] =	vst v0;
	v0 =	vadd.f32 v4, v2;
	v4 =	vld [tilespmem:$0x1F0C0]  }
0x1bb: {  	v9 =	vmul.f32 v6, v10;
	v6 =	vld [tilespmem:$0x1F0A0]  }
0x1bc: {  	[tilespmem:$0x1F2B0] =	vst v61;
	v61 =	vld [tilespmem:$0x1CB0];
	_ =	sdelay $0x2  }
0x1bd: {  	v3 =	vadd.f32 v4, v3;
	v4 =	vmul.f32 v5, v14;
	v5 =	vld [tilespmem:$0x2A60]  }
0x1be: {  	v24 =	vmul.f32 v6, v11;
	v6 =	vld [tilespmem:$0x1260]  }
0x1bf: {  	[tilespmem:$0x1F2E0] =	vst v61;
	v61 =	vld [tilespmem:$0x20B0];
	_ =	sdelay $0x2  }
0x1c0: {  	[tilespmem:$0x1F8E0] =	vst v5;
	v5 =	vld [tilespmem:$0x1F0D0]  }
0x1c1: {  	[tilespmem:$0x1F8D0] =	vst v6;
	v6 =	vld [tilespmem:$0x1F0E0]  }
0x1c2: {  	[tilespmem:$0x1F2C0] =	vst v61;
	v61 =	vld [tilespmem:$0x4C0];
	_ =	sdelay $0x3  }
0x1c3: {  	v5 =	vadd.f32 v6, v5;
	v6 =	vld [tilespmem:$0x1F0F0]  }
0x1c4: {  	[tilespmem:$0x1F310] =	vst v61;
	v61 =	vld [tilespmem:$0x8C0];
	_ =	sdelay $0x3  }
0x1c5: {  	v2 =	vadd.f32 v24, v9;
	v9 =	vmul.f32 v6, v10;
	v6 =	vld [tilespmem:$0x1F100]  }
0x1c6: {  	[tilespmem:$0x1F2F0] =	vst v61;
	v61 =	vld [tilespmem:$0x1CC0];
	_ =	sdelay $0x3  }
0x1c7: {  	v44 =	vmul.f32 v6, v11;
	v6 =	vld [tilespmem:$0xE70]  }
0x1c8: {  	[tilespmem:$0x1F320] =	vst v61;
	v61 =	vld [tilespmem:$0x20C0];
	_ =	sdelay $0x3  }
0x1c9: {  	[tilespmem:$0x1F8F0] =	vst v6;
	v6 =	vld [tilespmem:$0x1270]  }
0x1ca: {  	[tilespmem:$0x1F300] =	vst v61;
	v61 =	vld [tilespmem:$0x4D0];
	_ =	sdelay $0x3  }
0x1cb: {  	[tilespmem:$0x1F910] =	vst v6;
	v6 =	vld [tilespmem:$0x2670]  }
0x1cc: {  	[tilespmem:$0x1F350] =	vst v61;
	v61 =	vld [tilespmem:$0x8D0];
	_ =	sdelay $0x3  }
0x1cd: {  	[tilespmem:$0x1F900] =	vst v6;
	v6 =	vld [tilespmem:$0x1F140]  }
0x1ce: {  	[tilespmem:$0x1F330] =	vst v61;
	v61 =	vld [tilespmem:$0x1CD0]  }
0x1cf: {  	v2 =	vadd.f32 v4, v2;
	_ =	sdelay $0x1  }
0x1d0: {  	[tilespmem:$0x1FAB0] =	vst v2;
	v2 =	vld [tilespmem:$0x1F110]  }
0x1d1: {  	v49 =	vmul.f32 v6, v11;
	v6 =	vld [tilespmem:$0x2A70]  }
0x1d2: {  	[tilespmem:$0x1F360] =	vst v61;
	v61 =	vld [tilespmem:$0x20D0]  }
0x1d3: {  	v4 =	vld [tilespmem:$0x1F120];
	_ =	sdelay $0x2  }
0x1d4: {  	[tilespmem:$0x1F920] =	vst v6;
	v6 =	vld [tilespmem:$0x1F160]  }
0x1d5: {  	[tilespmem:$0x1F340] =	vst v61;
	v61 =	vld [tilespmem:$0x4E0]  }
0x1d6: {  	v2 =	vmul.f32 v2, v10;
	v4 =	vmul.f32 v4, v11  }
0x1d7: {  	v3 =	vmul.f32 v3, v14;
	v9 =	vadd.f32 v44, v9  }
0x1d8: {  	v2 =	vadd.f32 v4, v2  }
0x1d9: {  	v5 =	vmul.f32 v5, v14;
	v3 =	vadd.f32 v3, v9;
	v9 =	vmul.f32 v6, v11;
	v6 =	vld [tilespmem:$0xE80]  }
0x1da: {  	[tilespmem:$0x1F390] =	vst v61;
	v61 =	vld [tilespmem:$0x8E0]  }
0x1db: {  	v2 =	vadd.f32 v5, v2;
	_ =	sdelay $0x1  }
0x1dc: {  	[tilespmem:$0x1FAF0] =	vst v2;
	v2 =	vld [tilespmem:$0x1F170]  }
0x1dd: {  	[tilespmem:$0x1F930] =	vst v6;
	v6 =	vld [tilespmem:$0x1F180]  }
0x1de: {  	[tilespmem:$0x1F370] =	vst v61;
	v61 =	vld [tilespmem:$0x1CE0];
	_ =	sdelay $0x3  }
0x1df: {  	v50 =	vadd.f32 v6, v2;
	v2 =	vld [tilespmem:$0x1F190]  }
0x1e0: {  	[tilespmem:$0x1F3A0] =	vst v61;
	v61 =	vld [tilespmem:$0x20E0]  }
0x1e1: {  	v6 =	vld [tilespmem:$0x1F1A0];
	_ =	sdelay $0x3  }
0x1e2: {  	[tilespmem:$0x1F380] =	vst v61;
	v61 =	vld [tilespmem:$0x4F0]  }
0x1e3: {  	v52 =	vadd.f32 v6, v2;
	v6 =	vld [tilespmem:$0x1F1C0];
	_ =	sdelay $0x2  }
0x1e4: {  	v7 =	vld [tilespmem:$0x1F1E0]  }
0x1e5: {  	[tilespmem:$0x1F3B0] =	vst v61;
	v61 =	vld [tilespmem:$0x8F0]  }
0x1e6: {  	v11 =	vmul.f32 v6, v11;
	v6 =	vld [tilespmem:$0x1F1D0];
	_ =	sdelay $0x3  }
0x1e7: {  	[tilespmem:$0x1F3D0] =	vst v61;
	v61 =	vld [tilespmem:$0x1CF0]  }
0x1e8: {  	v53 =	vadd.f32 v7, v6;
	v6 =	vld [tilespmem:$0x1F1F0];
	_ =	sdelay $0x2  }
0x1e9: {  	v13 =	vbroadcast v8, $0x7;
	v4 =	vld [tilespmem:$0x1F130]  }
0x1ea: {  	[tilespmem:$0x1F3C0] =	vst v61;
	v61 =	vld [tilespmem:$0x20F0]  }
0x1eb: {  	v63 =	vmul.f32 v6, v13;
	v6 =	vld [tilespmem:$0xE90]  }
0x1ec: {  	[tilespmem:$0x1FAC0] =	vst v3;
	v3 =	vld [tilespmem:$0x1F150]  }
0x1ed: {  	v2 =	vld [tilespmem:$0x1F1B0];
	_ =	sdelay $0x1  }
0x1ee: {  	[tilespmem:$0x1F3E0] =	vst v61;
	v61 =	vld [tilespmem:$0xD00]  }
0x1ef: {  	[tilespmem:$0x1F960] =	vst v6;
	v6 =	vld [tilespmem:$0x1F200]  }
0x1f0: {  	v4 =	vmul.f32 v4, v10;
	v7 =	vld [tilespmem:$0x1F210]  }
0x1f1: {  	v16 =	vld [tilespmem:$0x29A0];
	v3 =	vmul.f32 v3, v10;
	v10 =	vmul.f32 v2, v10;
	_ =	sdelay $0x1  }
0x1f2: {  	v5 =	vadd.f32 v49, v4;
	v10 =	vadd.f32 v11, v10;
	v11 =	vmul.f32 v50, v14;
	[tilespmem:$0x1F3F0] =	vst v61;
	v61 =	vld [tilespmem:$0x1100]  }
0x1f3: {  	v9 =	vadd.f32 v9, v3  }
0x1f4: {  	v49 =	vmul.f32 v52, v14;
	v5 =	vadd.f32 v11, v5;
	v24 =	vadd.f32 v7, v6;
	v6 =	vld [tilespmem:$0x1F220]  }
0x1f5: {  	[tilespmem:$0x1F670] =	vst v16  }
0x1f6: {  	[tilespmem:$0x1FB00] =	vst v5;
	v5 =	vadd.f32 v49, v9  }
0x1f7: {  	v16 =	vbroadcast v43, $0x7;
	[tilespmem:$0x1F400] =	vst v61;
	v61 =	vld [tilespmem:$0x2500]  }
0x1f8: {  	[tilespmem:$0x1FB20] =	vst v5;
	v5 =	vld [tilespmem:$0xEA0]  }
0x1f9: {  	v44 =	vmul.f32 v6, v16;
	v6 =	vld [tilespmem:$0x1290];
	_ =	sdelay $0x2  }
0x1fa: {  	v21 =	vbroadcast v47, $0x7;
	v14 =	vmul.f32 v53, v14;
	[tilespmem:$0x1F420] =	vst v61;
	v61 =	vld [tilespmem:$0x2900]  }
0x1fb: {  	[tilespmem:$0x1F9A0] =	vst v5  }
0x1fc: {  	v5 =	vadd.f32 v14, v10;
	v52 =	vmul.f32 v24, v21;
	v50 =	vadd.f32 v44, v63;
	[tilespmem:$0x1F940] =	vst v6;
	v6 =	vld [tilespmem:$0x2690];
	_ =	sdelay $0x1  }
0x1fd: {  	[tilespmem:$0x1FB70] =	vst v5;
	v5 =	vadd.f32 v52, v50  }
0x1fe: {  	[tilespmem:$0x1F410] =	vst v61;
	v61 =	vld [tilespmem:$0xD10]  }
0x1ff: {  	[tilespmem:$0x1FBA0] =	vst v5;
	v5 =	vld [tilespmem:$0x12A0]  }
0x200: {  	[tilespmem:$0x1F970] =	vst v6;
	v6 =	vld [tilespmem:$0x2A90];
	_ =	sdelay $0x2  }
0x201: {  	[tilespmem:$0x1F430] =	vst v61;
	v61 =	vld [tilespmem:$0x1110]  }
0x202: {  	[tilespmem:$0x1F980] =	vst v5;
	v5 =	vld [tilespmem:$0x1F230]  }
0x203: {  	[tilespmem:$0x1F950] =	vst v6;
	v6 =	vld [tilespmem:$0x1F240];
	_ =	sdelay $0x2  }
0x204: {  	[tilespmem:$0x1F440] =	vst v61;
	v61 =	vld [tilespmem:$0x2510];
	_ =	sdelay $0x1  }
0x205: {  	v5 =	vadd.f32 v6, v5;
	v6 =	vld [tilespmem:$0x1F250];
	_ =	sdelay $0x2  }
0x206: {  	[tilespmem:$0x1F460] =	vst v61;
	v61 =	vld [tilespmem:$0x2910];
	_ =	sdelay $0x1  }
0x207: {  	v9 =	vmul.f32 v6, v13;
	v6 =	vld [tilespmem:$0x1F260];
	_ =	sdelay $0x2  }
0x208: {  	[tilespmem:$0x1F450] =	vst v61;
	v61 =	vld [tilespmem:$0xD20];
	_ =	sdelay $0x1  }
0x209: {  	v10 =	vmul.f32 v6, v16;
	v6 =	vld [tilespmem:$0x26A0];
	_ =	sdelay $0x2  }
0x20a: {  	[tilespmem:$0x1F490] =	vst v61;
	v61 =	vld [tilespmem:$0x1120]  }
0x20b: {  	v7 =	vld [tilespmem:$0x1F280]  }
0x20c: {  	[tilespmem:$0x1F9B0] =	vst v6;
	v6 =	vld [tilespmem:$0x1F270];
	_ =	sdelay $0x2  }
0x20d: {  	[tilespmem:$0x1F470] =	vst v61;
	v61 =	vld [tilespmem:$0x2520];
	_ =	sdelay $0x1  }
0x20e: {  	v11 =	vadd.f32 v7, v6;
	v6 =	vld [tilespmem:$0x1F290];
	_ =	sdelay $0x2  }
0x20f: {  	[tilespmem:$0x1F4A0] =	vst v61;
	v61 =	vld [tilespmem:$0x2920];
	_ =	sdelay $0x1  }
0x210: {  	v53 =	vmul.f32 v6, v13;
	v6 =	vld [tilespmem:$0x1F2A0];
	_ =	sdelay $0x2  }
0x211: {  	[tilespmem:$0x1F480] =	vst v61;
	v61 =	vld [tilespmem:$0xD30];
	_ =	sdelay $0x1  }
0x212: {  	v63 =	vmul.f32 v6, v16;
	v6 =	vld [tilespmem:$0x2AA0];
	_ =	sdelay $0x2  }
0x213: {  	[tilespmem:$0x1F4F0] =	vst v61;
	v61 =	vld [tilespmem:$0x1130]  }
0x214: {  	v7 =	vld [tilespmem:$0x1F2C0]  }
0x215: {  	[tilespmem:$0x1F990] =	vst v6;
	v6 =	vld [tilespmem:$0x1F2B0];
	_ =	sdelay $0x2  }
0x216: {  	[tilespmem:$0x1F4B0] =	vst v61;
	v61 =	vld [tilespmem:$0x2530];
	_ =	sdelay $0x1  }
0x217: {  	v22 =	vadd.f32 v7, v6;
	v6 =	vld [tilespmem:$0x1F2D0];
	_ =	sdelay $0x2  }
0x218: {  	[tilespmem:$0x1F500] =	vst v61;
	v61 =	vld [tilespmem:$0x2930]  }
0x219: {  	v44 =	vmul.f32 v5, v21;
	v5 =	vld [tilespmem:$0x12B0]  }
0x21a: {  	v23 =	vmul.f32 v6, v13;
	v6 =	vld [tilespmem:$0x1F2E0];
	_ =	sdelay $0x2  }
0x21b: {  	[tilespmem:$0x1F4C0] =	vst v61;
	v61 =	vld [tilespmem:$0xD40]  }
0x21c: {  	[tilespmem:$0x1F9C0] =	vst v5;
	v5 =	vld [tilespmem:$0x26B0]  }
0x21d: {  	v24 =	vmul.f32 v6, v16;
	v6 =	vld [tilespmem:$0xEB0];
	_ =	sdelay $0x2  }
0x21e: {  	[tilespmem:$0x1F510] =	vst v61;
	v61 =	vld [tilespmem:$0x1140]  }
0x21f: {  	[tilespmem:$0x1F9E0] =	vst v5;
	v5 =	vld [tilespmem:$0x1F2F0]  }
0x220: {  	[tilespmem:$0x1F9D0] =	vst v6;
	v6 =	vld [tilespmem:$0x1F300];
	_ =	sdelay $0x2  }
0x221: {  	v9 =	vadd.f32 v10, v9;
	[tilespmem:$0x1F4D0] =	vst v61;
	v61 =	vld [tilespmem:$0x2540];
	_ =	sdelay $0x1  }
0x222: {  	v50 =	vadd.f32 v6, v5;
	v6 =	vadd.f32 v44, v9  }
0x223: {  	v11 =	vmul.f32 v11, v21;
	v10 =	vadd.f32 v63, v53  }
0x224: {  	[tilespmem:$0x1FBB0] =	vst v6  }
0x225: {  	v6 =	vadd.f32 v11, v10;
	[tilespmem:$0x1F520] =	vst v61;
	v61 =	vld [tilespmem:$0x2940];
	_ =	sdelay $0x1  }
0x226: {  	[tilespmem:$0x1FBC0] =	vst v6;
	v6 =	vld [tilespmem:$0xEC0];
	_ =	sdelay $0x2  }
0x227: {  	v15 =	vmul.f32 v22, v21;
	v49 =	vadd.f32 v24, v23;
	[tilespmem:$0x1F4E0] =	vst v61;
	v61 =	vld [tilespmem:$0xD50];
	_ =	sdelay $0x1  }
0x228: {  	[tilespmem:$0x1FA00] =	vst v6;
	v6 =	vadd.f32 v15, v49;
	_ =	sdelay $0x1  }
0x229: {  	[tilespmem:$0x1FC10] =	vst v6;
	v6 =	vld [tilespmem:$0x12C0]  }
0x22a: {  	[tilespmem:$0x1F530] =	vst v61;
	v61 =	vld [tilespmem:$0x1150];
	_ =	sdelay $0x2  }
0x22b: {  	v7 =	vld [tilespmem:$0x1F340]  }
0x22c: {  	[tilespmem:$0x1F9F0] =	vst v6;
	v6 =	vld [tilespmem:$0x1F330]  }
0x22d: {  	[tilespmem:$0x1F570] =	vst v61;
	v61 =	vld [tilespmem:$0x2550];
	_ =	sdelay $0x3  }
0x22e: {  	v11 =	vadd.f32 v7, v6;
	v6 =	vld [tilespmem:$0x1F350]  }
0x22f: {  	[tilespmem:$0x1F540] =	vst v61;
	v61 =	vld [tilespmem:$0x2950];
	_ =	sdelay $0x3  }
0x230: {  	v63 =	vmul.f32 v6, v13;
	v6 =	vld [tilespmem:$0x1F360]  }
0x231: {  	[tilespmem:$0x1F580] =	vst v61;
	v61 =	vld [tilespmem:$0xD60];
	_ =	sdelay $0x3  }
0x232: {  	v22 =	vmul.f32 v6, v16;
	v6 =	vld [tilespmem:$0x26C0]  }
0x233: {  	[tilespmem:$0x1F550] =	vst v61;
	v61 =	vld [tilespmem:$0x1160];
	_ =	sdelay $0x2  }
0x234: {  	v7 =	vld [tilespmem:$0x1F380]  }
0x235: {  	[tilespmem:$0x1FA10] =	vst v6;
	v6 =	vld [tilespmem:$0x1F370]  }
0x236: {  	[tilespmem:$0x1F590] =	vst v61;
	v61 =	vld [tilespmem:$0x2560]  }
0x237: {  	v5 =	vld [tilespmem:$0x1F310];
	_ =	sdelay $0x2  }
0x238: {  	v23 =	vadd.f32 v7, v6;
	v6 =	vld [tilespmem:$0x1F390]  }
0x239: {  	[tilespmem:$0x1F560] =	vst v61;
	v61 =	vld [tilespmem:$0x2960]  }
0x23a: {  	v52 =	vmul.f32 v5, v13;
	v5 =	vld [tilespmem:$0x1F320];
	_ =	sdelay $0x2  }
0x23b: {  	v24 =	vmul.f32 v6, v13;
	v6 =	vld [tilespmem:$0x1F3A0]  }
0x23c: {  	[tilespmem:$0x1F5A0] =	vst v61;
	v61 =	vld [tilespmem:$0xD70]  }
0x23d: {  	v53 =	vmul.f32 v5, v16;
	_ =	sdelay $0x1  }
0x23e: {  	v10 =	vmul.f32 v50, v21;
	v9 =	vadd.f32 v53, v52;
	_ =	sdelay $0x1  }
0x23f: {  	v44 =	vmul.f32 v6, v16;
	v6 =	vadd.f32 v10, v9;
	[tilespmem:$0x1F5B0] =	vst v61;
	v61 =	vld [tilespmem:$0x1170];
	_ =	sdelay $0x1  }
0x240: {  	[tilespmem:$0x1FC20] =	vst v6;
	v6 =	vld [tilespmem:$0x1F3B0];
	_ =	sdelay $0x2  }
0x241: {  	[tilespmem:$0x1F5D0] =	vst v61;
	v61 =	vld [tilespmem:$0x2570];
	_ =	sdelay $0x1  }
0x242: {  	v10 =	vmul.f32 v6, v13;
	v6 =	vld [tilespmem:$0xED0];
	_ =	sdelay $0x2  }
0x243: {  	[tilespmem:$0x1F5C0] =	vst v61;
	v61 =	vld [tilespmem:$0x2970];
	_ =	sdelay $0x1  }
0x244: {  	[tilespmem:$0x1FA40] =	vst v6;
	v6 =	vld [tilespmem:$0x12D0];
	_ =	sdelay $0x1  }
0x245: {  	v36 =	vld [tilespmem:$0x29D0]  }
0x246: {  	[tilespmem:$0x1F5E0] =	vst v61;
	v61 =	vld [tilespmem:$0xD80]  }
0x247: {  	v34 =	vld [tilespmem:$0xDE0]  }
0x248: {  	[tilespmem:$0x1FA20] =	vst v6;
	v6 =	vld [tilespmem:$0x1F3C0]  }
0x249: {  	v39 =	vld [tilespmem:$0x11E0]  }
0x24a: {  	v40 =	vld [tilespmem:$0x25E0]  }
0x24b: {  	[tilespmem:$0x1F5F0] =	vst v61;
	v61 =	vld [tilespmem:$0x1180]  }
0x24c: {  	v29 =	vmov v8;
	v8 =	vld [tilespmem:$0x1F3E0]  }
0x24d: {  	v52 =	vmul.f32 v6, v16;
	v6 =	vld [tilespmem:$0x1F3D0]  }
0x24e: {  	v41 =	vld [tilespmem:$0x11F0]  }
0x24f: {  	v51 =	vld [tilespmem:$0x1200]  }
0x250: {  	[tilespmem:$0x1F600] =	vst v61;
	v61 =	vld [tilespmem:$0x2580]  }
0x251: {  	v54 =	vld [tilespmem:$0x25F0]  }
0x252: {  	v53 =	vadd.f32 v8, v6;
	v6 =	vld [tilespmem:$0x26D0]  }
0x253: {  	v55 =	vld [tilespmem:$0x29F0]  }
0x254: {  	v46 =	vld [tilespmem:$0xE00]  }
0x255: {  	v11 =	vmul.f32 v11, v21;
	v9 =	vadd.f32 v22, v63;
	[tilespmem:$0x1F620] =	vst v61;
	v61 =	vld [tilespmem:$0x2980]  }
0x256: {  	v58 =	vld [tilespmem:$0xE20]  }
0x257: {  	v59 =	vld [tilespmem:$0xE30];
	v50 =	vmul.f32 v23, v21;
	v49 =	vadd.f32 v44, v24;
	[tilespmem:$0x1FA50] =	vst v6;
	v6 =	vadd.f32 v11, v9  }
0x258: {  	v60 =	vld [tilespmem:$0x2610]  }
0x259: {  	v1 =	vld [tilespmem:$0x2A40];
	[tilespmem:$0x1FC30] =	vst v6;
	v6 =	vadd.f32 v50, v49  }
0x25a: {  	[tilespmem:$0x1F610] =	vst v61;
	v61 =	vld [tilespmem:$0xD90]  }
0x25b: {  	[tilespmem:$0x1FC40] =	vst v6;
	v6 =	vld [tilespmem:$0x2AD0]  }
0x25c: {  	[tilespmem:$0x1FAA0] =	vst v0;
	v0 =	vld [tilespmem:$0x2660]  }
0x25d: {  	v4 =	vld [tilespmem:$0x1280]  }
0x25e: {  	v3 =	vld [tilespmem:$0x2680]  }
0x25f: {  	[tilespmem:$0x1F650] =	vst v61;
	v61 =	vld [tilespmem:$0x1190]  }
0x260: {  	[tilespmem:$0x1FA30] =	vst v6;
	v6 =	vld [tilespmem:$0x1F3F0]  }
0x261: {  	v2 =	vld [tilespmem:$0x2A80]  }
0x262: {  	v5 =	vld [tilespmem:$0x2AB0]  }
0x263: {  	v7 =	vld [tilespmem:$0x2AC0];
	v16 =	vbroadcast v29, $0x8  }
0x264: {  	[tilespmem:$0x1F630] =	vst v61;
	v61 =	vld [tilespmem:$0x2590]  }
0x265: {  	v63 =	vmul.f32 v6, v16;
	v6 =	vld [tilespmem:$0xEE0];
	_ =	sdelay $0x3  }
0x266: {  	v8 =	vld [tilespmem:$0x1F410]  }
0x267: {  	[tilespmem:$0x1FA80] =	vst v6;
	v6 =	vld [tilespmem:$0x1F400];
	_ =	sdelay $0x4  }
0x268: {  	v11 =	vmul.f32 v53, v21;
	v21 =	vadd.f32 v8, v6;
	v6 =	vld [tilespmem:$0x1F420];
	_ =	sdelay $0x2  }
0x269: {  	v9 =	vbroadcast v43, $0x8;
	_ =	sdelay $0x1  }
0x26a: {  	v22 =	vmul.f32 v6, v9;
	v6 =	vld [tilespmem:$0x1F430];
	_ =	sdelay $0x4  }
0x26b: {  	v23 =	vmul.f32 v6, v16;
	v6 =	vld [tilespmem:$0x12E0];
	_ =	sdelay $0x3  }
0x26c: {  	v8 =	vld [tilespmem:$0x1F450]  }
0x26d: {  	[tilespmem:$0x1FA70] =	vst v6;
	v6 =	vld [tilespmem:$0x1F440];
	_ =	sdelay $0x3  }
0x26e: {  	v10 =	vadd.f32 v52, v10;
	v52 =	vld [tilespmem:$0x1F480]  }
0x26f: {  	v24 =	vadd.f32 v8, v6;
	v8 =	vld [tilespmem:$0x1F470];
	_ =	sdelay $0x3  }
0x270: {  	v6 =	vld [tilespmem:$0x1F460]  }
0x271: {  	v14 =	vadd.f32 v52, v8;
	v8 =	vld [tilespmem:$0x1F490];
	_ =	sdelay $0x3  }
0x272: {  	v44 =	vmul.f32 v6, v9;
	v6 =	vld [tilespmem:$0x26E0]  }
0x273: {  	v53 =	vmul.f32 v8, v16;
	v8 =	vld [tilespmem:$0x1F4A0];
	_ =	sdelay $0x4  }
0x274: {  	[tilespmem:$0x1FA90] =	vst v6;
	v6 =	vadd.f32 v11, v10;
	v10 =	vadd.f32 v22, v63;
	v63 =	vmul.f32 v8, v9;
	v8 =	vld [tilespmem:$0x12F0]  }
0x275: {  	v19 =	vbroadcast v47, $0x8;
	_ =	sdelay $0x1  }
0x276: {  	v49 =	vmul.f32 v21, v19;
	_ =	sdelay $0x1  }
0x277: {  	v50 =	vmul.f32 v24, v19;
	v11 =	vadd.f32 v44, v23;
	[tilespmem:$0x1FAE0] =	vst v8;
	v8 =	vadd.f32 v49, v10;
	_ =	sdelay $0x1  }
0x278: {  	[tilespmem:$0x1FC90] =	vst v8;
	v8 =	vadd.f32 v50, v11;
	_ =	sdelay $0x1  }
0x279: {  	[tilespmem:$0x1FCC0] =	vst v8;
	v8 =	vld [tilespmem:$0x26F0];
	_ =	sdelay $0x3  }
0x27a: {  	v11 =	vld [tilespmem:$0x1F4C0]  }
0x27b: {  	[tilespmem:$0x1FAD0] =	vst v8;
	v8 =	vld [tilespmem:$0x1F4B0];
	_ =	sdelay $0x3  }
0x27c: {  	v22 =	vld [tilespmem:$0x1F4E0]  }
0x27d: {  	v11 =	vadd.f32 v11, v8;
	v8 =	vld [tilespmem:$0x1F4D0];
	_ =	sdelay $0x4  }
0x27e: {  	v13 =	vadd.f32 v22, v8;
	v8 =	vld [tilespmem:$0x1F4F0];
	_ =	sdelay $0x4  }
0x27f: {  	v44 =	vmul.f32 v8, v16;
	v8 =	vld [tilespmem:$0x1F500];
	_ =	sdelay $0x4  }
0x280: {  	v49 =	vmul.f32 v8, v9;
	v8 =	vld [tilespmem:$0xF00];
	_ =	sdelay $0x2  }
0x281: {  	v18 =	vmul.f32 v14, v19;
	v10 =	vadd.f32 v63, v53;
	_ =	sdelay $0x1  }
0x282: {  	[tilespmem:$0x1FB10] =	vst v8;
	v8 =	vadd.f32 v18, v10;
	_ =	sdelay $0x1  }
0x283: {  	[tilespmem:$0x1FD00] =	vst v8;
	v8 =	vld [tilespmem:$0x1F510];
	_ =	sdelay $0x4  }
0x284: {  	v10 =	vmul.f32 v8, v16;
	v8 =	vld [tilespmem:$0x1F520];
	_ =	sdelay $0x4  }
0x285: {  	v50 =	vmul.f32 v8, v9;
	v8 =	vld [tilespmem:$0x1300];
	_ =	sdelay $0x4  }
0x286: {  	[tilespmem:$0x1FB30] =	vst v8;
	v8 =	vld [tilespmem:$0x2700];
	_ =	sdelay $0x4  }
0x287: {  	[tilespmem:$0x1FB50] =	vst v8;
	v8 =	vld [tilespmem:$0x1F530];
	_ =	sdelay $0x4  }
0x288: {  	v52 =	vmul.f32 v8, v16;
	v8 =	vld [tilespmem:$0x1F540];
	_ =	sdelay $0x4  }
0x289: {  	v53 =	vmul.f32 v8, v9;
	v8 =	vld [tilespmem:$0x2B00];
	_ =	sdelay $0x2  }
0x28a: {  	v11 =	vmul.f32 v11, v19;
	v14 =	vadd.f32 v49, v44;
	_ =	sdelay $0x1  }
0x28b: {  	[tilespmem:$0x1FB40] =	vst v8;
	v8 =	vadd.f32 v11, v14;
	_ =	sdelay $0x1  }
0x28c: {  	[tilespmem:$0x1FD20] =	vst v8;
	v8 =	vld [tilespmem:$0x1F550];
	_ =	sdelay $0x4  }
0x28d: {  	v11 =	vmul.f32 v8, v16;
	v8 =	vld [tilespmem:$0x1F560];
	_ =	sdelay $0x4  }
0x28e: {  	v63 =	vmul.f32 v8, v9;
	v8 =	vld [tilespmem:$0xF10];
	_ =	sdelay $0x2  }
0x28f: {  	v13 =	vmul.f32 v13, v19;
	v10 =	vadd.f32 v50, v10;
	_ =	sdelay $0x1  }
0x290: {  	[tilespmem:$0x1FB60] =	vst v8;
	v8 =	vadd.f32 v13, v10;
	_ =	sdelay $0x1  }
0x291: {  	[tilespmem:$0x1FD40] =	vst v8;
	v8 =	vld [tilespmem:$0x1310];
	_ =	sdelay $0x3  }
0x292: {  	v17 =	vld [tilespmem:$0x1F580]  }
0x293: {  	[tilespmem:$0x1FB80] =	vst v8;
	v8 =	vld [tilespmem:$0x1F570];
	_ =	sdelay $0x4  }
0x294: {  	v12 =	vadd.f32 v17, v8;
	v8 =	vld [tilespmem:$0x2710];
	_ =	sdelay $0x2  }
0x295: {  	v20 =	vld [tilespmem:$0x1F5C0]  }
0x296: {  	v18 =	vld [tilespmem:$0x1F5A0]  }
0x297: {  	[tilespmem:$0x1FB90] =	vst v8;
	v8 =	vld [tilespmem:$0x1F590]  }
0x298: {  	v21 =	vld [tilespmem:$0x1F5D0]  }
0x299: {  	v22 =	vld [tilespmem:$0x1F5E0]  }
0x29a: {  	v44 =	vld [tilespmem:$0x1F5F0]  }
0x29b: {  	v50 =	vld [tilespmem:$0x1F600]  }
0x29c: {  	v14 =	vadd.f32 v18, v8;
	v8 =	vld [tilespmem:$0x1F5B0]  }
0x29d: {  	v10 =	vadd.f32 v53, v52;
	v52 =	vld [tilespmem:$0x1F610]  }
0x29e: {  	v53 =	vld [tilespmem:$0x1F620]  }
0x29f: {  	v49 =	vld [tilespmem:$0xF20];
	v9 =	vmul.f32 v20, v9;
	v11 =	vadd.f32 v63, v11  }
0x2a0: {  	v63 =	vld [tilespmem:$0x1320];
	v13 =	vbroadcast v29, $0x9;
	v17 =	vadd.f32 v22, v21;
	v22 =	vbroadcast v47, $0x9  }
0x2a1: {  	v15 =	vmul.f32 v8, v16;
	v16 =	vbroadcast v43, $0x9  }
0x2a2: {  	v20 =	vadd.f32 v52, v50;
	v12 =	vmul.f32 v12, v19;
	v50 =	vmul.f32 v17, v19  }
0x2a3: {  	v18 =	vmul.f32 v44, v13;
	v21 =	vmul.f32 v53, v16;
	v9 =	vadd.f32 v9, v15  }
0x2a4: {  	[tilespmem:$0x1FBF0] =	vst v49;
	v10 =	vadd.f32 v12, v10;
	v14 =	vmul.f32 v14, v19  }
0x2a5: {  	v49 =	vld [tilespmem:$0x2720];
	[tilespmem:$0x1FBD0] =	vst v63;
	v53 =	vmul.f32 v20, v22;
	v52 =	vadd.f32 v21, v18;
	v9 =	vadd.f32 v50, v9  }
0x2a6: {  	v63 =	vld [tilespmem:$0x2B20];
	[tilespmem:$0x1FD50] =	vst v10;
	v10 =	vadd.f32 v14, v11  }
0x2a7: {  	[tilespmem:$0x1FD70] =	vst v9;
	v9 =	vadd.f32 v53, v52  }
0x2a8: {  	[tilespmem:$0x1FD60] =	vst v10;
	v10 =	vld [tilespmem:$0x1F640]  }
0x2a9: {  	[tilespmem:$0x1FD90] =	vst v9;
	v9 =	vld [tilespmem:$0x1F630]  }
0x2aa: {  	[tilespmem:$0x1FC00] =	vst v49;
	v49 =	vld [tilespmem:$0x1F680]  }
0x2ab: {  	[tilespmem:$0x1FBE0] =	vst v63;
	v63 =	vld [tilespmem:$0x1F6B0]  }
0x2ac: {  	v11 =	vmul.f32 v61, v16;
	v61 =	vld [tilespmem:$0x1F6A0]  }
0x2ad: {  	v52 =	vld [tilespmem:$0x1F690]  }
0x2ae: {  	v9 =	vadd.f32 v10, v9;
	v10 =	vld [tilespmem:$0x1F650]  }
0x2af: {  	v44 =	vld [tilespmem:$0x1F670]  }
0x2b0: {  	v21 =	vld [tilespmem:$0x1F660];
	_ =	sdelay $0x1  }
0x2b1: {  	v17 =	vadd.f32 v63, v61;
	v61 =	vld [tilespmem:$0x1340]  }
0x2b2: {  	v15 =	vmul.f32 v52, v16;
	v52 =	vld [tilespmem:$0xF40];
	v10 =	vmul.f32 v10, v13  }
0x2b3: {  	v14 =	vmul.f32 v49, v13  }
0x2b4: {  	v49 =	vld [tilespmem:$0x1F6D0];
	v12 =	vadd.f32 v44, v21;
	v9 =	vmul.f32 v9, v22;
	v10 =	vadd.f32 v11, v10  }
0x2b5: {  	v63 =	vld [tilespmem:$0x1F6E0]  }
0x2b6: {  	v21 =	vld [tilespmem:$0x1F6C0];
	v12 =	vmul.f32 v12, v22;
	[tilespmem:$0x1FCA0] =	vst v61;
	v11 =	vadd.f32 v15, v14;
	v9 =	vadd.f32 v9, v10  }
0x2b7: {  	v61 =	vld [tilespmem:$0x1F710];
	[tilespmem:$0x1FC50] =	vst v52  }
0x2b8: {  	v52 =	vld [tilespmem:$0x1F700];
	[tilespmem:$0x1FDD0] =	vst v9;
	v9 =	vadd.f32 v12, v11  }
0x2b9: {  	v11 =	vld [tilespmem:$0x1350]  }
0x2ba: {  	[tilespmem:$0x1FE00] =	vst v9;
	v9 =	vld [tilespmem:$0xF50]  }
0x2bb: {  	v19 =	vmul.f32 v49, v16;
	v18 =	vmul.f32 v21, v13;
	v21 =	vld [tilespmem:$0x1F6F0];
	_ =	sdelay $0x1  }
0x2bc: {  	v14 =	vadd.f32 v19, v18;
	v15 =	vmul.f32 v17, v22  }
0x2bd: {  	[tilespmem:$0x1FCD0] =	vst v11;
	v11 =	vld [tilespmem:$0x1F720]  }
0x2be: {  	v19 =	vmul.f32 v61, v16;
	v18 =	vmul.f32 v52, v13;
	[tilespmem:$0x1FC70] =	vst v9;
	v9 =	vadd.f32 v15, v14  }
0x2bf: {  	v17 =	vadd.f32 v21, v63;
	v21 =	vld [tilespmem:$0x2750]  }
0x2c0: {  	[tilespmem:$0x1FE20] =	vst v9;
	v9 =	vadd.f32 v19, v18;
	v18 =	vld [tilespmem:$0x1F730]  }
0x2c1: {  	v19 =	vld [tilespmem:$0x1F740]  }
0x2c2: {  	v10 =	vmul.f32 v17, v22;
	v11 =	vadd.f32 v36, v11;
	v36 =	vld [tilespmem:$0x1F750];
	_ =	sdelay $0x1  }
0x2c3: {  	v9 =	vadd.f32 v10, v9;
	v10 =	vld [tilespmem:$0x1F760];
	_ =	sdelay $0x1  }
0x2c4: {  	v61 =	vmul.f32 v40, v16;
	[tilespmem:$0x1FC80] =	vst v21;
	v21 =	vld [tilespmem:$0xF60]  }
0x2c5: {  	v12 =	vmul.f32 v18, v13;
	v14 =	vmul.f32 v19, v16;
	v15 =	vadd.f32 v36, v39;
	v39 =	vld [tilespmem:$0x1360]  }
0x2c6: {  	v40 =	vmul.f32 v54, v16;
	v52 =	vmul.f32 v34, v13  }
0x2c7: {  	v11 =	vmul.f32 v11, v22;
	[tilespmem:$0x1FE30] =	vst v9;
	v9 =	vadd.f32 v14, v12;
	v10 =	vmul.f32 v10, v13  }
0x2c8: {  	v54 =	vld [tilespmem:$0x1F7A0];
	v34 =	vadd.f32 v61, v52  }
0x2c9: {  	[tilespmem:$0x1FCF0] =	vst v21;
	v36 =	vmul.f32 v15, v22;
	v9 =	vadd.f32 v11, v9;
	v10 =	vadd.f32 v40, v10;
	v40 =	vld [tilespmem:$0x1F780]  }
0x2ca: {  	v16 =	vbroadcast v29, $0xA;
	[tilespmem:$0x1FD10] =	vst v39;
	v39 =	vld [tilespmem:$0x1F770]  }
0x2cb: {  	v21 =	vadd.f32 v55, v41;
	v55 =	vld [tilespmem:$0x1F7B0];
	[tilespmem:$0x1FE40] =	vst v9;
	v9 =	vadd.f32 v36, v34  }
0x2cc: {  	v34 =	vmul.f32 v46, v16;
	v46 =	vld [tilespmem:$0x1F790]  }
0x2cd: {  	v11 =	vmul.f32 v21, v22;
	[tilespmem:$0x1FE60] =	vst v9;
	v9 =	vbroadcast v43, $0xA  }
0x2ce: {  	v19 =	vbroadcast v47, $0xA  }
0x2cf: {  	v10 =	vadd.f32 v11, v10;
	v14 =	vmul.f32 v40, v9;
	v13 =	vadd.f32 v39, v51  }
0x2d0: {  	v17 =	vadd.f32 v55, v54;
	v61 =	vmul.f32 v60, v9  }
0x2d1: {  	[tilespmem:$0x1FE80] =	vst v10;
	v15 =	vmul.f32 v46, v16;
	v10 =	vadd.f32 v14, v34;
	v21 =	vmul.f32 v13, v19  }
0x2d2: {  	v54 =	vld [tilespmem:$0x1F7E0]  }
0x2d3: {  	v22 =	vmul.f32 v17, v19;
	v40 =	vld [tilespmem:$0x1F7C0];
	v11 =	vadd.f32 v61, v15;
	v10 =	vadd.f32 v21, v10  }
0x2d4: {  	v51 =	vld [tilespmem:$0x1370]  }
0x2d5: {  	v46 =	vld [tilespmem:$0x1F7D0];
	[tilespmem:$0x1FEA0] =	vst v10;
	v10 =	vadd.f32 v22, v11;
	_ =	sdelay $0x1  }
0x2d6: {  	[tilespmem:$0x1FEC0] =	vst v10;
	v10 =	vld [tilespmem:$0x2780]  }
0x2d7: {  	v55 =	vld [tilespmem:$0x1F800]  }
0x2d8: {  	v34 =	vld [tilespmem:$0xF80]  }
0x2d9: {  	v17 =	vmul.f32 v54, v9;
	v21 =	vld [tilespmem:$0x1F820];
	[tilespmem:$0x1FD30] =	vst v51;
	v14 =	vadd.f32 v46, v40;
	v51 =	vmul.f32 v58, v16  }
0x2da: {  	v11 =	vld [tilespmem:$0x1F7F0]  }
0x2db: {  	v60 =	vmul.f32 v14, v19;
	[tilespmem:$0x1FDB0] =	vst v10;
	v10 =	vadd.f32 v17, v51  }
0x2dc: {  	v22 =	vld [tilespmem:$0xF90]  }
0x2dd: {  	[tilespmem:$0x1FD80] =	vst v34;
	v34 =	vld [tilespmem:$0x1F840];
	v10 =	vadd.f32 v60, v10  }
0x2de: {  	v17 =	vld [tilespmem:$0x1F810]  }
0x2df: {  	v18 =	vmul.f32 v59, v16;
	v14 =	vmul.f32 v21, v9;
	v11 =	vadd.f32 v55, v11;
	[tilespmem:$0x1FED0] =	vst v10;
	v10 =	vld [tilespmem:$0x1F830]  }
0x2e0: {  	v54 =	vld [tilespmem:$0x1F860]  }
0x2e1: {  	v46 =	vld [tilespmem:$0x2790];
	v13 =	vadd.f32 v14, v18;
	v11 =	vmul.f32 v11, v19  }
0x2e2: {  	v21 =	vld [tilespmem:$0x1F8D0]  }
0x2e3: {  	v55 =	vld [tilespmem:$0x1F870];
	v11 =	vadd.f32 v11, v13  }
0x2e4: {  	[tilespmem:$0x1FDC0] =	vst v22;
	v12 =	vmul.f32 v34, v9;
	v22 =	vld [tilespmem:$0x1F8E0];
	v1 =	vadd.f32 v1, v17;
	v10 =	vmul.f32 v10, v16  }
0x2e5: {  	[tilespmem:$0x1FEE0] =	vst v11;
	v11 =	vld [tilespmem:$0x1F890]  }
0x2e6: {  	[tilespmem:$0x32F0] =	vst v25;
	v25 =	vld [tilespmem:$0x1F8F0];
	v1 =	vmul.f32 v1, v19;
	v10 =	vadd.f32 v12, v10  }
0x2e7: {  	v51 =	vld [tilespmem:$0x1F850]  }
0x2e8: {  	[tilespmem:$0x3300] =	vst v27;
	v27 =	vld [tilespmem:$0x1F900];
	v14 =	vmul.f32 v55, v9;
	v12 =	vmul.f32 v54, v16;
	v1 =	vadd.f32 v1, v10  }
0x2e9: {  	v0 =	vmul.f32 v0, v9;
	[tilespmem:$0x1FDF0] =	vst v46;
	v46 =	vld [tilespmem:$0x1F910]  }
0x2ea: {  	v18 =	vld [tilespmem:$0x1F8C0];
	v11 =	vmul.f32 v11, v16;
	[tilespmem:$0x1FEF0] =	vst v1;
	v1 =	vadd.f32 v14, v12;
	v12 =	vadd.f32 v22, v21  }
0x2eb: {  	v10 =	vld [tilespmem:$0x1F8B0]  }
0x2ec: {  	[tilespmem:$0x32C0] =	vst v51;
	v51 =	vld [tilespmem:$0x1F920];
	v0 =	vadd.f32 v0, v11;
	v12 =	vmul.f32 v12, v19  }
0x2ed: {  	v54 =	vld [tilespmem:$0x1F930]  }
0x2ee: {  	v0 =	vadd.f32 v12, v0  }
0x2ef: {  	v2 =	vadd.f32 v2, v4;
	v4 =	vbroadcast v47, $0xB  }
0x2f0: {  	v13 =	vmul.f32 v25, v16;
	v11 =	vbroadcast v29, $0xB;
	v10 =	vadd.f32 v18, v10;
	[tilespmem:$0x1FF10] =	vst v0;
	v0 =	vld [tilespmem:$0xFC0]  }
0x2f1: {  	v9 =	vmul.f32 v27, v9;
	v15 =	vadd.f32 v51, v46;
	v14 =	vbroadcast v43, $0xB  }
0x2f2: {  	v16 =	vmul.f32 v54, v11;
	v10 =	vmul.f32 v10, v19  }
0x2f3: {  	v9 =	vadd.f32 v9, v13;
	v3 =	vmul.f32 v3, v14;
	v19 =	vmul.f32 v15, v19  }
0x2f4: {  	v1 =	vadd.f32 v10, v1  }
0x2f5: {  	v2 =	vmul.f32 v2, v4;
	v3 =	vadd.f32 v3, v16;
	[tilespmem:$0x1FEB0] =	vst v0;
	v0 =	vadd.f32 v19, v9  }
0x2f6: {  	[tilespmem:$0x1FF00] =	vst v1;
	v1 =	vld [tilespmem:$0x1F950]  }
0x2f7: {  	v9 =	vld [tilespmem:$0x1F990];
	[tilespmem:$0x1FF20] =	vst v0;
	v0 =	vadd.f32 v2, v3  }
0x2f8: {  	v3 =	vld [tilespmem:$0x1F980]  }
0x2f9: {  	[tilespmem:$0x1FF30] =	vst v0;
	v0 =	vld [tilespmem:$0x1F940];
	_ =	sdelay $0x1  }
0x2fa: {  	v10 =	vld [tilespmem:$0x1F9B0]  }
0x2fb: {  	v2 =	vld [tilespmem:$0x1F970]  }
0x2fc: {  	v3 =	vadd.f32 v9, v3;
	v9 =	vld [tilespmem:$0x1F9A0]  }
0x2fd: {  	v0 =	vadd.f32 v1, v0;
	v1 =	vld [tilespmem:$0x1F960];
	_ =	sdelay $0x3  }
0x2fe: {  	v10 =	vmul.f32 v10, v14;
	v2 =	vmul.f32 v2, v14  }
0x2ff: {  	v9 =	vmul.f32 v9, v11;
	v1 =	vmul.f32 v1, v11;
	_ =	sdelay $0x1  }
0x300: {  	v1 =	vadd.f32 v2, v1;
	v2 =	vadd.f32 v10, v9;
	v10 =	vld [tilespmem:$0x1F9F0]  }
0x301: {  	[tilespmem:$0x33A0] =	vst v38;
	v38 =	vld [tilespmem:$0x13D0]  }
0x302: {  	[tilespmem:$0x3390] =	vst v45;
	v45 =	vld [tilespmem:$0x27D0]  }
0x303: {  	v25 =	vld [tilespmem:$0x1F9E0]  }
0x304: {  	v21 =	vld [tilespmem:$0x1F9C0]  }
0x305: {  	v10 =	vadd.f32 v7, v10;
	v7 =	vld [tilespmem:$0x1FA00]  }
0x306: {  	[tilespmem:$0x3310] =	vst v26;
	v22 =	vld [tilespmem:$0x1F9D0]  }
0x307: {  	[tilespmem:$0x3340] =	vst v30;
	v30 =	vld [tilespmem:$0x2BD0]  }
0x308: {  	[tilespmem:$0x33B0] =	vst v42;
	v42 =	vld [tilespmem:$0xFE0]  }
0x309: {  	[tilespmem:$0x33D0] =	vst v57;
	v57 =	vld [tilespmem:$0x13E0];
	v0 =	vmul.f32 v0, v4  }
0x30a: {  	[tilespmem:$0x3350] =	vst v37;
	v13 =	vmul.f32 v25, v14;
	v5 =	vadd.f32 v5, v21;
	v26 =	vmul.f32 v7, v11;
	v7 =	vld [tilespmem:$0x1FA10]  }
0x30b: {  	[tilespmem:$0x3380] =	vst v32;
	v32 =	vld [tilespmem:$0x27E0];
	v12 =	vmul.f32 v22, v11;
	v3 =	vmul.f32 v3, v4;
	v0 =	vadd.f32 v0, v1  }
0x30c: {  	[tilespmem:$0x3360] =	vst v35;
	v37 =	vld [tilespmem:$0x2BE0]  }
0x30d: {  	v35 =	vld [tilespmem:$0xFF0];
	v5 =	vmul.f32 v5, v4;
	v9 =	vadd.f32 v13, v12;
	[tilespmem:$0x1FF40] =	vst v0;
	v0 =	vadd.f32 v3, v2  }
0x30e: {  	[tilespmem:$0x3370] =	vst v33;
	v33 =	vld [tilespmem:$0x13F0]  }
0x30f: {  	v2 =	vld [tilespmem:$0x1FA20];
	[tilespmem:$0x1FF50] =	vst v0;
	v0 =	vadd.f32 v5, v9;
	v27 =	vmul.f32 v7, v14  }
0x310: {  	v3 =	vld [tilespmem:$0x1FA30]  }
0x311: {  	v1 =	vmul.f32 v10, v4;
	[tilespmem:$0x1FF60] =	vst v0;
	v7 =	vld [tilespmem:$0x1FA60];
	v0 =	vadd.f32 v27, v26  }
0x312: {  	[tilespmem:$0x1FC60] =	vst v6;
	v6 =	vld [tilespmem:$0x2AE0]  }
0x313: {  	v0 =	vadd.f32 v1, v0;
	v1 =	vld [tilespmem:$0x1FAB0]  }
0x314: {  	v5 =	vld [tilespmem:$0x1FA50]  }
0x315: {  	v2 =	vadd.f32 v3, v2;
	v3 =	vld [tilespmem:$0x1FA40]  }
0x316: {  	[tilespmem:$0x3400] =	vst v7;
	v7 =	vld [tilespmem:$0x1FA70]  }
0x317: {  	[tilespmem:$0x3320] =	vst v28;
	v28 =	vld [tilespmem:$0x27F0]  }
0x318: {  	[tilespmem:$0x3420] =	vst v1;
	v1 =	vld [tilespmem:$0x1FAC0]  }
0x319: {  	v24 =	vld [tilespmem:$0xEF0]  }
0x31a: {  	v23 =	vld [tilespmem:$0x2AF0]  }
0x31b: {  	v5 =	vmul.f32 v5, v14;
	v3 =	vmul.f32 v3, v11;
	v9 =	vadd.f32 v6, v7;
	v6 =	vld [tilespmem:$0x1FA80]  }
0x31c: {  	v8 =	vld [tilespmem:$0x2B10];
	[tilespmem:$0x1FF70] =	vst v0  }
0x31d: {  	v2 =	vmul.f32 v2, v4;
	v0 =	vadd.f32 v5, v3;
	[tilespmem:$0x3430] =	vst v1;
	v1 =	vld [tilespmem:$0x1FAD0]  }
0x31e: {  	v20 =	vld [tilespmem:$0xF30]  }
0x31f: {  	v0 =	vadd.f32 v2, v0;
	v2 =	vld [tilespmem:$0x1FB00]  }
0x320: {  	v10 =	vmul.f32 v6, v11;
	v6 =	vld [tilespmem:$0x1FA90]  }
0x321: {  	v63 =	vld [tilespmem:$0x2B40]  }
0x322: {  	v5 =	vmul.f32 v9, v4;
	v9 =	vmul.f32 v1, v14;
	v1 =	vld [tilespmem:$0x1FAE0]  }
0x323: {  	v53 =	vld [tilespmem:$0x1330]  }
0x324: {  	[tilespmem:$0x3450] =	vst v2;
	v2 =	vld [tilespmem:$0x1FB10]  }
0x325: {  	[tilespmem:$0x3330] =	vst v31;
	v44 =	vld [tilespmem:$0x2B30];
	v31 =	vmul.f32 v6, v14  }
0x326: {  	v50 =	vld [tilespmem:$0x2730]  }
0x327: {  	[tilespmem:$0x1FCB0] =	vst v63;
	v63 =	vld [tilespmem:$0x2B50];
	v3 =	vadd.f32 v31, v10;
	v10 =	vadd.f32 v23, v1;
	v1 =	vbroadcast v29, $0xC  }
0x328: {  	v49 =	vld [tilespmem:$0x2740]  }
0x329: {  	[tilespmem:$0x1FF80] =	vst v0;
	v0 =	vadd.f32 v5, v3;
	v3 =	vmul.f32 v10, v4;
	v4 =	vmul.f32 v2, v1;
	v2 =	vld [tilespmem:$0x1FB20]  }
0x32a: {  	v53 =	vadd.f32 v44, v53;
	v44 =	vld [tilespmem:$0x2C20]  }
0x32b: {  	v52 =	vld [tilespmem:$0x2B60]  }
0x32c: {  	[tilespmem:$0x1FCE0] =	vst v63;
	v63 =	vld [tilespmem:$0x2760]  }
0x32d: {  	v5 =	vld [tilespmem:$0x1FB40]  }
0x32e: {  	v11 =	vmul.f32 v24, v11;
	[tilespmem:$0x3460] =	vst v2;
	v2 =	vld [tilespmem:$0x1FB30]  }
0x32f: {  	v6 =	vld [tilespmem:$0x1FAA0]  }
0x330: {  	v59 =	vld [tilespmem:$0x1F880];
	v11 =	vadd.f32 v9, v11  }
0x331: {  	v41 =	vld [tilespmem:$0xF70]  }
0x332: {  	[tilespmem:$0x33E0] =	vst v56;
	v56 =	vadd.f32 v3, v11;
	v3 =	vld [tilespmem:$0x1FBB0]  }
0x333: {  	v5 =	vadd.f32 v5, v2;
	v2 =	vld [tilespmem:$0x1FB50]  }
0x334: {  	[tilespmem:$0x3410] =	vst v6;
	v6 =	vld [tilespmem:$0x1FAF0]  }
0x335: {  	v36 =	vld [tilespmem:$0x2B70];
	[tilespmem:$0x32D0] =	vst v59  }
0x336: {  	v59 =	vld [tilespmem:$0x13B0];
	[tilespmem:$0x1FF90] =	vst v0;
	v0 =	vbroadcast v43, $0xC  }
0x337: {  	[tilespmem:$0x3490] =	vst v3;
	v3 =	vld [tilespmem:$0x1FBC0]  }
0x338: {  	v9 =	vmul.f32 v2, v0;
	v2 =	vld [tilespmem:$0x1FB60]  }
0x339: {  	[tilespmem:$0x3440] =	vst v6;
	v6 =	vld [tilespmem:$0x1FBA0]  }
0x33a: {  	v39 =	vld [tilespmem:$0x2770]  }
0x33b: {  	[tilespmem:$0x1FE50] =	vst v59;
	v59 =	vld [tilespmem:$0x27C0]  }
0x33c: {  	[tilespmem:$0x34A0] =	vst v3;
	v3 =	vld [tilespmem:$0x1FBD0]  }
0x33d: {  	v10 =	vmul.f32 v2, v1;
	v2 =	vld [tilespmem:$0x1FB70]  }
0x33e: {  	[tilespmem:$0x3480] =	vst v6;
	v6 =	vadd.f32 v9, v4;
	v4 =	vld [tilespmem:$0x1FBE0]  }
0x33f: {  	v61 =	vld [tilespmem:$0x2B80]  }
0x340: {  	v58 =	vld [tilespmem:$0x1380]  }
0x341: {  	v17 =	vld [tilespmem:$0x1F8A0]  }
0x342: {  	[tilespmem:$0x3470] =	vst v2;
	v2 =	vld [tilespmem:$0x1FB80]  }
0x343: {  	v9 =	vadd.f32 v4, v3;
	v3 =	vld [tilespmem:$0x1FBF0]  }
0x344: {  	v40 =	vld [tilespmem:$0x1390]  }
0x345: {  	[tilespmem:$0x1FDA0] =	vst v61;
	v61 =	vld [tilespmem:$0xFA0]  }
0x346: {  	v55 =	vld [tilespmem:$0xFB0]  }
0x347: {  	[tilespmem:$0x33C0] =	vst v48;
	v48 =	vadd.f32 v8, v2;
	v2 =	vld [tilespmem:$0x1FB90]  }
0x348: {  	[tilespmem:$0x32E0] =	vst v17;
	v17 =	vmul.f32 v3, v1;
	v3 =	vld [tilespmem:$0x1FC00]  }
0x349: {  	[tilespmem:$0x1FDE0] =	vst v40;
	v40 =	vld [tilespmem:$0x27A0]  }
0x34a: {  	v34 =	vld [tilespmem:$0x2BA0]  }
0x34b: {  	[tilespmem:$0x1FE10] =	vst v61;
	v61 =	vld [tilespmem:$0x13A0]  }
0x34c: {  	[tilespmem:$0x33F0] =	vst v62;
	v60 =	vld [tilespmem:$0x2B90];
	v62 =	vmul.f32 v2, v0;
	v2 =	vbroadcast v47, $0xC  }
0x34d: {  	[tilespmem:$0x1FE70] =	vst v55;
	v55 =	vld [tilespmem:$0x2BB0];
	v3 =	vmul.f32 v3, v0  }
0x34e: {  	v46 =	vld [tilespmem:$0x2BC0];
	v5 =	vmul.f32 v5, v2  }
0x34f: {  	v4 =	vld [tilespmem:$0x1FC10];
	v3 =	vadd.f32 v3, v17;
	v7 =	vadd.f32 v62, v10  }
0x350: {  	v51 =	vld [tilespmem:$0xFD0];
	v10 =	vmul.f32 v48, v2;
	v31 =	vadd.f32 v5, v6;
	v5 =	vmul.f32 v9, v2  }
0x351: {  	v54 =	vld [tilespmem:$0x13C0];
	v19 =	vmul.f32 v50, v0  }
0x352: {  	v50 =	vadd.f32 v10, v7;
	v7 =	vmul.f32 v53, v2;
	v53 =	vadd.f32 v5, v3;
	v5 =	vld [tilespmem:$0x1FC60]  }
0x353: {  	v25 =	vld [tilespmem:$0x1000]  }
0x354: {  	[tilespmem:$0x34B0] =	vst v4;
	v4 =	vmul.f32 v20, v1;
	v3 =	vld [tilespmem:$0x1FC50]  }
0x355: {  	v18 =	vld [tilespmem:$0x27B0]  }
0x356: {  	v4 =	vadd.f32 v19, v4;
	v8 =	vld [tilespmem:$0x1FC20]  }
0x357: {  	[tilespmem:$0x34F0] =	vst v5;
	v5 =	vld [tilespmem:$0x1FC90]  }
0x358: {  	v62 =	vmul.f32 v49, v0;
	v49 =	vadd.f32 v7, v4;
	v4 =	vld [tilespmem:$0x1FC70]  }
0x359: {  	v21 =	vld [tilespmem:$0x1410];
	v3 =	vmul.f32 v3, v1  }
0x35a: {  	v22 =	vld [tilespmem:$0x2810]  }
0x35b: {  	[tilespmem:$0x34C0] =	vst v8;
	v8 =	vadd.f32 v62, v3;
	v3 =	vld [tilespmem:$0x1FCA0]  }
0x35c: {  	[tilespmem:$0x3500] =	vst v5;
	v5 =	vld [tilespmem:$0x1FCB0]  }
0x35d: {  	v7 =	vmul.f32 v4, v1;
	v4 =	vld [tilespmem:$0x1FC80]  }
0x35e: {  	v6 =	vld [tilespmem:$0x1FC30]  }
0x35f: {  	v15 =	vld [tilespmem:$0x2C10]  }
0x360: {  	v62 =	vld [tilespmem:$0x1FE20]  }
0x361: {  	v5 =	vadd.f32 v5, v3;
	v3 =	vld [tilespmem:$0x1FCC0]  }
0x362: {  	[tilespmem:$0x1FE90] =	vst v18;
	v18 =	vld [tilespmem:$0x2C00];
	v4 =	vmul.f32 v4, v0  }
0x363: {  	[tilespmem:$0x34D0] =	vst v6;
	v6 =	vld [tilespmem:$0x1FC40]  }
0x364: {  	v7 =	vadd.f32 v4, v7;
	v4 =	vld [tilespmem:$0x1FCE0]  }
0x365: {  	[tilespmem:$0x35B0] =	vst v62;
	v62 =	vld [tilespmem:$0x1FE40]  }
0x366: {  	[tilespmem:$0x3510] =	vst v3;
	v3 =	vld [tilespmem:$0x1FCD0]  }
0x367: {  	v37 =	vadd.f32 v37, v57;
	v57 =	vld [tilespmem:$0x1FF30]  }
0x368: {  	v15 =	vadd.f32 v15, v21;
	v21 =	vld [tilespmem:$0x1490]  }
0x369: {  	v13 =	vld [tilespmem:$0x1030]  }
0x36a: {  	[tilespmem:$0x35D0] =	vst v62;
	v62 =	vld [tilespmem:$0x1FE80]  }
0x36b: {  	v41 =	vmul.f32 v41, v1;
	[tilespmem:$0x34E0] =	vst v6;
	v6 =	vadd.f32 v4, v3;
	v3 =	vld [tilespmem:$0x1FCF0]  }
0x36c: {  	[tilespmem:$0x3680] =	vst v57;
	v57 =	vld [tilespmem:$0x1FF60];
	v63 =	vmul.f32 v63, v0;
	v0 =	vmul.f32 v39, v0  }
0x36d: {  	v12 =	vld [tilespmem:$0x1040]  }
0x36e: {  	v39 =	vadd.f32 v0, v41;
	v0 =	vld [tilespmem:$0x1FD60]  }
0x36f: {  	[tilespmem:$0x35F0] =	vst v62;
	v62 =	vld [tilespmem:$0x1FEA0]  }
0x370: {  	v4 =	vmul.f32 v3, v1;
	v3 =	vld [tilespmem:$0x1FD00]  }
0x371: {  	[tilespmem:$0x36B0] =	vst v57;
	v57 =	vld [tilespmem:$0x2CA0]  }
0x372: {  	v27 =	vld [tilespmem:$0x2BF0]  }
0x373: {  	[tilespmem:$0x3560] =	vst v0;
	v0 =	vld [tilespmem:$0x1FD70]  }
0x374: {  	[tilespmem:$0x3600] =	vst v62;
	v62 =	vld [tilespmem:$0x1FEC0]  }
0x375: {  	[tilespmem:$0x3520] =	vst v3;
	v3 =	vld [tilespmem:$0x1FD10]  }
0x376: {  	v26 =	vld [tilespmem:$0x1010]  }
0x377: {  	v27 =	vadd.f32 v27, v33;
	v33 =	vld [tilespmem:$0x2C80]  }
0x378: {  	v24 =	vld [tilespmem:$0x1400]  }
0x379: {  	[tilespmem:$0x3570] =	vst v0;
	v0 =	vld [tilespmem:$0x1FD80]  }
0x37a: {  	[tilespmem:$0x3610] =	vst v62;
	v62 =	vld [tilespmem:$0x1FED0];
	v3 =	vadd.f32 v52, v3  }
0x37b: {  	v14 =	vld [tilespmem:$0x2820]  }
0x37c: {  	v23 =	vld [tilespmem:$0x2800];
	v41 =	vbroadcast v29, $0xD;
	v4 =	vadd.f32 v63, v4;
	v3 =	vmul.f32 v3, v2  }
0x37d: {  	v1 =	vld [tilespmem:$0x1FD20]  }
0x37e: {  	v17 =	vadd.f32 v3, v4;
	v4 =	vmul.f32 v0, v41;
	v0 =	vld [tilespmem:$0x1FD90]  }
0x37f: {  	[tilespmem:$0x3620] =	vst v62;
	v62 =	vld [tilespmem:$0x1FEE0]  }
0x380: {  	v11 =	vld [tilespmem:$0x2830]  }
0x381: {  	v20 =	vld [tilespmem:$0x1020]  }
0x382: {  	[tilespmem:$0x3530] =	vst v1;
	v1 =	vld [tilespmem:$0x1FD30]  }
0x383: {  	[tilespmem:$0x3580] =	vst v0;
	v0 =	vld [tilespmem:$0x1FDA0]  }
0x384: {  	[tilespmem:$0x3630] =	vst v62;
	v62 =	vld [tilespmem:$0x1FEF0]  }
0x385: {  	v19 =	vld [tilespmem:$0x1420]  }
0x386: {  	v10 =	vld [tilespmem:$0x1440];
	v5 =	vmul.f32 v5, v2  }
0x387: {  	v9 =	vld [tilespmem:$0x2840]  }
0x388: {  	v16 =	vadd.f32 v5, v8;
	v8 =	vadd.f32 v0, v58;
	v0 =	vld [tilespmem:$0x1FDB0]  }
0x389: {  	v6 =	vmul.f32 v6, v2;
	v36 =	vadd.f32 v36, v1;
	[tilespmem:$0x3640] =	vst v62;
	v62 =	vld [tilespmem:$0x1FF00]  }
0x38a: {  	[tilespmem:$0x3700] =	vst v31;
	v31 =	vld [tilespmem:$0x14B0]  }
0x38b: {  	[tilespmem:$0x3720] =	vst v53;
	v53 =	vld [tilespmem:$0x10E0];
	v48 =	vadd.f32 v6, v7;
	v6 =	vbroadcast v43, $0xD;
	v36 =	vmul.f32 v36, v2  }
0x38c: {  	v5 =	vld [tilespmem:$0x1050]  }
0x38d: {  	v36 =	vadd.f32 v36, v39;
	v39 =	vmul.f32 v0, v6;
	v0 =	vld [tilespmem:$0x1FDC0]  }
0x38e: {  	[tilespmem:$0x3650] =	vst v62;
	v62 =	vld [tilespmem:$0x1FF10]  }
0x38f: {  	v7 =	vld [tilespmem:$0x2C40]  }
0x390: {  	[tilespmem:$0x3750] =	vst v48;
	v48 =	vld [tilespmem:$0x14D0]  }
0x391: {  	v51 =	vmul.f32 v51, v41;
	v63 =	vld [tilespmem:$0x2C30]  }
0x392: {  	v45 =	vmul.f32 v45, v6;
	v2 =	vmul.f32 v0, v41;
	v0 =	vld [tilespmem:$0x1FDD0]  }
0x393: {  	[tilespmem:$0x3660] =	vst v62;
	v62 =	vld [tilespmem:$0x1FF20]  }
0x394: {  	v45 =	vadd.f32 v45, v51;
	v51 =	vld [tilespmem:$0x2870]  }
0x395: {  	v7 =	vadd.f32 v7, v10;
	v10 =	vld [tilespmem:$0x10B0]  }
0x396: {  	v1 =	vld [tilespmem:$0x1FD40]  }
0x397: {  	[tilespmem:$0x3590] =	vst v0;
	v0 =	vld [tilespmem:$0x1FDE0]  }
0x398: {  	[tilespmem:$0x3670] =	vst v62;
	v62 =	vld [tilespmem:$0x1FF40]  }
0x399: {  	v3 =	vld [tilespmem:$0x1FE00]  }
0x39a: {  	v58 =	vld [tilespmem:$0x1FE30]  }
0x39b: {  	[tilespmem:$0x3540] =	vst v1;
	v1 =	vld [tilespmem:$0x1FD50]  }
0x39c: {  	v60 =	vadd.f32 v60, v0;
	v0 =	vld [tilespmem:$0x1FDF0]  }
0x39d: {  	[tilespmem:$0x3690] =	vst v62;
	v62 =	vld [tilespmem:$0x1FF50]  }
0x39e: {  	[tilespmem:$0x35A0] =	vst v3;
	v3 =	vld [tilespmem:$0x1FE10]  }
0x39f: {  	[tilespmem:$0x35C0] =	vst v58;
	v58 =	vld [tilespmem:$0x1FE60]  }
0x3a0: {  	v52 =	vld [tilespmem:$0x1430];
	[tilespmem:$0x3770] =	vst v36  }
0x3a1: {  	v36 =	vld [tilespmem:$0x2CC0];
	[tilespmem:$0x3550] =	vst v1;
	v1 =	vmul.f32 v0, v6;
	v0 =	vbroadcast v47, $0xD  }
0x3a2: {  	v34 =	vadd.f32 v34, v61;
	[tilespmem:$0x36A0] =	vst v62;
	v62 =	vld [tilespmem:$0x1FF70]  }
0x3a3: {  	v61 =	vmul.f32 v3, v41;
	v3 =	vld [tilespmem:$0x1450];
	v1 =	vadd.f32 v1, v2;
	v60 =	vmul.f32 v60, v0  }
0x3a4: {  	v40 =	vmul.f32 v40, v6;
	v4 =	vadd.f32 v39, v4;
	[tilespmem:$0x35E0] =	vst v58;
	v58 =	vld [tilespmem:$0x1460];
	v2 =	vmul.f32 v8, v0  }
0x3a5: {  	v1 =	vadd.f32 v60, v1;
	v60 =	vld [tilespmem:$0x1FE70]  }
0x3a6: {  	v39 =	vadd.f32 v40, v61;
	v40 =	vadd.f32 v2, v4;
	v2 =	vld [tilespmem:$0x1FE50]  }
0x3a7: {  	v18 =	vadd.f32 v18, v24;
	v24 =	vbroadcast v47, $0xE;
	v42 =	vmul.f32 v42, v41;
	[tilespmem:$0x36C0] =	vst v62;
	v62 =	vld [tilespmem:$0x28C0]  }
0x3a8: {  	v30 =	vadd.f32 v30, v38;
	v32 =	vmul.f32 v32, v6;
	v8 =	vld [tilespmem:$0x2850];
	v61 =	vmul.f32 v34, v0  }
0x3a9: {  	v18 =	vmul.f32 v18, v24;
	v15 =	vmul.f32 v15, v24;
	v19 =	vadd.f32 v44, v19;
	v34 =	vld [tilespmem:$0x2C50]  }
0x3aa: {  	v32 =	vadd.f32 v32, v42;
	v61 =	vadd.f32 v61, v39;
	v39 =	vmul.f32 v60, v41;
	v60 =	vld [tilespmem:$0x1FE90]  }
0x3ab: {  	v42 =	vbroadcast v29, $0xE;
	v30 =	vmul.f32 v30, v0;
	v2 =	vadd.f32 v55, v2;
	v55 =	vld [tilespmem:$0x1FEB0]  }
0x3ac: {  	v44 =	vmul.f32 v19, v24;
	v35 =	vmul.f32 v35, v41;
	v4 =	vld [tilespmem:$0x1060]  }
0x3ad: {  	v25 =	vmul.f32 v25, v42;
	v26 =	vmul.f32 v26, v42;
	v30 =	vadd.f32 v30, v45;
	v45 =	vld [tilespmem:$0x1080]  }
0x3ae: {  	v20 =	vmul.f32 v20, v42;
	v13 =	vmul.f32 v13, v42;
	[tilespmem:$0x37A0] =	vst v61;
	v61 =	vld [tilespmem:$0x14F0]  }
0x3af: {  	v46 =	vadd.f32 v46, v54;
	v12 =	vmul.f32 v12, v42;
	v54 =	vmul.f32 v60, v6;
	v60 =	vld [tilespmem:$0x2860]  }
0x3b0: {  	v38 =	vmul.f32 v55, v41;
	v55 =	vmul.f32 v59, v6;
	v59 =	vld [tilespmem:$0x2C60]  }
0x3b1: {  	v5 =	vmul.f32 v5, v42;
	v6 =	vmul.f32 v28, v6;
	v28 =	vld [tilespmem:$0x2880]  }
0x3b2: {  	v7 =	vmul.f32 v7, v24;
	v46 =	vmul.f32 v46, v0;
	v39 =	vadd.f32 v54, v39;
	v54 =	vld [tilespmem:$0x1070]  }
0x3b3: {  	v2 =	vmul.f32 v2, v0;
	v41 =	vbroadcast v43, $0xE;
	v38 =	vadd.f32 v55, v38;
	v55 =	vld [tilespmem:$0x1470]  }
0x3b4: {  	v6 =	vadd.f32 v6, v35;
	v35 =	vmul.f32 v37, v0;
	v0 =	vmul.f32 v27, v0;
	v27 =	vld [tilespmem:$0x1090]  }
0x3b5: {  	[tilespmem:$0x36F0] =	vst v56;
	v56 =	vadd.f32 v63, v52;
	v3 =	vadd.f32 v34, v3;
	v23 =	vmul.f32 v23, v41;
	v37 =	vld [tilespmem:$0x1FF90]  }
0x3b6: {  	v22 =	vmul.f32 v22, v41;
	v14 =	vmul.f32 v14, v41;
	v2 =	vadd.f32 v2, v39;
	v39 =	vld [tilespmem:$0x2C70]  }
0x3b7: {  	v11 =	vmul.f32 v11, v41;
	v38 =	vadd.f32 v46, v38;
	v46 =	vld [tilespmem:$0x1480];
	v23 =	vadd.f32 v23, v25  }
0x3b8: {  	v9 =	vmul.f32 v9, v41;
	v25 =	vadd.f32 v35, v32;
	v32 =	vld [tilespmem:$0x2890];
	v0 =	vadd.f32 v0, v6  }
0x3b9: {  	[tilespmem:$0x3710] =	vst v50;
	v8 =	vmul.f32 v8, v41;
	v35 =	vld [tilespmem:$0x1FF80];
	v22 =	vadd.f32 v22, v26;
	v14 =	vadd.f32 v14, v20  }
0x3ba: {  	[tilespmem:$0x3730] =	vst v49;
	v19 =	vmul.f32 v56, v24;
	v26 =	vld [tilespmem:$0x14A0];
	v11 =	vadd.f32 v11, v13;
	v9 =	vadd.f32 v9, v12  }
0x3bb: {  	[tilespmem:$0x3740] =	vst v16;
	v47 =	vbroadcast v47, $0xF;
	v20 =	vld [tilespmem:$0x28A0];
	v5 =	vadd.f32 v8, v5;
	v59 =	vadd.f32 v59, v58  }
0x3bc: {  	[tilespmem:$0x3760] =	vst v17;
	v3 =	vmul.f32 v3, v24;
	v12 =	vld [tilespmem:$0x28B0];
	v6 =	vadd.f32 v18, v23;
	v15 =	vadd.f32 v15, v22  }
0x3bd: {  	[tilespmem:$0x3780] =	vst v40;
	v4 =	vmul.f32 v4, v42;
	v8 =	vld [tilespmem:$0x2CB0];
	v13 =	vadd.f32 v44, v14;
	v11 =	vadd.f32 v19, v11  }
0x3be: {  	[tilespmem:$0x3790] =	vst v1;
	v58 =	vld [tilespmem:$0x2CE0];
	v3 =	vadd.f32 v3, v5;
	v5 =	vmul.f32 v60, v41;
	v19 =	vbroadcast v29, $0xF  }
0x3bf: {  	[tilespmem:$0x37D0] =	vst v30;
	v18 =	vld [tilespmem:$0x2C90];
	v7 =	vadd.f32 v7, v9;
	v60 =	vmul.f32 v54, v42;
	v1 =	vmul.f32 v59, v24  }
0x3c0: {  	v23 =	vld [tilespmem:$0x10A0];
	[tilespmem:$0x37B0] =	vst v2;
	v4 =	vadd.f32 v5, v4;
	v5 =	vmul.f32 v51, v41;
	v44 =	vmul.f32 v45, v19  }
0x3c1: {  	v9 =	vld [tilespmem:$0x10C0];
	v27 =	vmul.f32 v27, v19;
	[tilespmem:$0x36D0] =	vst v35;
	v35 =	vbroadcast v43, $0xF;
	v63 =	vadd.f32 v39, v55  }
0x3c2: {  	v14 =	vld [tilespmem:$0x14C0];
	[tilespmem:$0x37C0] =	vst v38;
	v10 =	vmul.f32 v10, v19;
	v46 =	vadd.f32 v33, v46;
	v56 =	vadd.f32 v57, v26  }
0x3c3: {  	[tilespmem:$0x37E0] =	vst v25;
	v54 =	vld [tilespmem:$0x14E0];
	v2 =	vadd.f32 v5, v60;
	v28 =	vmul.f32 v28, v35;
	v5 =	vmul.f32 v63, v24  }
0x3c4: {  	[tilespmem:$0x37F0] =	vst v0;
	v59 =	vld [tilespmem:$0x10F0];
	v8 =	vadd.f32 v8, v31;
	v50 =	vmul.f32 v46, v47;
	v52 =	vmul.f32 v32, v35  }
0x3c5: {  	v45 =	vld [tilespmem:$0x10D0];
	[tilespmem:$0x3800] =	vst v6;
	v1 =	vadd.f32 v1, v4;
	v6 =	vmul.f32 v23, v19;
	v20 =	vmul.f32 v20, v35  }
0x3c6: {  	[tilespmem:$0x36E0] =	vst v37;
	v51 =	vld [tilespmem:$0x2CD0];
	v18 =	vadd.f32 v18, v21;
	v12 =	vmul.f32 v12, v35;
	v60 =	vmul.f32 v56, v47  }
0x3c7: {  	v4 =	vld [tilespmem:$0x28D0];
	v8 =	vmul.f32 v8, v47;
	v9 =	vmul.f32 v9, v19;
	[tilespmem:$0x3860] =	vst v1;
	v1 =	vadd.f32 v36, v14  }
0x3c8: {  	[tilespmem:$0x3830] =	vst v11;
	v57 =	vld [tilespmem:$0x28E0];
	v11 =	vmul.f32 v62, v35;
	v49 =	vadd.f32 v28, v44;
	v2 =	vadd.f32 v5, v2  }
0x3c9: {  	[tilespmem:$0x3810] =	vst v15;
	v62 =	vld [tilespmem:$0x28F0];
	v0 =	vadd.f32 v52, v27;
	v55 =	vmul.f32 v18, v47;
	v6 =	vadd.f32 v20, v6  }
0x3ca: {  	[tilespmem:$0x3840] =	vst v7;
	v63 =	vld [tilespmem:$0x2CF0];
	v10 =	vadd.f32 v12, v10;
	v7 =	vmul.f32 v45, v19;
	v5 =	vadd.f32 v50, v49  }
0x3cb: {  	[tilespmem:$0x3820] =	vst v13;
	v1 =	vmul.f32 v1, v47;
	v0 =	vadd.f32 v55, v0;
	v6 =	vadd.f32 v60, v6  }
0x3cc: {  	[tilespmem:$0x3850] =	vst v3;
	v4 =	vmul.f32 v4, v35;
	v3 =	vadd.f32 v8, v10;
	v8 =	vadd.f32 v11, v9  }
0x3cd: {  	[tilespmem:$0x3870] =	vst v2;
	v2 =	vadd.f32 v51, v48;
	v9 =	vmul.f32 v59, v19;
	v10 =	vmul.f32 v57, v35  }
0x3ce: {  	v4 =	vadd.f32 v4, v7;
	v7 =	vmul.f32 v53, v19;
	[tilespmem:$0x3880] =	vst v5;
	v5 =	vadd.f32 v58, v54  }
0x3cf: {  	v11 =	vadd.f32 v63, v61;
	[tilespmem:$0x3890] =	vst v0;
	v0 =	vmul.f32 v62, v35;
	v2 =	vmul.f32 v2, v47  }
0x3d0: {  	[tilespmem:$0x38A0] =	vst v6;
	v1 =	vadd.f32 v1, v8;
	v6 =	vadd.f32 v10, v7;
	v5 =	vmul.f32 v5, v47  }
0x3d1: {  	[tilespmem:$0x38B0] =	vst v3;
	v3 =	vmul.f32 v11, v47;
	v2 =	vadd.f32 v2, v4;
	v0 =	vadd.f32 v0, v9  }
0x3d2: {  	v8 =	vld [tilespmem:$0x1FFE0];
	[tilespmem:$0x38C0] =	vst v1;
	v1 =	vadd.f32 v5, v6  }
0x3d3: {  	v7 =	vld [tilespmem:$0x1FFD0];
	[tilespmem:$0x38D0] =	vst v2;
	v0 =	vadd.f32 v3, v0  }
0x3d4: {  	p0 =	sne.s32 s17, $0x4E0;
	v4 =	vld [tilespmem:$0x1FFB0];
	[tilespmem:$0x38E0] =	vst v1  }
.Ltmp0:
0x3d5: {  	v6 =	vld [tilespmem:$0x1FFC0];
	[tilespmem:$0x38F0] =	vst v0;
	(pc) =	sbr.rel @p0 .LBB2_2-.Ltmp0, $4  }
0x3d6: {  	v5 =	vld [tilespmem:$0x1FFA0];
	[spmem:s2] =	stream.indirect.scatter.add.f32 [tilespmem:s15], [sflag:$0x2], $0x80, s24, s10, $0xb8  }
0x3d7: {  	v2 =	vld [tilespmem:$0x1FFF0];
	_ =	swait.ge [sflag:s23], $0x800  }
0x3d8: {  	[sflag:s23] =	ssyncset.done $0x0  }
0x3d9: {  	s17 =	sadd.s32 $0x2, s17;
	[sflag:s23] =	ssyncadd.s32 $0xFFFFF800  }
0x3da: {  	[bflag:$0x0] =	sbarrier.arrive $0xFFFF  }
0x3db: {  	[tilespmem:s22], [sflag:$0x2] =	stream.linear.gather [spmem:s9], $0x3E80, $0x38;
	[tilespmem:$0x1B180] =	vst v63  }
0x3dc: {  	_ =	swait.ge [sflag:s23], $0x3E80  }
0x3dd: {  	[sflag:s23] =	ssyncset.done $0x0  }
0x3de: {  	s17 =	rddreg [dreg:$0x6];
	[sflag:s23] =	ssyncadd.s32 $0xFFFFC180  }
0x3df: {  	[hbm4b:s17+s3] =	stream.linear.scatter [tilespmem:s22], [sflag:$0x2], $0x3E80, $0x38;
	[tilespmem:$0x1B180] =	vst v63  }
0x3e0: {  	_ =	swait.ge [sflag:s23], $0x3E80  }
0x3e1: {  	[sflag:s23] =	ssyncset.done $0x0  }
0x3e2: {  	[sflag:s23] =	ssyncadd.s32 $0xFFFFC180  }
0x3e3: {  	[tilespmem:s22], [sflag:$0x2] =	stream.linear.gather [spmem:s11], $0x3E80, $0x38;
	[tilespmem:$0x1B180] =	vst v63  }
0x3e4: {  	_ =	swait.ge [sflag:s23], $0x3E80  }
0x3e5: {  	[sflag:s23] =	ssyncset.done $0x0  }
0x3e6: {  	s18 =	rddreg [dreg:$0x7];
	[sflag:s23] =	ssyncadd.s32 $0xFFFFC180  }
0x3e7: {  	[hbm4b:s18+s3] =	stream.linear.scatter [tilespmem:s22], [sflag:$0x2], $0x3E80, $0x38;
	[tilespmem:$0x1B180] =	vst v63  }
0x3e8: {  	_ =	swait.ge [sflag:s23], $0x3E80  }
0x3e9: {  	[sflag:s23] =	ssyncset.done $0x0  }
0x3ea: {  	[sflag:s23] =	ssyncadd.s32 $0xFFFFC180  }
0x3eb: {  	[tilespmem:s22], [sflag:$0x2] =	stream.linear.gather [spmem:s12], $0x3E80, $0x38;
	[tilespmem:$0x1B180] =	vst v63  }
0x3ec: {  	_ =	swait.ge [sflag:s23], $0x3E80  }
0x3ed: {  	[sflag:s23] =	ssyncset.done $0x0  }
0x3ee: {  	s18 =	rddreg [dreg:$0x8];
	[sflag:s23] =	ssyncadd.s32 $0xFFFFC180  }
0x3ef: {  	[hbm4b:s18+s3] =	stream.linear.scatter [tilespmem:s22], [sflag:$0x2], $0x3E80, $0x38;
	[tilespmem:$0x1B180] =	vst v63  }
0x3f0: {  	_ =	swait.ge [sflag:s23], $0x3E80  }
0x3f1: {  	[sflag:s23] =	ssyncset.done $0x0  }
0x3f2: {  	[sflag:s23] =	ssyncadd.s32 $0xFFFFC180  }
0x3f3: {  	[tilespmem:s22], [sflag:$0x2] =	stream.linear.gather [spmem:s13], $0x3E80, $0x38;
	[tilespmem:$0x1B180] =	vst v63  }
0x3f4: {  	_ =	swait.ge [sflag:s23], $0x3E80  }
0x3f5: {  	[sflag:s23] =	ssyncset.done $0x0  }
0x3f6: {  	s18 =	rddreg [dreg:$0x9];
	[sflag:s23] =	ssyncadd.s32 $0xFFFFC180  }
0x3f7: {  	[hbm4b:s18+s3] =	stream.linear.scatter [tilespmem:s22], [sflag:$0x2], $0x3E80, $0x38;
	[tilespmem:$0x1B180] =	vst v63  }
0x3f8: {  	_ =	swait.ge [sflag:s23], $0x3E80  }
0x3f9: {  	[sflag:s23] =	ssyncset.done $0x0  }
0x3fa: {  	[sflag:s23] =	ssyncadd.s32 $0xFFFFC180  }
0x3fb: {  	[tilespmem:s22], [sflag:$0x2] =	stream.linear.gather [spmem:s14], $0x3E80, $0x38;
	[tilespmem:$0x1B180] =	vst v63  }
0x3fc: {  	_ =	swait.ge [sflag:s23], $0x3E80  }
0x3fd: {  	[sflag:s23] =	ssyncset.done $0x0  }
0x3fe: {  	[sflag:s23] =	ssyncadd.s32 $0xFFFFC180  }
0x3ff: {  	[hbm4b:s19+s3] =	stream.linear.scatter [tilespmem:s22], [sflag:$0x2], $0x3E80, $0x38;
	[tilespmem:$0x1B180] =	vst v63  }
0x400: {  	_ =	swait.ge [sflag:s23], $0x3E80  }
0x401: {  	s16 =	sadd.s32 $0x1, s16;
	s18 =	rddreg [dreg:$0x5]  }
0x402: {  	p0 =	sne.s32 s16, s18  }
.Ltmp1:
0x403: {  	_ = 	snop;
	(pc) =	sbr.rel @p0 .LBB2_1-.Ltmp1, $3  }
0x404: {  	_ =	sdelay $0x1  }
0x405: {  	[sflag:s23] =	ssyncset.done $0x0  }
0x406: {  	[sflag:s23] =	ssyncadd.s32 $0xFFFFC180  }
0x407: {  	_ =	sfence.sel $0x180000  }
0x408: {  	[bflag:$0x0] =	sbarrier.arrive $0xFFFF  }
0x409: {  	_ =	strace $0x90000047  }
0x40a: {  	s0 =	stileid.u32;
	[bflag:$0x2] =	sbarrier.arrive $0xFFFF  }
0x40b: {  	p0 =	sne.s32 s0, $0x0;
	s0 =	rddreg [dreg:$0x3]  }
0x40c: {  	s0 =	sadd.s32 @!p0 $0x100000, s0  }
0x40d: {  	[sflag:s0] =	ssyncadd.tile.s32 @!p0 $0x1;
	_ =	shalt  }
.Lfunc_end2:
_tile_overlayer_lowered:
.L_overlay_start_2:
0x40e: {  	(tag) =	ssettag $0x2  }
0x40f: {  	s0 =	rddreg [dreg:$0x0];
	s2 =	stileid.u32  }
0x410: {  	s1 =	rddreg [dreg:$0x1];
	p0 =	sne.s32 s2, $0x0  }
0x411: {  	s3 =	rddreg [dreg:$0x2];
	[bflag:$0x3] =	sbarrier.arrive $0xFFFF;
	s2 =	simm.s32 @!p0 $0x1C02  }
0x412: {  	[timem:s3], [sflag:s2] =	dma.local @!p0 [hbm:s0], s1  }
0x413: {  	s0 =	simm.s32 @!p0 $0x2  }
0x414: {  	_ =	swait.ge @!p0 [sflag:s0], s1  }
0x415: {  	s1 =	ssub.s32 @!p0 $0x0, s1;
	[sflag:s0] =	ssyncset.done @!p0 $0x0  }
0x416: {  	[sflag:s0] =	ssyncadd.s32 @!p0 s1  }
0x417: {  	[bflag:$0x3] =	sbarrier.arrive $0xFFFF  }
0x418: {  	_ =	shalt  }

</sc_bundles>
